<compile_context>
chip_gen: v7x
topology: tpu7x:2x2x1
jax: 0.10.2.dev20260603
libtpu: 0.0.44.dev20260713+nightly
codegen_flags: <defaults>
</compile_context>

<pallas_src>
import functools

import jax
import jax.numpy as jnp
from jax import lax
from jax.experimental import pallas as pl
from jax.experimental.pallas import tpu as pltpu
from jax.experimental.pallas import tpu_sc as plsc

B, X, Y, Z = 2, 64, 64, 64
N = B * X * Y * Z
NR = B * X * Y
RB = 512
NWORK = 32
PERW = N // NWORK
CH = 2048
NCH = PERW // CH


def _table_body(a00_ref, a01_ref, a10_ref, a11_ref, p_ref, out_ref):
    def zshift(m):
        return jnp.concatenate([m[:, 1:], m[:, Z - 1:Z]], axis=1)

    a00 = a00_ref[...]
    a01 = a01_ref[...]
    a10 = a10_ref[...]
    a11 = a11_ref[...]
    corners = [a00, zshift(a00), a01, zshift(a01),
               a10, zshift(a10), a11, zshift(a11)]
    acc = jnp.zeros((a00.shape[0], 8 * Z), jnp.float32)
    for c in range(8):
        acc += jnp.dot(corners[c], p_ref[c * Z:(c + 1) * Z, :],
                       preferred_element_type=jnp.float32,
                       precision=lax.Precision.HIGHEST)
    out_ref[...] = acc


def _build_table(im):
    im2 = im.reshape(NR, Z)
    pad = jnp.broadcast_to(im2[NR - 1:NR], (Y + 1, Z))
    im_pad = jnp.concatenate([im2, pad], axis=0)
    a00 = im_pad[0:NR]
    a01 = im_pad[1:NR + 1]
    a10 = im_pad[Y:NR + Y]
    a11 = im_pad[Y + 1:NR + Y + 1]
    rows = jnp.arange(8 * Z, dtype=jnp.int32)
    cols = 8 * (rows % Z) + rows // Z
    perm = jax.nn.one_hot(cols, 8 * Z, dtype=jnp.float32)
    return pl.pallas_call(
        _table_body,
        grid=(NR // RB,),
        in_specs=[pl.BlockSpec((RB, Z), lambda i: (i, 0))] * 4
        + [pl.BlockSpec((8 * Z, 8 * Z), lambda i: (0, 0))],
        out_specs=pl.BlockSpec((RB, 8 * Z), lambda i: (i, 0)),
        out_shape=jax.ShapeDtypeStruct((NR, 8 * Z), jnp.float32),
    )(a00, a01, a10, a11, perm)


def _grid_body(aff_ref, d0_ref, d1_ref, d2_ref,
               gx_ref, gy_ref, gz_ref, xw_ref, yw_ref, zw_ref, idx_ref,
               xcarry):
    b = pl.program_id(0)
    x = pl.program_id(1)

    s0 = 2.0 / (1.0 + jnp.exp(-d0_ref[0, 0]))
    s1 = 2.0 / (1.0 + jnp.exp(-d1_ref[0, 0]))
    s2 = 2.0 / (1.0 + jnp.exp(-d2_ref[0, 0]))

    @pl.when(x == 0)
    def _():
        xcarry[...] = jnp.zeros((Y, Z), jnp.float32)

    xs = xcarry[...] + s0
    xcarry[...] = xs

    ii = lax.broadcasted_iota(jnp.int32, (Y, Z), 0)
    jj = lax.broadcasted_iota(jnp.int32, (Y, Z), 1)
    ltri = (ii >= jj).astype(jnp.float32)
    utri = (ii <= jj).astype(jnp.float32)
    ys = jnp.dot(ltri, s1, preferred_element_type=jnp.float32,
                 precision=lax.Precision.HIGHEST)
    zs = jnp.dot(s2, utri, preferred_element_type=jnp.float32,
                 precision=lax.Precision.HIGHEST)

    a = [aff_ref[0, 0, j] for j in range(12)]

    def rb(v):
        return v.astype(jnp.bfloat16).astype(jnp.float32)

    one = jnp.ones((Y, Z), jnp.float32)

    def rbs(coef):
        return rb(coef * one)

    xsb, ysb, zsb = rb(xs), rb(ys), rb(zs)
    gx = rbs(1.0 + a[0]) * xsb + rbs(a[1]) * ysb + rbs(a[2]) * zsb + rbs(a[3])
    gy = rbs(a[4]) * xsb + rbs(1.0 + a[5]) * ysb + rbs(a[6]) * zsb + rbs(a[7])
    gz = rbs(a[8]) * xsb + rbs(a[9]) * ysb + rbs(1.0 + a[10]) * zsb + rbs(a[11])

    def floor_weight(g):
        f = jnp.floor(g)
        i = f.astype(jnp.int32)
        in_bounds = (i >= 0) & (i <= X - 2)
        ic = jnp.clip(i, 0, X - 1)
        w = jnp.where(in_bounds, g - f, 0.0)
        return ic, w

    x0, xw = floor_weight(gx)
    y0, yw = floor_weight(gy)
    z0, zw = floor_weight(gz)

    gx_ref[0, 0] = gx
    gy_ref[0, 0] = gy
    gz_ref[0, 0] = gz
    xw_ref[0, 0] = xw
    yw_ref[0, 0] = yw
    zw_ref[0, 0] = zw
    idx_ref[0, 0] = b * (X * Y * Z) + x0 * (Y * Z) + y0 * Z + z0


def _grid_fields(affine, d0, d1, d2):
    vol = jax.ShapeDtypeStruct((B, X, Y, Z), jnp.float32)
    ivol = jax.ShapeDtypeStruct((B, X, Y, Z), jnp.int32)
    blk = lambda b, x: (b, x, 0, 0)
    return pl.pallas_call(
        _grid_body,
        grid=(B, X),
        in_specs=[
            pl.BlockSpec((1, 1, 12), lambda b, x: (b, 0, 0),
                         memory_space=pltpu.SMEM),
            pl.BlockSpec((1, 1, Y, Z), blk),
            pl.BlockSpec((1, 1, Y, Z), blk),
            pl.BlockSpec((1, 1, Y, Z), blk),
        ],
        out_specs=[pl.BlockSpec((1, 1, Y, Z), blk)] * 7,
        out_shape=[vol, vol, vol, vol, vol, vol, ivol],
        scratch_shapes=[pltpu.VMEM((Y, Z), jnp.float32)],
    )(affine.reshape(B, 1, 12), d0, d1, d2)


def _sc_body(tab_hbm, idx_hbm, xw_hbm, yw_hbm, zw_hbm, out_hbm, *scr):
    idx_v = scr[0:2]
    rows_v = scr[2:4]
    xw_v = scr[4:6]
    yw_v = scr[6:8]
    zw_v = scr[8:10]
    out_v = scr[10:12]
    semG = scr[12:14]
    semW = scr[14:16]
    semO = scr[16:18]

    c = lax.axis_index("c")
    s = lax.axis_index("s")
    wid = s * 2 + c
    base0 = wid * PERW

    gdescs = [None, None]
    wdescs = [None, None]
    odescs = [None, None]

    def start_inputs(i):
        p = i % 2
        b = base0 + i * CH
        pltpu.sync_copy(idx_hbm.at[pl.ds(b, CH)], idx_v[p])
        gdescs[p] = pltpu.async_copy(tab_hbm.at[idx_v[p]], rows_v[p], semG[p])
        wdescs[p] = [
            pltpu.async_copy(xw_hbm.at[pl.ds(b, CH)], xw_v[p], semW[p]),
            pltpu.async_copy(yw_hbm.at[pl.ds(b, CH)], yw_v[p], semW[p]),
            pltpu.async_copy(zw_hbm.at[pl.ds(b, CH)], zw_v[p], semW[p]),
        ]

    start_inputs(0)
    start_inputs(1)
    for i in range(NCH):
        p = i % 2
        b = base0 + i * CH
        gdescs[p].wait()
        for d in wdescs[p]:
            d.wait()
        if odescs[p] is not None:
            odescs[p].wait()
        rv, xv, yv, zv, ov = rows_v[p], xw_v[p], yw_v[p], zw_v[p], out_v[p]

        def blend(o, _rv=rv, _xv=xv, _yv=yv, _zv=zv, _ov=ov):
            xw = _xv[pl.ds(o, 16)]
            yw = _yv[pl.ds(o, 16)]
            zw = _zv[pl.ds(o, 16)]
            pid = lax.iota(jnp.int32, 16) + o
            v = [plsc.load_gather(_rv, [pid, jnp.full((16,), k, jnp.int32)])
                 for k in range(8)]
            m00 = v[0] + zw * (v[1] - v[0])
            m01 = v[2] + zw * (v[3] - v[2])
            m10 = v[4] + zw * (v[5] - v[4])
            m11 = v[6] + zw * (v[7] - v[6])
            n0 = m00 + yw * (m01 - m00)
            n1 = m10 + yw * (m11 - m10)
            _ov[pl.ds(o, 16)] = n0 + xw * (n1 - n0)

        plsc.parallel_loop(0, CH, 16, unroll=4)(blend)
        odescs[p] = pltpu.async_copy(ov, out_hbm.at[pl.ds(b, CH)], semO[p])
        if i + 2 < NCH:
            start_inputs(i + 2)

    for d in odescs:
        if d is not None:
            d.wait()


@functools.cache
def _sc_blend_kernel():
    return pl.kernel(
        _sc_body,
        out_type=jax.ShapeDtypeStruct((N,), jnp.float32),
        mesh=plsc.VectorSubcoreMesh(core_axis_name="c", subcore_axis_name="s"),
        scratch_types=[
            pltpu.VMEM((CH,), jnp.int32),
            pltpu.VMEM((CH,), jnp.int32),
            pltpu.VMEM((CH, 8), jnp.float32),
            pltpu.VMEM((CH, 8), jnp.float32),
            pltpu.VMEM((CH,), jnp.float32),
            pltpu.VMEM((CH,), jnp.float32),
            pltpu.VMEM((CH,), jnp.float32),
            pltpu.VMEM((CH,), jnp.float32),
            pltpu.VMEM((CH,), jnp.float32),
            pltpu.VMEM((CH,), jnp.float32),
            pltpu.VMEM((CH,), jnp.float32),
            pltpu.VMEM((CH,), jnp.float32),
            pltpu.SemaphoreType.DMA,
            pltpu.SemaphoreType.DMA,
            pltpu.SemaphoreType.DMA,
            pltpu.SemaphoreType.DMA,
            pltpu.SemaphoreType.DMA,
            pltpu.SemaphoreType.DMA,
        ],
        compiler_params=pltpu.CompilerParams(needs_layout_passes=False,
                                             use_tc_tiling_on_sc=False),
    )


def kernel(im, defgrad, affine):
    table = _build_table(im)
    d0 = defgrad[..., 0]
    d1 = defgrad[..., 1]
    d2 = defgrad[..., 2]
    gx, gy, gz, xw, yw, zw, idx = _grid_fields(affine, d0, d1, d2)
    out = _sc_blend_kernel()(table.reshape(N, 8), idx.reshape(N),
                             xw.reshape(N), yw.reshape(N), zw.reshape(N))
    grid = jnp.stack([gx, gy, gz], axis=-1)
    return out.reshape(B, X, Y, Z, 1), grid

# --- scband reference (transcript-rebuilt; emitter-appended) ---
"""Pipeline reference for scband-smooth-transformer3-d-38354057954071 (READ-ONLY COPY).

The authoritative reference and input builder live on the scoring server;
editing this copy changes nothing except your own understanding.
"""

import jax, jax.numpy as jnp
import numpy as np

MAXGRAD = 2.0

def setup_inputs(seed: int = 0) -> dict:
    key = jax.random.key(seed)
    k1, k2, k3 = jax.random.split(key, 3)
    im = jax.random.normal(k1, (2, 64, 64, 64, 1), dtype=jnp.float32)
    defgrad = jax.random.normal(k2, (2, 64, 64, 64, 3), dtype=jnp.float32)
    affine = jax.random.normal(k3, (2, 12), dtype=jnp.float32)
    return {"im": im, "defgrad": defgrad, "affine": affine}

def reference(im, defgrad, affine):
    c = MAXGRAD
    dg = c / (1.0 + (c - 1.0) * jnp.exp(-defgrad))
    x_s = jnp.cumsum(dg[..., 0], axis=1)
    y_s = jnp.cumsum(dg[..., 1], axis=2)
    z_s = jnp.cumsum(dg[..., 2], axis=3)
    grid = jnp.stack([x_s, y_s, z_s], axis=-1)
    B, X, Y, Z, C = im.shape
    identity = jnp.array([1., 0., 0., 0., 0., 1., 0., 0., 0., 0., 1., 0.], dtype=jnp.float32)
    aff = affine.reshape(-1, 12) + identity[None, :]
    aff = aff.reshape(B, 3, 4)
    grid_h = jnp.concatenate([grid, jnp.ones((B, X, Y, Z, 1), dtype=jnp.float32)], axis=-1)
    grid = jnp.matmul(grid_h.reshape(B, -1, 4), jnp.swapaxes(aff, 1, 2)).reshape(B, X, Y, Z, 3)
    x = grid[..., 0].reshape(-1)
    y = grid[..., 1].reshape(-1)
    z = grid[..., 2].reshape(-1)
    x0 = jnp.floor(x).astype(jnp.int32); x1 = x0 + 1
    y0 = jnp.floor(y).astype(jnp.int32); y1 = y0 + 1
    z0 = jnp.floor(z).astype(jnp.int32); z1 = z0 + 1
    x0 = jnp.clip(x0, 0, X - 1); x1 = jnp.clip(x1, 0, X - 1)
    y0 = jnp.clip(y0, 0, Y - 1); y1 = jnp.clip(y1, 0, Y - 1)
    z0 = jnp.clip(z0, 0, Z - 1); z1 = jnp.clip(z1, 0, Z - 1)
    dim3 = Z; dim2 = Z * Y; dim1 = X * Y * Z
    base = jnp.repeat(jnp.arange(B, dtype=jnp.int32) * dim1, X * Y * Z)
    idx_a = base + x0 * dim2 + y0 * dim3 + z0
    idx_b = base + x0 * dim2 + y0 * dim3 + z1
    idx_c = base + x0 * dim2 + y1 * dim3 + z0
    idx_d = base + x0 * dim2 + y1 * dim3 + z1
    idx_e = base + x1 * dim2 + y0 * dim3 + z0
    idx_f = base + x1 * dim2 + y0 * dim3 + z1
    idx_g = base + x1 * dim2 + y1 * dim3 + z0
    idx_h = base + x1 * dim2 + y1 * dim3 + z1
    im_flat = im.reshape(-1, C)
    Ia = jnp.take(im_flat, idx_a, axis=0)
    Ib = jnp.take(im_flat, idx_b, axis=0)
    Ic = jnp.take(im_flat, idx_c, axis=0)
    Id = jnp.take(im_flat, idx_d, axis=0)
    Ie = jnp.take(im_flat, idx_e, axis=0)
    If = jnp.take(im_flat, idx_f, axis=0)
    Ig = jnp.take(im_flat, idx_g, axis=0)
    Ih = jnp.take(im_flat, idx_h, axis=0)
    xd = (x - x0.astype(jnp.float32))[:, None]
    yd = (y - y0.astype(jnp.float32))[:, None]
    zd = (z - z0.astype(jnp.float32))[:, None]
    Cae = Ia * (1 - xd) + Ie * xd
    Cbf = Ib * (1 - xd) + If * xd
    Ccg = Ic * (1 - xd) + Ig * xd
    Cdh = Id * (1 - xd) + Ih * xd
    Caecg = Cae * (1 - yd) + Ccg * yd
    Cbfdh = Cbf * (1 - yd) + Cdh * yd
    output = Caecg * (1 - zd) + Cbfdh * zd
    output = output.reshape(B, X, Y, Z, C)
    return output, grid

if __name__ == "__main__":
    import jax
    _d = setup_inputs()
    print(jax.jit(kernel)(*tuple(_d.values())))

</pallas_src>

<mosaic_0001>
#map = affine_map<(d0, d1) -> (0, 0)>
#map1 = affine_map<(d0, d1) -> (0)>
module attributes {stable_mosaic.version = 14 : i64} {
  func.func @_sc_body(%arg0: i32, %arg1: i32, %arg2: memref<524288x8xf32, #tpu.memory_space<hbm>>, %arg3: memref<524288xi32, #tpu.memory_space<hbm>>, %arg4: memref<524288xf32, #tpu.memory_space<hbm>>, %arg5: memref<524288xf32, #tpu.memory_space<hbm>>, %arg6: memref<524288xf32, #tpu.memory_space<hbm>>, %arg7: memref<524288xf32, #tpu.memory_space<hbm>>, %arg8: memref<2048xi32, #tpu.memory_space<vmem>>, %arg9: memref<2048xi32, #tpu.memory_space<vmem>>, %arg10: memref<2048x8xf32, #tpu.memory_space<vmem>>, %arg11: memref<2048x8xf32, #tpu.memory_space<vmem>>, %arg12: memref<2048xf32, #tpu.memory_space<vmem>>, %arg13: memref<2048xf32, #tpu.memory_space<vmem>>, %arg14: memref<2048xf32, #tpu.memory_space<vmem>>, %arg15: memref<2048xf32, #tpu.memory_space<vmem>>, %arg16: memref<2048xf32, #tpu.memory_space<vmem>>, %arg17: memref<2048xf32, #tpu.memory_space<vmem>>, %arg18: memref<2048xf32, #tpu.memory_space<vmem>>, %arg19: memref<2048xf32, #tpu.memory_space<vmem>>, %arg20: memref<!tpu.dma_semaphore, #tpu.memory_space<semaphore_mem>>, %arg21: memref<!tpu.dma_semaphore, #tpu.memory_space<semaphore_mem>>, %arg22: memref<!tpu.dma_semaphore, #tpu.memory_space<semaphore_mem>>, %arg23: memref<!tpu.dma_semaphore, #tpu.memory_space<semaphore_mem>>, %arg24: memref<!tpu.dma_semaphore, #tpu.memory_space<semaphore_mem>>, %arg25: memref<!tpu.dma_semaphore, #tpu.memory_space<semaphore_mem>>) attributes {dimension_semantics = [#tpu.dimension_semantics<core_parallel>, #tpu.dimension_semantics<subcore_parallel>], iteration_bounds = array<i64: 2, 16>, scalar_prefetch = 0 : i64, scratch_operands = 18 : i64, tpu.core_type = #tpu.core_type<sc_vector_subcore>, window_params = [{transform_indices = #map}, {transform_indices = #map1}, {transform_indices = #map1}, {transform_indices = #map1}, {transform_indices = #map1}, {transform_indices = #map1}]} {
    %mul3A = arith.constant 2 : i32
    %mul3A_0 = arith.muli %arg1, %mul3A : i32
    %add3A = arith.addi %mul3A_0, %arg0 : i32
    %mul3A_1 = arith.constant 16384 : i32
    %mul3A_2 = arith.muli %add3A, %mul3A_1 : i32
    %add3A_3 = arith.constant 0 : i32
    %add3A_4 = arith.addi %mul3A_2, %add3A_3 : i32
    "tpu.region"() ({
      %run_scoped3A = tpu.sem_alloc : memref<!tpu.dma_semaphore, #tpu.memory_space<semaphore_mem>>
      %dma_start3A_232 = tpu.memref_slice %arg3[%add3A_4] : memref<524288xi32, #tpu.memory_space<hbm>> -> memref<2048xi32, #tpu.memory_space<hbm>>
      %dma_start3A_233 = tpu.memref_slice %arg3[%add3A_4] : memref<524288xi32, #tpu.memory_space<hbm>> -> memref<2048xi32, #tpu.memory_space<hbm>>
      tpu.enqueue_dma source(%dma_start3A_233 : memref<2048xi32, #tpu.memory_space<hbm>>) target(%arg8 : memref<2048xi32, #tpu.memory_space<vmem>>) target_semaphore(%run_scoped3A : memref<!tpu.dma_semaphore, #tpu.memory_space<semaphore_mem>>)
      %dma_wait3A_234 = tpu.memref_slice %arg3[%add3A_4] : memref<524288xi32, #tpu.memory_space<hbm>> -> memref<2048xi32, #tpu.memory_space<hbm>>
      %dma_wait3A_235 = tpu.memref_slice %arg3[%add3A_4] : memref<524288xi32, #tpu.memory_space<hbm>> -> memref<2048xi32, #tpu.memory_space<hbm>>
      tpu.wait_dma2 semaphore(%run_scoped3A : memref<!tpu.dma_semaphore, #tpu.memory_space<semaphore_mem>>) src(%dma_wait3A_235 : memref<2048xi32, #tpu.memory_space<hbm>>) dst(%arg8 : memref<2048xi32, #tpu.memory_space<vmem>>)
      tpu.yield
    }) : () -> ()
    %dma_start3A = arith.constant 0 : i32
    %dma_start3A_5 = arith.constant 0 : i32
    %dma_start3A_6 = tpu.memref_slice %arg2[%dma_start3A, %dma_start3A_5] : memref<524288x8xf32, #tpu.memory_space<hbm>> -> memref<524288x8xf32, #tpu.memory_space<hbm>>
    tpu.enqueue_indirect_dma source(%dma_start3A_6 : memref<524288x8xf32, #tpu.memory_space<hbm>>) target(%arg10 : memref<2048x8xf32, #tpu.memory_space<vmem>>) offsets(%arg8 : memref<2048xi32, #tpu.memory_space<vmem>>) semaphore(%arg20 : memref<!tpu.dma_semaphore, #tpu.memory_space<semaphore_mem>>)
    %dma_start3A_7 = tpu.memref_slice %arg4[%add3A_4] : memref<524288xf32, #tpu.memory_space<hbm>> -> memref<2048xf32, #tpu.memory_space<hbm>>
    %dma_start3A_8 = tpu.memref_slice %arg4[%add3A_4] : memref<524288xf32, #tpu.memory_space<hbm>> -> memref<2048xf32, #tpu.memory_space<hbm>>
    tpu.enqueue_dma source(%dma_start3A_8 : memref<2048xf32, #tpu.memory_space<hbm>>) target(%arg12 : memref<2048xf32, #tpu.memory_space<vmem>>) target_semaphore(%arg22 : memref<!tpu.dma_semaphore, #tpu.memory_space<semaphore_mem>>)
    %dma_start3A_9 = tpu.memref_slice %arg5[%add3A_4] : memref<524288xf32, #tpu.memory_space<hbm>> -> memref<2048xf32, #tpu.memory_space<hbm>>
    %dma_start3A_10 = tpu.memref_slice %arg5[%add3A_4] : memref<524288xf32, #tpu.memory_space<hbm>> -> memref<2048xf32, #tpu.memory_space<hbm>>
    tpu.enqueue_dma source(%dma_start3A_10 : memref<2048xf32, #tpu.memory_space<hbm>>) target(%arg14 : memref<2048xf32, #tpu.memory_space<vmem>>) target_semaphore(%arg22 : memref<!tpu.dma_semaphore, #tpu.memory_space<semaphore_mem>>)
    %dma_start3A_11 = tpu.memref_slice %arg6[%add3A_4] : memref<524288xf32, #tpu.memory_space<hbm>> -> memref<2048xf32, #tpu.memory_space<hbm>>
    %dma_start3A_12 = tpu.memref_slice %arg6[%add3A_4] : memref<524288xf32, #tpu.memory_space<hbm>> -> memref<2048xf32, #tpu.memory_space<hbm>>
    tpu.enqueue_dma source(%dma_start3A_12 : memref<2048xf32, #tpu.memory_space<hbm>>) target(%arg16 : memref<2048xf32, #tpu.memory_space<vmem>>) target_semaphore(%arg22 : memref<!tpu.dma_semaphore, #tpu.memory_space<semaphore_mem>>)
    %add3A_13 = arith.constant 2048 : i32
    %add3A_14 = arith.addi %mul3A_2, %add3A_13 : i32
    "tpu.region"() ({
      %run_scoped3A = tpu.sem_alloc : memref<!tpu.dma_semaphore, #tpu.memory_space<semaphore_mem>>
      %dma_start3A_232 = tpu.memref_slice %arg3[%add3A_14] : memref<524288xi32, #tpu.memory_space<hbm>> -> memref<2048xi32, #tpu.memory_space<hbm>>
      %dma_start3A_233 = tpu.memref_slice %arg3[%add3A_14] : memref<524288xi32, #tpu.memory_space<hbm>> -> memref<2048xi32, #tpu.memory_space<hbm>>
      tpu.enqueue_dma source(%dma_start3A_233 : memref<2048xi32, #tpu.memory_space<hbm>>) target(%arg9 : memref<2048xi32, #tpu.memory_space<vmem>>) target_semaphore(%run_scoped3A : memref<!tpu.dma_semaphore, #tpu.memory_space<semaphore_mem>>)
      %dma_wait3A_234 = tpu.memref_slice %arg3[%add3A_14] : memref<524288xi32, #tpu.memory_space<hbm>> -> memref<2048xi32, #tpu.memory_space<hbm>>
      %dma_wait3A_235 = tpu.memref_slice %arg3[%add3A_14] : memref<524288xi32, #tpu.memory_space<hbm>> -> memref<2048xi32, #tpu.memory_space<hbm>>
      tpu.wait_dma2 semaphore(%run_scoped3A : memref<!tpu.dma_semaphore, #tpu.memory_space<semaphore_mem>>) src(%dma_wait3A_235 : memref<2048xi32, #tpu.memory_space<hbm>>) dst(%arg9 : memref<2048xi32, #tpu.memory_space<vmem>>)
      tpu.yield
    }) : () -> ()
    %dma_start3A_15 = arith.constant 0 : i32
    %dma_start3A_16 = arith.constant 0 : i32
    %dma_start3A_17 = tpu.memref_slice %arg2[%dma_start3A_15, %dma_start3A_16] : memref<524288x8xf32, #tpu.memory_space<hbm>> -> memref<524288x8xf32, #tpu.memory_space<hbm>>
    tpu.enqueue_indirect_dma source(%dma_start3A_17 : memref<524288x8xf32, #tpu.memory_space<hbm>>) target(%arg11 : memref<2048x8xf32, #tpu.memory_space<vmem>>) offsets(%arg9 : memref<2048xi32, #tpu.memory_space<vmem>>) semaphore(%arg21 : memref<!tpu.dma_semaphore, #tpu.memory_space<semaphore_mem>>)
    %dma_start3A_18 = tpu.memref_slice %arg4[%add3A_14] : memref<524288xf32, #tpu.memory_space<hbm>> -> memref<2048xf32, #tpu.memory_space<hbm>>
    %dma_start3A_19 = tpu.memref_slice %arg4[%add3A_14] : memref<524288xf32, #tpu.memory_space<hbm>> -> memref<2048xf32, #tpu.memory_space<hbm>>
    tpu.enqueue_dma source(%dma_start3A_19 : memref<2048xf32, #tpu.memory_space<hbm>>) target(%arg13 : memref<2048xf32, #tpu.memory_space<vmem>>) target_semaphore(%arg23 : memref<!tpu.dma_semaphore, #tpu.memory_space<semaphore_mem>>)
    %dma_start3A_20 = tpu.memref_slice %arg5[%add3A_14] : memref<524288xf32, #tpu.memory_space<hbm>> -> memref<2048xf32, #tpu.memory_space<hbm>>
    %dma_start3A_21 = tpu.memref_slice %arg5[%add3A_14] : memref<524288xf32, #tpu.memory_space<hbm>> -> memref<2048xf32, #tpu.memory_space<hbm>>
    tpu.enqueue_dma source(%dma_start3A_21 : memref<2048xf32, #tpu.memory_space<hbm>>) target(%arg15 : memref<2048xf32, #tpu.memory_space<vmem>>) target_semaphore(%arg23 : memref<!tpu.dma_semaphore, #tpu.memory_space<semaphore_mem>>)
    %dma_start3A_22 = tpu.memref_slice %arg6[%add3A_14] : memref<524288xf32, #tpu.memory_space<hbm>> -> memref<2048xf32, #tpu.memory_space<hbm>>
    %dma_start3A_23 = tpu.memref_slice %arg6[%add3A_14] : memref<524288xf32, #tpu.memory_space<hbm>> -> memref<2048xf32, #tpu.memory_space<hbm>>
    tpu.enqueue_dma source(%dma_start3A_23 : memref<2048xf32, #tpu.memory_space<hbm>>) target(%arg17 : memref<2048xf32, #tpu.memory_space<vmem>>) target_semaphore(%arg23 : memref<!tpu.dma_semaphore, #tpu.memory_space<semaphore_mem>>)
    %add3A_24 = arith.constant 0 : i32
    %add3A_25 = arith.addi %mul3A_2, %add3A_24 : i32
    %dma_wait3A = arith.constant 0 : i32
    %dma_wait3A_26 = arith.constant 0 : i32
    %dma_wait3A_27 = tpu.memref_slice %arg2[%dma_wait3A, %dma_wait3A_26] : memref<524288x8xf32, #tpu.memory_space<hbm>> -> memref<524288x8xf32, #tpu.memory_space<hbm>>
    tpu.wait_indirect_dma semaphore(%arg20 : memref<!tpu.dma_semaphore, #tpu.memory_space<semaphore_mem>>) src(%dma_wait3A_27 : memref<524288x8xf32, #tpu.memory_space<hbm>>) dst(%arg10 : memref<2048x8xf32, #tpu.memory_space<vmem>>)
    %dma_wait3A_28 = tpu.memref_slice %arg4[%add3A_4] : memref<524288xf32, #tpu.memory_space<hbm>> -> memref<2048xf32, #tpu.memory_space<hbm>>
    %dma_wait3A_29 = tpu.memref_slice %arg4[%add3A_4] : memref<524288xf32, #tpu.memory_space<hbm>> -> memref<2048xf32, #tpu.memory_space<hbm>>
    tpu.wait_dma2 semaphore(%arg22 : memref<!tpu.dma_semaphore, #tpu.memory_space<semaphore_mem>>) src(%dma_wait3A_29 : memref<2048xf32, #tpu.memory_space<hbm>>) dst(%arg12 : memref<2048xf32, #tpu.memory_space<vmem>>)
    %dma_wait3A_30 = tpu.memref_slice %arg5[%add3A_4] : memref<524288xf32, #tpu.memory_space<hbm>> -> memref<2048xf32, #tpu.memory_space<hbm>>
    %dma_wait3A_31 = tpu.memref_slice %arg5[%add3A_4] : memref<524288xf32, #tpu.memory_space<hbm>> -> memref<2048xf32, #tpu.memory_space<hbm>>
    tpu.wait_dma2 semaphore(%arg22 : memref<!tpu.dma_semaphore, #tpu.memory_space<semaphore_mem>>) src(%dma_wait3A_31 : memref<2048xf32, #tpu.memory_space<hbm>>) dst(%arg14 : memref<2048xf32, #tpu.memory_space<vmem>>)
    %dma_wait3A_32 = tpu.memref_slice %arg6[%add3A_4] : memref<524288xf32, #tpu.memory_space<hbm>> -> memref<2048xf32, #tpu.memory_space<hbm>>
    %dma_wait3A_33 = tpu.memref_slice %arg6[%add3A_4] : memref<524288xf32, #tpu.memory_space<hbm>> -> memref<2048xf32, #tpu.memory_space<hbm>>
    tpu.wait_dma2 semaphore(%arg22 : memref<!tpu.dma_semaphore, #tpu.memory_space<semaphore_mem>>) src(%dma_wait3A_33 : memref<2048xf32, #tpu.memory_space<hbm>>) dst(%arg16 : memref<2048xf32, #tpu.memory_space<vmem>>)
    %parallel_loop3A = arith.constant 0 : i32
    %parallel_loop3A_34 = arith.constant 2048 : i32
    %parallel_loop3A_35 = arith.constant 16 : i32
    scf.for %parallel_loop3A_232 = %parallel_loop3A to %parallel_loop3A_34 step %parallel_loop3A_35  : i32 {
      %parallel_loop3A_233 = arith.index_cast %parallel_loop3A_232 : i32 to index
      %parallel_loop3A_234 = tpu.vector_load %arg12[%parallel_loop3A_233] {strides = array<i32>} : memref<2048xf32, #tpu.memory_space<vmem>>, vector<16xf32>,
      %parallel_loop3A_235 = arith.index_cast %parallel_loop3A_232 : i32 to index
      %parallel_loop3A_236 = tpu.vector_load %arg14[%parallel_loop3A_235] {strides = array<i32>} : memref<2048xf32, #tpu.memory_space<vmem>>, vector<16xf32>,
      %parallel_loop3A_237 = arith.index_cast %parallel_loop3A_232 : i32 to index
      %parallel_loop3A_238 = tpu.vector_load %arg16[%parallel_loop3A_237] {strides = array<i32>} : memref<2048xf32, #tpu.memory_space<vmem>>, vector<16xf32>,
      %parallel_loop3A_239 = tpu.iota {dimensions = array<i32: 0>} : vector<16xi32>
      %parallel_loop3A_240 = vector.broadcast %parallel_loop3A_232 : i32 to vector<16xi32>
      %parallel_loop3A_241 = arith.addi %parallel_loop3A_239, %parallel_loop3A_240 : vector<16xi32>
      %parallel_loop3A_242 = arith.constant 0 : i32
      %parallel_loop3A_243 = vector.broadcast %parallel_loop3A_242 : i32 to vector<16xi32>
      %parallel_loop3A_244 = tpu.vector_load_idx %arg10[%parallel_loop3A_241, %parallel_loop3A_243] : memref<2048x8xf32, #tpu.memory_space<vmem>>[vector<16xi32>, vector<16xi32>], vector<16xf32>,
      %parallel_loop3A_245 = arith.constant 1 : i32
      %parallel_loop3A_246 = vector.broadcast %parallel_loop3A_245 : i32 to vector<16xi32>
      %parallel_loop3A_247 = tpu.vector_load_idx %arg10[%parallel_loop3A_241, %parallel_loop3A_246] : memref<2048x8xf32, #tpu.memory_space<vmem>>[vector<16xi32>, vector<16xi32>], vector<16xf32>,
      %parallel_loop3A_248 = arith.constant 2 : i32
      %parallel_loop3A_249 = vector.broadcast %parallel_loop3A_248 : i32 to vector<16xi32>
      %parallel_loop3A_250 = tpu.vector_load_idx %arg10[%parallel_loop3A_241, %parallel_loop3A_249] : memref<2048x8xf32, #tpu.memory_space<vmem>>[vector<16xi32>, vector<16xi32>], vector<16xf32>,
      %parallel_loop3A_251 = arith.constant 3 : i32
      %parallel_loop3A_252 = vector.broadcast %parallel_loop3A_251 : i32 to vector<16xi32>
      %parallel_loop3A_253 = tpu.vector_load_idx %arg10[%parallel_loop3A_241, %parallel_loop3A_252] : memref<2048x8xf32, #tpu.memory_space<vmem>>[vector<16xi32>, vector<16xi32>], vector<16xf32>,
      %parallel_loop3A_254 = arith.constant 4 : i32
      %parallel_loop3A_255 = vector.broadcast %parallel_loop3A_254 : i32 to vector<16xi32>
      %parallel_loop3A_256 = tpu.vector_load_idx %arg10[%parallel_loop3A_241, %parallel_loop3A_255] : memref<2048x8xf32, #tpu.memory_space<vmem>>[vector<16xi32>, vector<16xi32>], vector<16xf32>,
      %parallel_loop3A_257 = arith.constant 5 : i32
      %parallel_loop3A_258 = vector.broadcast %parallel_loop3A_257 : i32 to vector<16xi32>
      %parallel_loop3A_259 = tpu.vector_load_idx %arg10[%parallel_loop3A_241, %parallel_loop3A_258] : memref<2048x8xf32, #tpu.memory_space<vmem>>[vector<16xi32>, vector<16xi32>], vector<16xf32>,
      %parallel_loop3A_260 = arith.constant 6 : i32
      %parallel_loop3A_261 = vector.broadcast %parallel_loop3A_260 : i32 to vector<16xi32>
      %parallel_loop3A_262 = tpu.vector_load_idx %arg10[%parallel_loop3A_241, %parallel_loop3A_261] : memref<2048x8xf32, #tpu.memory_space<vmem>>[vector<16xi32>, vector<16xi32>], vector<16xf32>,
      %parallel_loop3A_263 = arith.constant 7 : i32
      %parallel_loop3A_264 = vector.broadcast %parallel_loop3A_263 : i32 to vector<16xi32>
      %parallel_loop3A_265 = tpu.vector_load_idx %arg10[%parallel_loop3A_241, %parallel_loop3A_264] : memref<2048x8xf32, #tpu.memory_space<vmem>>[vector<16xi32>, vector<16xi32>], vector<16xf32>,
      %parallel_loop3A_266 = arith.subf %parallel_loop3A_247, %parallel_loop3A_244 : vector<16xf32>
      %parallel_loop3A_267 = arith.mulf %parallel_loop3A_238, %parallel_loop3A_266 : vector<16xf32>
      %parallel_loop3A_268 = arith.addf %parallel_loop3A_244, %parallel_loop3A_267 : vector<16xf32>
      %parallel_loop3A_269 = arith.subf %parallel_loop3A_253, %parallel_loop3A_250 : vector<16xf32>
      %parallel_loop3A_270 = arith.mulf %parallel_loop3A_238, %parallel_loop3A_269 : vector<16xf32>
      %parallel_loop3A_271 = arith.addf %parallel_loop3A_250, %parallel_loop3A_270 : vector<16xf32>
      %parallel_loop3A_272 = arith.subf %parallel_loop3A_259, %parallel_loop3A_256 : vector<16xf32>
      %parallel_loop3A_273 = arith.mulf %parallel_loop3A_238, %parallel_loop3A_272 : vector<16xf32>
      %parallel_loop3A_274 = arith.addf %parallel_loop3A_256, %parallel_loop3A_273 : vector<16xf32>
      %parallel_loop3A_275 = arith.subf %parallel_loop3A_265, %parallel_loop3A_262 : vector<16xf32>
      %parallel_loop3A_276 = arith.mulf %parallel_loop3A_238, %parallel_loop3A_275 : vector<16xf32>
      %parallel_loop3A_277 = arith.addf %parallel_loop3A_262, %parallel_loop3A_276 : vector<16xf32>
      %parallel_loop3A_278 = arith.subf %parallel_loop3A_271, %parallel_loop3A_268 : vector<16xf32>
      %parallel_loop3A_279 = arith.mulf %parallel_loop3A_236, %parallel_loop3A_278 : vector<16xf32>
      %parallel_loop3A_280 = arith.addf %parallel_loop3A_268, %parallel_loop3A_279 : vector<16xf32>
      %parallel_loop3A_281 = arith.subf %parallel_loop3A_277, %parallel_loop3A_274 : vector<16xf32>
      %parallel_loop3A_282 = arith.mulf %parallel_loop3A_236, %parallel_loop3A_281 : vector<16xf32>
      %parallel_loop3A_283 = arith.addf %parallel_loop3A_274, %parallel_loop3A_282 : vector<16xf32>
      %parallel_loop3A_284 = arith.subf %parallel_loop3A_283, %parallel_loop3A_280 : vector<16xf32>
      %parallel_loop3A_285 = arith.mulf %parallel_loop3A_234, %parallel_loop3A_284 : vector<16xf32>
      %parallel_loop3A_286 = arith.addf %parallel_loop3A_280, %parallel_loop3A_285 : vector<16xf32>
      %parallel_loop3A_287 = arith.index_cast %parallel_loop3A_232 : i32 to index
      %parallel_loop3A_288 = tpu.vector_load %arg18[%parallel_loop3A_287] {strides = array<i32>} : memref<2048xf32, #tpu.memory_space<vmem>>, vector<16xf32>,
      tpu.vector_store %arg18[%parallel_loop3A_287], %parallel_loop3A_286 {strides = array<i32>} : memref<2048xf32, #tpu.memory_space<vmem>>, vector<16xf32>,
    } {sc.loop_unroll_factor = 4 : i64, sc.parallel_access}
    %dma_start3A_36 = tpu.memref_slice %arg7[%add3A_25] : memref<524288xf32, #tpu.memory_space<hbm>> -> memref<2048xf32, #tpu.memory_space<hbm>>
    %dma_start3A_37 = tpu.memref_slice %arg7[%add3A_25] : memref<524288xf32, #tpu.memory_space<hbm>> -> memref<2048xf32, #tpu.memory_space<hbm>>
    tpu.enqueue_dma source(%arg18 : memref<2048xf32, #tpu.memory_space<vmem>>) target(%dma_start3A_37 : memref<2048xf32, #tpu.memory_space<hbm>>) target_semaphore(%arg24 : memref<!tpu.dma_semaphore, #tpu.memory_space<semaphore_mem>>)
    %add3A_38 = arith.constant 4096 : i32
    %add3A_39 = arith.addi %mul3A_2, %add3A_38 : i32
    "tpu.region"() ({
      %run_scoped3A = tpu.sem_alloc : memref<!tpu.dma_semaphore, #tpu.memory_space<semaphore_mem>>
      %dma_start3A_232 = tpu.memref_slice %arg3[%add3A_39] : memref<524288xi32, #tpu.memory_space<hbm>> -> memref<2048xi32, #tpu.memory_space<hbm>>
      %dma_start3A_233 = tpu.memref_slice %arg3[%add3A_39] : memref<524288xi32, #tpu.memory_space<hbm>> -> memref<2048xi32, #tpu.memory_space<hbm>>
      tpu.enqueue_dma source(%dma_start3A_233 : memref<2048xi32, #tpu.memory_space<hbm>>) target(%arg8 : memref<2048xi32, #tpu.memory_space<vmem>>) target_semaphore(%run_scoped3A : memref<!tpu.dma_semaphore, #tpu.memory_space<semaphore_mem>>)
      %dma_wait3A_234 = tpu.memref_slice %arg3[%add3A_39] : memref<524288xi32, #tpu.memory_space<hbm>> -> memref<2048xi32, #tpu.memory_space<hbm>>
      %dma_wait3A_235 = tpu.memref_slice %arg3[%add3A_39] : memref<524288xi32, #tpu.memory_space<hbm>> -> memref<2048xi32, #tpu.memory_space<hbm>>
      tpu.wait_dma2 semaphore(%run_scoped3A : memref<!tpu.dma_semaphore, #tpu.memory_space<semaphore_mem>>) src(%dma_wait3A_235 : memref<2048xi32, #tpu.memory_space<hbm>>) dst(%arg8 : memref<2048xi32, #tpu.memory_space<vmem>>)
      tpu.yield
    }) : () -> ()
    %dma_start3A_40 = arith.constant 0 : i32
    %dma_start3A_41 = arith.constant 0 : i32
    %dma_start3A_42 = tpu.memref_slice %arg2[%dma_start3A_40, %dma_start3A_41] : memref<524288x8xf32, #tpu.memory_space<hbm>> -> memref<524288x8xf32, #tpu.memory_space<hbm>>
    tpu.enqueue_indirect_dma source(%dma_start3A_42 : memref<524288x8xf32, #tpu.memory_space<hbm>>) target(%arg10 : memref<2048x8xf32, #tpu.memory_space<vmem>>) offsets(%arg8 : memref<2048xi32, #tpu.memory_space<vmem>>) semaphore(%arg20 : memref<!tpu.dma_semaphore, #tpu.memory_space<semaphore_mem>>)
    %dma_start3A_43 = tpu.memref_slice %arg4[%add3A_39] : memref<524288xf32, #tpu.memory_space<hbm>> -> memref<2048xf32, #tpu.memory_space<hbm>>
    %dma_start3A_44 = tpu.memref_slice %arg4[%add3A_39] : memref<524288xf32, #tpu.memory_space<hbm>> -> memref<2048xf32, #tpu.memory_space<hbm>>
    tpu.enqueue_dma source(%dma_start3A_44 : memref<2048xf32, #tpu.memory_space<hbm>>) target(%arg12 : memref<2048xf32, #tpu.memory_space<vmem>>) target_semaphore(%arg22 : memref<!tpu.dma_semaphore, #tpu.memory_space<semaphore_mem>>)
    %dma_start3A_45 = tpu.memref_slice %arg5[%add3A_39] : memref<524288xf32, #tpu.memory_space<hbm>> -> memref<2048xf32, #tpu.memory_space<hbm>>
    %dma_start3A_46 = tpu.memref_slice %arg5[%add3A_39] : memref<524288xf32, #tpu.memory_space<hbm>> -> memref<2048xf32, #tpu.memory_space<hbm>>
    tpu.enqueue_dma source(%dma_start3A_46 : memref<2048xf32, #tpu.memory_space<hbm>>) target(%arg14 : memref<2048xf32, #tpu.memory_space<vmem>>) target_semaphore(%arg22 : memref<!tpu.dma_semaphore, #tpu.memory_space<semaphore_mem>>)
    %dma_start3A_47 = tpu.memref_slice %arg6[%add3A_39] : memref<524288xf32, #tpu.memory_space<hbm>> -> memref<2048xf32, #tpu.memory_space<hbm>>
    %dma_start3A_48 = tpu.memref_slice %arg6[%add3A_39] : memref<524288xf32, #tpu.memory_space<hbm>> -> memref<2048xf32, #tpu.memory_space<hbm>>
    tpu.enqueue_dma source(%dma_start3A_48 : memref<2048xf32, #tpu.memory_space<hbm>>) target(%arg16 : memref<2048xf32, #tpu.memory_space<vmem>>) target_semaphore(%arg22 : memref<!tpu.dma_semaphore, #tpu.memory_space<semaphore_mem>>)
    %add3A_49 = arith.constant 2048 : i32
    %add3A_50 = arith.addi %mul3A_2, %add3A_49 : i32
    %dma_wait3A_51 = arith.constant 0 : i32
    %dma_wait3A_52 = arith.constant 0 : i32
    %dma_wait3A_53 = tpu.memref_slice %arg2[%dma_wait3A_51, %dma_wait3A_52] : memref<524288x8xf32, #tpu.memory_space<hbm>> -> memref<524288x8xf32, #tpu.memory_space<hbm>>
    tpu.wait_indirect_dma semaphore(%arg21 : memref<!tpu.dma_semaphore, #tpu.memory_space<semaphore_mem>>) src(%dma_wait3A_53 : memref<524288x8xf32, #tpu.memory_space<hbm>>) dst(%arg11 : memref<2048x8xf32, #tpu.memory_space<vmem>>)
    %dma_wait3A_54 = tpu.memref_slice %arg4[%add3A_14] : memref<524288xf32, #tpu.memory_space<hbm>> -> memref<2048xf32, #tpu.memory_space<hbm>>
    %dma_wait3A_55 = tpu.memref_slice %arg4[%add3A_14] : memref<524288xf32, #tpu.memory_space<hbm>> -> memref<2048xf32, #tpu.memory_space<hbm>>
    tpu.wait_dma2 semaphore(%arg23 : memref<!tpu.dma_semaphore, #tpu.memory_space<semaphore_mem>>) src(%dma_wait3A_55 : memref<2048xf32, #tpu.memory_space<hbm>>) dst(%arg13 : memref<2048xf32, #tpu.memory_space<vmem>>)
    %dma_wait3A_56 = tpu.memref_slice %arg5[%add3A_14] : memref<524288xf32, #tpu.memory_space<hbm>> -> memref<2048xf32, #tpu.memory_space<hbm>>
    %dma_wait3A_57 = tpu.memref_slice %arg5[%add3A_14] : memref<524288xf32, #tpu.memory_space<hbm>> -> memref<2048xf32, #tpu.memory_space<hbm>>
    tpu.wait_dma2 semaphore(%arg23 : memref<!tpu.dma_semaphore, #tpu.memory_space<semaphore_mem>>) src(%dma_wait3A_57 : memref<2048xf32, #tpu.memory_space<hbm>>) dst(%arg15 : memref<2048xf32, #tpu.memory_space<vmem>>)
    %dma_wait3A_58 = tpu.memref_slice %arg6[%add3A_14] : memref<524288xf32, #tpu.memory_space<hbm>> -> memref<2048xf32, #tpu.memory_space<hbm>>
    %dma_wait3A_59 = tpu.memref_slice %arg6[%add3A_14] : memref<524288xf32, #tpu.memory_space<hbm>> -> memref<2048xf32, #tpu.memory_space<hbm>>
    tpu.wait_dma2 semaphore(%arg23 : memref<!tpu.dma_semaphore, #tpu.memory_space<semaphore_mem>>) src(%dma_wait3A_59 : memref<2048xf32, #tpu.memory_space<hbm>>) dst(%arg17 : memref<2048xf32, #tpu.memory_space<vmem>>)
    %parallel_loop3A_60 = arith.constant 0 : i32
    %parallel_loop3A_61 = arith.constant 2048 : i32
    %parallel_loop3A_62 = arith.constant 16 : i32
    scf.for %parallel_loop3A_232 = %parallel_loop3A_60 to %parallel_loop3A_61 step %parallel_loop3A_62  : i32 {
      %parallel_loop3A_233 = arith.index_cast %parallel_loop3A_232 : i32 to index
      %parallel_loop3A_234 = tpu.vector_load %arg13[%parallel_loop3A_233] {strides = array<i32>} : memref<2048xf32, #tpu.memory_space<vmem>>, vector<16xf32>,
      %parallel_loop3A_235 = arith.index_cast %parallel_loop3A_232 : i32 to index
      %parallel_loop3A_236 = tpu.vector_load %arg15[%parallel_loop3A_235] {strides = array<i32>} : memref<2048xf32, #tpu.memory_space<vmem>>, vector<16xf32>,
      %parallel_loop3A_237 = arith.index_cast %parallel_loop3A_232 : i32 to index
      %parallel_loop3A_238 = tpu.vector_load %arg17[%parallel_loop3A_237] {strides = array<i32>} : memref<2048xf32, #tpu.memory_space<vmem>>, vector<16xf32>,
      %parallel_loop3A_239 = tpu.iota {dimensions = array<i32: 0>} : vector<16xi32>
      %parallel_loop3A_240 = vector.broadcast %parallel_loop3A_232 : i32 to vector<16xi32>
      %parallel_loop3A_241 = arith.addi %parallel_loop3A_239, %parallel_loop3A_240 : vector<16xi32>
      %parallel_loop3A_242 = arith.constant 0 : i32
      %parallel_loop3A_243 = vector.broadcast %parallel_loop3A_242 : i32 to vector<16xi32>
      %parallel_loop3A_244 = tpu.vector_load_idx %arg11[%parallel_loop3A_241, %parallel_loop3A_243] : memref<2048x8xf32, #tpu.memory_space<vmem>>[vector<16xi32>, vector<16xi32>], vector<16xf32>,
      %parallel_loop3A_245 = arith.constant 1 : i32
      %parallel_loop3A_246 = vector.broadcast %parallel_loop3A_245 : i32 to vector<16xi32>
      %parallel_loop3A_247 = tpu.vector_load_idx %arg11[%parallel_loop3A_241, %parallel_loop3A_246] : memref<2048x8xf32, #tpu.memory_space<vmem>>[vector<16xi32>, vector<16xi32>], vector<16xf32>,
      %parallel_loop3A_248 = arith.constant 2 : i32
      %parallel_loop3A_249 = vector.broadcast %parallel_loop3A_248 : i32 to vector<16xi32>
      %parallel_loop3A_250 = tpu.vector_load_idx %arg11[%parallel_loop3A_241, %parallel_loop3A_249] : memref<2048x8xf32, #tpu.memory_space<vmem>>[vector<16xi32>, vector<16xi32>], vector<16xf32>,
      %parallel_loop3A_251 = arith.constant 3 : i32
      %parallel_loop3A_252 = vector.broadcast %parallel_loop3A_251 : i32 to vector<16xi32>
      %parallel_loop3A_253 = tpu.vector_load_idx %arg11[%parallel_loop3A_241, %parallel_loop3A_252] : memref<2048x8xf32, #tpu.memory_space<vmem>>[vector<16xi32>, vector<16xi32>], vector<16xf32>,
      %parallel_loop3A_254 = arith.constant 4 : i32
      %parallel_loop3A_255 = vector.broadcast %parallel_loop3A_254 : i32 to vector<16xi32>
      %parallel_loop3A_256 = tpu.vector_load_idx %arg11[%parallel_loop3A_241, %parallel_loop3A_255] : memref<2048x8xf32, #tpu.memory_space<vmem>>[vector<16xi32>, vector<16xi32>], vector<16xf32>,
      %parallel_loop3A_257 = arith.constant 5 : i32
      %parallel_loop3A_258 = vector.broadcast %parallel_loop3A_257 : i32 to vector<16xi32>
      %parallel_loop3A_259 = tpu.vector_load_idx %arg11[%parallel_loop3A_241, %parallel_loop3A_258] : memref<2048x8xf32, #tpu.memory_space<vmem>>[vector<16xi32>, vector<16xi32>], vector<16xf32>,
      %parallel_loop3A_260 = arith.constant 6 : i32
      %parallel_loop3A_261 = vector.broadcast %parallel_loop3A_260 : i32 to vector<16xi32>
      %parallel_loop3A_262 = tpu.vector_load_idx %arg11[%parallel_loop3A_241, %parallel_loop3A_261] : memref<2048x8xf32, #tpu.memory_space<vmem>>[vector<16xi32>, vector<16xi32>], vector<16xf32>,
      %parallel_loop3A_263 = arith.constant 7 : i32
      %parallel_loop3A_264 = vector.broadcast %parallel_loop3A_263 : i32 to vector<16xi32>
      %parallel_loop3A_265 = tpu.vector_load_idx %arg11[%parallel_loop3A_241, %parallel_loop3A_264] : memref<2048x8xf32, #tpu.memory_space<vmem>>[vector<16xi32>, vector<16xi32>], vector<16xf32>,
      %parallel_loop3A_266 = arith.subf %parallel_loop3A_247, %parallel_loop3A_244 : vector<16xf32>
      %parallel_loop3A_267 = arith.mulf %parallel_loop3A_238, %parallel_loop3A_266 : vector<16xf32>
      %parallel_loop3A_268 = arith.addf %parallel_loop3A_244, %parallel_loop3A_267 : vector<16xf32>
      %parallel_loop3A_269 = arith.subf %parallel_loop3A_253, %parallel_loop3A_250 : vector<16xf32>
      %parallel_loop3A_270 = arith.mulf %parallel_loop3A_238, %parallel_loop3A_269 : vector<16xf32>
      %parallel_loop3A_271 = arith.addf %parallel_loop3A_250, %parallel_loop3A_270 : vector<16xf32>
      %parallel_loop3A_272 = arith.subf %parallel_loop3A_259, %parallel_loop3A_256 : vector<16xf32>
      %parallel_loop3A_273 = arith.mulf %parallel_loop3A_238, %parallel_loop3A_272 : vector<16xf32>
      %parallel_loop3A_274 = arith.addf %parallel_loop3A_256, %parallel_loop3A_273 : vector<16xf32>
      %parallel_loop3A_275 = arith.subf %parallel_loop3A_265, %parallel_loop3A_262 : vector<16xf32>
      %parallel_loop3A_276 = arith.mulf %parallel_loop3A_238, %parallel_loop3A_275 : vector<16xf32>
      %parallel_loop3A_277 = arith.addf %parallel_loop3A_262, %parallel_loop3A_276 : vector<16xf32>
      %parallel_loop3A_278 = arith.subf %parallel_loop3A_271, %parallel_loop3A_268 : vector<16xf32>
      %parallel_loop3A_279 = arith.mulf %parallel_loop3A_236, %parallel_loop3A_278 : vector<16xf32>
      %parallel_loop3A_280 = arith.addf %parallel_loop3A_268, %parallel_loop3A_279 : vector<16xf32>
      %parallel_loop3A_281 = arith.subf %parallel_loop3A_277, %parallel_loop3A_274 : vector<16xf32>
      %parallel_loop3A_282 = arith.mulf %parallel_loop3A_236, %parallel_loop3A_281 : vector<16xf32>
      %parallel_loop3A_283 = arith.addf %parallel_loop3A_274, %parallel_loop3A_282 : vector<16xf32>
      %parallel_loop3A_284 = arith.subf %parallel_loop3A_283, %parallel_loop3A_280 : vector<16xf32>
      %parallel_loop3A_285 = arith.mulf %parallel_loop3A_234, %parallel_loop3A_284 : vector<16xf32>
      %parallel_loop3A_286 = arith.addf %parallel_loop3A_280, %parallel_loop3A_285 : vector<16xf32>
      %parallel_loop3A_287 = arith.index_cast %parallel_loop3A_232 : i32 to index
      %parallel_loop3A_288 = tpu.vector_load %arg19[%parallel_loop3A_287] {strides = array<i32>} : memref<2048xf32, #tpu.memory_space<vmem>>, vector<16xf32>,
      tpu.vector_store %arg19[%parallel_loop3A_287], %parallel_loop3A_286 {strides = array<i32>} : memref<2048xf32, #tpu.memory_space<vmem>>, vector<16xf32>,
    } {sc.loop_unroll_factor = 4 : i64, sc.parallel_access}
    %dma_start3A_63 = tpu.memref_slice %arg7[%add3A_50] : memref<524288xf32, #tpu.memory_space<hbm>> -> memref<2048xf32, #tpu.memory_space<hbm>>
    %dma_start3A_64 = tpu.memref_slice %arg7[%add3A_50] : memref<524288xf32, #tpu.memory_space<hbm>> -> memref<2048xf32, #tpu.memory_space<hbm>>
    tpu.enqueue_dma source(%arg19 : memref<2048xf32, #tpu.memory_space<vmem>>) target(%dma_start3A_64 : memref<2048xf32, #tpu.memory_space<hbm>>) target_semaphore(%arg25 : memref<!tpu.dma_semaphore, #tpu.memory_space<semaphore_mem>>)
    %add3A_65 = arith.constant 6144 : i32
    %add3A_66 = arith.addi %mul3A_2, %add3A_65 : i32
    "tpu.region"() ({
      %run_scoped3A = tpu.sem_alloc : memref<!tpu.dma_semaphore, #tpu.memory_space<semaphore_mem>>
      %dma_start3A_232 = tpu.memref_slice %arg3[%add3A_66] : memref<524288xi32, #tpu.memory_space<hbm>> -> memref<2048xi32, #tpu.memory_space<hbm>>
      %dma_start3A_233 = tpu.memref_slice %arg3[%add3A_66] : memref<524288xi32, #tpu.memory_space<hbm>> -> memref<2048xi32, #tpu.memory_space<hbm>>
      tpu.enqueue_dma source(%dma_start3A_233 : memref<2048xi32, #tpu.memory_space<hbm>>) target(%arg9 : memref<2048xi32, #tpu.memory_space<vmem>>) target_semaphore(%run_scoped3A : memref<!tpu.dma_semaphore, #tpu.memory_space<semaphore_mem>>)
      %dma_wait3A_234 = tpu.memref_slice %arg3[%add3A_66] : memref<524288xi32, #tpu.memory_space<hbm>> -> memref<2048xi32, #tpu.memory_space<hbm>>
      %dma_wait3A_235 = tpu.memref_slice %arg3[%add3A_66] : memref<524288xi32, #tpu.memory_space<hbm>> -> memref<2048xi32, #tpu.memory_space<hbm>>
      tpu.wait_dma2 semaphore(%run_scoped3A : memref<!tpu.dma_semaphore, #tpu.memory_space<semaphore_mem>>) src(%dma_wait3A_235 : memref<2048xi32, #tpu.memory_space<hbm>>) dst(%arg9 : memref<2048xi32, #tpu.memory_space<vmem>>)
      tpu.yield
    }) : () -> ()
    %dma_start3A_67 = arith.constant 0 : i32
    %dma_start3A_68 = arith.constant 0 : i32
    %dma_start3A_69 = tpu.memref_slice %arg2[%dma_start3A_67, %dma_start3A_68] : memref<524288x8xf32, #tpu.memory_space<hbm>> -> memref<524288x8xf32, #tpu.memory_space<hbm>>
    tpu.enqueue_indirect_dma source(%dma_start3A_69 : memref<524288x8xf32, #tpu.memory_space<hbm>>) target(%arg11 : memref<2048x8xf32, #tpu.memory_space<vmem>>) offsets(%arg9 : memref<2048xi32, #tpu.memory_space<vmem>>) semaphore(%arg21 : memref<!tpu.dma_semaphore, #tpu.memory_space<semaphore_mem>>)
    %dma_start3A_70 = tpu.memref_slice %arg4[%add3A_66] : memref<524288xf32, #tpu.memory_space<hbm>> -> memref<2048xf32, #tpu.memory_space<hbm>>
    %dma_start3A_71 = tpu.memref_slice %arg4[%add3A_66] : memref<524288xf32, #tpu.memory_space<hbm>> -> memref<2048xf32, #tpu.memory_space<hbm>>
    tpu.enqueue_dma source(%dma_start3A_71 : memref<2048xf32, #tpu.memory_space<hbm>>) target(%arg13 : memref<2048xf32, #tpu.memory_space<vmem>>) target_semaphore(%arg23 : memref<!tpu.dma_semaphore, #tpu.memory_space<semaphore_mem>>)
    %dma_start3A_72 = tpu.memref_slice %arg5[%add3A_66] : memref<524288xf32, #tpu.memory_space<hbm>> -> memref<2048xf32, #tpu.memory_space<hbm>>
    %dma_start3A_73 = tpu.memref_slice %arg5[%add3A_66] : memref<524288xf32, #tpu.memory_space<hbm>> -> memref<2048xf32, #tpu.memory_space<hbm>>
    tpu.enqueue_dma source(%dma_start3A_73 : memref<2048xf32, #tpu.memory_space<hbm>>) target(%arg15 : memref<2048xf32, #tpu.memory_space<vmem>>) target_semaphore(%arg23 : memref<!tpu.dma_semaphore, #tpu.memory_space<semaphore_mem>>)
    %dma_start3A_74 = tpu.memref_slice %arg6[%add3A_66] : memref<524288xf32, #tpu.memory_space<hbm>> -> memref<2048xf32, #tpu.memory_space<hbm>>
    %dma_start3A_75 = tpu.memref_slice %arg6[%add3A_66] : memref<524288xf32, #tpu.memory_space<hbm>> -> memref<2048xf32, #tpu.memory_space<hbm>>
    tpu.enqueue_dma source(%dma_start3A_75 : memref<2048xf32, #tpu.memory_space<hbm>>) target(%arg17 : memref<2048xf32, #tpu.memory_space<vmem>>) target_semaphore(%arg23 : memref<!tpu.dma_semaphore, #tpu.memory_space<semaphore_mem>>)
    %add3A_76 = arith.constant 4096 : i32
    %add3A_77 = arith.addi %mul3A_2, %add3A_76 : i32
    %dma_wait3A_78 = arith.constant 0 : i32
    %dma_wait3A_79 = arith.constant 0 : i32
    %dma_wait3A_80 = tpu.memref_slice %arg2[%dma_wait3A_78, %dma_wait3A_79] : memref<524288x8xf32, #tpu.memory_space<hbm>> -> memref<524288x8xf32, #tpu.memory_space<hbm>>
    tpu.wait_indirect_dma semaphore(%arg20 : memref<!tpu.dma_semaphore, #tpu.memory_space<semaphore_mem>>) src(%dma_wait3A_80 : memref<524288x8xf32, #tpu.memory_space<hbm>>) dst(%arg10 : memref<2048x8xf32, #tpu.memory_space<vmem>>)
    %dma_wait3A_81 = tpu.memref_slice %arg4[%add3A_39] : memref<524288xf32, #tpu.memory_space<hbm>> -> memref<2048xf32, #tpu.memory_space<hbm>>
    %dma_wait3A_82 = tpu.memref_slice %arg4[%add3A_39] : memref<524288xf32, #tpu.memory_space<hbm>> -> memref<2048xf32, #tpu.memory_space<hbm>>
    tpu.wait_dma2 semaphore(%arg22 : memref<!tpu.dma_semaphore, #tpu.memory_space<semaphore_mem>>) src(%dma_wait3A_82 : memref<2048xf32, #tpu.memory_space<hbm>>) dst(%arg12 : memref<2048xf32, #tpu.memory_space<vmem>>)
    %dma_wait3A_83 = tpu.memref_slice %arg5[%add3A_39] : memref<524288xf32, #tpu.memory_space<hbm>> -> memref<2048xf32, #tpu.memory_space<hbm>>
    %dma_wait3A_84 = tpu.memref_slice %arg5[%add3A_39] : memref<524288xf32, #tpu.memory_space<hbm>> -> memref<2048xf32, #tpu.memory_space<hbm>>
    tpu.wait_dma2 semaphore(%arg22 : memref<!tpu.dma_semaphore, #tpu.memory_space<semaphore_mem>>) src(%dma_wait3A_84 : memref<2048xf32, #tpu.memory_space<hbm>>) dst(%arg14 : memref<2048xf32, #tpu.memory_space<vmem>>)
    %dma_wait3A_85 = tpu.memref_slice %arg6[%add3A_39] : memref<524288xf32, #tpu.memory_space<hbm>> -> memref<2048xf32, #tpu.memory_space<hbm>>
    %dma_wait3A_86 = tpu.memref_slice %arg6[%add3A_39] : memref<524288xf32, #tpu.memory_space<hbm>> -> memref<2048xf32, #tpu.memory_space<hbm>>
    tpu.wait_dma2 semaphore(%arg22 : memref<!tpu.dma_semaphore, #tpu.memory_space<semaphore_mem>>) src(%dma_wait3A_86 : memref<2048xf32, #tpu.memory_space<hbm>>) dst(%arg16 : memref<2048xf32, #tpu.memory_space<vmem>>)
    %dma_wait3A_87 = tpu.memref_slice %arg7[%add3A_25] : memref<524288xf32, #tpu.memory_space<hbm>> -> memref<2048xf32, #tpu.memory_space<hbm>>
    %dma_wait3A_88 = tpu.memref_slice %arg7[%add3A_25] : memref<524288xf32, #tpu.memory_space<hbm>> -> memref<2048xf32, #tpu.memory_space<hbm>>
    tpu.wait_dma2 semaphore(%arg24 : memref<!tpu.dma_semaphore, #tpu.memory_space<semaphore_mem>>) src(%arg18 : memref<2048xf32, #tpu.memory_space<vmem>>) dst(%dma_wait3A_88 : memref<2048xf32, #tpu.memory_space<hbm>>)
    %parallel_loop3A_89 = arith.constant 0 : i32
    %parallel_loop3A_90 = arith.constant 2048 : i32
    %parallel_loop3A_91 = arith.constant 16 : i32
    scf.for %parallel_loop3A_232 = %parallel_loop3A_89 to %parallel_loop3A_90 step %parallel_loop3A_91  : i32 {
      %parallel_loop3A_233 = arith.index_cast %parallel_loop3A_232 : i32 to index
      %parallel_loop3A_234 = tpu.vector_load %arg12[%parallel_loop3A_233] {strides = array<i32>} : memref<2048xf32, #tpu.memory_space<vmem>>, vector<16xf32>,
      %parallel_loop3A_235 = arith.index_cast %parallel_loop3A_232 : i32 to index
      %parallel_loop3A_236 = tpu.vector_load %arg14[%parallel_loop3A_235] {strides = array<i32>} : memref<2048xf32, #tpu.memory_space<vmem>>, vector<16xf32>,
      %parallel_loop3A_237 = arith.index_cast %parallel_loop3A_232 : i32 to index
      %parallel_loop3A_238 = tpu.vector_load %arg16[%parallel_loop3A_237] {strides = array<i32>} : memref<2048xf32, #tpu.memory_space<vmem>>, vector<16xf32>,
      %parallel_loop3A_239 = tpu.iota {dimensions = array<i32: 0>} : vector<16xi32>
      %parallel_loop3A_240 = vector.broadcast %parallel_loop3A_232 : i32 to vector<16xi32>
      %parallel_loop3A_241 = arith.addi %parallel_loop3A_239, %parallel_loop3A_240 : vector<16xi32>
      %parallel_loop3A_242 = arith.constant 0 : i32
      %parallel_loop3A_243 = vector.broadcast %parallel_loop3A_242 : i32 to vector<16xi32>
      %parallel_loop3A_244 = tpu.vector_load_idx %arg10[%parallel_loop3A_241, %parallel_loop3A_243] : memref<2048x8xf32, #tpu.memory_space<vmem>>[vector<16xi32>, vector<16xi32>], vector<16xf32>,
      %parallel_loop3A_245 = arith.constant 1 : i32
      %parallel_loop3A_246 = vector.broadcast %parallel_loop3A_245 : i32 to vector<16xi32>
      %parallel_loop3A_247 = tpu.vector_load_idx %arg10[%parallel_loop3A_241, %parallel_loop3A_246] : memref<2048x8xf32, #tpu.memory_space<vmem>>[vector<16xi32>, vector<16xi32>], vector<16xf32>,
      %parallel_loop3A_248 = arith.constant 2 : i32
      %parallel_loop3A_249 = vector.broadcast %parallel_loop3A_248 : i32 to vector<16xi32>
      %parallel_loop3A_250 = tpu.vector_load_idx %arg10[%parallel_loop3A_241, %parallel_loop3A_249] : memref<2048x8xf32, #tpu.memory_space<vmem>>[vector<16xi32>, vector<16xi32>], vector<16xf32>,
      %parallel_loop3A_251 = arith.constant 3 : i32
      %parallel_loop3A_252 = vector.broadcast %parallel_loop3A_251 : i32 to vector<16xi32>
      %parallel_loop3A_253 = tpu.vector_load_idx %arg10[%parallel_loop3A_241, %parallel_loop3A_252] : memref<2048x8xf32, #tpu.memory_space<vmem>>[vector<16xi32>, vector<16xi32>], vector<16xf32>,
      %parallel_loop3A_254 = arith.constant 4 : i32
      %parallel_loop3A_255 = vector.broadcast %parallel_loop3A_254 : i32 to vector<16xi32>
      %parallel_loop3A_256 = tpu.vector_load_idx %arg10[%parallel_loop3A_241, %parallel_loop3A_255] : memref<2048x8xf32, #tpu.memory_space<vmem>>[vector<16xi32>, vector<16xi32>], vector<16xf32>,
      %parallel_loop3A_257 = arith.constant 5 : i32
      %parallel_loop3A_258 = vector.broadcast %parallel_loop3A_257 : i32 to vector<16xi32>
      %parallel_loop3A_259 = tpu.vector_load_idx %arg10[%parallel_loop3A_241, %parallel_loop3A_258] : memref<2048x8xf32, #tpu.memory_space<vmem>>[vector<16xi32>, vector<16xi32>], vector<16xf32>,
      %parallel_loop3A_260 = arith.constant 6 : i32
      %parallel_loop3A_261 = vector.broadcast %parallel_loop3A_260 : i32 to vector<16xi32>
      %parallel_loop3A_262 = tpu.vector_load_idx %arg10[%parallel_loop3A_241, %parallel_loop3A_261] : memref<2048x8xf32, #tpu.memory_space<vmem>>[vector<16xi32>, vector<16xi32>], vector<16xf32>,
      %parallel_loop3A_263 = arith.constant 7 : i32
      %parallel_loop3A_264 = vector.broadcast %parallel_loop3A_263 : i32 to vector<16xi32>
      %parallel_loop3A_265 = tpu.vector_load_idx %arg10[%parallel_loop3A_241, %parallel_loop3A_264] : memref<2048x8xf32, #tpu.memory_space<vmem>>[vector<16xi32>, vector<16xi32>], vector<16xf32>,
      %parallel_loop3A_266 = arith.subf %parallel_loop3A_247, %parallel_loop3A_244 : vector<16xf32>
      %parallel_loop3A_267 = arith.mulf %parallel_loop3A_238, %parallel_loop3A_266 : vector<16xf32>
      %parallel_loop3A_268 = arith.addf %parallel_loop3A_244, %parallel_loop3A_267 : vector<16xf32>
      %parallel_loop3A_269 = arith.subf %parallel_loop3A_253, %parallel_loop3A_250 : vector<16xf32>
      %parallel_loop3A_270 = arith.mulf %parallel_loop3A_238, %parallel_loop3A_269 : vector<16xf32>
      %parallel_loop3A_271 = arith.addf %parallel_loop3A_250, %parallel_loop3A_270 : vector<16xf32>
      %parallel_loop3A_272 = arith.subf %parallel_loop3A_259, %parallel_loop3A_256 : vector<16xf32>
      %parallel_loop3A_273 = arith.mulf %parallel_loop3A_238, %parallel_loop3A_272 : vector<16xf32>
      %parallel_loop3A_274 = arith.addf %parallel_loop3A_256, %parallel_loop3A_273 : vector<16xf32>
      %parallel_loop3A_275 = arith.subf %parallel_loop3A_265, %parallel_loop3A_262 : vector<16xf32>
      %parallel_loop3A_276 = arith.mulf %parallel_loop3A_238, %parallel_loop3A_275 : vector<16xf32>
      %parallel_loop3A_277 = arith.addf %parallel_loop3A_262, %parallel_loop3A_276 : vector<16xf32>
      %parallel_loop3A_278 = arith.subf %parallel_loop3A_271, %parallel_loop3A_268 : vector<16xf32>
      %parallel_loop3A_279 = arith.mulf %parallel_loop3A_236, %parallel_loop3A_278 : vector<16xf32>
      %parallel_loop3A_280 = arith.addf %parallel_loop3A_268, %parallel_loop3A_279 : vector<16xf32>
      %parallel_loop3A_281 = arith.subf %parallel_loop3A_277, %parallel_loop3A_274 : vector<16xf32>
      %parallel_loop3A_282 = arith.mulf %parallel_loop3A_236, %parallel_loop3A_281 : vector<16xf32>
      %parallel_loop3A_283 = arith.addf %parallel_loop3A_274, %parallel_loop3A_282 : vector<16xf32>
      %parallel_loop3A_284 = arith.subf %parallel_loop3A_283, %parallel_loop3A_280 : vector<16xf32>
      %parallel_loop3A_285 = arith.mulf %parallel_loop3A_234, %parallel_loop3A_284 : vector<16xf32>
      %parallel_loop3A_286 = arith.addf %parallel_loop3A_280, %parallel_loop3A_285 : vector<16xf32>
      %parallel_loop3A_287 = arith.index_cast %parallel_loop3A_232 : i32 to index
      %parallel_loop3A_288 = tpu.vector_load %arg18[%parallel_loop3A_287] {strides = array<i32>} : memref<2048xf32, #tpu.memory_space<vmem>>, vector<16xf32>,
      tpu.vector_store %arg18[%parallel_loop3A_287], %parallel_loop3A_286 {strides = array<i32>} : memref<2048xf32, #tpu.memory_space<vmem>>, vector<16xf32>,
    } {sc.loop_unroll_factor = 4 : i64, sc.parallel_access}
    %dma_start3A_92 = tpu.memref_slice %arg7[%add3A_77] : memref<524288xf32, #tpu.memory_space<hbm>> -> memref<2048xf32, #tpu.memory_space<hbm>>
    %dma_start3A_93 = tpu.memref_slice %arg7[%add3A_77] : memref<524288xf32, #tpu.memory_space<hbm>> -> memref<2048xf32, #tpu.memory_space<hbm>>
    tpu.enqueue_dma source(%arg18 : memref<2048xf32, #tpu.memory_space<vmem>>) target(%dma_start3A_93 : memref<2048xf32, #tpu.memory_space<hbm>>) target_semaphore(%arg24 : memref<!tpu.dma_semaphore, #tpu.memory_space<semaphore_mem>>)
    %add3A_94 = arith.constant 8192 : i32
    %add3A_95 = arith.addi %mul3A_2, %add3A_94 : i32
    "tpu.region"() ({
      %run_scoped3A = tpu.sem_alloc : memref<!tpu.dma_semaphore, #tpu.memory_space<semaphore_mem>>
      %dma_start3A_232 = tpu.memref_slice %arg3[%add3A_95] : memref<524288xi32, #tpu.memory_space<hbm>> -> memref<2048xi32, #tpu.memory_space<hbm>>
      %dma_start3A_233 = tpu.memref_slice %arg3[%add3A_95] : memref<524288xi32, #tpu.memory_space<hbm>> -> memref<2048xi32, #tpu.memory_space<hbm>>
      tpu.enqueue_dma source(%dma_start3A_233 : memref<2048xi32, #tpu.memory_space<hbm>>) target(%arg8 : memref<2048xi32, #tpu.memory_space<vmem>>) target_semaphore(%run_scoped3A : memref<!tpu.dma_semaphore, #tpu.memory_space<semaphore_mem>>)
      %dma_wait3A_234 = tpu.memref_slice %arg3[%add3A_95] : memref<524288xi32, #tpu.memory_space<hbm>> -> memref<2048xi32, #tpu.memory_space<hbm>>
      %dma_wait3A_235 = tpu.memref_slice %arg3[%add3A_95] : memref<524288xi32, #tpu.memory_space<hbm>> -> memref<2048xi32, #tpu.memory_space<hbm>>
      tpu.wait_dma2 semaphore(%run_scoped3A : memref<!tpu.dma_semaphore, #tpu.memory_space<semaphore_mem>>) src(%dma_wait3A_235 : memref<2048xi32, #tpu.memory_space<hbm>>) dst(%arg8 : memref<2048xi32, #tpu.memory_space<vmem>>)
      tpu.yield
    }) : () -> ()
    %dma_start3A_96 = arith.constant 0 : i32
    %dma_start3A_97 = arith.constant 0 : i32
    %dma_start3A_98 = tpu.memref_slice %arg2[%dma_start3A_96, %dma_start3A_97] : memref<524288x8xf32, #tpu.memory_space<hbm>> -> memref<524288x8xf32, #tpu.memory_space<hbm>>
    tpu.enqueue_indirect_dma source(%dma_start3A_98 : memref<524288x8xf32, #tpu.memory_space<hbm>>) target(%arg10 : memref<2048x8xf32, #tpu.memory_space<vmem>>) offsets(%arg8 : memref<2048xi32, #tpu.memory_space<vmem>>) semaphore(%arg20 : memref<!tpu.dma_semaphore, #tpu.memory_space<semaphore_mem>>)
    %dma_start3A_99 = tpu.memref_slice %arg4[%add3A_95] : memref<524288xf32, #tpu.memory_space<hbm>> -> memref<2048xf32, #tpu.memory_space<hbm>>
    %dma_start3A_100 = tpu.memref_slice %arg4[%add3A_95] : memref<524288xf32, #tpu.memory_space<hbm>> -> memref<2048xf32, #tpu.memory_space<hbm>>
    tpu.enqueue_dma source(%dma_start3A_100 : memref<2048xf32, #tpu.memory_space<hbm>>) target(%arg12 : memref<2048xf32, #tpu.memory_space<vmem>>) target_semaphore(%arg22 : memref<!tpu.dma_semaphore, #tpu.memory_space<semaphore_mem>>)
    %dma_start3A_101 = tpu.memref_slice %arg5[%add3A_95] : memref<524288xf32, #tpu.memory_space<hbm>> -> memref<2048xf32, #tpu.memory_space<hbm>>
    %dma_start3A_102 = tpu.memref_slice %arg5[%add3A_95] : memref<524288xf32, #tpu.memory_space<hbm>> -> memref<2048xf32, #tpu.memory_space<hbm>>
    tpu.enqueue_dma source(%dma_start3A_102 : memref<2048xf32, #tpu.memory_space<hbm>>) target(%arg14 : memref<2048xf32, #tpu.memory_space<vmem>>) target_semaphore(%arg22 : memref<!tpu.dma_semaphore, #tpu.memory_space<semaphore_mem>>)
    %dma_start3A_103 = tpu.memref_slice %arg6[%add3A_95] : memref<524288xf32, #tpu.memory_space<hbm>> -> memref<2048xf32, #tpu.memory_space<hbm>>
    %dma_start3A_104 = tpu.memref_slice %arg6[%add3A_95] : memref<524288xf32, #tpu.memory_space<hbm>> -> memref<2048xf32, #tpu.memory_space<hbm>>
    tpu.enqueue_dma source(%dma_start3A_104 : memref<2048xf32, #tpu.memory_space<hbm>>) target(%arg16 : memref<2048xf32, #tpu.memory_space<vmem>>) target_semaphore(%arg22 : memref<!tpu.dma_semaphore, #tpu.memory_space<semaphore_mem>>)
    %add3A_105 = arith.constant 6144 : i32
    %add3A_106 = arith.addi %mul3A_2, %add3A_105 : i32
    %dma_wait3A_107 = arith.constant 0 : i32
    %dma_wait3A_108 = arith.constant 0 : i32
    %dma_wait3A_109 = tpu.memref_slice %arg2[%dma_wait3A_107, %dma_wait3A_108] : memref<524288x8xf32, #tpu.memory_space<hbm>> -> memref<524288x8xf32, #tpu.memory_space<hbm>>
    tpu.wait_indirect_dma semaphore(%arg21 : memref<!tpu.dma_semaphore, #tpu.memory_space<semaphore_mem>>) src(%dma_wait3A_109 : memref<524288x8xf32, #tpu.memory_space<hbm>>) dst(%arg11 : memref<2048x8xf32, #tpu.memory_space<vmem>>)
    %dma_wait3A_110 = tpu.memref_slice %arg4[%add3A_66] : memref<524288xf32, #tpu.memory_space<hbm>> -> memref<2048xf32, #tpu.memory_space<hbm>>
    %dma_wait3A_111 = tpu.memref_slice %arg4[%add3A_66] : memref<524288xf32, #tpu.memory_space<hbm>> -> memref<2048xf32, #tpu.memory_space<hbm>>
    tpu.wait_dma2 semaphore(%arg23 : memref<!tpu.dma_semaphore, #tpu.memory_space<semaphore_mem>>) src(%dma_wait3A_111 : memref<2048xf32, #tpu.memory_space<hbm>>) dst(%arg13 : memref<2048xf32, #tpu.memory_space<vmem>>)
    %dma_wait3A_112 = tpu.memref_slice %arg5[%add3A_66] : memref<524288xf32, #tpu.memory_space<hbm>> -> memref<2048xf32, #tpu.memory_space<hbm>>
    %dma_wait3A_113 = tpu.memref_slice %arg5[%add3A_66] : memref<524288xf32, #tpu.memory_space<hbm>> -> memref<2048xf32, #tpu.memory_space<hbm>>
    tpu.wait_dma2 semaphore(%arg23 : memref<!tpu.dma_semaphore, #tpu.memory_space<semaphore_mem>>) src(%dma_wait3A_113 : memref<2048xf32, #tpu.memory_space<hbm>>) dst(%arg15 : memref<2048xf32, #tpu.memory_space<vmem>>)
    %dma_wait3A_114 = tpu.memref_slice %arg6[%add3A_66] : memref<524288xf32, #tpu.memory_space<hbm>> -> memref<2048xf32, #tpu.memory_space<hbm>>
    %dma_wait3A_115 = tpu.memref_slice %arg6[%add3A_66] : memref<524288xf32, #tpu.memory_space<hbm>> -> memref<2048xf32, #tpu.memory_space<hbm>>
    tpu.wait_dma2 semaphore(%arg23 : memref<!tpu.dma_semaphore, #tpu.memory_space<semaphore_mem>>) src(%dma_wait3A_115 : memref<2048xf32, #tpu.memory_space<hbm>>) dst(%arg17 : memref<2048xf32, #tpu.memory_space<vmem>>)
    %dma_wait3A_116 = tpu.memref_slice %arg7[%add3A_50] : memref<524288xf32, #tpu.memory_space<hbm>> -> memref<2048xf32, #tpu.memory_space<hbm>>
    %dma_wait3A_117 = tpu.memref_slice %arg7[%add3A_50] : memref<524288xf32, #tpu.memory_space<hbm>> -> memref<2048xf32, #tpu.memory_space<hbm>>
    tpu.wait_dma2 semaphore(%arg25 : memref<!tpu.dma_semaphore, #tpu.memory_space<semaphore_mem>>) src(%arg19 : memref<2048xf32, #tpu.memory_space<vmem>>) dst(%dma_wait3A_117 : memref<2048xf32, #tpu.memory_space<hbm>>)
    %parallel_loop3A_118 = arith.constant 0 : i32
    %parallel_loop3A_119 = arith.constant 2048 : i32
    %parallel_loop3A_120 = arith.constant 16 : i32
    scf.for %parallel_loop3A_232 = %parallel_loop3A_118 to %parallel_loop3A_119 step %parallel_loop3A_120  : i32 {
      %parallel_loop3A_233 = arith.index_cast %parallel_loop3A_232 : i32 to index
      %parallel_loop3A_234 = tpu.vector_load %arg13[%parallel_loop3A_233] {strides = array<i32>} : memref<2048xf32, #tpu.memory_space<vmem>>, vector<16xf32>,
      %parallel_loop3A_235 = arith.index_cast %parallel_loop3A_232 : i32 to index
      %parallel_loop3A_236 = tpu.vector_load %arg15[%parallel_loop3A_235] {strides = array<i32>} : memref<2048xf32, #tpu.memory_space<vmem>>, vector<16xf32>,
      %parallel_loop3A_237 = arith.index_cast %parallel_loop3A_232 : i32 to index
      %parallel_loop3A_238 = tpu.vector_load %arg17[%parallel_loop3A_237] {strides = array<i32>} : memref<2048xf32, #tpu.memory_space<vmem>>, vector<16xf32>,
      %parallel_loop3A_239 = tpu.iota {dimensions = array<i32: 0>} : vector<16xi32>
      %parallel_loop3A_240 = vector.broadcast %parallel_loop3A_232 : i32 to vector<16xi32>
      %parallel_loop3A_241 = arith.addi %parallel_loop3A_239, %parallel_loop3A_240 : vector<16xi32>
      %parallel_loop3A_242 = arith.constant 0 : i32
      %parallel_loop3A_243 = vector.broadcast %parallel_loop3A_242 : i32 to vector<16xi32>
      %parallel_loop3A_244 = tpu.vector_load_idx %arg11[%parallel_loop3A_241, %parallel_loop3A_243] : memref<2048x8xf32, #tpu.memory_space<vmem>>[vector<16xi32>, vector<16xi32>], vector<16xf32>,
      %parallel_loop3A_245 = arith.constant 1 : i32
      %parallel_loop3A_246 = vector.broadcast %parallel_loop3A_245 : i32 to vector<16xi32>
      %parallel_loop3A_247 = tpu.vector_load_idx %arg11[%parallel_loop3A_241, %parallel_loop3A_246] : memref<2048x8xf32, #tpu.memory_space<vmem>>[vector<16xi32>, vector<16xi32>], vector<16xf32>,
      %parallel_loop3A_248 = arith.constant 2 : i32
      %parallel_loop3A_249 = vector.broadcast %parallel_loop3A_248 : i32 to vector<16xi32>
      %parallel_loop3A_250 = tpu.vector_load_idx %arg11[%parallel_loop3A_241, %parallel_loop3A_249] : memref<2048x8xf32, #tpu.memory_space<vmem>>[vector<16xi32>, vector<16xi32>], vector<16xf32>,
      %parallel_loop3A_251 = arith.constant 3 : i32
      %parallel_loop3A_252 = vector.broadcast %parallel_loop3A_251 : i32 to vector<16xi32>
      %parallel_loop3A_253 = tpu.vector_load_idx %arg11[%parallel_loop3A_241, %parallel_loop3A_252] : memref<2048x8xf32, #tpu.memory_space<vmem>>[vector<16xi32>, vector<16xi32>], vector<16xf32>,
      %parallel_loop3A_254 = arith.constant 4 : i32
      %parallel_loop3A_255 = vector.broadcast %parallel_loop3A_254 : i32 to vector<16xi32>
      %parallel_loop3A_256 = tpu.vector_load_idx %arg11[%parallel_loop3A_241, %parallel_loop3A_255] : memref<2048x8xf32, #tpu.memory_space<vmem>>[vector<16xi32>, vector<16xi32>], vector<16xf32>,
      %parallel_loop3A_257 = arith.constant 5 : i32
      %parallel_loop3A_258 = vector.broadcast %parallel_loop3A_257 : i32 to vector<16xi32>
      %parallel_loop3A_259 = tpu.vector_load_idx %arg11[%parallel_loop3A_241, %parallel_loop3A_258] : memref<2048x8xf32, #tpu.memory_space<vmem>>[vector<16xi32>, vector<16xi32>], vector<16xf32>,
      %parallel_loop3A_260 = arith.constant 6 : i32
      %parallel_loop3A_261 = vector.broadcast %parallel_loop3A_260 : i32 to vector<16xi32>
      %parallel_loop3A_262 = tpu.vector_load_idx %arg11[%parallel_loop3A_241, %parallel_loop3A_261] : memref<2048x8xf32, #tpu.memory_space<vmem>>[vector<16xi32>, vector<16xi32>], vector<16xf32>,
      %parallel_loop3A_263 = arith.constant 7 : i32
      %parallel_loop3A_264 = vector.broadcast %parallel_loop3A_263 : i32 to vector<16xi32>
      %parallel_loop3A_265 = tpu.vector_load_idx %arg11[%parallel_loop3A_241, %parallel_loop3A_264] : memref<2048x8xf32, #tpu.memory_space<vmem>>[vector<16xi32>, vector<16xi32>], vector<16xf32>,
      %parallel_loop3A_266 = arith.subf %parallel_loop3A_247, %parallel_loop3A_244 : vector<16xf32>
      %parallel_loop3A_267 = arith.mulf %parallel_loop3A_238, %parallel_loop3A_266 : vector<16xf32>
      %parallel_loop3A_268 = arith.addf %parallel_loop3A_244, %parallel_loop3A_267 : vector<16xf32>
      %parallel_loop3A_269 = arith.subf %parallel_loop3A_253, %parallel_loop3A_250 : vector<16xf32>
      %parallel_loop3A_270 = arith.mulf %parallel_loop3A_238, %parallel_loop3A_269 : vector<16xf32>
      %parallel_loop3A_271 = arith.addf %parallel_loop3A_250, %parallel_loop3A_270 : vector<16xf32>
      %parallel_loop3A_272 = arith.subf %parallel_loop3A_259, %parallel_loop3A_256 : vector<16xf32>
      %parallel_loop3A_273 = arith.mulf %parallel_loop3A_238, %parallel_loop3A_272 : vector<16xf32>
      %parallel_loop3A_274 = arith.addf %parallel_loop3A_256, %parallel_loop3A_273 : vector<16xf32>
      %parallel_loop3A_275 = arith.subf %parallel_loop3A_265, %parallel_loop3A_262 : vector<16xf32>
      %parallel_loop3A_276 = arith.mulf %parallel_loop3A_238, %parallel_loop3A_275 : vector<16xf32>
      %parallel_loop3A_277 = arith.addf %parallel_loop3A_262, %parallel_loop3A_276 : vector<16xf32>
      %parallel_loop3A_278 = arith.subf %parallel_loop3A_271, %parallel_loop3A_268 : vector<16xf32>
      %parallel_loop3A_279 = arith.mulf %parallel_loop3A_236, %parallel_loop3A_278 : vector<16xf32>
      %parallel_loop3A_280 = arith.addf %parallel_loop3A_268, %parallel_loop3A_279 : vector<16xf32>
      %parallel_loop3A_281 = arith.subf %parallel_loop3A_277, %parallel_loop3A_274 : vector<16xf32>
      %parallel_loop3A_282 = arith.mulf %parallel_loop3A_236, %parallel_loop3A_281 : vector<16xf32>
      %parallel_loop3A_283 = arith.addf %parallel_loop3A_274, %parallel_loop3A_282 : vector<16xf32>
      %parallel_loop3A_284 = arith.subf %parallel_loop3A_283, %parallel_loop3A_280 : vector<16xf32>
      %parallel_loop3A_285 = arith.mulf %parallel_loop3A_234, %parallel_loop3A_284 : vector<16xf32>
      %parallel_loop3A_286 = arith.addf %parallel_loop3A_280, %parallel_loop3A_285 : vector<16xf32>
      %parallel_loop3A_287 = arith.index_cast %parallel_loop3A_232 : i32 to index
      %parallel_loop3A_288 = tpu.vector_load %arg19[%parallel_loop3A_287] {strides = array<i32>} : memref<2048xf32, #tpu.memory_space<vmem>>, vector<16xf32>,
      tpu.vector_store %arg19[%parallel_loop3A_287], %parallel_loop3A_286 {strides = array<i32>} : memref<2048xf32, #tpu.memory_space<vmem>>, vector<16xf32>,
    } {sc.loop_unroll_factor = 4 : i64, sc.parallel_access}
    %dma_start3A_121 = tpu.memref_slice %arg7[%add3A_106] : memref<524288xf32, #tpu.memory_space<hbm>> -> memref<2048xf32, #tpu.memory_space<hbm>>
    %dma_start3A_122 = tpu.memref_slice %arg7[%add3A_106] : memref<524288xf32, #tpu.memory_space<hbm>> -> memref<2048xf32, #tpu.memory_space<hbm>>
    tpu.enqueue_dma source(%arg19 : memref<2048xf32, #tpu.memory_space<vmem>>) target(%dma_start3A_122 : memref<2048xf32, #tpu.memory_space<hbm>>) target_semaphore(%arg25 : memref<!tpu.dma_semaphore, #tpu.memory_space<semaphore_mem>>)
    %add3A_123 = arith.constant 10240 : i32
    %add3A_124 = arith.addi %mul3A_2, %add3A_123 : i32
    "tpu.region"() ({
      %run_scoped3A = tpu.sem_alloc : memref<!tpu.dma_semaphore, #tpu.memory_space<semaphore_mem>>
      %dma_start3A_232 = tpu.memref_slice %arg3[%add3A_124] : memref<524288xi32, #tpu.memory_space<hbm>> -> memref<2048xi32, #tpu.memory_space<hbm>>
      %dma_start3A_233 = tpu.memref_slice %arg3[%add3A_124] : memref<524288xi32, #tpu.memory_space<hbm>> -> memref<2048xi32, #tpu.memory_space<hbm>>
      tpu.enqueue_dma source(%dma_start3A_233 : memref<2048xi32, #tpu.memory_space<hbm>>) target(%arg9 : memref<2048xi32, #tpu.memory_space<vmem>>) target_semaphore(%run_scoped3A : memref<!tpu.dma_semaphore, #tpu.memory_space<semaphore_mem>>)
      %dma_wait3A_234 = tpu.memref_slice %arg3[%add3A_124] : memref<524288xi32, #tpu.memory_space<hbm>> -> memref<2048xi32, #tpu.memory_space<hbm>>
      %dma_wait3A_235 = tpu.memref_slice %arg3[%add3A_124] : memref<524288xi32, #tpu.memory_space<hbm>> -> memref<2048xi32, #tpu.memory_space<hbm>>
      tpu.wait_dma2 semaphore(%run_scoped3A : memref<!tpu.dma_semaphore, #tpu.memory_space<semaphore_mem>>) src(%dma_wait3A_235 : memref<2048xi32, #tpu.memory_space<hbm>>) dst(%arg9 : memref<2048xi32, #tpu.memory_space<vmem>>)
      tpu.yield
    }) : () -> ()
    %dma_start3A_125 = arith.constant 0 : i32
    %dma_start3A_126 = arith.constant 0 : i32
    %dma_start3A_127 = tpu.memref_slice %arg2[%dma_start3A_125, %dma_start3A_126] : memref<524288x8xf32, #tpu.memory_space<hbm>> -> memref<524288x8xf32, #tpu.memory_space<hbm>>
    tpu.enqueue_indirect_dma source(%dma_start3A_127 : memref<524288x8xf32, #tpu.memory_space<hbm>>) target(%arg11 : memref<2048x8xf32, #tpu.memory_space<vmem>>) offsets(%arg9 : memref<2048xi32, #tpu.memory_space<vmem>>) semaphore(%arg21 : memref<!tpu.dma_semaphore, #tpu.memory_space<semaphore_mem>>)
    %dma_start3A_128 = tpu.memref_slice %arg4[%add3A_124] : memref<524288xf32, #tpu.memory_space<hbm>> -> memref<2048xf32, #tpu.memory_space<hbm>>
    %dma_start3A_129 = tpu.memref_slice %arg4[%add3A_124] : memref<524288xf32, #tpu.memory_space<hbm>> -> memref<2048xf32, #tpu.memory_space<hbm>>
    tpu.enqueue_dma source(%dma_start3A_129 : memref<2048xf32, #tpu.memory_space<hbm>>) target(%arg13 : memref<2048xf32, #tpu.memory_space<vmem>>) target_semaphore(%arg23 : memref<!tpu.dma_semaphore, #tpu.memory_space<semaphore_mem>>)
    %dma_start3A_130 = tpu.memref_slice %arg5[%add3A_124] : memref<524288xf32, #tpu.memory_space<hbm>> -> memref<2048xf32, #tpu.memory_space<hbm>>
    %dma_start3A_131 = tpu.memref_slice %arg5[%add3A_124] : memref<524288xf32, #tpu.memory_space<hbm>> -> memref<2048xf32, #tpu.memory_space<hbm>>
    tpu.enqueue_dma source(%dma_start3A_131 : memref<2048xf32, #tpu.memory_space<hbm>>) target(%arg15 : memref<2048xf32, #tpu.memory_space<vmem>>) target_semaphore(%arg23 : memref<!tpu.dma_semaphore, #tpu.memory_space<semaphore_mem>>)
    %dma_start3A_132 = tpu.memref_slice %arg6[%add3A_124] : memref<524288xf32, #tpu.memory_space<hbm>> -> memref<2048xf32, #tpu.memory_space<hbm>>
    %dma_start3A_133 = tpu.memref_slice %arg6[%add3A_124] : memref<524288xf32, #tpu.memory_space<hbm>> -> memref<2048xf32, #tpu.memory_space<hbm>>
    tpu.enqueue_dma source(%dma_start3A_133 : memref<2048xf32, #tpu.memory_space<hbm>>) target(%arg17 : memref<2048xf32, #tpu.memory_space<vmem>>) target_semaphore(%arg23 : memref<!tpu.dma_semaphore, #tpu.memory_space<semaphore_mem>>)
    %add3A_134 = arith.constant 8192 : i32
    %add3A_135 = arith.addi %mul3A_2, %add3A_134 : i32
    %dma_wait3A_136 = arith.constant 0 : i32
    %dma_wait3A_137 = arith.constant 0 : i32
    %dma_wait3A_138 = tpu.memref_slice %arg2[%dma_wait3A_136, %dma_wait3A_137] : memref<524288x8xf32, #tpu.memory_space<hbm>> -> memref<524288x8xf32, #tpu.memory_space<hbm>>
    tpu.wait_indirect_dma semaphore(%arg20 : memref<!tpu.dma_semaphore, #tpu.memory_space<semaphore_mem>>) src(%dma_wait3A_138 : memref<524288x8xf32, #tpu.memory_space<hbm>>) dst(%arg10 : memref<2048x8xf32, #tpu.memory_space<vmem>>)
    %dma_wait3A_139 = tpu.memref_slice %arg4[%add3A_95] : memref<524288xf32, #tpu.memory_space<hbm>> -> memref<2048xf32, #tpu.memory_space<hbm>>
    %dma_wait3A_140 = tpu.memref_slice %arg4[%add3A_95] : memref<524288xf32, #tpu.memory_space<hbm>> -> memref<2048xf32, #tpu.memory_space<hbm>>
    tpu.wait_dma2 semaphore(%arg22 : memref<!tpu.dma_semaphore, #tpu.memory_space<semaphore_mem>>) src(%dma_wait3A_140 : memref<2048xf32, #tpu.memory_space<hbm>>) dst(%arg12 : memref<2048xf32, #tpu.memory_space<vmem>>)
    %dma_wait3A_141 = tpu.memref_slice %arg5[%add3A_95] : memref<524288xf32, #tpu.memory_space<hbm>> -> memref<2048xf32, #tpu.memory_space<hbm>>
    %dma_wait3A_142 = tpu.memref_slice %arg5[%add3A_95] : memref<524288xf32, #tpu.memory_space<hbm>> -> memref<2048xf32, #tpu.memory_space<hbm>>
    tpu.wait_dma2 semaphore(%arg22 : memref<!tpu.dma_semaphore, #tpu.memory_space<semaphore_mem>>) src(%dma_wait3A_142 : memref<2048xf32, #tpu.memory_space<hbm>>) dst(%arg14 : memref<2048xf32, #tpu.memory_space<vmem>>)
    %dma_wait3A_143 = tpu.memref_slice %arg6[%add3A_95] : memref<524288xf32, #tpu.memory_space<hbm>> -> memref<2048xf32, #tpu.memory_space<hbm>>
    %dma_wait3A_144 = tpu.memref_slice %arg6[%add3A_95] : memref<524288xf32, #tpu.memory_space<hbm>> -> memref<2048xf32, #tpu.memory_space<hbm>>
    tpu.wait_dma2 semaphore(%arg22 : memref<!tpu.dma_semaphore, #tpu.memory_space<semaphore_mem>>) src(%dma_wait3A_144 : memref<2048xf32, #tpu.memory_space<hbm>>) dst(%arg16 : memref<2048xf32, #tpu.memory_space<vmem>>)
    %dma_wait3A_145 = tpu.memref_slice %arg7[%add3A_77] : memref<524288xf32, #tpu.memory_space<hbm>> -> memref<2048xf32, #tpu.memory_space<hbm>>
    %dma_wait3A_146 = tpu.memref_slice %arg7[%add3A_77] : memref<524288xf32, #tpu.memory_space<hbm>> -> memref<2048xf32, #tpu.memory_space<hbm>>
    tpu.wait_dma2 semaphore(%arg24 : memref<!tpu.dma_semaphore, #tpu.memory_space<semaphore_mem>>) src(%arg18 : memref<2048xf32, #tpu.memory_space<vmem>>) dst(%dma_wait3A_146 : memref<2048xf32, #tpu.memory_space<hbm>>)
    %parallel_loop3A_147 = arith.constant 0 : i32
    %parallel_loop3A_148 = arith.constant 2048 : i32
    %parallel_loop3A_149 = arith.constant 16 : i32
    scf.for %parallel_loop3A_232 = %parallel_loop3A_147 to %parallel_loop3A_148 step %parallel_loop3A_149  : i32 {
      %parallel_loop3A_233 = arith.index_cast %parallel_loop3A_232 : i32 to index
      %parallel_loop3A_234 = tpu.vector_load %arg12[%parallel_loop3A_233] {strides = array<i32>} : memref<2048xf32, #tpu.memory_space<vmem>>, vector<16xf32>,
      %parallel_loop3A_235 = arith.index_cast %parallel_loop3A_232 : i32 to index
      %parallel_loop3A_236 = tpu.vector_load %arg14[%parallel_loop3A_235] {strides = array<i32>} : memref<2048xf32, #tpu.memory_space<vmem>>, vector<16xf32>,
      %parallel_loop3A_237 = arith.index_cast %parallel_loop3A_232 : i32 to index
      %parallel_loop3A_238 = tpu.vector_load %arg16[%parallel_loop3A_237] {strides = array<i32>} : memref<2048xf32, #tpu.memory_space<vmem>>, vector<16xf32>,
      %parallel_loop3A_239 = tpu.iota {dimensions = array<i32: 0>} : vector<16xi32>
      %parallel_loop3A_240 = vector.broadcast %parallel_loop3A_232 : i32 to vector<16xi32>
      %parallel_loop3A_241 = arith.addi %parallel_loop3A_239, %parallel_loop3A_240 : vector<16xi32>
      %parallel_loop3A_242 = arith.constant 0 : i32
      %parallel_loop3A_243 = vector.broadcast %parallel_loop3A_242 : i32 to vector<16xi32>
      %parallel_loop3A_244 = tpu.vector_load_idx %arg10[%parallel_loop3A_241, %parallel_loop3A_243] : memref<2048x8xf32, #tpu.memory_space<vmem>>[vector<16xi32>, vector<16xi32>], vector<16xf32>,
      %parallel_loop3A_245 = arith.constant 1 : i32
      %parallel_loop3A_246 = vector.broadcast %parallel_loop3A_245 : i32 to vector<16xi32>
      %parallel_loop3A_247 = tpu.vector_load_idx %arg10[%parallel_loop3A_241, %parallel_loop3A_246] : memref<2048x8xf32, #tpu.memory_space<vmem>>[vector<16xi32>, vector<16xi32>], vector<16xf32>,
      %parallel_loop3A_248 = arith.constant 2 : i32
      %parallel_loop3A_249 = vector.broadcast %parallel_loop3A_248 : i32 to vector<16xi32>
      %parallel_loop3A_250 = tpu.vector_load_idx %arg10[%parallel_loop3A_241, %parallel_loop3A_249] : memref<2048x8xf32, #tpu.memory_space<vmem>>[vector<16xi32>, vector<16xi32>], vector<16xf32>,
      %parallel_loop3A_251 = arith.constant 3 : i32
      %parallel_loop3A_252 = vector.broadcast %parallel_loop3A_251 : i32 to vector<16xi32>
      %parallel_loop3A_253 = tpu.vector_load_idx %arg10[%parallel_loop3A_241, %parallel_loop3A_252] : memref<2048x8xf32, #tpu.memory_space<vmem>>[vector<16xi32>, vector<16xi32>], vector<16xf32>,
      %parallel_loop3A_254 = arith.constant 4 : i32
      %parallel_loop3A_255 = vector.broadcast %parallel_loop3A_254 : i32 to vector<16xi32>
      %parallel_loop3A_256 = tpu.vector_load_idx %arg10[%parallel_loop3A_241, %parallel_loop3A_255] : memref<2048x8xf32, #tpu.memory_space<vmem>>[vector<16xi32>, vector<16xi32>], vector<16xf32>,
      %parallel_loop3A_257 = arith.constant 5 : i32
      %parallel_loop3A_258 = vector.broadcast %parallel_loop3A_257 : i32 to vector<16xi32>
      %parallel_loop3A_259 = tpu.vector_load_idx %arg10[%parallel_loop3A_241, %parallel_loop3A_258] : memref<2048x8xf32, #tpu.memory_space<vmem>>[vector<16xi32>, vector<16xi32>], vector<16xf32>,
      %parallel_loop3A_260 = arith.constant 6 : i32
      %parallel_loop3A_261 = vector.broadcast %parallel_loop3A_260 : i32 to vector<16xi32>
      %parallel_loop3A_262 = tpu.vector_load_idx %arg10[%parallel_loop3A_241, %parallel_loop3A_261] : memref<2048x8xf32, #tpu.memory_space<vmem>>[vector<16xi32>, vector<16xi32>], vector<16xf32>,
      %parallel_loop3A_263 = arith.constant 7 : i32
      %parallel_loop3A_264 = vector.broadcast %parallel_loop3A_263 : i32 to vector<16xi32>
      %parallel_loop3A_265 = tpu.vector_load_idx %arg10[%parallel_loop3A_241, %parallel_loop3A_264] : memref<2048x8xf32, #tpu.memory_space<vmem>>[vector<16xi32>, vector<16xi32>], vector<16xf32>,
      %parallel_loop3A_266 = arith.subf %parallel_loop3A_247, %parallel_loop3A_244 : vector<16xf32>
      %parallel_loop3A_267 = arith.mulf %parallel_loop3A_238, %parallel_loop3A_266 : vector<16xf32>
      %parallel_loop3A_268 = arith.addf %parallel_loop3A_244, %parallel_loop3A_267 : vector<16xf32>
      %parallel_loop3A_269 = arith.subf %parallel_loop3A_253, %parallel_loop3A_250 : vector<16xf32>
      %parallel_loop3A_270 = arith.mulf %parallel_loop3A_238, %parallel_loop3A_269 : vector<16xf32>
      %parallel_loop3A_271 = arith.addf %parallel_loop3A_250, %parallel_loop3A_270 : vector<16xf32>
      %parallel_loop3A_272 = arith.subf %parallel_loop3A_259, %parallel_loop3A_256 : vector<16xf32>
      %parallel_loop3A_273 = arith.mulf %parallel_loop3A_238, %parallel_loop3A_272 : vector<16xf32>
      %parallel_loop3A_274 = arith.addf %parallel_loop3A_256, %parallel_loop3A_273 : vector<16xf32>
      %parallel_loop3A_275 = arith.subf %parallel_loop3A_265, %parallel_loop3A_262 : vector<16xf32>
      %parallel_loop3A_276 = arith.mulf %parallel_loop3A_238, %parallel_loop3A_275 : vector<16xf32>
      %parallel_loop3A_277 = arith.addf %parallel_loop3A_262, %parallel_loop3A_276 : vector<16xf32>
      %parallel_loop3A_278 = arith.subf %parallel_loop3A_271, %parallel_loop3A_268 : vector<16xf32>
      %parallel_loop3A_279 = arith.mulf %parallel_loop3A_236, %parallel_loop3A_278 : vector<16xf32>
      %parallel_loop3A_280 = arith.addf %parallel_loop3A_268, %parallel_loop3A_279 : vector<16xf32>
      %parallel_loop3A_281 = arith.subf %parallel_loop3A_277, %parallel_loop3A_274 : vector<16xf32>
      %parallel_loop3A_282 = arith.mulf %parallel_loop3A_236, %parallel_loop3A_281 : vector<16xf32>
      %parallel_loop3A_283 = arith.addf %parallel_loop3A_274, %parallel_loop3A_282 : vector<16xf32>
      %parallel_loop3A_284 = arith.subf %parallel_loop3A_283, %parallel_loop3A_280 : vector<16xf32>
      %parallel_loop3A_285 = arith.mulf %parallel_loop3A_234, %parallel_loop3A_284 : vector<16xf32>
      %parallel_loop3A_286 = arith.addf %parallel_loop3A_280, %parallel_loop3A_285 : vector<16xf32>
      %parallel_loop3A_287 = arith.index_cast %parallel_loop3A_232 : i32 to index
      %parallel_loop3A_288 = tpu.vector_load %arg18[%parallel_loop3A_287] {strides = array<i32>} : memref<2048xf32, #tpu.memory_space<vmem>>, vector<16xf32>,
      tpu.vector_store %arg18[%parallel_loop3A_287], %parallel_loop3A_286 {strides = array<i32>} : memref<2048xf32, #tpu.memory_space<vmem>>, vector<16xf32>,
    } {sc.loop_unroll_factor = 4 : i64, sc.parallel_access}
    %dma_start3A_150 = tpu.memref_slice %arg7[%add3A_135] : memref<524288xf32, #tpu.memory_space<hbm>> -> memref<2048xf32, #tpu.memory_space<hbm>>
    %dma_start3A_151 = tpu.memref_slice %arg7[%add3A_135] : memref<524288xf32, #tpu.memory_space<hbm>> -> memref<2048xf32, #tpu.memory_space<hbm>>
    tpu.enqueue_dma source(%arg18 : memref<2048xf32, #tpu.memory_space<vmem>>) target(%dma_start3A_151 : memref<2048xf32, #tpu.memory_space<hbm>>) target_semaphore(%arg24 : memref<!tpu.dma_semaphore, #tpu.memory_space<semaphore_mem>>)
    %add3A_152 = arith.constant 12288 : i32
    %add3A_153 = arith.addi %mul3A_2, %add3A_152 : i32
    "tpu.region"() ({
      %run_scoped3A = tpu.sem_alloc : memref<!tpu.dma_semaphore, #tpu.memory_space<semaphore_mem>>
      %dma_start3A_232 = tpu.memref_slice %arg3[%add3A_153] : memref<524288xi32, #tpu.memory_space<hbm>> -> memref<2048xi32, #tpu.memory_space<hbm>>
      %dma_start3A_233 = tpu.memref_slice %arg3[%add3A_153] : memref<524288xi32, #tpu.memory_space<hbm>> -> memref<2048xi32, #tpu.memory_space<hbm>>
      tpu.enqueue_dma source(%dma_start3A_233 : memref<2048xi32, #tpu.memory_space<hbm>>) target(%arg8 : memref<2048xi32, #tpu.memory_space<vmem>>) target_semaphore(%run_scoped3A : memref<!tpu.dma_semaphore, #tpu.memory_space<semaphore_mem>>)
      %dma_wait3A_234 = tpu.memref_slice %arg3[%add3A_153] : memref<524288xi32, #tpu.memory_space<hbm>> -> memref<2048xi32, #tpu.memory_space<hbm>>
      %dma_wait3A_235 = tpu.memref_slice %arg3[%add3A_153] : memref<524288xi32, #tpu.memory_space<hbm>> -> memref<2048xi32, #tpu.memory_space<hbm>>
      tpu.wait_dma2 semaphore(%run_scoped3A : memref<!tpu.dma_semaphore, #tpu.memory_space<semaphore_mem>>) src(%dma_wait3A_235 : memref<2048xi32, #tpu.memory_space<hbm>>) dst(%arg8 : memref<2048xi32, #tpu.memory_space<vmem>>)
      tpu.yield
    }) : () -> ()
    %dma_start3A_154 = arith.constant 0 : i32
    %dma_start3A_155 = arith.constant 0 : i32
    %dma_start3A_156 = tpu.memref_slice %arg2[%dma_start3A_154, %dma_start3A_155] : memref<524288x8xf32, #tpu.memory_space<hbm>> -> memref<524288x8xf32, #tpu.memory_space<hbm>>
    tpu.enqueue_indirect_dma source(%dma_start3A_156 : memref<524288x8xf32, #tpu.memory_space<hbm>>) target(%arg10 : memref<2048x8xf32, #tpu.memory_space<vmem>>) offsets(%arg8 : memref<2048xi32, #tpu.memory_space<vmem>>) semaphore(%arg20 : memref<!tpu.dma_semaphore, #tpu.memory_space<semaphore_mem>>)
    %dma_start3A_157 = tpu.memref_slice %arg4[%add3A_153] : memref<524288xf32, #tpu.memory_space<hbm>> -> memref<2048xf32, #tpu.memory_space<hbm>>
    %dma_start3A_158 = tpu.memref_slice %arg4[%add3A_153] : memref<524288xf32, #tpu.memory_space<hbm>> -> memref<2048xf32, #tpu.memory_space<hbm>>
    tpu.enqueue_dma source(%dma_start3A_158 : memref<2048xf32, #tpu.memory_space<hbm>>) target(%arg12 : memref<2048xf32, #tpu.memory_space<vmem>>) target_semaphore(%arg22 : memref<!tpu.dma_semaphore, #tpu.memory_space<semaphore_mem>>)
    %dma_start3A_159 = tpu.memref_slice %arg5[%add3A_153] : memref<524288xf32, #tpu.memory_space<hbm>> -> memref<2048xf32, #tpu.memory_space<hbm>>
    %dma_start3A_160 = tpu.memref_slice %arg5[%add3A_153] : memref<524288xf32, #tpu.memory_space<hbm>> -> memref<2048xf32, #tpu.memory_space<hbm>>
    tpu.enqueue_dma source(%dma_start3A_160 : memref<2048xf32, #tpu.memory_space<hbm>>) target(%arg14 : memref<2048xf32, #tpu.memory_space<vmem>>) target_semaphore(%arg22 : memref<!tpu.dma_semaphore, #tpu.memory_space<semaphore_mem>>)
    %dma_start3A_161 = tpu.memref_slice %arg6[%add3A_153] : memref<524288xf32, #tpu.memory_space<hbm>> -> memref<2048xf32, #tpu.memory_space<hbm>>
    %dma_start3A_162 = tpu.memref_slice %arg6[%add3A_153] : memref<524288xf32, #tpu.memory_space<hbm>> -> memref<2048xf32, #tpu.memory_space<hbm>>
    tpu.enqueue_dma source(%dma_start3A_162 : memref<2048xf32, #tpu.memory_space<hbm>>) target(%arg16 : memref<2048xf32, #tpu.memory_space<vmem>>) target_semaphore(%arg22 : memref<!tpu.dma_semaphore, #tpu.memory_space<semaphore_mem>>)
    %add3A_163 = arith.constant 10240 : i32
    %add3A_164 = arith.addi %mul3A_2, %add3A_163 : i32
    %dma_wait3A_165 = arith.constant 0 : i32
    %dma_wait3A_166 = arith.constant 0 : i32
    %dma_wait3A_167 = tpu.memref_slice %arg2[%dma_wait3A_165, %dma_wait3A_166] : memref<524288x8xf32, #tpu.memory_space<hbm>> -> memref<524288x8xf32, #tpu.memory_space<hbm>>
    tpu.wait_indirect_dma semaphore(%arg21 : memref<!tpu.dma_semaphore, #tpu.memory_space<semaphore_mem>>) src(%dma_wait3A_167 : memref<524288x8xf32, #tpu.memory_space<hbm>>) dst(%arg11 : memref<2048x8xf32, #tpu.memory_space<vmem>>)
    %dma_wait3A_168 = tpu.memref_slice %arg4[%add3A_124] : memref<524288xf32, #tpu.memory_space<hbm>> -> memref<2048xf32, #tpu.memory_space<hbm>>
    %dma_wait3A_169 = tpu.memref_slice %arg4[%add3A_124] : memref<524288xf32, #tpu.memory_space<hbm>> -> memref<2048xf32, #tpu.memory_space<hbm>>
    tpu.wait_dma2 semaphore(%arg23 : memref<!tpu.dma_semaphore, #tpu.memory_space<semaphore_mem>>) src(%dma_wait3A_169 : memref<2048xf32, #tpu.memory_space<hbm>>) dst(%arg13 : memref<2048xf32, #tpu.memory_space<vmem>>)
    %dma_wait3A_170 = tpu.memref_slice %arg5[%add3A_124] : memref<524288xf32, #tpu.memory_space<hbm>> -> memref<2048xf32, #tpu.memory_space<hbm>>
    %dma_wait3A_171 = tpu.memref_slice %arg5[%add3A_124] : memref<524288xf32, #tpu.memory_space<hbm>> -> memref<2048xf32, #tpu.memory_space<hbm>>
    tpu.wait_dma2 semaphore(%arg23 : memref<!tpu.dma_semaphore, #tpu.memory_space<semaphore_mem>>) src(%dma_wait3A_171 : memref<2048xf32, #tpu.memory_space<hbm>>) dst(%arg15 : memref<2048xf32, #tpu.memory_space<vmem>>)
    %dma_wait3A_172 = tpu.memref_slice %arg6[%add3A_124] : memref<524288xf32, #tpu.memory_space<hbm>> -> memref<2048xf32, #tpu.memory_space<hbm>>
    %dma_wait3A_173 = tpu.memref_slice %arg6[%add3A_124] : memref<524288xf32, #tpu.memory_space<hbm>> -> memref<2048xf32, #tpu.memory_space<hbm>>
    tpu.wait_dma2 semaphore(%arg23 : memref<!tpu.dma_semaphore, #tpu.memory_space<semaphore_mem>>) src(%dma_wait3A_173 : memref<2048xf32, #tpu.memory_space<hbm>>) dst(%arg17 : memref<2048xf32, #tpu.memory_space<vmem>>)
    %dma_wait3A_174 = tpu.memref_slice %arg7[%add3A_106] : memref<524288xf32, #tpu.memory_space<hbm>> -> memref<2048xf32, #tpu.memory_space<hbm>>
    %dma_wait3A_175 = tpu.memref_slice %arg7[%add3A_106] : memref<524288xf32, #tpu.memory_space<hbm>> -> memref<2048xf32, #tpu.memory_space<hbm>>
    tpu.wait_dma2 semaphore(%arg25 : memref<!tpu.dma_semaphore, #tpu.memory_space<semaphore_mem>>) src(%arg19 : memref<2048xf32, #tpu.memory_space<vmem>>) dst(%dma_wait3A_175 : memref<2048xf32, #tpu.memory_space<hbm>>)
    %parallel_loop3A_176 = arith.constant 0 : i32
    %parallel_loop3A_177 = arith.constant 2048 : i32
    %parallel_loop3A_178 = arith.constant 16 : i32
    scf.for %parallel_loop3A_232 = %parallel_loop3A_176 to %parallel_loop3A_177 step %parallel_loop3A_178  : i32 {
      %parallel_loop3A_233 = arith.index_cast %parallel_loop3A_232 : i32 to index
      %parallel_loop3A_234 = tpu.vector_load %arg13[%parallel_loop3A_233] {strides = array<i32>} : memref<2048xf32, #tpu.memory_space<vmem>>, vector<16xf32>,
      %parallel_loop3A_235 = arith.index_cast %parallel_loop3A_232 : i32 to index
      %parallel_loop3A_236 = tpu.vector_load %arg15[%parallel_loop3A_235] {strides = array<i32>} : memref<2048xf32, #tpu.memory_space<vmem>>, vector<16xf32>,
      %parallel_loop3A_237 = arith.index_cast %parallel_loop3A_232 : i32 to index
      %parallel_loop3A_238 = tpu.vector_load %arg17[%parallel_loop3A_237] {strides = array<i32>} : memref<2048xf32, #tpu.memory_space<vmem>>, vector<16xf32>,
      %parallel_loop3A_239 = tpu.iota {dimensions = array<i32: 0>} : vector<16xi32>
      %parallel_loop3A_240 = vector.broadcast %parallel_loop3A_232 : i32 to vector<16xi32>
      %parallel_loop3A_241 = arith.addi %parallel_loop3A_239, %parallel_loop3A_240 : vector<16xi32>
      %parallel_loop3A_242 = arith.constant 0 : i32
      %parallel_loop3A_243 = vector.broadcast %parallel_loop3A_242 : i32 to vector<16xi32>
      %parallel_loop3A_244 = tpu.vector_load_idx %arg11[%parallel_loop3A_241, %parallel_loop3A_243] : memref<2048x8xf32, #tpu.memory_space<vmem>>[vector<16xi32>, vector<16xi32>], vector<16xf32>,
      %parallel_loop3A_245 = arith.constant 1 : i32
      %parallel_loop3A_246 = vector.broadcast %parallel_loop3A_245 : i32 to vector<16xi32>
      %parallel_loop3A_247 = tpu.vector_load_idx %arg11[%parallel_loop3A_241, %parallel_loop3A_246] : memref<2048x8xf32, #tpu.memory_space<vmem>>[vector<16xi32>, vector<16xi32>], vector<16xf32>,
      %parallel_loop3A_248 = arith.constant 2 : i32
      %parallel_loop3A_249 = vector.broadcast %parallel_loop3A_248 : i32 to vector<16xi32>
      %parallel_loop3A_250 = tpu.vector_load_idx %arg11[%parallel_loop3A_241, %parallel_loop3A_249] : memref<2048x8xf32, #tpu.memory_space<vmem>>[vector<16xi32>, vector<16xi32>], vector<16xf32>,
      %parallel_loop3A_251 = arith.constant 3 : i32
      %parallel_loop3A_252 = vector.broadcast %parallel_loop3A_251 : i32 to vector<16xi32>
      %parallel_loop3A_253 = tpu.vector_load_idx %arg11[%parallel_loop3A_241, %parallel_loop3A_252] : memref<2048x8xf32, #tpu.memory_space<vmem>>[vector<16xi32>, vector<16xi32>], vector<16xf32>,
      %parallel_loop3A_254 = arith.constant 4 : i32
      %parallel_loop3A_255 = vector.broadcast %parallel_loop3A_254 : i32 to vector<16xi32>
      %parallel_loop3A_256 = tpu.vector_load_idx %arg11[%parallel_loop3A_241, %parallel_loop3A_255] : memref<2048x8xf32, #tpu.memory_space<vmem>>[vector<16xi32>, vector<16xi32>], vector<16xf32>,
      %parallel_loop3A_257 = arith.constant 5 : i32
      %parallel_loop3A_258 = vector.broadcast %parallel_loop3A_257 : i32 to vector<16xi32>
      %parallel_loop3A_259 = tpu.vector_load_idx %arg11[%parallel_loop3A_241, %parallel_loop3A_258] : memref<2048x8xf32, #tpu.memory_space<vmem>>[vector<16xi32>, vector<16xi32>], vector<16xf32>,
      %parallel_loop3A_260 = arith.constant 6 : i32
      %parallel_loop3A_261 = vector.broadcast %parallel_loop3A_260 : i32 to vector<16xi32>
      %parallel_loop3A_262 = tpu.vector_load_idx %arg11[%parallel_loop3A_241, %parallel_loop3A_261] : memref<2048x8xf32, #tpu.memory_space<vmem>>[vector<16xi32>, vector<16xi32>], vector<16xf32>,
      %parallel_loop3A_263 = arith.constant 7 : i32
      %parallel_loop3A_264 = vector.broadcast %parallel_loop3A_263 : i32 to vector<16xi32>
      %parallel_loop3A_265 = tpu.vector_load_idx %arg11[%parallel_loop3A_241, %parallel_loop3A_264] : memref<2048x8xf32, #tpu.memory_space<vmem>>[vector<16xi32>, vector<16xi32>], vector<16xf32>,
      %parallel_loop3A_266 = arith.subf %parallel_loop3A_247, %parallel_loop3A_244 : vector<16xf32>
      %parallel_loop3A_267 = arith.mulf %parallel_loop3A_238, %parallel_loop3A_266 : vector<16xf32>
      %parallel_loop3A_268 = arith.addf %parallel_loop3A_244, %parallel_loop3A_267 : vector<16xf32>
      %parallel_loop3A_269 = arith.subf %parallel_loop3A_253, %parallel_loop3A_250 : vector<16xf32>
      %parallel_loop3A_270 = arith.mulf %parallel_loop3A_238, %parallel_loop3A_269 : vector<16xf32>
      %parallel_loop3A_271 = arith.addf %parallel_loop3A_250, %parallel_loop3A_270 : vector<16xf32>
      %parallel_loop3A_272 = arith.subf %parallel_loop3A_259, %parallel_loop3A_256 : vector<16xf32>
      %parallel_loop3A_273 = arith.mulf %parallel_loop3A_238, %parallel_loop3A_272 : vector<16xf32>
      %parallel_loop3A_274 = arith.addf %parallel_loop3A_256, %parallel_loop3A_273 : vector<16xf32>
      %parallel_loop3A_275 = arith.subf %parallel_loop3A_265, %parallel_loop3A_262 : vector<16xf32>
      %parallel_loop3A_276 = arith.mulf %parallel_loop3A_238, %parallel_loop3A_275 : vector<16xf32>
      %parallel_loop3A_277 = arith.addf %parallel_loop3A_262, %parallel_loop3A_276 : vector<16xf32>
      %parallel_loop3A_278 = arith.subf %parallel_loop3A_271, %parallel_loop3A_268 : vector<16xf32>
      %parallel_loop3A_279 = arith.mulf %parallel_loop3A_236, %parallel_loop3A_278 : vector<16xf32>
      %parallel_loop3A_280 = arith.addf %parallel_loop3A_268, %parallel_loop3A_279 : vector<16xf32>
      %parallel_loop3A_281 = arith.subf %parallel_loop3A_277, %parallel_loop3A_274 : vector<16xf32>
      %parallel_loop3A_282 = arith.mulf %parallel_loop3A_236, %parallel_loop3A_281 : vector<16xf32>
      %parallel_loop3A_283 = arith.addf %parallel_loop3A_274, %parallel_loop3A_282 : vector<16xf32>
      %parallel_loop3A_284 = arith.subf %parallel_loop3A_283, %parallel_loop3A_280 : vector<16xf32>
      %parallel_loop3A_285 = arith.mulf %parallel_loop3A_234, %parallel_loop3A_284 : vector<16xf32>
      %parallel_loop3A_286 = arith.addf %parallel_loop3A_280, %parallel_loop3A_285 : vector<16xf32>
      %parallel_loop3A_287 = arith.index_cast %parallel_loop3A_232 : i32 to index
      %parallel_loop3A_288 = tpu.vector_load %arg19[%parallel_loop3A_287] {strides = array<i32>} : memref<2048xf32, #tpu.memory_space<vmem>>, vector<16xf32>,
      tpu.vector_store %arg19[%parallel_loop3A_287], %parallel_loop3A_286 {strides = array<i32>} : memref<2048xf32, #tpu.memory_space<vmem>>, vector<16xf32>,
    } {sc.loop_unroll_factor = 4 : i64, sc.parallel_access}
    %dma_start3A_179 = tpu.memref_slice %arg7[%add3A_164] : memref<524288xf32, #tpu.memory_space<hbm>> -> memref<2048xf32, #tpu.memory_space<hbm>>
    %dma_start3A_180 = tpu.memref_slice %arg7[%add3A_164] : memref<524288xf32, #tpu.memory_space<hbm>> -> memref<2048xf32, #tpu.memory_space<hbm>>
    tpu.enqueue_dma source(%arg19 : memref<2048xf32, #tpu.memory_space<vmem>>) target(%dma_start3A_180 : memref<2048xf32, #tpu.memory_space<hbm>>) target_semaphore(%arg25 : memref<!tpu.dma_semaphore, #tpu.memory_space<semaphore_mem>>)
    %add3A_181 = arith.constant 14336 : i32
    %add3A_182 = arith.addi %mul3A_2, %add3A_181 : i32
    "tpu.region"() ({
      %run_scoped3A = tpu.sem_alloc : memref<!tpu.dma_semaphore, #tpu.memory_space<semaphore_mem>>
      %dma_start3A_232 = tpu.memref_slice %arg3[%add3A_182] : memref<524288xi32, #tpu.memory_space<hbm>> -> memref<2048xi32, #tpu.memory_space<hbm>>
      %dma_start3A_233 = tpu.memref_slice %arg3[%add3A_182] : memref<524288xi32, #tpu.memory_space<hbm>> -> memref<2048xi32, #tpu.memory_space<hbm>>
      tpu.enqueue_dma source(%dma_start3A_233 : memref<2048xi32, #tpu.memory_space<hbm>>) target(%arg9 : memref<2048xi32, #tpu.memory_space<vmem>>) target_semaphore(%run_scoped3A : memref<!tpu.dma_semaphore, #tpu.memory_space<semaphore_mem>>)
      %dma_wait3A_234 = tpu.memref_slice %arg3[%add3A_182] : memref<524288xi32, #tpu.memory_space<hbm>> -> memref<2048xi32, #tpu.memory_space<hbm>>
      %dma_wait3A_235 = tpu.memref_slice %arg3[%add3A_182] : memref<524288xi32, #tpu.memory_space<hbm>> -> memref<2048xi32, #tpu.memory_space<hbm>>
      tpu.wait_dma2 semaphore(%run_scoped3A : memref<!tpu.dma_semaphore, #tpu.memory_space<semaphore_mem>>) src(%dma_wait3A_235 : memref<2048xi32, #tpu.memory_space<hbm>>) dst(%arg9 : memref<2048xi32, #tpu.memory_space<vmem>>)
      tpu.yield
    }) : () -> ()
    %dma_start3A_183 = arith.constant 0 : i32
    %dma_start3A_184 = arith.constant 0 : i32
    %dma_start3A_185 = tpu.memref_slice %arg2[%dma_start3A_183, %dma_start3A_184] : memref<524288x8xf32, #tpu.memory_space<hbm>> -> memref<524288x8xf32, #tpu.memory_space<hbm>>
    tpu.enqueue_indirect_dma source(%dma_start3A_185 : memref<524288x8xf32, #tpu.memory_space<hbm>>) target(%arg11 : memref<2048x8xf32, #tpu.memory_space<vmem>>) offsets(%arg9 : memref<2048xi32, #tpu.memory_space<vmem>>) semaphore(%arg21 : memref<!tpu.dma_semaphore, #tpu.memory_space<semaphore_mem>>)
    %dma_start3A_186 = tpu.memref_slice %arg4[%add3A_182] : memref<524288xf32, #tpu.memory_space<hbm>> -> memref<2048xf32, #tpu.memory_space<hbm>>
    %dma_start3A_187 = tpu.memref_slice %arg4[%add3A_182] : memref<524288xf32, #tpu.memory_space<hbm>> -> memref<2048xf32, #tpu.memory_space<hbm>>
    tpu.enqueue_dma source(%dma_start3A_187 : memref<2048xf32, #tpu.memory_space<hbm>>) target(%arg13 : memref<2048xf32, #tpu.memory_space<vmem>>) target_semaphore(%arg23 : memref<!tpu.dma_semaphore, #tpu.memory_space<semaphore_mem>>)
    %dma_start3A_188 = tpu.memref_slice %arg5[%add3A_182] : memref<524288xf32, #tpu.memory_space<hbm>> -> memref<2048xf32, #tpu.memory_space<hbm>>
    %dma_start3A_189 = tpu.memref_slice %arg5[%add3A_182] : memref<524288xf32, #tpu.memory_space<hbm>> -> memref<2048xf32, #tpu.memory_space<hbm>>
    tpu.enqueue_dma source(%dma_start3A_189 : memref<2048xf32, #tpu.memory_space<hbm>>) target(%arg15 : memref<2048xf32, #tpu.memory_space<vmem>>) target_semaphore(%arg23 : memref<!tpu.dma_semaphore, #tpu.memory_space<semaphore_mem>>)
    %dma_start3A_190 = tpu.memref_slice %arg6[%add3A_182] : memref<524288xf32, #tpu.memory_space<hbm>> -> memref<2048xf32, #tpu.memory_space<hbm>>
    %dma_start3A_191 = tpu.memref_slice %arg6[%add3A_182] : memref<524288xf32, #tpu.memory_space<hbm>> -> memref<2048xf32, #tpu.memory_space<hbm>>
    tpu.enqueue_dma source(%dma_start3A_191 : memref<2048xf32, #tpu.memory_space<hbm>>) target(%arg17 : memref<2048xf32, #tpu.memory_space<vmem>>) target_semaphore(%arg23 : memref<!tpu.dma_semaphore, #tpu.memory_space<semaphore_mem>>)
    %add3A_192 = arith.constant 12288 : i32
    %add3A_193 = arith.addi %mul3A_2, %add3A_192 : i32
    %dma_wait3A_194 = arith.constant 0 : i32
    %dma_wait3A_195 = arith.constant 0 : i32
    %dma_wait3A_196 = tpu.memref_slice %arg2[%dma_wait3A_194, %dma_wait3A_195] : memref<524288x8xf32, #tpu.memory_space<hbm>> -> memref<524288x8xf32, #tpu.memory_space<hbm>>
    tpu.wait_indirect_dma semaphore(%arg20 : memref<!tpu.dma_semaphore, #tpu.memory_space<semaphore_mem>>) src(%dma_wait3A_196 : memref<524288x8xf32, #tpu.memory_space<hbm>>) dst(%arg10 : memref<2048x8xf32, #tpu.memory_space<vmem>>)
    %dma_wait3A_197 = tpu.memref_slice %arg4[%add3A_153] : memref<524288xf32, #tpu.memory_space<hbm>> -> memref<2048xf32, #tpu.memory_space<hbm>>
    %dma_wait3A_198 = tpu.memref_slice %arg4[%add3A_153] : memref<524288xf32, #tpu.memory_space<hbm>> -> memref<2048xf32, #tpu.memory_space<hbm>>
    tpu.wait_dma2 semaphore(%arg22 : memref<!tpu.dma_semaphore, #tpu.memory_space<semaphore_mem>>) src(%dma_wait3A_198 : memref<2048xf32, #tpu.memory_space<hbm>>) dst(%arg12 : memref<2048xf32, #tpu.memory_space<vmem>>)
    %dma_wait3A_199 = tpu.memref_slice %arg5[%add3A_153] : memref<524288xf32, #tpu.memory_space<hbm>> -> memref<2048xf32, #tpu.memory_space<hbm>>
    %dma_wait3A_200 = tpu.memref_slice %arg5[%add3A_153] : memref<524288xf32, #tpu.memory_space<hbm>> -> memref<2048xf32, #tpu.memory_space<hbm>>
    tpu.wait_dma2 semaphore(%arg22 : memref<!tpu.dma_semaphore, #tpu.memory_space<semaphore_mem>>) src(%dma_wait3A_200 : memref<2048xf32, #tpu.memory_space<hbm>>) dst(%arg14 : memref<2048xf32, #tpu.memory_space<vmem>>)
    %dma_wait3A_201 = tpu.memref_slice %arg6[%add3A_153] : memref<524288xf32, #tpu.memory_space<hbm>> -> memref<2048xf32, #tpu.memory_space<hbm>>
    %dma_wait3A_202 = tpu.memref_slice %arg6[%add3A_153] : memref<524288xf32, #tpu.memory_space<hbm>> -> memref<2048xf32, #tpu.memory_space<hbm>>
    tpu.wait_dma2 semaphore(%arg22 : memref<!tpu.dma_semaphore, #tpu.memory_space<semaphore_mem>>) src(%dma_wait3A_202 : memref<2048xf32, #tpu.memory_space<hbm>>) dst(%arg16 : memref<2048xf32, #tpu.memory_space<vmem>>)
    %dma_wait3A_203 = tpu.memref_slice %arg7[%add3A_135] : memref<524288xf32, #tpu.memory_space<hbm>> -> memref<2048xf32, #tpu.memory_space<hbm>>
    %dma_wait3A_204 = tpu.memref_slice %arg7[%add3A_135] : memref<524288xf32, #tpu.memory_space<hbm>> -> memref<2048xf32, #tpu.memory_space<hbm>>
    tpu.wait_dma2 semaphore(%arg24 : memref<!tpu.dma_semaphore, #tpu.memory_space<semaphore_mem>>) src(%arg18 : memref<2048xf32, #tpu.memory_space<vmem>>) dst(%dma_wait3A_204 : memref<2048xf32, #tpu.memory_space<hbm>>)
    %parallel_loop3A_205 = arith.constant 0 : i32
    %parallel_loop3A_206 = arith.constant 2048 : i32
    %parallel_loop3A_207 = arith.constant 16 : i32
    scf.for %parallel_loop3A_232 = %parallel_loop3A_205 to %parallel_loop3A_206 step %parallel_loop3A_207  : i32 {
      %parallel_loop3A_233 = arith.index_cast %parallel_loop3A_232 : i32 to index
      %parallel_loop3A_234 = tpu.vector_load %arg12[%parallel_loop3A_233] {strides = array<i32>} : memref<2048xf32, #tpu.memory_space<vmem>>, vector<16xf32>,
      %parallel_loop3A_235 = arith.index_cast %parallel_loop3A_232 : i32 to index
      %parallel_loop3A_236 = tpu.vector_load %arg14[%parallel_loop3A_235] {strides = array<i32>} : memref<2048xf32, #tpu.memory_space<vmem>>, vector<16xf32>,
      %parallel_loop3A_237 = arith.index_cast %parallel_loop3A_232 : i32 to index
      %parallel_loop3A_238 = tpu.vector_load %arg16[%parallel_loop3A_237] {strides = array<i32>} : memref<2048xf32, #tpu.memory_space<vmem>>, vector<16xf32>,
      %parallel_loop3A_239 = tpu.iota {dimensions = array<i32: 0>} : vector<16xi32>
      %parallel_loop3A_240 = vector.broadcast %parallel_loop3A_232 : i32 to vector<16xi32>
      %parallel_loop3A_241 = arith.addi %parallel_loop3A_239, %parallel_loop3A_240 : vector<16xi32>
      %parallel_loop3A_242 = arith.constant 0 : i32
      %parallel_loop3A_243 = vector.broadcast %parallel_loop3A_242 : i32 to vector<16xi32>
      %parallel_loop3A_244 = tpu.vector_load_idx %arg10[%parallel_loop3A_241, %parallel_loop3A_243] : memref<2048x8xf32, #tpu.memory_space<vmem>>[vector<16xi32>, vector<16xi32>], vector<16xf32>,
      %parallel_loop3A_245 = arith.constant 1 : i32
      %parallel_loop3A_246 = vector.broadcast %parallel_loop3A_245 : i32 to vector<16xi32>
      %parallel_loop3A_247 = tpu.vector_load_idx %arg10[%parallel_loop3A_241, %parallel_loop3A_246] : memref<2048x8xf32, #tpu.memory_space<vmem>>[vector<16xi32>, vector<16xi32>], vector<16xf32>,
      %parallel_loop3A_248 = arith.constant 2 : i32
      %parallel_loop3A_249 = vector.broadcast %parallel_loop3A_248 : i32 to vector<16xi32>
      %parallel_loop3A_250 = tpu.vector_load_idx %arg10[%parallel_loop3A_241, %parallel_loop3A_249] : memref<2048x8xf32, #tpu.memory_space<vmem>>[vector<16xi32>, vector<16xi32>], vector<16xf32>,
      %parallel_loop3A_251 = arith.constant 3 : i32
      %parallel_loop3A_252 = vector.broadcast %parallel_loop3A_251 : i32 to vector<16xi32>
      %parallel_loop3A_253 = tpu.vector_load_idx %arg10[%parallel_loop3A_241, %parallel_loop3A_252] : memref<2048x8xf32, #tpu.memory_space<vmem>>[vector<16xi32>, vector<16xi32>], vector<16xf32>,
      %parallel_loop3A_254 = arith.constant 4 : i32
      %parallel_loop3A_255 = vector.broadcast %parallel_loop3A_254 : i32 to vector<16xi32>
      %parallel_loop3A_256 = tpu.vector_load_idx %arg10[%parallel_loop3A_241, %parallel_loop3A_255] : memref<2048x8xf32, #tpu.memory_space<vmem>>[vector<16xi32>, vector<16xi32>], vector<16xf32>,
      %parallel_loop3A_257 = arith.constant 5 : i32
      %parallel_loop3A_258 = vector.broadcast %parallel_loop3A_257 : i32 to vector<16xi32>
      %parallel_loop3A_259 = tpu.vector_load_idx %arg10[%parallel_loop3A_241, %parallel_loop3A_258] : memref<2048x8xf32, #tpu.memory_space<vmem>>[vector<16xi32>, vector<16xi32>], vector<16xf32>,
      %parallel_loop3A_260 = arith.constant 6 : i32
      %parallel_loop3A_261 = vector.broadcast %parallel_loop3A_260 : i32 to vector<16xi32>
      %parallel_loop3A_262 = tpu.vector_load_idx %arg10[%parallel_loop3A_241, %parallel_loop3A_261] : memref<2048x8xf32, #tpu.memory_space<vmem>>[vector<16xi32>, vector<16xi32>], vector<16xf32>,
      %parallel_loop3A_263 = arith.constant 7 : i32
      %parallel_loop3A_264 = vector.broadcast %parallel_loop3A_263 : i32 to vector<16xi32>
      %parallel_loop3A_265 = tpu.vector_load_idx %arg10[%parallel_loop3A_241, %parallel_loop3A_264] : memref<2048x8xf32, #tpu.memory_space<vmem>>[vector<16xi32>, vector<16xi32>], vector<16xf32>,
      %parallel_loop3A_266 = arith.subf %parallel_loop3A_247, %parallel_loop3A_244 : vector<16xf32>
      %parallel_loop3A_267 = arith.mulf %parallel_loop3A_238, %parallel_loop3A_266 : vector<16xf32>
      %parallel_loop3A_268 = arith.addf %parallel_loop3A_244, %parallel_loop3A_267 : vector<16xf32>
      %parallel_loop3A_269 = arith.subf %parallel_loop3A_253, %parallel_loop3A_250 : vector<16xf32>
      %parallel_loop3A_270 = arith.mulf %parallel_loop3A_238, %parallel_loop3A_269 : vector<16xf32>
      %parallel_loop3A_271 = arith.addf %parallel_loop3A_250, %parallel_loop3A_270 : vector<16xf32>
      %parallel_loop3A_272 = arith.subf %parallel_loop3A_259, %parallel_loop3A_256 : vector<16xf32>
      %parallel_loop3A_273 = arith.mulf %parallel_loop3A_238, %parallel_loop3A_272 : vector<16xf32>
      %parallel_loop3A_274 = arith.addf %parallel_loop3A_256, %parallel_loop3A_273 : vector<16xf32>
      %parallel_loop3A_275 = arith.subf %parallel_loop3A_265, %parallel_loop3A_262 : vector<16xf32>
      %parallel_loop3A_276 = arith.mulf %parallel_loop3A_238, %parallel_loop3A_275 : vector<16xf32>
      %parallel_loop3A_277 = arith.addf %parallel_loop3A_262, %parallel_loop3A_276 : vector<16xf32>
      %parallel_loop3A_278 = arith.subf %parallel_loop3A_271, %parallel_loop3A_268 : vector<16xf32>
      %parallel_loop3A_279 = arith.mulf %parallel_loop3A_236, %parallel_loop3A_278 : vector<16xf32>
      %parallel_loop3A_280 = arith.addf %parallel_loop3A_268, %parallel_loop3A_279 : vector<16xf32>
      %parallel_loop3A_281 = arith.subf %parallel_loop3A_277, %parallel_loop3A_274 : vector<16xf32>
      %parallel_loop3A_282 = arith.mulf %parallel_loop3A_236, %parallel_loop3A_281 : vector<16xf32>
      %parallel_loop3A_283 = arith.addf %parallel_loop3A_274, %parallel_loop3A_282 : vector<16xf32>
      %parallel_loop3A_284 = arith.subf %parallel_loop3A_283, %parallel_loop3A_280 : vector<16xf32>
      %parallel_loop3A_285 = arith.mulf %parallel_loop3A_234, %parallel_loop3A_284 : vector<16xf32>
      %parallel_loop3A_286 = arith.addf %parallel_loop3A_280, %parallel_loop3A_285 : vector<16xf32>
      %parallel_loop3A_287 = arith.index_cast %parallel_loop3A_232 : i32 to index
      %parallel_loop3A_288 = tpu.vector_load %arg18[%parallel_loop3A_287] {strides = array<i32>} : memref<2048xf32, #tpu.memory_space<vmem>>, vector<16xf32>,
      tpu.vector_store %arg18[%parallel_loop3A_287], %parallel_loop3A_286 {strides = array<i32>} : memref<2048xf32, #tpu.memory_space<vmem>>, vector<16xf32>,
    } {sc.loop_unroll_factor = 4 : i64, sc.parallel_access}
    %dma_start3A_208 = tpu.memref_slice %arg7[%add3A_193] : memref<524288xf32, #tpu.memory_space<hbm>> -> memref<2048xf32, #tpu.memory_space<hbm>>
    %dma_start3A_209 = tpu.memref_slice %arg7[%add3A_193] : memref<524288xf32, #tpu.memory_space<hbm>> -> memref<2048xf32, #tpu.memory_space<hbm>>
    tpu.enqueue_dma source(%arg18 : memref<2048xf32, #tpu.memory_space<vmem>>) target(%dma_start3A_209 : memref<2048xf32, #tpu.memory_space<hbm>>) target_semaphore(%arg24 : memref<!tpu.dma_semaphore, #tpu.memory_space<semaphore_mem>>)
    %add3A_210 = arith.constant 14336 : i32
    %add3A_211 = arith.addi %mul3A_2, %add3A_210 : i32
    %dma_wait3A_212 = arith.constant 0 : i32
    %dma_wait3A_213 = arith.constant 0 : i32
    %dma_wait3A_214 = tpu.memref_slice %arg2[%dma_wait3A_212, %dma_wait3A_213] : memref<524288x8xf32, #tpu.memory_space<hbm>> -> memref<524288x8xf32, #tpu.memory_space<hbm>>
    tpu.wait_indirect_dma semaphore(%arg21 : memref<!tpu.dma_semaphore, #tpu.memory_space<semaphore_mem>>) src(%dma_wait3A_214 : memref<524288x8xf32, #tpu.memory_space<hbm>>) dst(%arg11 : memref<2048x8xf32, #tpu.memory_space<vmem>>)
    %dma_wait3A_215 = tpu.memref_slice %arg4[%add3A_182] : memref<524288xf32, #tpu.memory_space<hbm>> -> memref<2048xf32, #tpu.memory_space<hbm>>
    %dma_wait3A_216 = tpu.memref_slice %arg4[%add3A_182] : memref<524288xf32, #tpu.memory_space<hbm>> -> memref<2048xf32, #tpu.memory_space<hbm>>
    tpu.wait_dma2 semaphore(%arg23 : memref<!tpu.dma_semaphore, #tpu.memory_space<semaphore_mem>>) src(%dma_wait3A_216 : memref<2048xf32, #tpu.memory_space<hbm>>) dst(%arg13 : memref<2048xf32, #tpu.memory_space<vmem>>)
    %dma_wait3A_217 = tpu.memref_slice %arg5[%add3A_182] : memref<524288xf32, #tpu.memory_space<hbm>> -> memref<2048xf32, #tpu.memory_space<hbm>>
    %dma_wait3A_218 = tpu.memref_slice %arg5[%add3A_182] : memref<524288xf32, #tpu.memory_space<hbm>> -> memref<2048xf32, #tpu.memory_space<hbm>>
    tpu.wait_dma2 semaphore(%arg23 : memref<!tpu.dma_semaphore, #tpu.memory_space<semaphore_mem>>) src(%dma_wait3A_218 : memref<2048xf32, #tpu.memory_space<hbm>>) dst(%arg15 : memref<2048xf32, #tpu.memory_space<vmem>>)
    %dma_wait3A_219 = tpu.memref_slice %arg6[%add3A_182] : memref<524288xf32, #tpu.memory_space<hbm>> -> memref<2048xf32, #tpu.memory_space<hbm>>
    %dma_wait3A_220 = tpu.memref_slice %arg6[%add3A_182] : memref<524288xf32, #tpu.memory_space<hbm>> -> memref<2048xf32, #tpu.memory_space<hbm>>
    tpu.wait_dma2 semaphore(%arg23 : memref<!tpu.dma_semaphore, #tpu.memory_space<semaphore_mem>>) src(%dma_wait3A_220 : memref<2048xf32, #tpu.memory_space<hbm>>) dst(%arg17 : memref<2048xf32, #tpu.memory_space<vmem>>)
    %dma_wait3A_221 = tpu.memref_slice %arg7[%add3A_164] : memref<524288xf32, #tpu.memory_space<hbm>> -> memref<2048xf32, #tpu.memory_space<hbm>>
    %dma_wait3A_222 = tpu.memref_slice %arg7[%add3A_164] : memref<524288xf32, #tpu.memory_space<hbm>> -> memref<2048xf32, #tpu.memory_space<hbm>>
    tpu.wait_dma2 semaphore(%arg25 : memref<!tpu.dma_semaphore, #tpu.memory_space<semaphore_mem>>) src(%arg19 : memref<2048xf32, #tpu.memory_space<vmem>>) dst(%dma_wait3A_222 : memref<2048xf32, #tpu.memory_space<hbm>>)
    %parallel_loop3A_223 = arith.constant 0 : i32
    %parallel_loop3A_224 = arith.constant 2048 : i32
    %parallel_loop3A_225 = arith.constant 16 : i32
    scf.for %parallel_loop3A_232 = %parallel_loop3A_223 to %parallel_loop3A_224 step %parallel_loop3A_225  : i32 {
      %parallel_loop3A_233 = arith.index_cast %parallel_loop3A_232 : i32 to index
      %parallel_loop3A_234 = tpu.vector_load %arg13[%parallel_loop3A_233] {strides = array<i32>} : memref<2048xf32, #tpu.memory_space<vmem>>, vector<16xf32>,
      %parallel_loop3A_235 = arith.index_cast %parallel_loop3A_232 : i32 to index
      %parallel_loop3A_236 = tpu.vector_load %arg15[%parallel_loop3A_235] {strides = array<i32>} : memref<2048xf32, #tpu.memory_space<vmem>>, vector<16xf32>,
      %parallel_loop3A_237 = arith.index_cast %parallel_loop3A_232 : i32 to index
      %parallel_loop3A_238 = tpu.vector_load %arg17[%parallel_loop3A_237] {strides = array<i32>} : memref<2048xf32, #tpu.memory_space<vmem>>, vector<16xf32>,
      %parallel_loop3A_239 = tpu.iota {dimensions = array<i32: 0>} : vector<16xi32>
      %parallel_loop3A_240 = vector.broadcast %parallel_loop3A_232 : i32 to vector<16xi32>
      %parallel_loop3A_241 = arith.addi %parallel_loop3A_239, %parallel_loop3A_240 : vector<16xi32>
      %parallel_loop3A_242 = arith.constant 0 : i32
      %parallel_loop3A_243 = vector.broadcast %parallel_loop3A_242 : i32 to vector<16xi32>
      %parallel_loop3A_244 = tpu.vector_load_idx %arg11[%parallel_loop3A_241, %parallel_loop3A_243] : memref<2048x8xf32, #tpu.memory_space<vmem>>[vector<16xi32>, vector<16xi32>], vector<16xf32>,
      %parallel_loop3A_245 = arith.constant 1 : i32
      %parallel_loop3A_246 = vector.broadcast %parallel_loop3A_245 : i32 to vector<16xi32>
      %parallel_loop3A_247 = tpu.vector_load_idx %arg11[%parallel_loop3A_241, %parallel_loop3A_246] : memref<2048x8xf32, #tpu.memory_space<vmem>>[vector<16xi32>, vector<16xi32>], vector<16xf32>,
      %parallel_loop3A_248 = arith.constant 2 : i32
      %parallel_loop3A_249 = vector.broadcast %parallel_loop3A_248 : i32 to vector<16xi32>
      %parallel_loop3A_250 = tpu.vector_load_idx %arg11[%parallel_loop3A_241, %parallel_loop3A_249] : memref<2048x8xf32, #tpu.memory_space<vmem>>[vector<16xi32>, vector<16xi32>], vector<16xf32>,
      %parallel_loop3A_251 = arith.constant 3 : i32
      %parallel_loop3A_252 = vector.broadcast %parallel_loop3A_251 : i32 to vector<16xi32>
      %parallel_loop3A_253 = tpu.vector_load_idx %arg11[%parallel_loop3A_241, %parallel_loop3A_252] : memref<2048x8xf32, #tpu.memory_space<vmem>>[vector<16xi32>, vector<16xi32>], vector<16xf32>,
      %parallel_loop3A_254 = arith.constant 4 : i32
      %parallel_loop3A_255 = vector.broadcast %parallel_loop3A_254 : i32 to vector<16xi32>
      %parallel_loop3A_256 = tpu.vector_load_idx %arg11[%parallel_loop3A_241, %parallel_loop3A_255] : memref<2048x8xf32, #tpu.memory_space<vmem>>[vector<16xi32>, vector<16xi32>], vector<16xf32>,
      %parallel_loop3A_257 = arith.constant 5 : i32
      %parallel_loop3A_258 = vector.broadcast %parallel_loop3A_257 : i32 to vector<16xi32>
      %parallel_loop3A_259 = tpu.vector_load_idx %arg11[%parallel_loop3A_241, %parallel_loop3A_258] : memref<2048x8xf32, #tpu.memory_space<vmem>>[vector<16xi32>, vector<16xi32>], vector<16xf32>,
      %parallel_loop3A_260 = arith.constant 6 : i32
      %parallel_loop3A_261 = vector.broadcast %parallel_loop3A_260 : i32 to vector<16xi32>
      %parallel_loop3A_262 = tpu.vector_load_idx %arg11[%parallel_loop3A_241, %parallel_loop3A_261] : memref<2048x8xf32, #tpu.memory_space<vmem>>[vector<16xi32>, vector<16xi32>], vector<16xf32>,
      %parallel_loop3A_263 = arith.constant 7 : i32
      %parallel_loop3A_264 = vector.broadcast %parallel_loop3A_263 : i32 to vector<16xi32>
      %parallel_loop3A_265 = tpu.vector_load_idx %arg11[%parallel_loop3A_241, %parallel_loop3A_264] : memref<2048x8xf32, #tpu.memory_space<vmem>>[vector<16xi32>, vector<16xi32>], vector<16xf32>,
      %parallel_loop3A_266 = arith.subf %parallel_loop3A_247, %parallel_loop3A_244 : vector<16xf32>
      %parallel_loop3A_267 = arith.mulf %parallel_loop3A_238, %parallel_loop3A_266 : vector<16xf32>
      %parallel_loop3A_268 = arith.addf %parallel_loop3A_244, %parallel_loop3A_267 : vector<16xf32>
      %parallel_loop3A_269 = arith.subf %parallel_loop3A_253, %parallel_loop3A_250 : vector<16xf32>
      %parallel_loop3A_270 = arith.mulf %parallel_loop3A_238, %parallel_loop3A_269 : vector<16xf32>
      %parallel_loop3A_271 = arith.addf %parallel_loop3A_250, %parallel_loop3A_270 : vector<16xf32>
      %parallel_loop3A_272 = arith.subf %parallel_loop3A_259, %parallel_loop3A_256 : vector<16xf32>
      %parallel_loop3A_273 = arith.mulf %parallel_loop3A_238, %parallel_loop3A_272 : vector<16xf32>
      %parallel_loop3A_274 = arith.addf %parallel_loop3A_256, %parallel_loop3A_273 : vector<16xf32>
      %parallel_loop3A_275 = arith.subf %parallel_loop3A_265, %parallel_loop3A_262 : vector<16xf32>
      %parallel_loop3A_276 = arith.mulf %parallel_loop3A_238, %parallel_loop3A_275 : vector<16xf32>
      %parallel_loop3A_277 = arith.addf %parallel_loop3A_262, %parallel_loop3A_276 : vector<16xf32>
      %parallel_loop3A_278 = arith.subf %parallel_loop3A_271, %parallel_loop3A_268 : vector<16xf32>
      %parallel_loop3A_279 = arith.mulf %parallel_loop3A_236, %parallel_loop3A_278 : vector<16xf32>
      %parallel_loop3A_280 = arith.addf %parallel_loop3A_268, %parallel_loop3A_279 : vector<16xf32>
      %parallel_loop3A_281 = arith.subf %parallel_loop3A_277, %parallel_loop3A_274 : vector<16xf32>
      %parallel_loop3A_282 = arith.mulf %parallel_loop3A_236, %parallel_loop3A_281 : vector<16xf32>
      %parallel_loop3A_283 = arith.addf %parallel_loop3A_274, %parallel_loop3A_282 : vector<16xf32>
      %parallel_loop3A_284 = arith.subf %parallel_loop3A_283, %parallel_loop3A_280 : vector<16xf32>
      %parallel_loop3A_285 = arith.mulf %parallel_loop3A_234, %parallel_loop3A_284 : vector<16xf32>
      %parallel_loop3A_286 = arith.addf %parallel_loop3A_280, %parallel_loop3A_285 : vector<16xf32>
      %parallel_loop3A_287 = arith.index_cast %parallel_loop3A_232 : i32 to index
      %parallel_loop3A_288 = tpu.vector_load %arg19[%parallel_loop3A_287] {strides = array<i32>} : memref<2048xf32, #tpu.memory_space<vmem>>, vector<16xf32>,
      tpu.vector_store %arg19[%parallel_loop3A_287], %parallel_loop3A_286 {strides = array<i32>} : memref<2048xf32, #tpu.memory_space<vmem>>, vector<16xf32>,
    } {sc.loop_unroll_factor = 4 : i64, sc.parallel_access}
    %dma_start3A_226 = tpu.memref_slice %arg7[%add3A_211] : memref<524288xf32, #tpu.memory_space<hbm>> -> memref<2048xf32, #tpu.memory_space<hbm>>
    %dma_start3A_227 = tpu.memref_slice %arg7[%add3A_211] : memref<524288xf32, #tpu.memory_space<hbm>> -> memref<2048xf32, #tpu.memory_space<hbm>>
    tpu.enqueue_dma source(%arg19 : memref<2048xf32, #tpu.memory_space<vmem>>) target(%dma_start3A_227 : memref<2048xf32, #tpu.memory_space<hbm>>) target_semaphore(%arg25 : memref<!tpu.dma_semaphore, #tpu.memory_space<semaphore_mem>>)
    %dma_wait3A_228 = tpu.memref_slice %arg7[%add3A_193] : memref<524288xf32, #tpu.memory_space<hbm>> -> memref<2048xf32, #tpu.memory_space<hbm>>
    %dma_wait3A_229 = tpu.memref_slice %arg7[%add3A_193] : memref<524288xf32, #tpu.memory_space<hbm>> -> memref<2048xf32, #tpu.memory_space<hbm>>
    tpu.wait_dma2 semaphore(%arg24 : memref<!tpu.dma_semaphore, #tpu.memory_space<semaphore_mem>>) src(%arg18 : memref<2048xf32, #tpu.memory_space<vmem>>) dst(%dma_wait3A_229 : memref<2048xf32, #tpu.memory_space<hbm>>)
    %dma_wait3A_230 = tpu.memref_slice %arg7[%add3A_211] : memref<524288xf32, #tpu.memory_space<hbm>> -> memref<2048xf32, #tpu.memory_space<hbm>>
    %dma_wait3A_231 = tpu.memref_slice %arg7[%add3A_211] : memref<524288xf32, #tpu.memory_space<hbm>> -> memref<2048xf32, #tpu.memory_space<hbm>>
    tpu.wait_dma2 semaphore(%arg25 : memref<!tpu.dma_semaphore, #tpu.memory_space<semaphore_mem>>) src(%arg19 : memref<2048xf32, #tpu.memory_space<vmem>>) dst(%dma_wait3A_231 : memref<2048xf32, #tpu.memory_space<hbm>>)
    return
  }
}

module attributes {stable_mosaic.version = 14 : i64} {
  func.func @_table_body(%arg0: i32, %arg1: memref<512x64xf32, #tpu.memory_space<vmem>>, %arg2: memref<512x64xf32, #tpu.memory_space<vmem>>, %arg3: memref<512x64xf32, #tpu.memory_space<vmem>>, %arg4: memref<512x64xf32, #tpu.memory_space<vmem>>, %arg5: memref<512x512xf32, #tpu.memory_space<vmem>>, %arg6: memref<512x512xf32, #tpu.memory_space<vmem>>) attributes {dimension_semantics = [#tpu.dimension_semantics<arbitrary>], iteration_bounds = array<i64: 16>, scalar_prefetch = 0 : i64, scratch_operands = 0 : i64, tpu.core_type = #tpu.core_type<tc>, window_params = [{transform_indices = @transform_0, window_bounds = array<i64: 512, 64>}, {transform_indices = @transform_1, window_bounds = array<i64: 512, 64>}, {transform_indices = @transform_2, window_bounds = array<i64: 512, 64>}, {transform_indices = @transform_3, window_bounds = array<i64: 512, 64>}, {pipeline_mode = #tpu.pipeline_mode<synchronous>, transform_indices = @transform_4, window_bounds = array<i64: 512, 512>}, {transform_indices = @transform_5, window_bounds = array<i64: 512, 512>}]} {
    %get3A = arith.constant 0 : index
    %get3A_0 = arith.constant 0 : index
    %get3A_1 = vector.load %arg1[%get3A, %get3A_0] : memref<512x64xf32, #tpu.memory_space<vmem>>, vector<512x64xf32>
    %get3A_2 = arith.constant 0 : index
    %get3A_3 = arith.constant 0 : index
    %get3A_4 = vector.load %arg2[%get3A_2, %get3A_3] : memref<512x64xf32, #tpu.memory_space<vmem>>, vector<512x64xf32>
    %get3A_5 = arith.constant 0 : index
    %get3A_6 = arith.constant 0 : index
    %get3A_7 = vector.load %arg3[%get3A_5, %get3A_6] : memref<512x64xf32, #tpu.memory_space<vmem>>, vector<512x64xf32>
    %get3A_8 = arith.constant 0 : index
    %get3A_9 = arith.constant 0 : index
    %get3A_10 = vector.load %arg4[%get3A_8, %get3A_9] : memref<512x64xf32, #tpu.memory_space<vmem>>, vector<512x64xf32>
    %slice3A = vector.extract_strided_slice %get3A_1 {offsets = [0, 1], sizes = [512, 63], strides = [1, 1]} : vector<512x64xf32> to vector<512x63xf32>
    %slice3A_11 = vector.extract_strided_slice %get3A_1 {offsets = [0, 63], sizes = [512, 1], strides = [1, 1]} : vector<512x64xf32> to vector<512x1xf32>
    %concatenate3A = tpu.concatenate %slice3A, %slice3A_11 in 1 : vector<512x63xf32>, vector<512x1xf32> -> vector<512x64xf32>
    %slice3A_12 = vector.extract_strided_slice %get3A_4 {offsets = [0, 1], sizes = [512, 63], strides = [1, 1]} : vector<512x64xf32> to vector<512x63xf32>
    %slice3A_13 = vector.extract_strided_slice %get3A_4 {offsets = [0, 63], sizes = [512, 1], strides = [1, 1]} : vector<512x64xf32> to vector<512x1xf32>
    %concatenate3A_14 = tpu.concatenate %slice3A_12, %slice3A_13 in 1 : vector<512x63xf32>, vector<512x1xf32> -> vector<512x64xf32>
    %slice3A_15 = vector.extract_strided_slice %get3A_7 {offsets = [0, 1], sizes = [512, 63], strides = [1, 1]} : vector<512x64xf32> to vector<512x63xf32>
    %slice3A_16 = vector.extract_strided_slice %get3A_7 {offsets = [0, 63], sizes = [512, 1], strides = [1, 1]} : vector<512x64xf32> to vector<512x1xf32>
    %concatenate3A_17 = tpu.concatenate %slice3A_15, %slice3A_16 in 1 : vector<512x63xf32>, vector<512x1xf32> -> vector<512x64xf32>
    %slice3A_18 = vector.extract_strided_slice %get3A_10 {offsets = [0, 1], sizes = [512, 63], strides = [1, 1]} : vector<512x64xf32> to vector<512x63xf32>
    %slice3A_19 = vector.extract_strided_slice %get3A_10 {offsets = [0, 63], sizes = [512, 1], strides = [1, 1]} : vector<512x64xf32> to vector<512x1xf32>
    %concatenate3A_20 = tpu.concatenate %slice3A_18, %slice3A_19 in 1 : vector<512x63xf32>, vector<512x1xf32> -> vector<512x64xf32>
    %broadcast_in_dim3A = arith.constant 0.000000e+00 : f32
    %broadcast_in_dim3A_21 = vector.broadcast %broadcast_in_dim3A : f32 to vector<512x512xf32>
    %get3A_22 = arith.constant 0 : index
    %get3A_23 = arith.constant 0 : index
    %get3A_24 = vector.load %arg5[%get3A_22, %get3A_23] : memref<512x512xf32, #tpu.memory_space<vmem>>, vector<64x512xf32>
    %dot_general3A = arith.constant dense<0.000000e+00> : vector<512x512xf32>
    %dot_general3A_25 = tpu.matmul %get3A_1, %get3A_24, %dot_general3A {dimension_numbers = #tpu.dot_dimension_numbers<[1], [0], [0], [1], [0, 0, 1, 1], [], []>, precision = #tpu.contract_precision<fp32>, transpose_lhs_hint = false} : vector<512x64xf32>, vector<64x512xf32>, vector<512x512xf32> -> vector<512x512xf32>
    %add3A = arith.addf %broadcast_in_dim3A_21, %dot_general3A_25 : vector<512x512xf32>
    %get3A_26 = arith.constant 64 : index
    %get3A_27 = arith.constant 0 : index
    %get3A_28 = vector.load %arg5[%get3A_26, %get3A_27] : memref<512x512xf32, #tpu.memory_space<vmem>>, vector<64x512xf32>
    %dot_general3A_29 = arith.constant dense<0.000000e+00> : vector<512x512xf32>
    %dot_general3A_30 = tpu.matmul %concatenate3A, %get3A_28, %dot_general3A_29 {dimension_numbers = #tpu.dot_dimension_numbers<[1], [0], [0], [1], [0, 0, 1, 1], [], []>, precision = #tpu.contract_precision<fp32>, transpose_lhs_hint = false} : vector<512x64xf32>, vector<64x512xf32>, vector<512x512xf32> -> vector<512x512xf32>
    %add3A_31 = arith.addf %add3A, %dot_general3A_30 : vector<512x512xf32>
    %get3A_32 = arith.constant 128 : index
    %get3A_33 = arith.constant 0 : index
    %get3A_34 = vector.load %arg5[%get3A_32, %get3A_33] : memref<512x512xf32, #tpu.memory_space<vmem>>, vector<64x512xf32>
    %dot_general3A_35 = arith.constant dense<0.000000e+00> : vector<512x512xf32>
    %dot_general3A_36 = tpu.matmul %get3A_4, %get3A_34, %dot_general3A_35 {dimension_numbers = #tpu.dot_dimension_numbers<[1], [0], [0], [1], [0, 0, 1, 1], [], []>, precision = #tpu.contract_precision<fp32>, transpose_lhs_hint = false} : vector<512x64xf32>, vector<64x512xf32>, vector<512x512xf32> -> vector<512x512xf32>
    %add3A_37 = arith.addf %add3A_31, %dot_general3A_36 : vector<512x512xf32>
    %get3A_38 = arith.constant 192 : index
    %get3A_39 = arith.constant 0 : index
    %get3A_40 = vector.load %arg5[%get3A_38, %get3A_39] : memref<512x512xf32, #tpu.memory_space<vmem>>, vector<64x512xf32>
    %dot_general3A_41 = arith.constant dense<0.000000e+00> : vector<512x512xf32>
    %dot_general3A_42 = tpu.matmul %concatenate3A_14, %get3A_40, %dot_general3A_41 {dimension_numbers = #tpu.dot_dimension_numbers<[1], [0], [0], [1], [0, 0, 1, 1], [], []>, precision = #tpu.contract_precision<fp32>, transpose_lhs_hint = false} : vector<512x64xf32>, vector<64x512xf32>, vector<512x512xf32> -> vector<512x512xf32>
    %add3A_43 = arith.addf %add3A_37, %dot_general3A_42 : vector<512x512xf32>
    %get3A_44 = arith.constant 256 : index
    %get3A_45 = arith.constant 0 : index
    %get3A_46 = vector.load %arg5[%get3A_44, %get3A_45] : memref<512x512xf32, #tpu.memory_space<vmem>>, vector<64x512xf32>
    %dot_general3A_47 = arith.constant dense<0.000000e+00> : vector<512x512xf32>
    %dot_general3A_48 = tpu.matmul %get3A_7, %get3A_46, %dot_general3A_47 {dimension_numbers = #tpu.dot_dimension_numbers<[1], [0], [0], [1], [0, 0, 1, 1], [], []>, precision = #tpu.contract_precision<fp32>, transpose_lhs_hint = false} : vector<512x64xf32>, vector<64x512xf32>, vector<512x512xf32> -> vector<512x512xf32>
    %add3A_49 = arith.addf %add3A_43, %dot_general3A_48 : vector<512x512xf32>
    %get3A_50 = arith.constant 320 : index
    %get3A_51 = arith.constant 0 : index
    %get3A_52 = vector.load %arg5[%get3A_50, %get3A_51] : memref<512x512xf32, #tpu.memory_space<vmem>>, vector<64x512xf32>
    %dot_general3A_53 = arith.constant dense<0.000000e+00> : vector<512x512xf32>
    %dot_general3A_54 = tpu.matmul %concatenate3A_17, %get3A_52, %dot_general3A_53 {dimension_numbers = #tpu.dot_dimension_numbers<[1], [0], [0], [1], [0, 0, 1, 1], [], []>, precision = #tpu.contract_precision<fp32>, transpose_lhs_hint = false} : vector<512x64xf32>, vector<64x512xf32>, vector<512x512xf32> -> vector<512x512xf32>
    %add3A_55 = arith.addf %add3A_49, %dot_general3A_54 : vector<512x512xf32>
    %get3A_56 = arith.constant 384 : index
    %get3A_57 = arith.constant 0 : index
    %get3A_58 = vector.load %arg5[%get3A_56, %get3A_57] : memref<512x512xf32, #tpu.memory_space<vmem>>, vector<64x512xf32>
    %dot_general3A_59 = arith.constant dense<0.000000e+00> : vector<512x512xf32>
    %dot_general3A_60 = tpu.matmul %get3A_10, %get3A_58, %dot_general3A_59 {dimension_numbers = #tpu.dot_dimension_numbers<[1], [0], [0], [1], [0, 0, 1, 1], [], []>, precision = #tpu.contract_precision<fp32>, transpose_lhs_hint = false} : vector<512x64xf32>, vector<64x512xf32>, vector<512x512xf32> -> vector<512x512xf32>
    %add3A_61 = arith.addf %add3A_55, %dot_general3A_60 : vector<512x512xf32>
    %get3A_62 = arith.constant 448 : index
    %get3A_63 = arith.constant 0 : index
    %get3A_64 = vector.load %arg5[%get3A_62, %get3A_63] : memref<512x512xf32, #tpu.memory_space<vmem>>, vector<64x512xf32>
    %dot_general3A_65 = arith.constant dense<0.000000e+00> : vector<512x512xf32>
    %dot_general3A_66 = tpu.matmul %concatenate3A_20, %get3A_64, %dot_general3A_65 {dimension_numbers = #tpu.dot_dimension_numbers<[1], [0], [0], [1], [0, 0, 1, 1], [], []>, precision = #tpu.contract_precision<fp32>, transpose_lhs_hint = false} : vector<512x64xf32>, vector<64x512xf32>, vector<512x512xf32> -> vector<512x512xf32>
    %add3A_67 = arith.addf %add3A_61, %dot_general3A_66 : vector<512x512xf32>
    %swap3A = arith.constant 0 : index
    %swap3A_68 = arith.constant 0 : index
    %swap3A_69 = vector.load %arg6[%swap3A, %swap3A_68] : memref<512x512xf32, #tpu.memory_space<vmem>>, vector<512x512xf32>
    tpu.vector_store %arg6[%swap3A, %swap3A_68], %add3A_67 {strides = array<i32>} : memref<512x512xf32, #tpu.memory_space<vmem>>, vector<512x512xf32>,
    return
  }
  func.func @transform_0(%arg0: i32) -> (i32, i32) {
    %c0_i32 = arith.constant 0 : i32
    %c0_i32_0 = arith.constant 0 : i32
    return %arg0, %c0_i32 : i32, i32
  }
  func.func @transform_1(%arg0: i32) -> (i32, i32) {
    %c0_i32 = arith.constant 0 : i32
    %c0_i32_0 = arith.constant 0 : i32
    return %arg0, %c0_i32 : i32, i32
  }
  func.func @transform_2(%arg0: i32) -> (i32, i32) {
    %c0_i32 = arith.constant 0 : i32
    %c0_i32_0 = arith.constant 0 : i32
    return %arg0, %c0_i32 : i32, i32
  }
  func.func @transform_3(%arg0: i32) -> (i32, i32) {
    %c0_i32 = arith.constant 0 : i32
    %c0_i32_0 = arith.constant 0 : i32
    return %arg0, %c0_i32 : i32, i32
  }
  func.func @transform_4(%arg0: i32) -> (i32, i32) {
    %c0_i32 = arith.constant 0 : i32
    %c0_i32_0 = arith.constant 0 : i32
    %c0_i32_1 = arith.constant 0 : i32
    return %c0_i32, %c0_i32_0 : i32, i32
  }
  func.func @transform_5(%arg0: i32) -> (i32, i32) {
    %c0_i32 = arith.constant 0 : i32
    %c0_i32_0 = arith.constant 0 : i32
    return %arg0, %c0_i32 : i32, i32
  }
}

module attributes {stable_mosaic.version = 14 : i64} {
  func.func @_grid_body(%arg0: i32, %arg1: i32, %arg2: memref<1x1x12xf32, #tpu.memory_space<smem>>, %arg3: memref<1x1x64x64xf32, #tpu.memory_space<vmem>>, %arg4: memref<1x1x64x64xf32, #tpu.memory_space<vmem>>, %arg5: memref<1x1x64x64xf32, #tpu.memory_space<vmem>>, %arg6: memref<1x1x64x64xf32, #tpu.memory_space<vmem>>, %arg7: memref<1x1x64x64xf32, #tpu.memory_space<vmem>>, %arg8: memref<1x1x64x64xf32, #tpu.memory_space<vmem>>, %arg9: memref<1x1x64x64xf32, #tpu.memory_space<vmem>>, %arg10: memref<1x1x64x64xf32, #tpu.memory_space<vmem>>, %arg11: memref<1x1x64x64xf32, #tpu.memory_space<vmem>>, %arg12: memref<1x1x64x64xi32, #tpu.memory_space<vmem>>, %arg13: memref<64x64xf32, #tpu.memory_space<vmem>>) attributes {dimension_semantics = [#tpu.dimension_semantics<arbitrary>, #tpu.dimension_semantics<arbitrary>], iteration_bounds = array<i64: 2, 64>, scalar_prefetch = 0 : i64, scratch_operands = 1 : i64, tpu.core_type = #tpu.core_type<tc>, window_params = [{transform_indices = @transform_0, window_bounds = array<i64: 1, 1, 12>}, {transform_indices = @transform_1, window_bounds = array<i64: 1, 1, 64, 64>}, {transform_indices = @transform_2, window_bounds = array<i64: 1, 1, 64, 64>}, {transform_indices = @transform_3, window_bounds = array<i64: 1, 1, 64, 64>}, {transform_indices = @transform_4, window_bounds = array<i64: 1, 1, 64, 64>}, {transform_indices = @transform_5, window_bounds = array<i64: 1, 1, 64, 64>}, {transform_indices = @transform_6, window_bounds = array<i64: 1, 1, 64, 64>}, {transform_indices = @transform_7, window_bounds = array<i64: 1, 1, 64, 64>}, {transform_indices = @transform_8, window_bounds = array<i64: 1, 1, 64, 64>}, {transform_indices = @transform_9, window_bounds = array<i64: 1, 1, 64, 64>}, {transform_indices = @transform_10, window_bounds = array<i64: 1, 1, 64, 64>}]} {
    %get3A = arith.constant 0 : index
    %get3A_0 = arith.constant 0 : index
    %get3A_1 = arith.constant 0 : index
    %get3A_2 = arith.constant 0 : index
    %get3A_3 = vector.load %arg3[%get3A, %get3A_0, %get3A_1, %get3A_2] : memref<1x1x64x64xf32, #tpu.memory_space<vmem>>, vector<1x1x64x64xf32>
    %get3A_4 = vector.shape_cast %get3A_3 : vector<1x1x64x64xf32> to vector<64x64xf32>
    %neg3A = arith.constant 0.000000e+00 : f32
    %neg3A_5 = vector.broadcast %neg3A : f32 to vector<64x64xf32>
    %neg3A_6 = arith.subf %neg3A_5, %get3A_4 : vector<64x64xf32>
    %exp3A = math.exp %neg3A_6 : vector<64x64xf32>
    %add3A = arith.constant 1.000000e+00 : f32
    %add3A_7 = vector.broadcast %add3A : f32 to vector<64x64xf32>
    %add3A_8 = arith.addf %add3A_7, %exp3A : vector<64x64xf32>
    %div3A = arith.constant 2.000000e+00 : f32
    %div3A_9 = vector.broadcast %div3A : f32 to vector<64x64xf32>
    %div3A_10 = arith.divf %div3A_9, %add3A_8 : vector<64x64xf32>
    %get3A_11 = arith.constant 0 : index
    %get3A_12 = arith.constant 0 : index
    %get3A_13 = arith.constant 0 : index
    %get3A_14 = arith.constant 0 : index
    %get3A_15 = vector.load %arg4[%get3A_11, %get3A_12, %get3A_13, %get3A_14] : memref<1x1x64x64xf32, #tpu.memory_space<vmem>>, vector<1x1x64x64xf32>
    %get3A_16 = vector.shape_cast %get3A_15 : vector<1x1x64x64xf32> to vector<64x64xf32>
    %neg3A_17 = arith.constant 0.000000e+00 : f32
    %neg3A_18 = vector.broadcast %neg3A_17 : f32 to vector<64x64xf32>
    %neg3A_19 = arith.subf %neg3A_18, %get3A_16 : vector<64x64xf32>
    %exp3A_20 = math.exp %neg3A_19 : vector<64x64xf32>
    %add3A_21 = arith.constant 1.000000e+00 : f32
    %add3A_22 = vector.broadcast %add3A_21 : f32 to vector<64x64xf32>
    %add3A_23 = arith.addf %add3A_22, %exp3A_20 : vector<64x64xf32>
    %div3A_24 = arith.constant 2.000000e+00 : f32
    %div3A_25 = vector.broadcast %div3A_24 : f32 to vector<64x64xf32>
    %div3A_26 = arith.divf %div3A_25, %add3A_23 : vector<64x64xf32>
    %get3A_27 = arith.constant 0 : index
    %get3A_28 = arith.constant 0 : index
    %get3A_29 = arith.constant 0 : index
    %get3A_30 = arith.constant 0 : index
    %get3A_31 = vector.load %arg5[%get3A_27, %get3A_28, %get3A_29, %get3A_30] : memref<1x1x64x64xf32, #tpu.memory_space<vmem>>, vector<1x1x64x64xf32>
    %get3A_32 = vector.shape_cast %get3A_31 : vector<1x1x64x64xf32> to vector<64x64xf32>
    %neg3A_33 = arith.constant 0.000000e+00 : f32
    %neg3A_34 = vector.broadcast %neg3A_33 : f32 to vector<64x64xf32>
    %neg3A_35 = arith.subf %neg3A_34, %get3A_32 : vector<64x64xf32>
    %exp3A_36 = math.exp %neg3A_35 : vector<64x64xf32>
    %add3A_37 = arith.constant 1.000000e+00 : f32
    %add3A_38 = vector.broadcast %add3A_37 : f32 to vector<64x64xf32>
    %add3A_39 = arith.addf %add3A_38, %exp3A_36 : vector<64x64xf32>
    %div3A_40 = arith.constant 2.000000e+00 : f32
    %div3A_41 = vector.broadcast %div3A_40 : f32 to vector<64x64xf32>
    %div3A_42 = arith.divf %div3A_41, %add3A_39 : vector<64x64xf32>
    %eq3A = arith.constant 0 : i32
    %eq3A_43 = arith.cmpi eq, %arg1, %eq3A : i32
    %convert_element_type3A = arith.extui %eq3A_43 : i1 to i32
    %cond3A = arith.constant 0 : i32
    %cond3A_44 = arith.cmpi ne, %convert_element_type3A, %cond3A : i32
    scf.if %cond3A_44 {
      %broadcast_in_dim3A_296 = arith.constant 0.000000e+00 : f32
      %broadcast_in_dim3A_297 = vector.broadcast %broadcast_in_dim3A_296 : f32 to vector<64x64xf32>
      %swap3A_298 = arith.constant 0 : index
      %swap3A_299 = arith.constant 0 : index
      %swap3A_300 = vector.load %arg13[%swap3A_298, %swap3A_299] : memref<64x64xf32, #tpu.memory_space<vmem>>, vector<64x64xf32>
      tpu.vector_store %arg13[%swap3A_298, %swap3A_299], %broadcast_in_dim3A_297 {strides = array<i32>} : memref<64x64xf32, #tpu.memory_space<vmem>>, vector<64x64xf32>,
    } else {
    }
    %get3A_45 = arith.constant 0 : index
    %get3A_46 = arith.constant 0 : index
    %get3A_47 = vector.load %arg13[%get3A_45, %get3A_46] : memref<64x64xf32, #tpu.memory_space<vmem>>, vector<64x64xf32>
    %add3A_48 = arith.addf %get3A_47, %div3A_10 : vector<64x64xf32>
    %swap3A = arith.constant 0 : index
    %swap3A_49 = arith.constant 0 : index
    %swap3A_50 = vector.load %arg13[%swap3A, %swap3A_49] : memref<64x64xf32, #tpu.memory_space<vmem>>, vector<64x64xf32>
    tpu.vector_store %arg13[%swap3A, %swap3A_49], %add3A_48 {strides = array<i32>} : memref<64x64xf32, #tpu.memory_space<vmem>>, vector<64x64xf32>,
    %iota3A = tpu.iota {dimensions = array<i32: 0>} : vector<64x64xi32>
    %iota3A_51 = tpu.iota {dimensions = array<i32: 1>} : vector<64x64xi32>
    %ge3A = arith.cmpi sge, %iota3A, %iota3A_51 : vector<64x64xi32>
    %convert_element_type3A_52 = arith.extui %ge3A : vector<64x64xi1> to vector<64x64xi32>
    %convert_element_type3A_53 = arith.sitofp %convert_element_type3A_52 : vector<64x64xi32> to vector<64x64xf32>
    %le3A = arith.cmpi sle, %iota3A, %iota3A_51 : vector<64x64xi32>
    %convert_element_type3A_54 = arith.extui %le3A : vector<64x64xi1> to vector<64x64xi32>
    %convert_element_type3A_55 = arith.sitofp %convert_element_type3A_54 : vector<64x64xi32> to vector<64x64xf32>
    %dot_general3A = arith.constant dense<0.000000e+00> : vector<64x64xf32>
    %dot_general3A_56 = tpu.matmul %convert_element_type3A_53, %div3A_26, %dot_general3A {dimension_numbers = #tpu.dot_dimension_numbers<[1], [0], [0], [1], [0, 0, 1, 1], [], []>, precision = #tpu.contract_precision<fp32>, transpose_lhs_hint = false} : vector<64x64xf32>, vector<64x64xf32>, vector<64x64xf32> -> vector<64x64xf32>
    %dot_general3A_57 = arith.constant dense<0.000000e+00> : vector<64x64xf32>
    %dot_general3A_58 = tpu.matmul %div3A_42, %convert_element_type3A_55, %dot_general3A_57 {dimension_numbers = #tpu.dot_dimension_numbers<[1], [0], [0], [1], [0, 0, 1, 1], [], []>, precision = #tpu.contract_precision<fp32>, transpose_lhs_hint = false} : vector<64x64xf32>, vector<64x64xf32>, vector<64x64xf32> -> vector<64x64xf32>
    %get3A_59 = arith.constant 0 : index
    %get3A_60 = arith.constant 0 : index
    %get3A_61 = arith.constant 0 : index
    %get3A_62 = memref.load %arg2[%get3A_59, %get3A_60, %get3A_61] : memref<1x1x12xf32, #tpu.memory_space<smem>>
    %get3A_63 = arith.constant 0 : index
    %get3A_64 = arith.constant 0 : index
    %get3A_65 = arith.constant 1 : index
    %get3A_66 = memref.load %arg2[%get3A_63, %get3A_64, %get3A_65] : memref<1x1x12xf32, #tpu.memory_space<smem>>
    %get3A_67 = arith.constant 0 : index
    %get3A_68 = arith.constant 0 : index
    %get3A_69 = arith.constant 2 : index
    %get3A_70 = memref.load %arg2[%get3A_67, %get3A_68, %get3A_69] : memref<1x1x12xf32, #tpu.memory_space<smem>>
    %get3A_71 = arith.constant 0 : index
    %get3A_72 = arith.constant 0 : index
    %get3A_73 = arith.constant 3 : index
    %get3A_74 = memref.load %arg2[%get3A_71, %get3A_72, %get3A_73] : memref<1x1x12xf32, #tpu.memory_space<smem>>
    %get3A_75 = arith.constant 0 : index
    %get3A_76 = arith.constant 0 : index
    %get3A_77 = arith.constant 4 : index
    %get3A_78 = memref.load %arg2[%get3A_75, %get3A_76, %get3A_77] : memref<1x1x12xf32, #tpu.memory_space<smem>>
    %get3A_79 = arith.constant 0 : index
    %get3A_80 = arith.constant 0 : index
    %get3A_81 = arith.constant 5 : index
    %get3A_82 = memref.load %arg2[%get3A_79, %get3A_80, %get3A_81] : memref<1x1x12xf32, #tpu.memory_space<smem>>
    %get3A_83 = arith.constant 0 : index
    %get3A_84 = arith.constant 0 : index
    %get3A_85 = arith.constant 6 : index
    %get3A_86 = memref.load %arg2[%get3A_83, %get3A_84, %get3A_85] : memref<1x1x12xf32, #tpu.memory_space<smem>>
    %get3A_87 = arith.constant 0 : index
    %get3A_88 = arith.constant 0 : index
    %get3A_89 = arith.constant 7 : index
    %get3A_90 = memref.load %arg2[%get3A_87, %get3A_88, %get3A_89] : memref<1x1x12xf32, #tpu.memory_space<smem>>
    %get3A_91 = arith.constant 0 : index
    %get3A_92 = arith.constant 0 : index
    %get3A_93 = arith.constant 8 : index
    %get3A_94 = memref.load %arg2[%get3A_91, %get3A_92, %get3A_93] : memref<1x1x12xf32, #tpu.memory_space<smem>>
    %get3A_95 = arith.constant 0 : index
    %get3A_96 = arith.constant 0 : index
    %get3A_97 = arith.constant 9 : index
    %get3A_98 = memref.load %arg2[%get3A_95, %get3A_96, %get3A_97] : memref<1x1x12xf32, #tpu.memory_space<smem>>
    %get3A_99 = arith.constant 0 : index
    %get3A_100 = arith.constant 0 : index
    %get3A_101 = arith.constant 10 : index
    %get3A_102 = memref.load %arg2[%get3A_99, %get3A_100, %get3A_101] : memref<1x1x12xf32, #tpu.memory_space<smem>>
    %get3A_103 = arith.constant 0 : index
    %get3A_104 = arith.constant 0 : index
    %get3A_105 = arith.constant 11 : index
    %get3A_106 = memref.load %arg2[%get3A_103, %get3A_104, %get3A_105] : memref<1x1x12xf32, #tpu.memory_space<smem>>
    %broadcast_in_dim3A = arith.constant 1.000000e+00 : f32
    %broadcast_in_dim3A_107 = vector.broadcast %broadcast_in_dim3A : f32 to vector<64x64xf32>
    %convert_element_type3A_108 = arith.truncf %add3A_48 : vector<64x64xf32> to vector<64x64xbf16>
    %convert_element_type3A_109 = arith.extf %convert_element_type3A_108 : vector<64x64xbf16> to vector<64x64xf32>
    %convert_element_type3A_110 = arith.truncf %dot_general3A_56 : vector<64x64xf32> to vector<64x64xbf16>
    %convert_element_type3A_111 = arith.extf %convert_element_type3A_110 : vector<64x64xbf16> to vector<64x64xf32>
    %convert_element_type3A_112 = arith.truncf %dot_general3A_58 : vector<64x64xf32> to vector<64x64xbf16>
    %convert_element_type3A_113 = arith.extf %convert_element_type3A_112 : vector<64x64xbf16> to vector<64x64xf32>
    %add3A_114 = arith.constant 1.000000e+00 : f32
    %add3A_115 = arith.addf %add3A_114, %get3A_62 : f32
    %mul3A = vector.broadcast %add3A_115 : f32 to vector<64x64xf32>
    %mul3A_116 = arith.mulf %mul3A, %broadcast_in_dim3A_107 : vector<64x64xf32>
    %convert_element_type3A_117 = arith.truncf %mul3A_116 : vector<64x64xf32> to vector<64x64xbf16>
    %convert_element_type3A_118 = arith.extf %convert_element_type3A_117 : vector<64x64xbf16> to vector<64x64xf32>
    %mul3A_119 = arith.mulf %convert_element_type3A_118, %convert_element_type3A_109 : vector<64x64xf32>
    %mul3A_120 = vector.broadcast %get3A_66 : f32 to vector<64x64xf32>
    %mul3A_121 = arith.mulf %mul3A_120, %broadcast_in_dim3A_107 : vector<64x64xf32>
    %convert_element_type3A_122 = arith.truncf %mul3A_121 : vector<64x64xf32> to vector<64x64xbf16>
    %convert_element_type3A_123 = arith.extf %convert_element_type3A_122 : vector<64x64xbf16> to vector<64x64xf32>
    %mul3A_124 = arith.mulf %convert_element_type3A_123, %convert_element_type3A_111 : vector<64x64xf32>
    %add3A_125 = arith.addf %mul3A_119, %mul3A_124 : vector<64x64xf32>
    %mul3A_126 = vector.broadcast %get3A_70 : f32 to vector<64x64xf32>
    %mul3A_127 = arith.mulf %mul3A_126, %broadcast_in_dim3A_107 : vector<64x64xf32>
    %convert_element_type3A_128 = arith.truncf %mul3A_127 : vector<64x64xf32> to vector<64x64xbf16>
    %convert_element_type3A_129 = arith.extf %convert_element_type3A_128 : vector<64x64xbf16> to vector<64x64xf32>
    %mul3A_130 = arith.mulf %convert_element_type3A_129, %convert_element_type3A_113 : vector<64x64xf32>
    %add3A_131 = arith.addf %add3A_125, %mul3A_130 : vector<64x64xf32>
    %mul3A_132 = vector.broadcast %get3A_74 : f32 to vector<64x64xf32>
    %mul3A_133 = arith.mulf %mul3A_132, %broadcast_in_dim3A_107 : vector<64x64xf32>
    %convert_element_type3A_134 = arith.truncf %mul3A_133 : vector<64x64xf32> to vector<64x64xbf16>
    %convert_element_type3A_135 = arith.extf %convert_element_type3A_134 : vector<64x64xbf16> to vector<64x64xf32>
    %add3A_136 = arith.addf %add3A_131, %convert_element_type3A_135 : vector<64x64xf32>
    %mul3A_137 = vector.broadcast %get3A_78 : f32 to vector<64x64xf32>
    %mul3A_138 = arith.mulf %mul3A_137, %broadcast_in_dim3A_107 : vector<64x64xf32>
    %convert_element_type3A_139 = arith.truncf %mul3A_138 : vector<64x64xf32> to vector<64x64xbf16>
    %convert_element_type3A_140 = arith.extf %convert_element_type3A_139 : vector<64x64xbf16> to vector<64x64xf32>
    %mul3A_141 = arith.mulf %convert_element_type3A_140, %convert_element_type3A_109 : vector<64x64xf32>
    %add3A_142 = arith.constant 1.000000e+00 : f32
    %add3A_143 = arith.addf %add3A_142, %get3A_82 : f32
    %mul3A_144 = vector.broadcast %add3A_143 : f32 to vector<64x64xf32>
    %mul3A_145 = arith.mulf %mul3A_144, %broadcast_in_dim3A_107 : vector<64x64xf32>
    %convert_element_type3A_146 = arith.truncf %mul3A_145 : vector<64x64xf32> to vector<64x64xbf16>
    %convert_element_type3A_147 = arith.extf %convert_element_type3A_146 : vector<64x64xbf16> to vector<64x64xf32>
    %mul3A_148 = arith.mulf %convert_element_type3A_147, %convert_element_type3A_111 : vector<64x64xf32>
    %add3A_149 = arith.addf %mul3A_141, %mul3A_148 : vector<64x64xf32>
    %mul3A_150 = vector.broadcast %get3A_86 : f32 to vector<64x64xf32>
    %mul3A_151 = arith.mulf %mul3A_150, %broadcast_in_dim3A_107 : vector<64x64xf32>
    %convert_element_type3A_152 = arith.truncf %mul3A_151 : vector<64x64xf32> to vector<64x64xbf16>
    %convert_element_type3A_153 = arith.extf %convert_element_type3A_152 : vector<64x64xbf16> to vector<64x64xf32>
    %mul3A_154 = arith.mulf %convert_element_type3A_153, %convert_element_type3A_113 : vector<64x64xf32>
    %add3A_155 = arith.addf %add3A_149, %mul3A_154 : vector<64x64xf32>
    %mul3A_156 = vector.broadcast %get3A_90 : f32 to vector<64x64xf32>
    %mul3A_157 = arith.mulf %mul3A_156, %broadcast_in_dim3A_107 : vector<64x64xf32>
    %convert_element_type3A_158 = arith.truncf %mul3A_157 : vector<64x64xf32> to vector<64x64xbf16>
    %convert_element_type3A_159 = arith.extf %convert_element_type3A_158 : vector<64x64xbf16> to vector<64x64xf32>
    %add3A_160 = arith.addf %add3A_155, %convert_element_type3A_159 : vector<64x64xf32>
    %mul3A_161 = vector.broadcast %get3A_94 : f32 to vector<64x64xf32>
    %mul3A_162 = arith.mulf %mul3A_161, %broadcast_in_dim3A_107 : vector<64x64xf32>
    %convert_element_type3A_163 = arith.truncf %mul3A_162 : vector<64x64xf32> to vector<64x64xbf16>
    %convert_element_type3A_164 = arith.extf %convert_element_type3A_163 : vector<64x64xbf16> to vector<64x64xf32>
    %mul3A_165 = arith.mulf %convert_element_type3A_164, %convert_element_type3A_109 : vector<64x64xf32>
    %mul3A_166 = vector.broadcast %get3A_98 : f32 to vector<64x64xf32>
    %mul3A_167 = arith.mulf %mul3A_166, %broadcast_in_dim3A_107 : vector<64x64xf32>
    %convert_element_type3A_168 = arith.truncf %mul3A_167 : vector<64x64xf32> to vector<64x64xbf16>
    %convert_element_type3A_169 = arith.extf %convert_element_type3A_168 : vector<64x64xbf16> to vector<64x64xf32>
    %mul3A_170 = arith.mulf %convert_element_type3A_169, %convert_element_type3A_111 : vector<64x64xf32>
    %add3A_171 = arith.addf %mul3A_165, %mul3A_170 : vector<64x64xf32>
    %add3A_172 = arith.constant 1.000000e+00 : f32
    %add3A_173 = arith.addf %add3A_172, %get3A_102 : f32
    %mul3A_174 = vector.broadcast %add3A_173 : f32 to vector<64x64xf32>
    %mul3A_175 = arith.mulf %mul3A_174, %broadcast_in_dim3A_107 : vector<64x64xf32>
    %convert_element_type3A_176 = arith.truncf %mul3A_175 : vector<64x64xf32> to vector<64x64xbf16>
    %convert_element_type3A_177 = arith.extf %convert_element_type3A_176 : vector<64x64xbf16> to vector<64x64xf32>
    %mul3A_178 = arith.mulf %convert_element_type3A_177, %convert_element_type3A_113 : vector<64x64xf32>
    %add3A_179 = arith.addf %add3A_171, %mul3A_178 : vector<64x64xf32>
    %mul3A_180 = vector.broadcast %get3A_106 : f32 to vector<64x64xf32>
    %mul3A_181 = arith.mulf %mul3A_180, %broadcast_in_dim3A_107 : vector<64x64xf32>
    %convert_element_type3A_182 = arith.truncf %mul3A_181 : vector<64x64xf32> to vector<64x64xbf16>
    %convert_element_type3A_183 = arith.extf %convert_element_type3A_182 : vector<64x64xbf16> to vector<64x64xf32>
    %add3A_184 = arith.addf %add3A_179, %convert_element_type3A_183 : vector<64x64xf32>
    %floor3A = math.floor %add3A_136 : vector<64x64xf32>
    %convert_element_type3A_185 = arith.fptosi %floor3A : vector<64x64xf32> to vector<64x64xi32>
    %ge3A_186 = arith.constant 0 : i32
    %ge3A_187 = vector.broadcast %ge3A_186 : i32 to vector<64x64xi32>
    %ge3A_188 = arith.cmpi sge, %convert_element_type3A_185, %ge3A_187 : vector<64x64xi32>
    %le3A_189 = arith.constant 62 : i32
    %le3A_190 = vector.broadcast %le3A_189 : i32 to vector<64x64xi32>
    %le3A_191 = arith.cmpi sle, %convert_element_type3A_185, %le3A_190 : vector<64x64xi32>
    %and3A = arith.andi %ge3A_188, %le3A_191 : vector<64x64xi1>
    %jit3A = arith.constant 0 : i32
    %jit3A_192 = arith.constant 63 : i32
    %max3A = vector.broadcast %jit3A : i32 to vector<64x64xi32>
    %max3A_193 = arith.maxsi %max3A, %convert_element_type3A_185 : vector<64x64xi32>
    %min3A = vector.broadcast %jit3A_192 : i32 to vector<64x64xi32>
    %min3A_194 = arith.minsi %min3A, %max3A_193 : vector<64x64xi32>
    %sub3A = arith.subf %add3A_136, %floor3A : vector<64x64xf32>
    %jit3A_195 = arith.constant 0.000000e+00 : f32
    %broadcast_in_dim3A_196 = vector.broadcast %jit3A_195 : f32 to vector<64x64xf32>
    %select_n3A = arith.select %and3A, %sub3A, %broadcast_in_dim3A_196 : vector<64x64xi1>, vector<64x64xf32>
    %floor3A_197 = math.floor %add3A_160 : vector<64x64xf32>
    %convert_element_type3A_198 = arith.fptosi %floor3A_197 : vector<64x64xf32> to vector<64x64xi32>
    %ge3A_199 = arith.constant 0 : i32
    %ge3A_200 = vector.broadcast %ge3A_199 : i32 to vector<64x64xi32>
    %ge3A_201 = arith.cmpi sge, %convert_element_type3A_198, %ge3A_200 : vector<64x64xi32>
    %le3A_202 = arith.constant 62 : i32
    %le3A_203 = vector.broadcast %le3A_202 : i32 to vector<64x64xi32>
    %le3A_204 = arith.cmpi sle, %convert_element_type3A_198, %le3A_203 : vector<64x64xi32>
    %and3A_205 = arith.andi %ge3A_201, %le3A_204 : vector<64x64xi1>
    %jit3A_206 = arith.constant 0 : i32
    %jit3A_207 = arith.constant 63 : i32
    %max3A_208 = vector.broadcast %jit3A_206 : i32 to vector<64x64xi32>
    %max3A_209 = arith.maxsi %max3A_208, %convert_element_type3A_198 : vector<64x64xi32>
    %min3A_210 = vector.broadcast %jit3A_207 : i32 to vector<64x64xi32>
    %min3A_211 = arith.minsi %min3A_210, %max3A_209 : vector<64x64xi32>
    %sub3A_212 = arith.subf %add3A_160, %floor3A_197 : vector<64x64xf32>
    %jit3A_213 = arith.constant 0.000000e+00 : f32
    %broadcast_in_dim3A_214 = vector.broadcast %jit3A_213 : f32 to vector<64x64xf32>
    %select_n3A_215 = arith.select %and3A_205, %sub3A_212, %broadcast_in_dim3A_214 : vector<64x64xi1>, vector<64x64xf32>
    %floor3A_216 = math.floor %add3A_184 : vector<64x64xf32>
    %convert_element_type3A_217 = arith.fptosi %floor3A_216 : vector<64x64xf32> to vector<64x64xi32>
    %ge3A_218 = arith.constant 0 : i32
    %ge3A_219 = vector.broadcast %ge3A_218 : i32 to vector<64x64xi32>
    %ge3A_220 = arith.cmpi sge, %convert_element_type3A_217, %ge3A_219 : vector<64x64xi32>
    %le3A_221 = arith.constant 62 : i32
    %le3A_222 = vector.broadcast %le3A_221 : i32 to vector<64x64xi32>
    %le3A_223 = arith.cmpi sle, %convert_element_type3A_217, %le3A_222 : vector<64x64xi32>
    %and3A_224 = arith.andi %ge3A_220, %le3A_223 : vector<64x64xi1>
    %jit3A_225 = arith.constant 0 : i32
    %jit3A_226 = arith.constant 63 : i32
    %max3A_227 = vector.broadcast %jit3A_225 : i32 to vector<64x64xi32>
    %max3A_228 = arith.maxsi %max3A_227, %convert_element_type3A_217 : vector<64x64xi32>
    %min3A_229 = vector.broadcast %jit3A_226 : i32 to vector<64x64xi32>
    %min3A_230 = arith.minsi %min3A_229, %max3A_228 : vector<64x64xi32>
    %sub3A_231 = arith.subf %add3A_184, %floor3A_216 : vector<64x64xf32>
    %jit3A_232 = arith.constant 0.000000e+00 : f32
    %broadcast_in_dim3A_233 = vector.broadcast %jit3A_232 : f32 to vector<64x64xf32>
    %select_n3A_234 = arith.select %and3A_224, %sub3A_231, %broadcast_in_dim3A_233 : vector<64x64xi1>, vector<64x64xf32>
    %swap3A_235 = arith.constant 0 : index
    %swap3A_236 = arith.constant 0 : index
    %swap3A_237 = arith.constant 0 : index
    %swap3A_238 = arith.constant 0 : index
    %swap3A_239 = vector.load %arg6[%swap3A_235, %swap3A_236, %swap3A_237, %swap3A_238] : memref<1x1x64x64xf32, #tpu.memory_space<vmem>>, vector<1x1x64x64xf32>
    %swap3A_240 = vector.shape_cast %swap3A_239 : vector<1x1x64x64xf32> to vector<64x64xf32>
    %swap3A_241 = vector.shape_cast %add3A_136 : vector<64x64xf32> to vector<1x1x64x64xf32>
    tpu.vector_store %arg6[%swap3A_235, %swap3A_236, %swap3A_237, %swap3A_238], %swap3A_241 {strides = array<i32>} : memref<1x1x64x64xf32, #tpu.memory_space<vmem>>, vector<1x1x64x64xf32>,
    %swap3A_242 = arith.constant 0 : index
    %swap3A_243 = arith.constant 0 : index
    %swap3A_244 = arith.constant 0 : index
    %swap3A_245 = arith.constant 0 : index
    %swap3A_246 = vector.load %arg7[%swap3A_242, %swap3A_243, %swap3A_244, %swap3A_245] : memref<1x1x64x64xf32, #tpu.memory_space<vmem>>, vector<1x1x64x64xf32>
    %swap3A_247 = vector.shape_cast %swap3A_246 : vector<1x1x64x64xf32> to vector<64x64xf32>
    %swap3A_248 = vector.shape_cast %add3A_160 : vector<64x64xf32> to vector<1x1x64x64xf32>
    tpu.vector_store %arg7[%swap3A_242, %swap3A_243, %swap3A_244, %swap3A_245], %swap3A_248 {strides = array<i32>} : memref<1x1x64x64xf32, #tpu.memory_space<vmem>>, vector<1x1x64x64xf32>,
    %swap3A_249 = arith.constant 0 : index
    %swap3A_250 = arith.constant 0 : index
    %swap3A_251 = arith.constant 0 : index
    %swap3A_252 = arith.constant 0 : index
    %swap3A_253 = vector.load %arg8[%swap3A_249, %swap3A_250, %swap3A_251, %swap3A_252] : memref<1x1x64x64xf32, #tpu.memory_space<vmem>>, vector<1x1x64x64xf32>
    %swap3A_254 = vector.shape_cast %swap3A_253 : vector<1x1x64x64xf32> to vector<64x64xf32>
    %swap3A_255 = vector.shape_cast %add3A_184 : vector<64x64xf32> to vector<1x1x64x64xf32>
    tpu.vector_store %arg8[%swap3A_249, %swap3A_250, %swap3A_251, %swap3A_252], %swap3A_255 {strides = array<i32>} : memref<1x1x64x64xf32, #tpu.memory_space<vmem>>, vector<1x1x64x64xf32>,
    %swap3A_256 = arith.constant 0 : index
    %swap3A_257 = arith.constant 0 : index
    %swap3A_258 = arith.constant 0 : index
    %swap3A_259 = arith.constant 0 : index
    %swap3A_260 = vector.load %arg9[%swap3A_256, %swap3A_257, %swap3A_258, %swap3A_259] : memref<1x1x64x64xf32, #tpu.memory_space<vmem>>, vector<1x1x64x64xf32>
    %swap3A_261 = vector.shape_cast %swap3A_260 : vector<1x1x64x64xf32> to vector<64x64xf32>
    %swap3A_262 = vector.shape_cast %select_n3A : vector<64x64xf32> to vector<1x1x64x64xf32>
    tpu.vector_store %arg9[%swap3A_256, %swap3A_257, %swap3A_258, %swap3A_259], %swap3A_262 {strides = array<i32>} : memref<1x1x64x64xf32, #tpu.memory_space<vmem>>, vector<1x1x64x64xf32>,
    %swap3A_263 = arith.constant 0 : index
    %swap3A_264 = arith.constant 0 : index
    %swap3A_265 = arith.constant 0 : index
    %swap3A_266 = arith.constant 0 : index
    %swap3A_267 = vector.load %arg10[%swap3A_263, %swap3A_264, %swap3A_265, %swap3A_266] : memref<1x1x64x64xf32, #tpu.memory_space<vmem>>, vector<1x1x64x64xf32>
    %swap3A_268 = vector.shape_cast %swap3A_267 : vector<1x1x64x64xf32> to vector<64x64xf32>
    %swap3A_269 = vector.shape_cast %select_n3A_215 : vector<64x64xf32> to vector<1x1x64x64xf32>
    tpu.vector_store %arg10[%swap3A_263, %swap3A_264, %swap3A_265, %swap3A_266], %swap3A_269 {strides = array<i32>} : memref<1x1x64x64xf32, #tpu.memory_space<vmem>>, vector<1x1x64x64xf32>,
    %swap3A_270 = arith.constant 0 : index
    %swap3A_271 = arith.constant 0 : index
    %swap3A_272 = arith.constant 0 : index
    %swap3A_273 = arith.constant 0 : index
    %swap3A_274 = vector.load %arg11[%swap3A_270, %swap3A_271, %swap3A_272, %swap3A_273] : memref<1x1x64x64xf32, #tpu.memory_space<vmem>>, vector<1x1x64x64xf32>
    %swap3A_275 = vector.shape_cast %swap3A_274 : vector<1x1x64x64xf32> to vector<64x64xf32>
    %swap3A_276 = vector.shape_cast %select_n3A_234 : vector<64x64xf32> to vector<1x1x64x64xf32>
    tpu.vector_store %arg11[%swap3A_270, %swap3A_271, %swap3A_272, %swap3A_273], %swap3A_276 {strides = array<i32>} : memref<1x1x64x64xf32, #tpu.memory_space<vmem>>, vector<1x1x64x64xf32>,
    %mul3A_277 = arith.constant 262144 : i32
    %mul3A_278 = arith.muli %arg0, %mul3A_277 : i32
    %mul3A_279 = arith.constant 4096 : i32
    %mul3A_280 = vector.broadcast %mul3A_279 : i32 to vector<64x64xi32>
    %mul3A_281 = arith.muli %min3A_194, %mul3A_280 : vector<64x64xi32>
    %add3A_282 = vector.broadcast %mul3A_278 : i32 to vector<64x64xi32>
    %add3A_283 = arith.addi %add3A_282, %mul3A_281 : vector<64x64xi32>
    %mul3A_284 = arith.constant 64 : i32
    %mul3A_285 = vector.broadcast %mul3A_284 : i32 to vector<64x64xi32>
    %mul3A_286 = arith.muli %min3A_211, %mul3A_285 : vector<64x64xi32>
    %add3A_287 = arith.addi %add3A_283, %mul3A_286 : vector<64x64xi32>
    %add3A_288 = arith.addi %add3A_287, %min3A_230 : vector<64x64xi32>
    %swap3A_289 = arith.constant 0 : index
    %swap3A_290 = arith.constant 0 : index
    %swap3A_291 = arith.constant 0 : index
    %swap3A_292 = arith.constant 0 : index
    %swap3A_293 = vector.load %arg12[%swap3A_289, %swap3A_290, %swap3A_291, %swap3A_292] : memref<1x1x64x64xi32, #tpu.memory_space<vmem>>, vector<1x1x64x64xi32>
    %swap3A_294 = vector.shape_cast %swap3A_293 : vector<1x1x64x64xi32> to vector<64x64xi32>
    %swap3A_295 = vector.shape_cast %add3A_288 : vector<64x64xi32> to vector<1x1x64x64xi32>
    tpu.vector_store %arg12[%swap3A_289, %swap3A_290, %swap3A_291, %swap3A_292], %swap3A_295 {strides = array<i32>} : memref<1x1x64x64xi32, #tpu.memory_space<vmem>>, vector<1x1x64x64xi32>,
    return
  }
  func.func @transform_0(%arg0: i32, %arg1: i32) -> (i32, i32, i32) {
    %c0_i32 = arith.constant 0 : i32
    %c0_i32_0 = arith.constant 0 : i32
    %c0_i32_1 = arith.constant 0 : i32
    return %arg0, %c0_i32, %c0_i32_0 : i32, i32, i32
  }
  func.func @transform_1(%arg0: i32, %arg1: i32) -> (i32, i32, i32, i32) {
    %c0_i32 = arith.constant 0 : i32
    %c0_i32_0 = arith.constant 0 : i32
    %c0_i32_1 = arith.constant 0 : i32
    return %arg0, %arg1, %c0_i32, %c0_i32_0 : i32, i32, i32, i32
  }
  func.func @transform_2(%arg0: i32, %arg1: i32) -> (i32, i32, i32, i32) {
    %c0_i32 = arith.constant 0 : i32
    %c0_i32_0 = arith.constant 0 : i32
    %c0_i32_1 = arith.constant 0 : i32
    return %arg0, %arg1, %c0_i32, %c0_i32_0 : i32, i32, i32, i32
  }
  func.func @transform_3(%arg0: i32, %arg1: i32) -> (i32, i32, i32, i32) {
    %c0_i32 = arith.constant 0 : i32
    %c0_i32_0 = arith.constant 0 : i32
    %c0_i32_1 = arith.constant 0 : i32
    return %arg0, %arg1, %c0_i32, %c0_i32_0 : i32, i32, i32, i32
  }
  func.func @transform_4(%arg0: i32, %arg1: i32) -> (i32, i32, i32, i32) {
    %c0_i32 = arith.constant 0 : i32
    %c0_i32_0 = arith.constant 0 : i32
    %c0_i32_1 = arith.constant 0 : i32
    return %arg0, %arg1, %c0_i32, %c0_i32_0 : i32, i32, i32, i32
  }
  func.func @transform_5(%arg0: i32, %arg1: i32) -> (i32, i32, i32, i32) {
    %c0_i32 = arith.constant 0 : i32
    %c0_i32_0 = arith.constant 0 : i32
    %c0_i32_1 = arith.constant 0 : i32
    return %arg0, %arg1, %c0_i32, %c0_i32_0 : i32, i32, i32, i32
  }
  func.func @transform_6(%arg0: i32, %arg1: i32) -> (i32, i32, i32, i32) {
    %c0_i32 = arith.constant 0 : i32
    %c0_i32_0 = arith.constant 0 : i32
    %c0_i32_1 = arith.constant 0 : i32
    return %arg0, %arg1, %c0_i32, %c0_i32_0 : i32, i32, i32, i32
  }
  func.func @transform_7(%arg0: i32, %arg1: i32) -> (i32, i32, i32, i32) {
    %c0_i32 = arith.constant 0 : i32
    %c0_i32_0 = arith.constant 0 : i32
    %c0_i32_1 = arith.constant 0 : i32
    return %arg0, %arg1, %c0_i32, %c0_i32_0 : i32, i32, i32, i32
  }
  func.func @transform_8(%arg0: i32, %arg1: i32) -> (i32, i32, i32, i32) {
    %c0_i32 = arith.constant 0 : i32
    %c0_i32_0 = arith.constant 0 : i32
    %c0_i32_1 = arith.constant 0 : i32
    return %arg0, %arg1, %c0_i32, %c0_i32_0 : i32, i32, i32, i32
  }
  func.func @transform_9(%arg0: i32, %arg1: i32) -> (i32, i32, i32, i32) {
    %c0_i32 = arith.constant 0 : i32
    %c0_i32_0 = arith.constant 0 : i32
    %c0_i32_1 = arith.constant 0 : i32
    return %arg0, %arg1, %c0_i32, %c0_i32_0 : i32, i32, i32, i32
  }
  func.func @transform_10(%arg0: i32, %arg1: i32) -> (i32, i32, i32, i32) {
    %c0_i32 = arith.constant 0 : i32
    %c0_i32_0 = arith.constant 0 : i32
    %c0_i32_1 = arith.constant 0 : i32
    return %arg0, %arg1, %c0_i32, %c0_i32_0 : i32, i32, i32, i32
  }
}

</mosaic_0001>

<sc_bundles>
// kernel: kernel.5.cloned.1.call-start
scs
__scs_entry_jumppad:
0x0: {  	(pc) =	sbr.rel $0x88, $3  }
0x1: {  	(tag) =	ssettag $0x0;
	lr =	simm.s32 $0x1  }
0x2: {  	[smem:$0x3F9E] =	sst lr;
	_ =	strace $0xD0000000  }
0x3: {  	_ = 	snop  }
0x4: {  	_ = 	snop  }
0x5: {  	_ = 	snop  }
0x6: {  	_ = 	snop  }
0x7: {  	_ = 	snop  }
__scs_overlays_trampoline_lowered:
0x8: {  	[smem:$0x3FAD] =	sst s0  }
0x9: {  	[smem:$0x3FAE] =	sst s1  }
0xa: {  	[smem:$0x3FAF] =	sst s2  }
0xb: {  	[smem:$0x3FB0] =	sst s3  }
0xc: {  	[smem:$0x3FB1] =	sst s4  }
0xd: {  	[smem:$0x3FB2] =	sst s5  }
0xe: {  	[smem:$0x3FB3] =	sst s6  }
0xf: {  	[smem:$0x3FB4] =	sst s7  }
0x10: {  	[smem:$0x3FB5] =	sst s8  }
0x11: {  	[smem:$0x3FB6] =	sst s9;
	s0 =	simm.s32 @!p0 $0x0  }
0x12: {  	s1 =	sld [smem:$0x3F9C];
	s0 =	simm.s32 @p0 $0x1  }
0x13: {  	[smem:$0x3FB7] =	sst s0;
	s0 =	simm.s32 @!p1 $0x0  }
0x14: {  	s2 =	sld [smem:$0x3F9B];
	s0 =	simm.s32 @p1 $0x1  }
0x15: {  	[smem:$0x3FB8] =	sst s0;
	s0 =	simm.s32 @!p2 $0x0  }
0x16: {  	s3 =	sld [smem:$0x3FDB];
	s0 =	simm.s32 @p2 $0x1  }
0x17: {  	s4 =	simm.s32 $0x1BF5;
	[smem:$0x3FBA] =	sst s0  }
0x18: {  	s0 =	sld [smem:$0x3F9D];
	_ =	swait.ge [sflag:s4], $0x0  }
0x19: {  	s7 =	sld [smem:$0x3F9E]  }
0x1a: {  	s8 =	sadd.s32 $0xFFFFE003, lr  }
0x1b: {  	s9 =	sadd.s32 $0xFFFFFEF7, lr;
	s5 =	simm.s32 $0xFFFFFFFF;
	p2 =	slt.u32 s8, $0xFFFFF086  }
0x1c: {  	p1 =	slt.u32 s9, $0xF7A;
	s5 =	simm.s32 @!p2 $0x0  }
0x1d: {  	s5 =	simm.s32 @p1 $0x1;
	p0 =	seq.s32 s7, s2  }
0x1e: {  	s7 =	smul.u32 @!p0 $0xF7A, s2;
	p2 =	seq.s32 @!p0 s5, $0x0  }
0x1f: {  	s9 =	smul.u32 $0xF7A, s1;
	s8 =	simm.s32 @!p0 $0x1BF5;
	p2 =	por !p2, p0  }
0x20: {  	[sflag:s8] =	ssyncset.s32 @!p0 $0xFFFFF086;
	s6 =	sadd.s32 @!p0 s3, s7;
	s7 =	simm.s32 @!p0 $0x108  }
0x21: {  	s3 =	sadd.s32 s3, s9;
	s6 =	sadd.s32 @!p0 $0x88, s6;
	s7 =	simm.s32 @p2 $0x1082  }
0x22: {  	[simem:s7], [sflag:s8] =	dma.local @!p0 [hbm:s6], $0xF7A  }
0x23: {  	s9 =	sor.u32 $0xD0000000, s2;
	s6 =	simm.s32 $0x108;
	_ =	swait.ge @!p0 [sflag:s8], $0x0  }
0x24: {  	s3 =	sadd.s32 $0x88, s3;
	s6 =	simm.s32 @!p1 $0x1082;
	[sflag:s4] =	ssyncset.s32 $0xFFFFF086  }
0x25: {  	[simem:s6], [sflag:s4] =	dma.local [hbm:s3], $0xF7A  }
0x26: {  	[smem:$0x3F9E] =	sst s1;
	(tag) =	ssettag s2;
	_ =	strace s9  }
0x27: {  	s1 =	sld [smem:$0x3FAE]  }
0x28: {  	s2 =	sld [smem:$0x3FAF]  }
0x29: {  	s4 =	sld [smem:$0x3FB1]  }
0x2a: {  	p0 =	seq.s32 s5, $0x0;
	s5 =	sld [smem:$0x3FB2]  }
0x2b: {  	s6 =	sld [smem:$0x3FB3]  }
0x2c: {  	s7 =	sld [smem:$0x3FB4]  }
0x2d: {  	s3 =	simm.s32 $0x108;
	s8 =	sld [smem:$0x3FB5]  }
0x2e: {  	s3 =	simm.s32 @!p0 $0x1082;
	s9 =	sld [smem:$0x3FB6]  }
0x2f: {  	lr =	sadd.s32 s0, s3;
	s0 =	sld [smem:$0x3FAD]  }
0x30: {  	s3 =	sld [smem:$0x3FB0]  }
0x31: {  	[smem:$0x3FB9] =	sst s10  }
0x32: {  	s10 =	sld [smem:$0x3FB7];
	_ =	sdelay $0x3  }
0x33: {  	p0 =	seq.s32 s10, $0x1;
	s10 =	sld [smem:$0x3FB9];
	_ =	sdelay $0x3  }
0x34: {  	[smem:$0x3FB9] =	sst s10  }
0x35: {  	s10 =	sld [smem:$0x3FB8];
	_ =	sdelay $0x3  }
0x36: {  	p1 =	seq.s32 s10, $0x1;
	s10 =	sld [smem:$0x3FB9];
	_ =	sdelay $0x3  }
0x37: {  	[smem:$0x3FB9] =	sst s10  }
0x38: {  	s10 =	sld [smem:$0x3FBA]  }
0x39: {  	_ = 	snop;
	(pc) =	sbr.ind lr, $3  }
0x3a: {  	_ = 	snop  }
0x3b: {  	_ = 	snop  }
0x3c: {  	p2 =	seq.s32 s10, $0x1;
	s10 =	sld [smem:$0x3FB9]  }
0x3d: {  	_ =	shalt  }
0x3e: {  	_ =	shalt  }
0x3f: {  	_ =	shalt  }
0x40: {  	_ =	shalt  }
0x41: {  	_ =	shalt  }
0x42: {  	_ =	shalt  }
0x43: {  	_ =	shalt  }
0x44: {  	_ =	shalt  }
0x45: {  	_ =	shalt  }
0x46: {  	_ =	shalt  }
0x47: {  	_ =	shalt  }
0x48: {  	_ =	shalt  }
0x49: {  	_ =	shalt  }
0x4a: {  	_ =	shalt  }
0x4b: {  	_ =	shalt  }
0x4c: {  	_ =	shalt  }
0x4d: {  	_ =	shalt  }
0x4e: {  	_ =	shalt  }
0x4f: {  	_ =	shalt  }
0x50: {  	_ =	shalt  }
0x51: {  	_ =	shalt  }
0x52: {  	_ =	shalt  }
0x53: {  	_ =	shalt  }
0x54: {  	_ =	shalt  }
0x55: {  	_ =	shalt  }
0x56: {  	_ =	shalt  }
0x57: {  	_ =	shalt  }
0x58: {  	_ =	shalt  }
0x59: {  	_ =	shalt  }
0x5a: {  	_ =	shalt  }
0x5b: {  	_ =	shalt  }
0x5c: {  	_ =	shalt  }
0x5d: {  	_ =	shalt  }
0x5e: {  	_ =	shalt  }
0x5f: {  	_ =	shalt  }
0x60: {  	_ =	shalt  }
0x61: {  	_ =	shalt  }
0x62: {  	_ =	shalt  }
0x63: {  	_ =	shalt  }
0x64: {  	_ =	shalt  }
0x65: {  	_ =	shalt  }
0x66: {  	_ =	shalt  }
0x67: {  	_ =	shalt  }
0x68: {  	_ =	shalt  }
0x69: {  	_ =	shalt  }
0x6a: {  	_ =	shalt  }
0x6b: {  	_ =	shalt  }
0x6c: {  	_ =	shalt  }
0x6d: {  	_ =	shalt  }
0x6e: {  	_ =	shalt  }
0x6f: {  	_ =	shalt  }
0x70: {  	_ =	shalt  }
0x71: {  	_ =	shalt  }
0x72: {  	_ =	shalt  }
0x73: {  	_ =	shalt  }
0x74: {  	_ =	shalt  }
0x75: {  	_ =	shalt  }
0x76: {  	_ =	shalt  }
0x77: {  	_ =	shalt  }
0x78: {  	_ =	shalt  }
0x79: {  	_ =	shalt  }
0x7a: {  	_ =	shalt  }
0x7b: {  	_ =	shalt  }
0x7c: {  	_ =	shalt  }
0x7d: {  	_ =	shalt  }
0x7e: {  	_ =	shalt  }
0x7f: {  	_ =	shalt  }
0x80: {  	_ =	shalt  }
0x81: {  	_ =	shalt  }
0x82: {  	_ =	shalt  }
0x83: {  	_ =	shalt  }
0x84: {  	_ =	shalt  }
0x85: {  	_ =	shalt  }
0x86: {  	_ =	shalt  }
0x87: {  	_ =	shalt  }
.Lfunc_end0:
.L_simem_size_0:
called_computation_lowered:
.L_overlay_start_0:
0x88: {  	s2 =	sld [smem:$0x3FD9]  }
0x89: {  	s3 =	sld [smem:$0x3FFE];
	_ =	sdelay $0x1  }
0x8a: {  	s1 =	srdreg.scid  }
0x8b: {  	s0 =	sand.u32 $0x1, s1  }
0x8c: {  	s14 =	sshll.u32 s0, $0xA;
	s2 =	sadd.s32 s3, s2  }
0x8d: {  	s2 =	sadd.s32 s2, s14  }
0x8e: {  	[smem:$0x3FC5] =	sst s2  }
0x8f: {  	_ = 	snop  }
0x90: {  	s2 =	sld [smem:$0x3FD0];
	_ =	sdelay $0x2  }
0x91: {  	s15 =	simm.s32 $0xA;
	s4 =	simm.s32 $0x10  }
0x92: {  	[smem:s4], [sflag:s15] =	dma.local [hbm:s2], $0x1  }
0x93: {  	_ =	swait.eq [sflag:s15], $0x1  }
0x94: {  	[sflag:s15] =	ssyncset.done $0x0  }
0x95: {  	[sflag:s15] =	ssyncadd.s32 $0xFFFFFFFF  }
0x96: {  	s16 =	sld [smem:$0x10];
	(tm) =	ssettm $0x1  }
0x97: {  	s17 =	sld [smem:$0x3FFB];
	_ =	sdelay $0x3  }
0x98: {  	_ =	strace s17  }
0x99: {  	s3 =	sld [smem:$0x3FFC];
	_ =	sdelay $0x3  }
0x9a: {  	_ =	strace s3  }
0x9b: {  	s3 =	sld [smem:$0x3FFD];
	_ =	sdelay $0x3  }
0x9c: {  	_ =	strace s3  }
0x9d: {  	_ =	strace $0x8FFFFFFF  }
0x9e: {  	s18 =	sld [smem:$0x3FDB];
	_ =	sdelay $0x1  }
0x9f: {  	s19 =	simm.s32 $_scs_section_size  }
0xa0: {  	s5 =	simm.s32 $_size__tile_overlayer_lowered;
	s6 =	simm.s32 $_tile_overlayer_lowered  }
0xa1: {  	s22 =	simm.s32 $0x1BFF;
	s21 =	sshll.u32 s6, $0x1;
	s3 =	sadd.s32 s19, s18  }
0xa2: {  	s7 =	simm.s32 $0x0;
	s20 =	sshll.u32 s5, $0x1;
	s5 =	sadd.s32 s21, s3  }
0xa3: {  	[timem:s7], [sflag:s22] =	dma.local [hbm:s5], s20  }
0xa4: {  	_ =	swait.ge [sflag:s22], s20  }
0xa5: {  	s4 =	ssub.s32 $0x0, s20;
	[sflag:s22] =	ssyncset.done $0x0  }
0xa6: {  	[sflag:s22] =	ssyncadd.s32 s4;
	_ =	sdelay $0x1  }
0xa7: {  	s23 =	simm.s32 $0x1B8B  }
0xa8: {  	_ =	swait.ge [sflag:s23], $0x1  }
0xa9: {  	[sflag:s23] =	ssyncset.done $0x0  }
0xaa: {  	s25 =	simm.s32 $0x1B8E;
	s24 =	sld [smem:$0x3FFE];
	[sflag:s23] =	ssyncadd.s32 $0xFFFFFFFF  }
0xab: {  	s26 =	simm.s32 $execute0_lowered;
	[smem:$0x3FD2] =	sst s25  }
0xac: {  	s5 =	sshll.u32 s26, $0x1;
	_ =	strace $0x80000046;
	[dreg:$0x1] =	wrdreg $0xFFFFFFFF  }
0xad: {  	s28 =	simm.s32 $_size_execute0_lowered;
	s3 =	sadd.s32 s3, s5;
	[dreg:$0x0] =	wrdreg $0x0  }
0xae: {  	s5 =	sshll.u32 s28, $0x1;
	[dreg:$0x2] =	wrdreg s3  }
0xaf: {  	[dreg:$0x3] =	wrdreg s5  }
0xb0: {  	[dreg:$0x4] =	wrdreg $0xC0  }
0xb1: {  	_ =	task [dreg:s7], $0x5FFFF  }
0xb2: {  	[dreg:$0x1] =	wrdreg $0xFFFFFFFF  }
0xb3: {  	[dreg:$0x0] =	wrdreg $0x60  }
0xb4: {  	[dreg:$0x2] =	wrdreg s24  }
0xb5: {  	[dreg:$0x3] =	wrdreg s16  }
0xb6: {  	[dreg:$0x4] =	wrdreg $0x9  }
0xb7: {  	_ =	task.clear_ibuf [dreg:s7], $0x5FFFF;
	_ =	strace $0x90000046  }
0xb8: {  	s29 =	simm.s32 $0x9;
	_ =	strace $0x80000048  }
0xb9: {  	_ =	swait.ge [sflag:s29], $0x1  }
0xba: {  	[sflag:s29] =	ssyncadd.s32 $0xFFFFFFFF  }
0xbb: {  	_ =	strace $0x90000048  }
0xbc: {  	_ =	sfence  }
0xbd: {  	s30 =	sld [smem:$0x0];
	_ =	sdelay $0x2  }
0xbe: {  	s31 =	sshll.u32 s1, $0xD;
	s1 =	sshrl.u32 s1, $0x2  }
0xbf: {  	s3 =	sand.u32 $0x4000, s31;
	s1 =	sadd.s32 s1, s30  }
0xc0: {  	s0 =	sor.u32 s3, s0;
	s1 =	sshll.u32 s1, $0x11  }
0xc1: {  	s0 =	sor.u32 s1, s0  }
0xc2: {  	s0 =	sadd.s32 $0x8F2B, s0  }
0xc3: {  	[sflag:s0] =	ssyncadd.remote.s32 $0x1  }
0xc4: {  	_ =	sfence.sel $0xFFFF  }
0xc5: {  	[dreg:$0x0] =	wrdreg $0xFFFFFFFF;
	(pc) =	sbr.abs _section_cstart, $3  }
0xc6: {  	[dreg:$0x1] =	wrdreg $0xFFFFFFFF  }
0xc7: {  	_ =	task.clear_ibuf [dreg:s7], $0x2FFFF;
	_ =	strace $0x9FFFFFFF  }
0xc8: {  	(tm) =	ssettm $0x7FFFFFFF  }
0xc9: {  	_ =	shalt  }
tec
execute0_lowered:
.L_overlay_start_1:
0x0: {  	(tag) =	ssettag $0x1  }
0x1: {  	s4 =	srdreg.scid  }
0x2: {  	s7 =	stileid.u32;
	s4 =	sand.u32 $0x1, s4  }
0x3: {  	s7 =	sshll.u32 s7, $0xC;
	s6 =	ssub.s32 $0x2, s4;
	s4 =	sshll.u32 s4, $0xB  }
0x4: {  	s1 =	rddreg [dreg:$0x0];
	s4 =	sor.u32 s4, s7  }
0x5: {  	s2 =	rddreg [dreg:$0x1];
	s0 =	simm.s32 $0x0;
	s19 =	sor.u32 $0x100, s4  }
0x6: {  	[smem:$0x7FF] =	sst s0;
	s3 =	sadd.s32 $0x61C00, s1;
	s10 =	sadd.s32 s2, s19  }
0x7: {  	s5 =	sadd.s32 $0x71C00, s1;
	s20 =	sadd.s32 s3, s19;
	[dreg:$0x3] =	wrdreg s10  }
0x8: {  	s8 =	sadd.s32 $0x1C00, s1;
	s11 =	sadd.s32 s5, s19;
	[dreg:$0x4] =	wrdreg s20  }
0x9: {  	s21 =	sor.u32 $0x200, s4;
	s22 =	sadd.s32 s8, s19;
	[dreg:$0x5] =	wrdreg s11  }
0xa: {  	s23 =	sadd.s32 s2, s21;
	[dreg:$0x6] =	wrdreg s22  }
0xb: {  	s9 =	sshrl.u32 s6, $0x1;
	s24 =	sadd.s32 s3, s21;
	[dreg:$0x7] =	wrdreg s23  }
0xc: {  	s7 =	sadd.s32 $0x11C00, s1;
	s25 =	sadd.s32 s5, s21;
	[dreg:$0x8] =	wrdreg s24  }
0xd: {  	s6 =	ssub.s32 s6, s9;
	s12 =	sadd.s32 s8, s21;
	[dreg:$0x9] =	wrdreg s25  }
0xe: {  	s26 =	sor.u32 $0x300, s4;
	s9 =	sadd.s32 s7, s19;
	[dreg:$0xa] =	wrdreg s12  }
0xf: {  	s13 =	sadd.s32 s3, s26;
	[dreg:$0xb] =	wrdreg s9  }
0x10: {  	s14 =	sadd.s32 s5, s26;
	[dreg:$0xd] =	wrdreg s13  }
0x11: {  	s15 =	sadd.s32 s8, s26;
	[dreg:$0xe] =	wrdreg s14  }
0x12: {  	s16 =	sadd.s32 s7, s21;
	[dreg:$0xf] =	wrdreg s15  }
0x13: {  	s17 =	sor.u32 $0x400, s4;
	s18 =	sadd.s32 s7, s26;
	[dreg:$0x10] =	wrdreg s16  }
0x14: {  	s19 =	sadd.s32 s2, s17;
	[dreg:$0x11] =	wrdreg s18  }
0x15: {  	s21 =	sadd.s32 s5, s17;
	[dreg:$0x12] =	wrdreg s19  }
0x16: {  	s12 =	sadd.s32 s2, s26;
	[dreg:$0x14] =	wrdreg s21  }
0x17: {  	s20 =	sadd.s32 s3, s17;
	[dreg:$0xc] =	wrdreg s12  }
0x18: {  	s22 =	sadd.s32 s8, s17;
	[dreg:$0x13] =	wrdreg s20  }
0x19: {  	s9 =	sadd.s32 s7, s17;
	[dreg:$0x15] =	wrdreg s22  }
0x1a: {  	s13 =	sadd.s32 s3, s4;
	[dreg:$0x16] =	wrdreg s9  }
0x1b: {  	s14 =	sadd.s32 s5, s4;
	[dreg:$0x1d] =	wrdreg s13  }
0x1c: {  	s15 =	sadd.s32 s8, s4;
	[dreg:$0x1e] =	wrdreg s14  }
0x1d: {  	s23 =	sor.u32 $0x500, s4;
	s16 =	sadd.s32 s7, s4;
	[dreg:$0x1f] =	wrdreg s15  }
0x1e: {  	s28 =	simm.s32 $0x2;
	s24 =	sadd.s32 s2, s23;
	[smem:$0x7F3] =	sst s16  }
0x1f: {  	s29 =	simm.s32 $0x4;
	s25 =	sadd.s32 s3, s23;
	[dreg:$0x17] =	wrdreg s24  }
0x20: {  	s30 =	simm.s32 $0xC800;
	s26 =	sadd.s32 s5, s23;
	[dreg:$0x18] =	wrdreg s25  }
0x21: {  	s31 =	simm.s32 $0x5;
	s11 =	sadd.s32 s8, s23;
	[dreg:$0x19] =	wrdreg s26  }
0x22: {  	s17 =	sor.u32 $0x600, s4;
	s9 =	sadd.s32 s7, s23;
	[dreg:$0x1a] =	wrdreg s11  }
0x23: {  	s12 =	sadd.s32 s2, s4;
	s4 =	sor.u32 $0x700, s4;
	[dreg:$0x1b] =	wrdreg s9  }
0x24: {  	s18 =	sadd.s32 s2, s17;
	s19 =	sadd.s32 s3, s17;
	[dreg:$0x1c] =	wrdreg s12  }
0x25: {  	s21 =	sadd.s32 s5, s17;
	s23 =	sadd.s32 s8, s17;
	[smem:$0x7F4] =	sst s18  }
0x26: {  	s13 =	smax.u32 s6, $0x1;
	s14 =	simm.s32 $0x7;
	[smem:$0x7F6] =	sst s19  }
0x27: {  	s15 =	simm.s32 $0x800;
	s16 =	simm.s32 $0x1000;
	[smem:$0x7F8] =	sst s21  }
0x28: {  	s2 =	sadd.s32 s2, s4;
	s20 =	sadd.s32 s3, s4;
	[smem:$0x7FA] =	sst s23  }
0x29: {  	s22 =	sadd.s32 s5, s4;
	s24 =	sadd.s32 s8, s4;
	[smem:$0x7F5] =	sst s2  }
0x2a: {  	s25 =	sadd.s32 s7, s17;
	s26 =	sadd.s32 s7, s4;
	[smem:$0x7F7] =	sst s20  }
0x2b: {  	s12 =	sadd.s32 $0x81C00, s1;
	s17 =	simm.s32 $0x9000;
	[smem:$0x7F9] =	sst s22  }
0x2c: {  	s18 =	simm.s32 $0xA000;
	s19 =	simm.s32 $0xB000;
	[smem:$0x7FB] =	sst s24  }
0x2d: {  	s21 =	simm.s32 $0x9800;
	s23 =	simm.s32 $0xB800;
	[smem:$0x7FC] =	sst s25  }
0x2e: {  	s1 =	simm.s32 $0x6;
	[smem:$0x7FD] =	sst s26;
	s20 =	simm.s32 $0x5000  }
0x2f: {  	v0 =	vlaneseq.u32;
	s22 =	simm.s32 $0xA800;
	s24 =	simm.s32 $0x1;
	s25 =	simm.s32 $0x3  }
0x30: {  	v0 =	vmul.u32 $0x8, v0;
	s26 =	simm.s32 $0xC000;
	s2 =	simm.s32 $0x0;
	_ =	strace $0x80000047  }
.LBB2_1:
0x31: {  	s3 =	rddreg [dreg:$0x1c]  }
0x32: {  	[tilespmem:s0], [sflag:$0x7] =	stream.linear.gather [hbm4b:s3+s0], $0x800, $0x38;
	[tilespmem:$0xD000] =	vst v63  }
0x33: {  	_ =	swait.ge [sflag:s14], $0x800  }
0x34: {  	[sflag:s14] =	ssyncset.done $0x0  }
0x35: {  	[sflag:s14] =	ssyncadd.s32 $0xFFFFF800  }
0x36: {  	[tilespmem:s16], [sflag:$0x1] =	stream.indirect.gather [hbm4b:s12+s15], $0x8, s0, s15, $0xb8;
	[tilespmem:$0xD000] =	vst v63  }
0x37: {  	s10 =	rddreg [dreg:$0x1d]  }
0x38: {  	[tilespmem:s17], [sflag:$0x3] =	stream.linear.gather [hbm4b:s10+s0], $0x800, $0x38;
	[tilespmem:$0xD000] =	vst v63  }
0x39: {  	s11 =	rddreg [dreg:$0x1e]  }
0x3a: {  	[tilespmem:s18], [sflag:$0x3] =	stream.linear.gather [hbm4b:s11+s0], $0x800, $0x38;
	[tilespmem:$0xD000] =	vst v63  }
0x3b: {  	s4 =	rddreg [dreg:$0x1f]  }
0x3c: {  	[tilespmem:s19], [sflag:$0x3] =	stream.linear.gather [hbm4b:s4+s0], $0x800, $0x38;
	[tilespmem:$0xD000] =	vst v63  }
0x3d: {  	s5 =	rddreg [dreg:$0x3]  }
0x3e: {  	[tilespmem:s15], [sflag:$0x7] =	stream.linear.gather [hbm4b:s5+s0], $0x800, $0x38;
	[tilespmem:$0xD000] =	vst v63  }
0x3f: {  	_ =	swait.ge [sflag:s14], $0x800  }
0x40: {  	[sflag:s14] =	ssyncset.done $0x0  }
0x41: {  	[sflag:s14] =	ssyncadd.s32 $0xFFFFF800  }
0x42: {  	[tilespmem:s20], [sflag:$0x2] =	stream.indirect.gather [hbm4b:s12+s15], $0x8, s15, s15, $0xb8;
	[tilespmem:$0xD000] =	vst v63  }
0x43: {  	s6 =	rddreg [dreg:$0x4]  }
0x44: {  	[tilespmem:s21], [sflag:$0x4] =	stream.linear.gather [hbm4b:s6+s0], $0x800, $0x38;
	[tilespmem:$0xD000] =	vst v63  }
0x45: {  	s7 =	rddreg [dreg:$0x5]  }
0x46: {  	[tilespmem:s22], [sflag:$0x4] =	stream.linear.gather [hbm4b:s7+s0], $0x800, $0x38;
	[tilespmem:$0xD000] =	vst v63  }
0x47: {  	s8 =	rddreg [dreg:$0x6]  }
0x48: {  	[tilespmem:s23], [sflag:$0x4] =	stream.linear.gather [hbm4b:s8+s0], $0x800, $0x38;
	[tilespmem:$0xD000] =	vst v63  }
0x49: {  	_ =	swait.ge [sflag:s24], $0x4000  }
0x4a: {  	[sflag:s24] =	ssyncset.done $0x0  }
0x4b: {  	[sflag:s24] =	ssyncadd.s32 $0xFFFFC000  }
0x4c: {  	_ =	swait.ge [sflag:s25], $0x800  }
0x4d: {  	[sflag:s25] =	ssyncset.done $0x0  }
0x4e: {  	[sflag:s25] =	ssyncadd.s32 $0xFFFFF800  }
0x4f: {  	_ =	swait.ge [sflag:s25], $0x800  }
0x50: {  	[sflag:s25] =	ssyncset.done $0x0  }
0x51: {  	s9 =	simm.s32 $0x10;
	s4 =	simm.s32 $0x20;
	[sflag:s25] =	ssyncadd.s32 $0xFFFFF800  }
0x52: {  	v1 =	vmov s9;
	v2 =	vmov s4;
	_ =	swait.ge [sflag:s25], $0x800  }
0x53: {  	v1 =	vshll.u32 v1, $0x3;
	v2 =	vshll.u32 v2, $0x3;
	[sflag:s25] =	ssyncset.done $0x0  }
0x54: {  	v3 =	vor.u32 v0, v1;
	s10 =	simm.s32 $0xA020;
	v2 =	vor.u32 v0, v2;
	[sflag:s25] =	ssyncadd.s32 $0xFFFFF800  }
0x55: {  	v4 =	vor.u32 $0x2, v3;
	s11 =	simm.s32 $0xB020;
	v1 =	vld [tilespmem:s10+$0xFFFFFFE0]  }
0x56: {  	v5 =	vor.u32 $0x4, v3;
	v10 =	vld [tilespmem:s11+$0xFFFFFFE0]  }
0x57: {  	v11 =	vld [tilespmem:s10+$0xFFFFFFF0]  }
0x58: {  	v6 =	vor.u32 $0x7, v3;
	v7 =	vld [tilespmem:s11+$0xFFFFFFF0]  }
0x59: {  	v8 =	vor.u32 $0x3, v3;
	v9 =	vld.idx.msk [tilespmem:v2+s16+$0x0], $0xffff  }
0x5a: {  	v16 =	vmov s0;
	v12 =	vor.u32 $0x1, v3;
	v13 =	vld.idx.msk [tilespmem:v4+s16+$0x0], $0xffff  }
0x5b: {  	v16 =	vshll.u32 v16, $0x3;
	v15 =	vor.u32 $0x4, v2;
	v14 =	vld.idx.msk [tilespmem:v5+s16+$0x0], $0xffff  }
0x5c: {  	v17 =	vor.u32 $0x6, v2;
	v4 =	vor.u32 $0x6, v3;
	v5 =	vor.u32 $0x5, v3;
	v3 =	vld.idx.msk [tilespmem:v3+s16+$0x0], $0xffff  }
0x5d: {  	v16 =	vor.u32 v0, v16;
	v6 =	vld.idx.msk [tilespmem:v6+s16+$0x0], $0xffff  }
0x5e: {  	v8 =	vld.idx.msk [tilespmem:v8+s16+$0x0], $0xffff  }
0x5f: {  	v21 =	vor.u32 $0x6, v16;
	v12 =	vld.idx.msk [tilespmem:v12+s16+$0x0], $0xffff  }
0x60: {  	v23 =	vor.u32 $0x7, v2;
	v20 =	vld.idx.msk [tilespmem:v15+s16+$0x0], $0xffff  }
0x61: {  	v17 =	vld.idx.msk [tilespmem:v17+s16+$0x0], $0xffff  }
0x62: {  	v22 =	vld.idx.msk [tilespmem:v16+s16+$0x0], $0xffff  }
0x63: {  	v28 =	vor.u32 $0x1, v16;
	v24 =	vld [tilespmem:s11+$0x0]  }
0x64: {  	v25 =	vor.u32 $0x2, v2;
	v21 =	vld.idx.msk [tilespmem:v21+s16+$0x0], $0xffff  }
0x65: {  	v15 =	vor.u32 $0x2, v16;
	v23 =	vld.idx.msk [tilespmem:v23+s16+$0x0], $0xffff  }
0x66: {  	v31 =	vor.u32 $0x4, v16;
	v18 =	vld.idx.msk [tilespmem:v4+s16+$0x0], $0xffff  }
0x67: {  	v4 =	vor.u32 $0x1, v2;
	v19 =	vld.idx.msk [tilespmem:v5+s16+$0x0], $0xffff;
	v12 =	vsub.f32 v12, v3;
	v8 =	vsub.f32 v8, v13  }
0x68: {  	v28 =	vld.idx.msk [tilespmem:v28+s16+$0x0], $0xffff;
	v5 =	vor.u32 $0x3, v2  }
0x69: {  	v25 =	vld.idx.msk [tilespmem:v25+s16+$0x0], $0xffff;
	v2 =	vor.u32 $0x5, v2;
	v12 =	vmul.f32 v12, v7;
	v8 =	vmul.f32 v8, v7  }
0x6a: {  	v30 =	vor.u32 $0x7, v16;
	v29 =	vld.idx.msk [tilespmem:v15+s16+$0x0], $0xffff;
	v15 =	vor.u32 $0x3, v16;
	v16 =	vor.u32 $0x5, v16  }
0x6b: {  	s5 =	simm.s32 $0x30;
	v31 =	vld.idx.msk [tilespmem:v31+s16+$0x0], $0xffff;
	v12 =	vadd.f32 v12, v3;
	v8 =	vadd.f32 v8, v13  }
0x6c: {  	v26 =	vld.idx.msk [tilespmem:v4+s16+$0x0], $0xffff;
	v4 =	vmov s5;
	v32 =	vsub.f32 v6, v18;
	v19 =	vsub.f32 v19, v14  }
0x6d: {  	v28 =	vsub.f32 v28, v22;
	v27 =	vld.idx.msk [tilespmem:v5+s16+$0x0], $0xffff;
	v4 =	vshll.u32 v4, $0x3;
	v8 =	vsub.f32 v8, v12  }
0x6e: {  	v2 =	vld.idx.msk [tilespmem:v2+s16+$0x0], $0xffff;
	v4 =	vor.u32 v0, v4;
	v32 =	vmul.f32 v32, v7;
	v3 =	vmul.f32 v19, v7  }
0x6f: {  	v16 =	vld.idx.msk [tilespmem:v16+s16+$0x0], $0xffff;
	v5 =	vor.u32 $0x1, v4;
	v6 =	vor.u32 $0x3, v4;
	v33 =	vor.u32 $0x5, v4  }
0x70: {  	v7 =	vld.idx.msk [tilespmem:v15+s16+$0x0], $0xffff;
	v19 =	vor.u32 $0x6, v4;
	v60 =	vor.u32 $0x4, v4;
	v15 =	vadd.f32 v32, v18  }
0x71: {  	v8 =	vmul.f32 v8, v11;
	v61 =	vadd.f32 v3, v14;
	v13 =	vsub.f32 v26, v9;
	v26 =	vld.idx.msk [tilespmem:v30+s16+$0x0], $0xffff  }
0x72: {  	s6 =	simm.s32 $0x9020;
	v62 =	vld [tilespmem:s10+$0x0];
	v34 =	vor.u32 $0x7, v4;
	v3 =	vsub.f32 v23, v17;
	v18 =	vsub.f32 v27, v25  }
0x73: {  	v27 =	vsub.f32 v2, v20;
	v2 =	vld [tilespmem:s6+$0x10];
	v8 =	vadd.f32 v8, v12;
	v13 =	vmul.f32 v13, v24  }
0x74: {  	v14 =	vor.u32 $0x2, v4;
	v63 =	vsub.f32 v16, v31;
	v16 =	vld [tilespmem:s11+$0x10];
	v23 =	vsub.f32 v15, v61  }
0x75: {  	v35 =	vmul.f32 v3, v24;
	v3 =	vld [tilespmem:s6+$0xFFFFFFE0];
	v15 =	vadd.f32 v13, v9;
	v9 =	vmul.f32 v27, v24  }
0x76: {  	v33 =	vld.idx.msk [tilespmem:v33+s16+$0x0], $0xffff;
	v27 =	vsub.f32 v7, v29;
	v24 =	vmul.f32 v18, v24;
	v26 =	vsub.f32 v26, v21  }
0x77: {  	v12 =	vmul.f32 v28, v10;
	v13 =	vadd.f32 v35, v17;
	v17 =	vld.idx.msk [tilespmem:v60+s16+$0x0], $0xffff;
	v18 =	vadd.f32 v9, v20  }
0x78: {  	v19 =	vld.idx.msk [tilespmem:v19+s16+$0x0], $0xffff;
	v20 =	vmul.f32 v27, v10;
	v24 =	vadd.f32 v24, v25;
	v26 =	vmul.f32 v26, v10  }
0x79: {  	v7 =	vld [tilespmem:s10+$0x10];
	v9 =	vadd.f32 v12, v22;
	v12 =	vmul.f32 v23, v11;
	v13 =	vsub.f32 v13, v18  }
0x7a: {  	v11 =	vld.idx.msk [tilespmem:v34+s16+$0x0], $0xffff;
	v25 =	vmul.f32 v63, v10;
	v22 =	vadd.f32 v26, v21;
	v21 =	vsub.f32 v24, v15  }
0x7b: {  	s3 =	simm.s32 $0xC020;
	s4 =	simm.s32 $0x40;
	s7 =	simm.s32 $0xB060;
	v23 =	vadd.f32 v12, v61;
	v12 =	vld [tilespmem:s6+$0x0];
	v24 =	vadd.f32 v20, v29;
	v10 =	vmul.f32 v13, v62  }
0x7c: {  	s8 =	simm.s32 $0xC060;
	s5 =	simm.s32 $0x9060;
	v20 =	vld [tilespmem:s6+$0xFFFFFFF0];
	s6 =	simm.s32 $0xA060;
	v13 =	vadd.f32 v25, v31;
	v25 =	vsub.f32 v33, v17;
	v21 =	vmul.f32 v21, v62  }
.LBB2_2:
0x7d: {  	s9 =	sadd.s32 $0x10, s4;
	s10 =	sadd.s32 $0x20, s4;
	s11 =	sadd.s32 $0x30, s4;
	v24 =	vsub.f32 v24, v9;
	v23 =	vsub.f32 v23, v8;
	v14 =	vld.idx.msk [tilespmem:v14+s16+$0x0], $0xffff  }
0x7e: {  	p0 =	slt.u32 s4, $0x7C0;
	v26 =	vmov s9;
	v27 =	vmov s10;
	v22 =	vsub.f32 v22, v13;
	v6 =	vld.idx.msk [tilespmem:v6+s16+$0x0], $0xffff;
	s10 =	smov.u32 s4;
	s4 =	sadd.s32 $0x40, s4  }
0x7f: {  	v25 =	vmul.f32 v25, v16;
	s9 =	smov.u32 s5;
	v28 =	vld [tilespmem:s6+$0xFFFFFFE0];
	v26 =	vshll.u32 v26, $0x3;
	v27 =	vshll.u32 v27, $0x3  }
0x80: {  	v26 =	vor.u32 v0, v26;
	v27 =	vor.u32 v0, v27;
	v29 =	vld.idx.msk [tilespmem:v4+s16+$0x0], $0xffff;
	v4 =	vsub.f32 v11, v19  }
0x81: {  	v32 =	vadd.f32 v10, v18;
	v30 =	vor.u32 $0x1, v26;
	v31 =	vor.u32 $0x2, v26;
	v5 =	vld.idx.msk [tilespmem:v5+s16+$0x0], $0xffff  }
0x82: {  	v22 =	vmul.f32 v22, v1;
	v33 =	vor.u32 $0x4, v26;
	v34 =	vor.u32 $0x5, v26;
	v10 =	vld [tilespmem:s7+$0xFFFFFFE0]  }
0x83: {  	v35 =	vor.u32 $0x7, v26;
	v36 =	vor.u32 $0x1, v27;
	v37 =	vmul.f32 v4, v16;
	v11 =	vld [tilespmem:s6+$0xFFFFFFF0]  }
0x84: {  	v39 =	vor.u32 $0x3, v27;
	v40 =	vor.u32 $0x4, v27;
	v4 =	vsub.f32 v6, v14;
	v38 =	vld [tilespmem:s7+$0xFFFFFFF0]  }
0x85: {  	v15 =	vadd.f32 v21, v15;
	v41 =	vor.u32 $0x7, v27;
	v6 =	vor.u32 $0x3, v26;
	v18 =	vld.idx.msk [tilespmem:v27+s16+$0x0], $0xffff  }
0x86: {  	v17 =	vadd.f32 v25, v17;
	v42 =	vor.u32 $0x6, v27;
	v21 =	vld.idx.msk [tilespmem:v31+s16+$0x0], $0xffff;
	v31 =	vor.u32 $0x5, v27  }
0x87: {  	v27 =	vor.u32 $0x2, v27;
	v5 =	vsub.f32 v5, v29;
	v25 =	vld.idx.msk [tilespmem:v33+s16+$0x0], $0xffff;
	v33 =	vor.u32 $0x6, v26  }
0x88: {  	v43 =	vmov s11;
	v24 =	vmul.f32 v24, v1;
	v1 =	vmovc v28;
	v44 =	vmul.f32 v4, v16;
	v26 =	vld.idx.msk [tilespmem:v26+s16+$0x0], $0xffff  }
0x89: {  	v20 =	vmul.f32 v23, v20;
	v4 =	vmov s10;
	v28 =	vld.idx.msk [tilespmem:v35+s16+$0x0], $0xffff;
	v35 =	vshll.u32 v43, $0x3  }
0x8a: {  	v23 =	vshll.u32 v4, $0x3;
	v16 =	vmul.f32 v5, v16;
	v43 =	vld.idx.msk [tilespmem:v6+s16+$0x0], $0xffff;
	v4 =	vor.u32 v0, v35  }
0x8b: {  	v8 =	vadd.f32 v20, v8;
	v23 =	vor.u32 v0, v23;
	v30 =	vld.idx.msk [tilespmem:v30+s16+$0x0], $0xffff;
	v5 =	vor.u32 $0x1, v4  }
0x8c: {  	v19 =	vadd.f32 v37, v19;
	v20 =	vor.u32 $0x1, v23;
	v35 =	vor.u32 $0x2, v23;
	v33 =	vld.idx.msk [tilespmem:v33+s16+$0x0], $0xffff  }
0x8d: {  	v32 =	vsub.f32 v32, v15;
	v37 =	vor.u32 $0x4, v23;
	v45 =	vor.u32 $0x6, v23;
	v34 =	vld.idx.msk [tilespmem:v34+s16+$0x0], $0xffff  }
0x8e: {  	v14 =	vadd.f32 v44, v14;
	v46 =	vor.u32 $0x7, v23;
	v6 =	vor.u32 $0x3, v4;
	v40 =	vld.idx.msk [tilespmem:v40+s16+$0x0], $0xffff  }
0x8f: {  	v19 =	vsub.f32 v19, v17;
	v44 =	vor.u32 $0x5, v4;
	v47 =	vor.u32 $0x6, v4;
	v42 =	vld.idx.msk [tilespmem:v42+s16+$0x0], $0xffff  }
0x90: {  	v9 =	vadd.f32 v24, v9;
	v12 =	vmul.f32 v32, v12;
	v43 =	vsub.f32 v43, v21;
	v48 =	vld.idx.msk [tilespmem:v23+s16+$0x0], $0xffff  }
0x91: {  	v16 =	vadd.f32 v16, v29;
	v32 =	vor.u32 $0x4, v4;
	v24 =	vsub.f32 v30, v26;
	v30 =	vld [tilespmem:s7+$0x0]  }
0x92: {  	v13 =	vadd.f32 v22, v13;
	v29 =	vmul.f32 v43, v38;
	v28 =	vsub.f32 v28, v33;
	v36 =	vld.idx.msk [tilespmem:v36+s16+$0x0], $0xffff  }
0x93: {  	v14 =	vsub.f32 v14, v16;
	v22 =	vmul.f32 v24, v38;
	v24 =	vsub.f32 v34, v25;
	v34 =	vld.idx.msk [tilespmem:v39+s16+$0x0], $0xffff  }
0x94: {  	v19 =	vmul.f32 v19, v7;
	v28 =	vmul.f32 v28, v38;
	v39 =	vor.u32 $0x7, v4;
	v35 =	vld.idx.msk [tilespmem:v35+s16+$0x0], $0xffff  }
0x95: {  	v7 =	vmul.f32 v14, v7;
	v43 =	vor.u32 $0x3, v23;
	v22 =	vadd.f32 v22, v26;
	v45 =	vld.idx.msk [tilespmem:v45+s16+$0x0], $0xffff  }
0x96: {  	v17 =	vadd.f32 v19, v17;
	v14 =	vor.u32 $0x2, v4;
	v21 =	vadd.f32 v29, v21;
	v26 =	vld.idx.msk [tilespmem:v41+s16+$0x0], $0xffff  }
0x97: {  	v13 =	vsub.f32 v13, v9;
	v19 =	vor.u32 $0x5, v23;
	v7 =	vadd.f32 v7, v16;
	v23 =	vld.idx.msk [tilespmem:v27+s16+$0x0], $0xffff  }
0x98: {  	v12 =	vadd.f32 v12, v15;
	v16 =	vmul.f32 v24, v38;
	v27 =	vsub.f32 v36, v18;
	v24 =	vld.idx.msk [tilespmem:v31+s16+$0x0], $0xffff  }
0x99: {  	v3 =	vmul.f32 v13, v3;
	v15 =	vld.idx.msk [tilespmem:v20+s16+$0x0], $0xffff;
	v20 =	vadd.f32 v28, v33;
	[tilespmem:s3+$0xFFFFFFF0] =	vst v8  }
0x9a: {  	v17 =	vsub.f32 v17, v7;
	v13 =	vadd.f32 v16, v25;
	v16 =	vmul.f32 v27, v30;
	v8 =	vld.idx.msk [tilespmem:v43+s16+$0x0], $0xffff  }
0x9b: {  	v3 =	vadd.f32 v3, v9;
	v21 =	vsub.f32 v21, v22;
	v25 =	vld.idx.msk [tilespmem:v46+s16+$0x0], $0xffff;
	[tilespmem:s3+$0x0] =	vst v12  }
0x9c: {  	v2 =	vmul.f32 v17, v2;
	v12 =	vsub.f32 v20, v13;
	v9 =	vsub.f32 v26, v42;
	v27 =	vld.idx.msk [tilespmem:v37+s16+$0x0], $0xffff  }
0x9d: {  	v17 =	vmul.f32 v21, v11;
	v20 =	vsub.f32 v34, v23;
	v19 =	vld.idx.msk [tilespmem:v19+s16+$0x0], $0xffff;
	[tilespmem:s3+$0xFFFFFFE0] =	vst v3  }
0x9e: {  	v7 =	vadd.f32 v2, v7;
	v21 =	vsub.f32 v24, v40;
	v9 =	vmul.f32 v9, v30;
	v26 =	vld.idx.msk [tilespmem:v44+s16+$0x0], $0xffff  }
0x9f: {  	v24 =	vsub.f32 v15, v48;
	v20 =	vmul.f32 v20, v30;
	v2 =	vld [tilespmem:s5+$0x10]  }
0xa0: {  	v15 =	vadd.f32 v16, v18;
	v16 =	vmul.f32 v21, v30;
	v21 =	vadd.f32 v9, v42;
	v3 =	vld [tilespmem:s5+$0xFFFFFFE0];
	[tilespmem:s3+$0x10] =	vst v7;
	s3 =	smov.u32 s8  }
0xa1: {  	v9 =	vsub.f32 v8, v35;
	v28 =	vld [tilespmem:s6+$0x0]  }
0xa2: {  	v8 =	vadd.f32 v17, v22;
	v25 =	vsub.f32 v25, v45;
	v17 =	vld.idx.msk [tilespmem:v32+s16+$0x0], $0xffff  }
0xa3: {  	v22 =	vmul.f32 v24, v10;
	v18 =	vadd.f32 v16, v40;
	v19 =	vsub.f32 v19, v27;
	v7 =	vld [tilespmem:s6+$0x10]  }
.Ltmp0:
0xa4: {  	v20 =	vadd.f32 v20, v23;
	v24 =	vmul.f32 v9, v10;
	v25 =	vmul.f32 v25, v10;
	v16 =	vld [tilespmem:s7+$0x10];
	(pc) =	sbr.rel @p0 .LBB2_2-.Ltmp0, $4  }
0xa5: {  	v12 =	vmul.f32 v12, v11;
	v9 =	vadd.f32 v22, v48;
	v21 =	vsub.f32 v21, v18;
	v11 =	vld.idx.msk [tilespmem:v39+s16+$0x0], $0xffff  }
0xa6: {  	v29 =	vmul.f32 v19, v10;
	v22 =	vadd.f32 v25, v45;
	v25 =	vsub.f32 v20, v15;
	v19 =	vld.idx.msk [tilespmem:v47+s16+$0x0], $0xffff  }
0xa7: {  	v23 =	vadd.f32 v12, v13;
	s5 =	sadd.s32 $0x40, s5;
	v24 =	vadd.f32 v24, v35;
	v10 =	vmul.f32 v21, v28;
	v12 =	vld [tilespmem:s9+$0x0]  }
0xa8: {  	s8 =	sadd.s32 $0x40, s8;
	s6 =	sadd.s32 $0x40, s6;
	s7 =	sadd.s32 $0x40, s7;
	v13 =	vadd.f32 v29, v27;
	v21 =	vmul.f32 v25, v28;
	v25 =	vsub.f32 v26, v17;
	v20 =	vld [tilespmem:s9+$0xFFFFFFF0]  }
0xa9: {  	_ =	sdelay $0x3  }
0xaa: {  	v14 =	vld.idx.msk [tilespmem:v14+s16+$0x0], $0xffff  }
0xab: {  	v6 =	vld.idx.msk [tilespmem:v6+s16+$0x0], $0xffff  }
0xac: {  	v4 =	vld.idx.msk [tilespmem:v4+s16+$0x0], $0xffff  }
0xad: {  	v5 =	vld.idx.msk [tilespmem:v5+s16+$0x0], $0xffff;
	_ =	sdelay $0x3  }
0xae: {  	v11 =	vsub.f32 v11, v19  }
0xaf: {  	v6 =	vsub.f32 v6, v14;
	v5 =	vsub.f32 v5, v4  }
0xb0: {  	v24 =	vsub.f32 v24, v9;
	v25 =	vmul.f32 v25, v16;
	v11 =	vmul.f32 v11, v16  }
0xb1: {  	v22 =	vsub.f32 v22, v13;
	v6 =	vmul.f32 v6, v16;
	v5 =	vmul.f32 v5, v16  }
0xb2: {  	v11 =	vadd.f32 v11, v19;
	v16 =	vadd.f32 v25, v17  }
0xb3: {  	v6 =	vadd.f32 v6, v14;
	v4 =	vadd.f32 v5, v4  }
0xb4: {  	v5 =	vadd.f32 v10, v18;
	v10 =	vadd.f32 v21, v15  }
0xb5: {  	v11 =	vsub.f32 v11, v16;
	v6 =	vsub.f32 v6, v4  }
0xb6: {  	v14 =	vsub.f32 v23, v8;
	v15 =	vmul.f32 v22, v1;
	v1 =	vmul.f32 v24, v1  }
0xb7: {  	v5 =	vsub.f32 v5, v10;
	v11 =	vmul.f32 v11, v7;
	v6 =	vmul.f32 v6, v7  }
0xb8: {  	v1 =	vadd.f32 v1, v9;
	v7 =	vadd.f32 v15, v13  }
0xb9: {  	v9 =	vadd.f32 v11, v16;
	v4 =	vadd.f32 v6, v4  }
0xba: {  	v5 =	vmul.f32 v5, v12;
	v7 =	vsub.f32 v7, v1  }
0xbb: {  	v6 =	vmul.f32 v14, v20;
	v9 =	vsub.f32 v9, v4  }
0xbc: {  	v5 =	vadd.f32 v5, v10;
	v3 =	vmul.f32 v7, v3  }
0xbd: {  	v6 =	vadd.f32 v6, v8;
	v2 =	vmul.f32 v9, v2  }
0xbe: {  	[tilespmem:s3+$0x0] =	vst v5;
	v1 =	vadd.f32 v3, v1  }
0xbf: {  	[tilespmem:s3+$0xFFFFFFF0] =	vst v6;
	v2 =	vadd.f32 v2, v4  }
0xc0: {  	[tilespmem:s3+$0xFFFFFFE0] =	vst v1  }
0xc1: {  	[tilespmem:s3+$0x10] =	vst v2  }
0xc2: {  	s3 =	sld [smem:$0x7F3];
	_ =	sdelay $0x1  }
0xc3: {  	s5 =	simm.s32 $0x0  }
0xc4: {  	[hbm4b:s3+s5] =	stream.linear.scatter [tilespmem:s26], [sflag:$0x5], $0x800, $0x38;
	[tilespmem:$0xD000] =	vst v63  }
0xc5: {  	s11 =	rddreg [dreg:$0x7]  }
0xc6: {  	[tilespmem:s5], [sflag:$0x7] =	stream.linear.gather [hbm4b:s11+s5], $0x800, $0x38;
	[tilespmem:$0xD000] =	vst v63  }
0xc7: {  	_ =	swait.ge [sflag:s14], $0x800  }
0xc8: {  	[sflag:s14] =	ssyncset.done $0x0  }
0xc9: {  	[sflag:s14] =	ssyncadd.s32 $0xFFFFF800  }
0xca: {  	[tilespmem:s16], [sflag:$0x1] =	stream.indirect.gather [hbm4b:s12+s15], $0x8, s5, s15, $0xb8;
	[tilespmem:$0xD000] =	vst v63  }
0xcb: {  	s4 =	rddreg [dreg:$0x8]  }
0xcc: {  	[tilespmem:s17], [sflag:$0x3] =	stream.linear.gather [hbm4b:s4+s5], $0x800, $0x38;
	[tilespmem:$0xD000] =	vst v63  }
0xcd: {  	s6 =	rddreg [dreg:$0x9]  }
0xce: {  	[tilespmem:s18], [sflag:$0x3] =	stream.linear.gather [hbm4b:s6+s5], $0x800, $0x38;
	[tilespmem:$0xD000] =	vst v63  }
0xcf: {  	s7 =	rddreg [dreg:$0xa]  }
0xd0: {  	[tilespmem:s19], [sflag:$0x3] =	stream.linear.gather [hbm4b:s7+s5], $0x800, $0x38;
	[tilespmem:$0xD000] =	vst v63  }
0xd1: {  	_ =	swait.ge [sflag:s28], $0x4000  }
0xd2: {  	[sflag:s28] =	ssyncset.done $0x0  }
0xd3: {  	[sflag:s28] =	ssyncadd.s32 $0xFFFFC000  }
0xd4: {  	_ =	swait.ge [sflag:s29], $0x800  }
0xd5: {  	[sflag:s29] =	ssyncset.done $0x0  }
0xd6: {  	[sflag:s29] =	ssyncadd.s32 $0xFFFFF800  }
0xd7: {  	_ =	swait.ge [sflag:s29], $0x800  }
0xd8: {  	[sflag:s29] =	ssyncset.done $0x0  }
0xd9: {  	s8 =	simm.s32 $0x10;
	s4 =	simm.s32 $0x20;
	[sflag:s29] =	ssyncadd.s32 $0xFFFFF800  }
0xda: {  	v1 =	vmov s8;
	v2 =	vmov s4;
	_ =	swait.ge [sflag:s29], $0x800  }
0xdb: {  	v1 =	vshll.u32 v1, $0x3;
	v2 =	vshll.u32 v2, $0x3;
	[sflag:s29] =	ssyncset.done $0x0  }
0xdc: {  	s9 =	simm.s32 $0xA820;
	v3 =	vor.u32 v0, v1;
	v2 =	vor.u32 v0, v2;
	[sflag:s29] =	ssyncadd.s32 $0xFFFFF800  }
0xdd: {  	s10 =	simm.s32 $0xB820;
	v4 =	vor.u32 $0x2, v3;
	v1 =	vld [tilespmem:s9+$0xFFFFFFE0]  }
0xde: {  	v5 =	vor.u32 $0x4, v3;
	v10 =	vld [tilespmem:s10+$0xFFFFFFE0]  }
0xdf: {  	v11 =	vld [tilespmem:s9+$0xFFFFFFF0]  }
0xe0: {  	v6 =	vor.u32 $0x7, v3;
	v7 =	vld [tilespmem:s10+$0xFFFFFFF0]  }
0xe1: {  	v8 =	vor.u32 $0x3, v3;
	v9 =	vld.idx.msk [tilespmem:v2+s20+$0x0], $0xffff  }
0xe2: {  	v16 =	vmov s5;
	v12 =	vor.u32 $0x1, v3;
	v13 =	vld.idx.msk [tilespmem:v4+s20+$0x0], $0xffff  }
0xe3: {  	v16 =	vshll.u32 v16, $0x3;
	v15 =	vor.u32 $0x4, v2;
	v14 =	vld.idx.msk [tilespmem:v5+s20+$0x0], $0xffff  }
0xe4: {  	v17 =	vor.u32 $0x6, v2;
	v4 =	vor.u32 $0x6, v3;
	v5 =	vor.u32 $0x5, v3;
	v3 =	vld.idx.msk [tilespmem:v3+s20+$0x0], $0xffff  }
0xe5: {  	v16 =	vor.u32 v0, v16;
	v6 =	vld.idx.msk [tilespmem:v6+s20+$0x0], $0xffff  }
0xe6: {  	v8 =	vld.idx.msk [tilespmem:v8+s20+$0x0], $0xffff  }
0xe7: {  	v21 =	vor.u32 $0x6, v16;
	v12 =	vld.idx.msk [tilespmem:v12+s20+$0x0], $0xffff  }
0xe8: {  	v23 =	vor.u32 $0x7, v2;
	v20 =	vld.idx.msk [tilespmem:v15+s20+$0x0], $0xffff  }
0xe9: {  	v17 =	vld.idx.msk [tilespmem:v17+s20+$0x0], $0xffff  }
0xea: {  	v22 =	vld.idx.msk [tilespmem:v16+s20+$0x0], $0xffff  }
0xeb: {  	v28 =	vor.u32 $0x1, v16;
	v24 =	vld [tilespmem:s10+$0x0]  }
0xec: {  	v25 =	vor.u32 $0x2, v2;
	v21 =	vld.idx.msk [tilespmem:v21+s20+$0x0], $0xffff  }
0xed: {  	v15 =	vor.u32 $0x2, v16;
	v23 =	vld.idx.msk [tilespmem:v23+s20+$0x0], $0xffff  }
0xee: {  	v31 =	vor.u32 $0x4, v16;
	v18 =	vld.idx.msk [tilespmem:v4+s20+$0x0], $0xffff  }
0xef: {  	v4 =	vor.u32 $0x1, v2;
	v19 =	vld.idx.msk [tilespmem:v5+s20+$0x0], $0xffff;
	v12 =	vsub.f32 v12, v3;
	v8 =	vsub.f32 v8, v13  }
0xf0: {  	v28 =	vld.idx.msk [tilespmem:v28+s20+$0x0], $0xffff;
	v5 =	vor.u32 $0x3, v2  }
0xf1: {  	v25 =	vld.idx.msk [tilespmem:v25+s20+$0x0], $0xffff;
	v2 =	vor.u32 $0x5, v2;
	v12 =	vmul.f32 v12, v7;
	v8 =	vmul.f32 v8, v7  }
0xf2: {  	v30 =	vor.u32 $0x7, v16;
	v29 =	vld.idx.msk [tilespmem:v15+s20+$0x0], $0xffff;
	v15 =	vor.u32 $0x3, v16;
	v16 =	vor.u32 $0x5, v16  }
0xf3: {  	s11 =	simm.s32 $0x30;
	v31 =	vld.idx.msk [tilespmem:v31+s20+$0x0], $0xffff;
	v12 =	vadd.f32 v12, v3;
	v8 =	vadd.f32 v8, v13  }
0xf4: {  	v26 =	vld.idx.msk [tilespmem:v4+s20+$0x0], $0xffff;
	v4 =	vmov s11;
	v32 =	vsub.f32 v6, v18;
	v19 =	vsub.f32 v19, v14  }
0xf5: {  	v28 =	vsub.f32 v28, v22;
	v27 =	vld.idx.msk [tilespmem:v5+s20+$0x0], $0xffff;
	v4 =	vshll.u32 v4, $0x3;
	v8 =	vsub.f32 v8, v12  }
0xf6: {  	v2 =	vld.idx.msk [tilespmem:v2+s20+$0x0], $0xffff;
	v4 =	vor.u32 v0, v4;
	v32 =	vmul.f32 v32, v7;
	v3 =	vmul.f32 v19, v7  }
0xf7: {  	v16 =	vld.idx.msk [tilespmem:v16+s20+$0x0], $0xffff;
	v5 =	vor.u32 $0x1, v4;
	v6 =	vor.u32 $0x3, v4;
	v33 =	vor.u32 $0x5, v4  }
0xf8: {  	v7 =	vld.idx.msk [tilespmem:v15+s20+$0x0], $0xffff;
	v19 =	vor.u32 $0x6, v4;
	v60 =	vor.u32 $0x4, v4;
	v15 =	vadd.f32 v32, v18  }
0xf9: {  	v8 =	vmul.f32 v8, v11;
	v61 =	vadd.f32 v3, v14;
	v13 =	vsub.f32 v26, v9;
	v26 =	vld.idx.msk [tilespmem:v30+s20+$0x0], $0xffff  }
0xfa: {  	s6 =	simm.s32 $0x9820;
	v62 =	vld [tilespmem:s9+$0x0];
	v34 =	vor.u32 $0x7, v4;
	v3 =	vsub.f32 v23, v17;
	v18 =	vsub.f32 v27, v25  }
0xfb: {  	v27 =	vsub.f32 v2, v20;
	v2 =	vld [tilespmem:s6+$0x10];
	v8 =	vadd.f32 v8, v12;
	v13 =	vmul.f32 v13, v24  }
0xfc: {  	v14 =	vor.u32 $0x2, v4;
	v63 =	vsub.f32 v16, v31;
	v16 =	vld [tilespmem:s10+$0x10];
	v23 =	vsub.f32 v15, v61  }
0xfd: {  	v35 =	vmul.f32 v3, v24;
	v3 =	vld [tilespmem:s6+$0xFFFFFFE0];
	v15 =	vadd.f32 v13, v9;
	v9 =	vmul.f32 v27, v24  }
0xfe: {  	v33 =	vld.idx.msk [tilespmem:v33+s20+$0x0], $0xffff;
	v27 =	vsub.f32 v7, v29;
	v24 =	vmul.f32 v18, v24;
	v26 =	vsub.f32 v26, v21  }
0xff: {  	v12 =	vmul.f32 v28, v10;
	v13 =	vadd.f32 v35, v17;
	v17 =	vld.idx.msk [tilespmem:v60+s20+$0x0], $0xffff;
	v18 =	vadd.f32 v9, v20  }
0x100: {  	v19 =	vld.idx.msk [tilespmem:v19+s20+$0x0], $0xffff;
	v20 =	vmul.f32 v27, v10;
	v24 =	vadd.f32 v24, v25;
	v26 =	vmul.f32 v26, v10  }
0x101: {  	v7 =	vld [tilespmem:s9+$0x10];
	v9 =	vadd.f32 v12, v22;
	v12 =	vmul.f32 v23, v11;
	v13 =	vsub.f32 v13, v18  }
0x102: {  	v11 =	vld.idx.msk [tilespmem:v34+s20+$0x0], $0xffff;
	v25 =	vmul.f32 v63, v10;
	v22 =	vadd.f32 v26, v21;
	v21 =	vsub.f32 v24, v15  }
0x103: {  	s8 =	simm.s32 $0xC860;
	s3 =	simm.s32 $0xC820;
	s4 =	simm.s32 $0x40;
	v23 =	vadd.f32 v12, v61;
	v12 =	vld [tilespmem:s6+$0x0];
	v24 =	vadd.f32 v20, v29;
	v10 =	vmul.f32 v13, v62  }
0x104: {  	s5 =	simm.s32 $0x9860;
	s7 =	simm.s32 $0xB860;
	v20 =	vld [tilespmem:s6+$0xFFFFFFF0];
	s6 =	simm.s32 $0xA860;
	v13 =	vadd.f32 v25, v31;
	v25 =	vsub.f32 v33, v17;
	v21 =	vmul.f32 v21, v62  }
.LBB2_4:
0x105: {  	s9 =	sadd.s32 $0x10, s4;
	s10 =	sadd.s32 $0x20, s4;
	s11 =	sadd.s32 $0x30, s4;
	v24 =	vsub.f32 v24, v9;
	v23 =	vsub.f32 v23, v8;
	v14 =	vld.idx.msk [tilespmem:v14+s20+$0x0], $0xffff  }
0x106: {  	p0 =	slt.u32 s4, $0x7C0;
	v26 =	vmov s9;
	v27 =	vmov s10;
	v22 =	vsub.f32 v22, v13;
	v6 =	vld.idx.msk [tilespmem:v6+s20+$0x0], $0xffff;
	s10 =	smov.u32 s4;
	s4 =	sadd.s32 $0x40, s4  }
0x107: {  	v25 =	vmul.f32 v25, v16;
	s9 =	smov.u32 s5;
	v28 =	vld [tilespmem:s6+$0xFFFFFFE0];
	v26 =	vshll.u32 v26, $0x3;
	v27 =	vshll.u32 v27, $0x3  }
0x108: {  	v26 =	vor.u32 v0, v26;
	v27 =	vor.u32 v0, v27;
	v29 =	vld.idx.msk [tilespmem:v4+s20+$0x0], $0xffff;
	v4 =	vsub.f32 v11, v19  }
0x109: {  	v32 =	vadd.f32 v10, v18;
	v30 =	vor.u32 $0x1, v26;
	v31 =	vor.u32 $0x2, v26;
	v5 =	vld.idx.msk [tilespmem:v5+s20+$0x0], $0xffff  }
0x10a: {  	v22 =	vmul.f32 v22, v1;
	v33 =	vor.u32 $0x4, v26;
	v34 =	vor.u32 $0x5, v26;
	v10 =	vld [tilespmem:s7+$0xFFFFFFE0]  }
0x10b: {  	v35 =	vor.u32 $0x7, v26;
	v36 =	vor.u32 $0x1, v27;
	v37 =	vmul.f32 v4, v16;
	v11 =	vld [tilespmem:s6+$0xFFFFFFF0]  }
0x10c: {  	v39 =	vor.u32 $0x3, v27;
	v40 =	vor.u32 $0x4, v27;
	v4 =	vsub.f32 v6, v14;
	v38 =	vld [tilespmem:s7+$0xFFFFFFF0]  }
0x10d: {  	v15 =	vadd.f32 v21, v15;
	v41 =	vor.u32 $0x7, v27;
	v6 =	vor.u32 $0x3, v26;
	v18 =	vld.idx.msk [tilespmem:v27+s20+$0x0], $0xffff  }
0x10e: {  	v17 =	vadd.f32 v25, v17;
	v42 =	vor.u32 $0x6, v27;
	v21 =	vld.idx.msk [tilespmem:v31+s20+$0x0], $0xffff;
	v31 =	vor.u32 $0x5, v27  }
0x10f: {  	v27 =	vor.u32 $0x2, v27;
	v5 =	vsub.f32 v5, v29;
	v25 =	vld.idx.msk [tilespmem:v33+s20+$0x0], $0xffff;
	v33 =	vor.u32 $0x6, v26  }
0x110: {  	v43 =	vmov s11;
	v24 =	vmul.f32 v24, v1;
	v1 =	vmovc v28;
	v44 =	vmul.f32 v4, v16;
	v26 =	vld.idx.msk [tilespmem:v26+s20+$0x0], $0xffff  }
0x111: {  	v20 =	vmul.f32 v23, v20;
	v4 =	vmov s10;
	v28 =	vld.idx.msk [tilespmem:v35+s20+$0x0], $0xffff;
	v35 =	vshll.u32 v43, $0x3  }
0x112: {  	v23 =	vshll.u32 v4, $0x3;
	v16 =	vmul.f32 v5, v16;
	v43 =	vld.idx.msk [tilespmem:v6+s20+$0x0], $0xffff;
	v4 =	vor.u32 v0, v35  }
0x113: {  	v8 =	vadd.f32 v20, v8;
	v23 =	vor.u32 v0, v23;
	v30 =	vld.idx.msk [tilespmem:v30+s20+$0x0], $0xffff;
	v5 =	vor.u32 $0x1, v4  }
0x114: {  	v19 =	vadd.f32 v37, v19;
	v20 =	vor.u32 $0x1, v23;
	v35 =	vor.u32 $0x2, v23;
	v33 =	vld.idx.msk [tilespmem:v33+s20+$0x0], $0xffff  }
0x115: {  	v32 =	vsub.f32 v32, v15;
	v37 =	vor.u32 $0x4, v23;
	v45 =	vor.u32 $0x6, v23;
	v34 =	vld.idx.msk [tilespmem:v34+s20+$0x0], $0xffff  }
0x116: {  	v14 =	vadd.f32 v44, v14;
	v46 =	vor.u32 $0x7, v23;
	v6 =	vor.u32 $0x3, v4;
	v40 =	vld.idx.msk [tilespmem:v40+s20+$0x0], $0xffff  }
0x117: {  	v19 =	vsub.f32 v19, v17;
	v44 =	vor.u32 $0x5, v4;
	v47 =	vor.u32 $0x6, v4;
	v42 =	vld.idx.msk [tilespmem:v42+s20+$0x0], $0xffff  }
0x118: {  	v9 =	vadd.f32 v24, v9;
	v12 =	vmul.f32 v32, v12;
	v43 =	vsub.f32 v43, v21;
	v48 =	vld.idx.msk [tilespmem:v23+s20+$0x0], $0xffff  }
0x119: {  	v16 =	vadd.f32 v16, v29;
	v32 =	vor.u32 $0x4, v4;
	v24 =	vsub.f32 v30, v26;
	v30 =	vld [tilespmem:s7+$0x0]  }
0x11a: {  	v13 =	vadd.f32 v22, v13;
	v29 =	vmul.f32 v43, v38;
	v28 =	vsub.f32 v28, v33;
	v36 =	vld.idx.msk [tilespmem:v36+s20+$0x0], $0xffff  }
0x11b: {  	v14 =	vsub.f32 v14, v16;
	v22 =	vmul.f32 v24, v38;
	v24 =	vsub.f32 v34, v25;
	v34 =	vld.idx.msk [tilespmem:v39+s20+$0x0], $0xffff  }
0x11c: {  	v19 =	vmul.f32 v19, v7;
	v28 =	vmul.f32 v28, v38;
	v39 =	vor.u32 $0x7, v4;
	v35 =	vld.idx.msk [tilespmem:v35+s20+$0x0], $0xffff  }
0x11d: {  	v7 =	vmul.f32 v14, v7;
	v43 =	vor.u32 $0x3, v23;
	v22 =	vadd.f32 v22, v26;
	v45 =	vld.idx.msk [tilespmem:v45+s20+$0x0], $0xffff  }
0x11e: {  	v17 =	vadd.f32 v19, v17;
	v14 =	vor.u32 $0x2, v4;
	v21 =	vadd.f32 v29, v21;
	v26 =	vld.idx.msk [tilespmem:v41+s20+$0x0], $0xffff  }
0x11f: {  	v13 =	vsub.f32 v13, v9;
	v19 =	vor.u32 $0x5, v23;
	v7 =	vadd.f32 v7, v16;
	v23 =	vld.idx.msk [tilespmem:v27+s20+$0x0], $0xffff  }
0x120: {  	v12 =	vadd.f32 v12, v15;
	v16 =	vmul.f32 v24, v38;
	v27 =	vsub.f32 v36, v18;
	v24 =	vld.idx.msk [tilespmem:v31+s20+$0x0], $0xffff  }
0x121: {  	v3 =	vmul.f32 v13, v3;
	v15 =	vld.idx.msk [tilespmem:v20+s20+$0x0], $0xffff;
	v20 =	vadd.f32 v28, v33;
	[tilespmem:s3+$0xFFFFFFF0] =	vst v8  }
0x122: {  	v17 =	vsub.f32 v17, v7;
	v13 =	vadd.f32 v16, v25;
	v16 =	vmul.f32 v27, v30;
	v8 =	vld.idx.msk [tilespmem:v43+s20+$0x0], $0xffff  }
0x123: {  	v3 =	vadd.f32 v3, v9;
	v21 =	vsub.f32 v21, v22;
	v25 =	vld.idx.msk [tilespmem:v46+s20+$0x0], $0xffff;
	[tilespmem:s3+$0x0] =	vst v12  }
0x124: {  	v2 =	vmul.f32 v17, v2;
	v12 =	vsub.f32 v20, v13;
	v9 =	vsub.f32 v26, v42;
	v27 =	vld.idx.msk [tilespmem:v37+s20+$0x0], $0xffff  }
0x125: {  	v17 =	vmul.f32 v21, v11;
	v20 =	vsub.f32 v34, v23;
	v19 =	vld.idx.msk [tilespmem:v19+s20+$0x0], $0xffff;
	[tilespmem:s3+$0xFFFFFFE0] =	vst v3  }
0x126: {  	v7 =	vadd.f32 v2, v7;
	v21 =	vsub.f32 v24, v40;
	v9 =	vmul.f32 v9, v30;
	v26 =	vld.idx.msk [tilespmem:v44+s20+$0x0], $0xffff  }
0x127: {  	v24 =	vsub.f32 v15, v48;
	v20 =	vmul.f32 v20, v30;
	v2 =	vld [tilespmem:s5+$0x10]  }
0x128: {  	v15 =	vadd.f32 v16, v18;
	v16 =	vmul.f32 v21, v30;
	v21 =	vadd.f32 v9, v42;
	v3 =	vld [tilespmem:s5+$0xFFFFFFE0];
	[tilespmem:s3+$0x10] =	vst v7;
	s3 =	smov.u32 s8  }
0x129: {  	v9 =	vsub.f32 v8, v35;
	v28 =	vld [tilespmem:s6+$0x0]  }
0x12a: {  	v8 =	vadd.f32 v17, v22;
	v25 =	vsub.f32 v25, v45;
	v17 =	vld.idx.msk [tilespmem:v32+s20+$0x0], $0xffff  }
0x12b: {  	v22 =	vmul.f32 v24, v10;
	v18 =	vadd.f32 v16, v40;
	v19 =	vsub.f32 v19, v27;
	v7 =	vld [tilespmem:s6+$0x10]  }
.Ltmp1:
0x12c: {  	v20 =	vadd.f32 v20, v23;
	v24 =	vmul.f32 v9, v10;
	v25 =	vmul.f32 v25, v10;
	v16 =	vld [tilespmem:s7+$0x10];
	(pc) =	sbr.rel @p0 .LBB2_4-.Ltmp1, $4  }
0x12d: {  	v12 =	vmul.f32 v12, v11;
	v9 =	vadd.f32 v22, v48;
	v21 =	vsub.f32 v21, v18;
	v11 =	vld.idx.msk [tilespmem:v39+s20+$0x0], $0xffff  }
0x12e: {  	v29 =	vmul.f32 v19, v10;
	v22 =	vadd.f32 v25, v45;
	v25 =	vsub.f32 v20, v15;
	v19 =	vld.idx.msk [tilespmem:v47+s20+$0x0], $0xffff  }
0x12f: {  	v23 =	vadd.f32 v12, v13;
	s5 =	sadd.s32 $0x40, s5;
	v24 =	vadd.f32 v24, v35;
	v10 =	vmul.f32 v21, v28;
	v12 =	vld [tilespmem:s9+$0x0]  }
0x130: {  	s8 =	sadd.s32 $0x40, s8;
	s6 =	sadd.s32 $0x40, s6;
	s7 =	sadd.s32 $0x40, s7;
	v13 =	vadd.f32 v29, v27;
	v21 =	vmul.f32 v25, v28;
	v25 =	vsub.f32 v26, v17;
	v20 =	vld [tilespmem:s9+$0xFFFFFFF0]  }
0x131: {  	_ =	sdelay $0x3  }
0x132: {  	v14 =	vld.idx.msk [tilespmem:v14+s20+$0x0], $0xffff  }
0x133: {  	v6 =	vld.idx.msk [tilespmem:v6+s20+$0x0], $0xffff  }
0x134: {  	v4 =	vld.idx.msk [tilespmem:v4+s20+$0x0], $0xffff  }
0x135: {  	v5 =	vld.idx.msk [tilespmem:v5+s20+$0x0], $0xffff;
	_ =	sdelay $0x3  }
0x136: {  	v11 =	vsub.f32 v11, v19  }
0x137: {  	v6 =	vsub.f32 v6, v14;
	v5 =	vsub.f32 v5, v4  }
0x138: {  	v24 =	vsub.f32 v24, v9;
	v25 =	vmul.f32 v25, v16;
	v11 =	vmul.f32 v11, v16  }
0x139: {  	v22 =	vsub.f32 v22, v13;
	v6 =	vmul.f32 v6, v16;
	v5 =	vmul.f32 v5, v16  }
0x13a: {  	v11 =	vadd.f32 v11, v19;
	v16 =	vadd.f32 v25, v17  }
0x13b: {  	v6 =	vadd.f32 v6, v14;
	v4 =	vadd.f32 v5, v4  }
0x13c: {  	v5 =	vadd.f32 v10, v18;
	v10 =	vadd.f32 v21, v15  }
0x13d: {  	v11 =	vsub.f32 v11, v16;
	v6 =	vsub.f32 v6, v4  }
0x13e: {  	v14 =	vsub.f32 v23, v8;
	v15 =	vmul.f32 v22, v1;
	v1 =	vmul.f32 v24, v1  }
0x13f: {  	v5 =	vsub.f32 v5, v10;
	v11 =	vmul.f32 v11, v7;
	v6 =	vmul.f32 v6, v7  }
0x140: {  	v1 =	vadd.f32 v1, v9;
	v7 =	vadd.f32 v15, v13  }
0x141: {  	v9 =	vadd.f32 v11, v16;
	v4 =	vadd.f32 v6, v4  }
0x142: {  	v5 =	vmul.f32 v5, v12;
	v7 =	vsub.f32 v7, v1  }
0x143: {  	v6 =	vmul.f32 v14, v20;
	v9 =	vsub.f32 v9, v4  }
0x144: {  	v5 =	vadd.f32 v5, v10;
	v3 =	vmul.f32 v7, v3  }
0x145: {  	v6 =	vadd.f32 v6, v8;
	v2 =	vmul.f32 v9, v2  }
0x146: {  	[tilespmem:s3+$0x0] =	vst v5;
	v1 =	vadd.f32 v3, v1  }
0x147: {  	[tilespmem:s3+$0xFFFFFFF0] =	vst v6;
	v2 =	vadd.f32 v2, v4  }
0x148: {  	[tilespmem:s3+$0xFFFFFFE0] =	vst v1  }
0x149: {  	[tilespmem:s3+$0x10] =	vst v2  }
0x14a: {  	s5 =	simm.s32 $0x0;
	s3 =	rddreg [dreg:$0xb]  }
0x14b: {  	[hbm4b:s3+s5] =	stream.linear.scatter [tilespmem:s30], [sflag:$0x6], $0x800, $0x38;
	[tilespmem:$0xD000] =	vst v63  }
0x14c: {  	s11 =	rddreg [dreg:$0xc]  }
0x14d: {  	[tilespmem:s15], [sflag:$0x7] =	stream.linear.gather [hbm4b:s11+s5], $0x800, $0x38;
	[tilespmem:$0xD000] =	vst v63  }
0x14e: {  	_ =	swait.ge [sflag:s14], $0x800  }
0x14f: {  	[sflag:s14] =	ssyncset.done $0x0  }
0x150: {  	[sflag:s14] =	ssyncadd.s32 $0xFFFFF800  }
0x151: {  	[tilespmem:s20], [sflag:$0x2] =	stream.indirect.gather [hbm4b:s12+s15], $0x8, s15, s15, $0xb8;
	[tilespmem:$0xD000] =	vst v63  }
0x152: {  	s4 =	rddreg [dreg:$0xd]  }
0x153: {  	[tilespmem:s21], [sflag:$0x4] =	stream.linear.gather [hbm4b:s4+s5], $0x800, $0x38;
	[tilespmem:$0xD000] =	vst v63  }
0x154: {  	s6 =	rddreg [dreg:$0xe]  }
0x155: {  	[tilespmem:s22], [sflag:$0x4] =	stream.linear.gather [hbm4b:s6+s5], $0x800, $0x38;
	[tilespmem:$0xD000] =	vst v63  }
0x156: {  	s7 =	rddreg [dreg:$0xf]  }
0x157: {  	[tilespmem:s23], [sflag:$0x4] =	stream.linear.gather [hbm4b:s7+s5], $0x800, $0x38;
	[tilespmem:$0xD000] =	vst v63  }
0x158: {  	_ =	swait.ge [sflag:s24], $0x4000  }
0x159: {  	[sflag:s24] =	ssyncset.done $0x0  }
0x15a: {  	[sflag:s24] =	ssyncadd.s32 $0xFFFFC000  }
0x15b: {  	_ =	swait.ge [sflag:s25], $0x800  }
0x15c: {  	[sflag:s25] =	ssyncset.done $0x0  }
0x15d: {  	[sflag:s25] =	ssyncadd.s32 $0xFFFFF800  }
0x15e: {  	_ =	swait.ge [sflag:s25], $0x800  }
0x15f: {  	[sflag:s25] =	ssyncset.done $0x0  }
0x160: {  	[sflag:s25] =	ssyncadd.s32 $0xFFFFF800  }
0x161: {  	_ =	swait.ge [sflag:s25], $0x800  }
0x162: {  	[sflag:s25] =	ssyncset.done $0x0  }
0x163: {  	s8 =	simm.s32 $0x10;
	s4 =	simm.s32 $0x20;
	[sflag:s25] =	ssyncadd.s32 $0xFFFFF800  }
0x164: {  	v1 =	vmov s8;
	v2 =	vmov s4;
	_ =	swait.ge [sflag:s31], $0x800  }
0x165: {  	v1 =	vshll.u32 v1, $0x3;
	v2 =	vshll.u32 v2, $0x3;
	[sflag:s31] =	ssyncset.done $0x0  }
0x166: {  	s9 =	simm.s32 $0xA020;
	v3 =	vor.u32 v0, v1;
	v2 =	vor.u32 v0, v2;
	[sflag:s31] =	ssyncadd.s32 $0xFFFFF800  }
0x167: {  	s10 =	simm.s32 $0xB020;
	v4 =	vor.u32 $0x2, v3;
	v1 =	vld [tilespmem:s9+$0xFFFFFFE0]  }
0x168: {  	v5 =	vor.u32 $0x4, v3;
	v10 =	vld [tilespmem:s10+$0xFFFFFFE0]  }
0x169: {  	v11 =	vld [tilespmem:s9+$0xFFFFFFF0]  }
0x16a: {  	v6 =	vor.u32 $0x7, v3;
	v7 =	vld [tilespmem:s10+$0xFFFFFFF0]  }
0x16b: {  	v8 =	vor.u32 $0x3, v3;
	v9 =	vld.idx.msk [tilespmem:v2+s16+$0x0], $0xffff  }
0x16c: {  	v16 =	vmov s5;
	v12 =	vor.u32 $0x1, v3;
	v13 =	vld.idx.msk [tilespmem:v4+s16+$0x0], $0xffff  }
0x16d: {  	v16 =	vshll.u32 v16, $0x3;
	v15 =	vor.u32 $0x4, v2;
	v14 =	vld.idx.msk [tilespmem:v5+s16+$0x0], $0xffff  }
0x16e: {  	v17 =	vor.u32 $0x6, v2;
	v4 =	vor.u32 $0x6, v3;
	v5 =	vor.u32 $0x5, v3;
	v3 =	vld.idx.msk [tilespmem:v3+s16+$0x0], $0xffff  }
0x16f: {  	v16 =	vor.u32 v0, v16;
	v6 =	vld.idx.msk [tilespmem:v6+s16+$0x0], $0xffff  }
0x170: {  	v8 =	vld.idx.msk [tilespmem:v8+s16+$0x0], $0xffff  }
0x171: {  	v21 =	vor.u32 $0x6, v16;
	v12 =	vld.idx.msk [tilespmem:v12+s16+$0x0], $0xffff  }
0x172: {  	v23 =	vor.u32 $0x7, v2;
	v20 =	vld.idx.msk [tilespmem:v15+s16+$0x0], $0xffff  }
0x173: {  	v17 =	vld.idx.msk [tilespmem:v17+s16+$0x0], $0xffff  }
0x174: {  	v22 =	vld.idx.msk [tilespmem:v16+s16+$0x0], $0xffff  }
0x175: {  	v28 =	vor.u32 $0x1, v16;
	v24 =	vld [tilespmem:s10+$0x0]  }
0x176: {  	v25 =	vor.u32 $0x2, v2;
	v21 =	vld.idx.msk [tilespmem:v21+s16+$0x0], $0xffff  }
0x177: {  	v15 =	vor.u32 $0x2, v16;
	v23 =	vld.idx.msk [tilespmem:v23+s16+$0x0], $0xffff  }
0x178: {  	v31 =	vor.u32 $0x4, v16;
	v18 =	vld.idx.msk [tilespmem:v4+s16+$0x0], $0xffff  }
0x179: {  	v4 =	vor.u32 $0x1, v2;
	v19 =	vld.idx.msk [tilespmem:v5+s16+$0x0], $0xffff;
	v12 =	vsub.f32 v12, v3;
	v8 =	vsub.f32 v8, v13  }
0x17a: {  	v28 =	vld.idx.msk [tilespmem:v28+s16+$0x0], $0xffff;
	v5 =	vor.u32 $0x3, v2  }
0x17b: {  	v25 =	vld.idx.msk [tilespmem:v25+s16+$0x0], $0xffff;
	v2 =	vor.u32 $0x5, v2;
	v12 =	vmul.f32 v12, v7;
	v8 =	vmul.f32 v8, v7  }
0x17c: {  	v30 =	vor.u32 $0x7, v16;
	v29 =	vld.idx.msk [tilespmem:v15+s16+$0x0], $0xffff;
	v15 =	vor.u32 $0x3, v16;
	v16 =	vor.u32 $0x5, v16  }
0x17d: {  	s11 =	simm.s32 $0x30;
	v31 =	vld.idx.msk [tilespmem:v31+s16+$0x0], $0xffff;
	v12 =	vadd.f32 v12, v3;
	v8 =	vadd.f32 v8, v13  }
0x17e: {  	v26 =	vld.idx.msk [tilespmem:v4+s16+$0x0], $0xffff;
	v4 =	vmov s11;
	v32 =	vsub.f32 v6, v18;
	v19 =	vsub.f32 v19, v14  }
0x17f: {  	v28 =	vsub.f32 v28, v22;
	v27 =	vld.idx.msk [tilespmem:v5+s16+$0x0], $0xffff;
	v4 =	vshll.u32 v4, $0x3;
	v8 =	vsub.f32 v8, v12  }
0x180: {  	v2 =	vld.idx.msk [tilespmem:v2+s16+$0x0], $0xffff;
	v4 =	vor.u32 v0, v4;
	v32 =	vmul.f32 v32, v7;
	v3 =	vmul.f32 v19, v7  }
0x181: {  	v16 =	vld.idx.msk [tilespmem:v16+s16+$0x0], $0xffff;
	v5 =	vor.u32 $0x1, v4;
	v6 =	vor.u32 $0x3, v4;
	v33 =	vor.u32 $0x5, v4  }
0x182: {  	v7 =	vld.idx.msk [tilespmem:v15+s16+$0x0], $0xffff;
	v19 =	vor.u32 $0x6, v4;
	v60 =	vor.u32 $0x4, v4;
	v15 =	vadd.f32 v32, v18  }
0x183: {  	v8 =	vmul.f32 v8, v11;
	v61 =	vadd.f32 v3, v14;
	v13 =	vsub.f32 v26, v9;
	v26 =	vld.idx.msk [tilespmem:v30+s16+$0x0], $0xffff  }
0x184: {  	s6 =	simm.s32 $0x9020;
	v62 =	vld [tilespmem:s9+$0x0];
	v34 =	vor.u32 $0x7, v4;
	v3 =	vsub.f32 v23, v17;
	v18 =	vsub.f32 v27, v25  }
0x185: {  	v27 =	vsub.f32 v2, v20;
	v2 =	vld [tilespmem:s6+$0x10];
	v8 =	vadd.f32 v8, v12;
	v13 =	vmul.f32 v13, v24  }
0x186: {  	v14 =	vor.u32 $0x2, v4;
	v63 =	vsub.f32 v16, v31;
	v16 =	vld [tilespmem:s10+$0x10];
	v23 =	vsub.f32 v15, v61  }
0x187: {  	v35 =	vmul.f32 v3, v24;
	v3 =	vld [tilespmem:s6+$0xFFFFFFE0];
	v15 =	vadd.f32 v13, v9;
	v9 =	vmul.f32 v27, v24  }
0x188: {  	v33 =	vld.idx.msk [tilespmem:v33+s16+$0x0], $0xffff;
	v27 =	vsub.f32 v7, v29;
	v24 =	vmul.f32 v18, v24;
	v26 =	vsub.f32 v26, v21  }
0x189: {  	v12 =	vmul.f32 v28, v10;
	v13 =	vadd.f32 v35, v17;
	v17 =	vld.idx.msk [tilespmem:v60+s16+$0x0], $0xffff;
	v18 =	vadd.f32 v9, v20  }
0x18a: {  	v19 =	vld.idx.msk [tilespmem:v19+s16+$0x0], $0xffff;
	v20 =	vmul.f32 v27, v10;
	v24 =	vadd.f32 v24, v25;
	v26 =	vmul.f32 v26, v10  }
0x18b: {  	v7 =	vld [tilespmem:s9+$0x10];
	v9 =	vadd.f32 v12, v22;
	v12 =	vmul.f32 v23, v11;
	v13 =	vsub.f32 v13, v18  }
0x18c: {  	v11 =	vld.idx.msk [tilespmem:v34+s16+$0x0], $0xffff;
	v25 =	vmul.f32 v63, v10;
	v22 =	vadd.f32 v26, v21;
	v21 =	vsub.f32 v24, v15  }
0x18d: {  	s8 =	simm.s32 $0xC060;
	s3 =	simm.s32 $0xC020;
	s4 =	simm.s32 $0x40;
	v23 =	vadd.f32 v12, v61;
	v12 =	vld [tilespmem:s6+$0x0];
	v24 =	vadd.f32 v20, v29;
	v10 =	vmul.f32 v13, v62  }
0x18e: {  	s5 =	simm.s32 $0x9060;
	s7 =	simm.s32 $0xB060;
	v20 =	vld [tilespmem:s6+$0xFFFFFFF0];
	s6 =	simm.s32 $0xA060;
	v13 =	vadd.f32 v25, v31;
	v25 =	vsub.f32 v33, v17;
	v21 =	vmul.f32 v21, v62  }
.LBB2_6:
0x18f: {  	s9 =	sadd.s32 $0x10, s4;
	s10 =	sadd.s32 $0x20, s4;
	s11 =	sadd.s32 $0x30, s4;
	v24 =	vsub.f32 v24, v9;
	v23 =	vsub.f32 v23, v8;
	v14 =	vld.idx.msk [tilespmem:v14+s16+$0x0], $0xffff  }
0x190: {  	p0 =	slt.u32 s4, $0x7C0;
	v26 =	vmov s9;
	v27 =	vmov s10;
	v22 =	vsub.f32 v22, v13;
	v6 =	vld.idx.msk [tilespmem:v6+s16+$0x0], $0xffff;
	s10 =	smov.u32 s4;
	s4 =	sadd.s32 $0x40, s4  }
0x191: {  	v25 =	vmul.f32 v25, v16;
	s9 =	smov.u32 s5;
	v28 =	vld [tilespmem:s6+$0xFFFFFFE0];
	v26 =	vshll.u32 v26, $0x3;
	v27 =	vshll.u32 v27, $0x3  }
0x192: {  	v26 =	vor.u32 v0, v26;
	v27 =	vor.u32 v0, v27;
	v29 =	vld.idx.msk [tilespmem:v4+s16+$0x0], $0xffff;
	v4 =	vsub.f32 v11, v19  }
0x193: {  	v32 =	vadd.f32 v10, v18;
	v30 =	vor.u32 $0x1, v26;
	v31 =	vor.u32 $0x2, v26;
	v5 =	vld.idx.msk [tilespmem:v5+s16+$0x0], $0xffff  }
0x194: {  	v22 =	vmul.f32 v22, v1;
	v33 =	vor.u32 $0x4, v26;
	v34 =	vor.u32 $0x5, v26;
	v10 =	vld [tilespmem:s7+$0xFFFFFFE0]  }
0x195: {  	v35 =	vor.u32 $0x7, v26;
	v36 =	vor.u32 $0x1, v27;
	v37 =	vmul.f32 v4, v16;
	v11 =	vld [tilespmem:s6+$0xFFFFFFF0]  }
0x196: {  	v39 =	vor.u32 $0x3, v27;
	v40 =	vor.u32 $0x4, v27;
	v4 =	vsub.f32 v6, v14;
	v38 =	vld [tilespmem:s7+$0xFFFFFFF0]  }
0x197: {  	v15 =	vadd.f32 v21, v15;
	v41 =	vor.u32 $0x7, v27;
	v6 =	vor.u32 $0x3, v26;
	v18 =	vld.idx.msk [tilespmem:v27+s16+$0x0], $0xffff  }
0x198: {  	v17 =	vadd.f32 v25, v17;
	v42 =	vor.u32 $0x6, v27;
	v21 =	vld.idx.msk [tilespmem:v31+s16+$0x0], $0xffff;
	v31 =	vor.u32 $0x5, v27  }
0x199: {  	v27 =	vor.u32 $0x2, v27;
	v5 =	vsub.f32 v5, v29;
	v25 =	vld.idx.msk [tilespmem:v33+s16+$0x0], $0xffff;
	v33 =	vor.u32 $0x6, v26  }
0x19a: {  	v43 =	vmov s11;
	v24 =	vmul.f32 v24, v1;
	v1 =	vmovc v28;
	v44 =	vmul.f32 v4, v16;
	v26 =	vld.idx.msk [tilespmem:v26+s16+$0x0], $0xffff  }
0x19b: {  	v20 =	vmul.f32 v23, v20;
	v4 =	vmov s10;
	v28 =	vld.idx.msk [tilespmem:v35+s16+$0x0], $0xffff;
	v35 =	vshll.u32 v43, $0x3  }
0x19c: {  	v23 =	vshll.u32 v4, $0x3;
	v16 =	vmul.f32 v5, v16;
	v43 =	vld.idx.msk [tilespmem:v6+s16+$0x0], $0xffff;
	v4 =	vor.u32 v0, v35  }
0x19d: {  	v8 =	vadd.f32 v20, v8;
	v23 =	vor.u32 v0, v23;
	v30 =	vld.idx.msk [tilespmem:v30+s16+$0x0], $0xffff;
	v5 =	vor.u32 $0x1, v4  }
0x19e: {  	v19 =	vadd.f32 v37, v19;
	v20 =	vor.u32 $0x1, v23;
	v35 =	vor.u32 $0x2, v23;
	v33 =	vld.idx.msk [tilespmem:v33+s16+$0x0], $0xffff  }
0x19f: {  	v32 =	vsub.f32 v32, v15;
	v37 =	vor.u32 $0x4, v23;
	v45 =	vor.u32 $0x6, v23;
	v34 =	vld.idx.msk [tilespmem:v34+s16+$0x0], $0xffff  }
0x1a0: {  	v14 =	vadd.f32 v44, v14;
	v46 =	vor.u32 $0x7, v23;
	v6 =	vor.u32 $0x3, v4;
	v40 =	vld.idx.msk [tilespmem:v40+s16+$0x0], $0xffff  }
0x1a1: {  	v19 =	vsub.f32 v19, v17;
	v44 =	vor.u32 $0x5, v4;
	v47 =	vor.u32 $0x6, v4;
	v42 =	vld.idx.msk [tilespmem:v42+s16+$0x0], $0xffff  }
0x1a2: {  	v9 =	vadd.f32 v24, v9;
	v12 =	vmul.f32 v32, v12;
	v43 =	vsub.f32 v43, v21;
	v48 =	vld.idx.msk [tilespmem:v23+s16+$0x0], $0xffff  }
0x1a3: {  	v16 =	vadd.f32 v16, v29;
	v32 =	vor.u32 $0x4, v4;
	v24 =	vsub.f32 v30, v26;
	v30 =	vld [tilespmem:s7+$0x0]  }
0x1a4: {  	v13 =	vadd.f32 v22, v13;
	v29 =	vmul.f32 v43, v38;
	v28 =	vsub.f32 v28, v33;
	v36 =	vld.idx.msk [tilespmem:v36+s16+$0x0], $0xffff  }
0x1a5: {  	v14 =	vsub.f32 v14, v16;
	v22 =	vmul.f32 v24, v38;
	v24 =	vsub.f32 v34, v25;
	v34 =	vld.idx.msk [tilespmem:v39+s16+$0x0], $0xffff  }
0x1a6: {  	v19 =	vmul.f32 v19, v7;
	v28 =	vmul.f32 v28, v38;
	v39 =	vor.u32 $0x7, v4;
	v35 =	vld.idx.msk [tilespmem:v35+s16+$0x0], $0xffff  }
0x1a7: {  	v7 =	vmul.f32 v14, v7;
	v43 =	vor.u32 $0x3, v23;
	v22 =	vadd.f32 v22, v26;
	v45 =	vld.idx.msk [tilespmem:v45+s16+$0x0], $0xffff  }
0x1a8: {  	v17 =	vadd.f32 v19, v17;
	v14 =	vor.u32 $0x2, v4;
	v21 =	vadd.f32 v29, v21;
	v26 =	vld.idx.msk [tilespmem:v41+s16+$0x0], $0xffff  }
0x1a9: {  	v13 =	vsub.f32 v13, v9;
	v19 =	vor.u32 $0x5, v23;
	v7 =	vadd.f32 v7, v16;
	v23 =	vld.idx.msk [tilespmem:v27+s16+$0x0], $0xffff  }
0x1aa: {  	v12 =	vadd.f32 v12, v15;
	v16 =	vmul.f32 v24, v38;
	v27 =	vsub.f32 v36, v18;
	v24 =	vld.idx.msk [tilespmem:v31+s16+$0x0], $0xffff  }
0x1ab: {  	v3 =	vmul.f32 v13, v3;
	v15 =	vld.idx.msk [tilespmem:v20+s16+$0x0], $0xffff;
	v20 =	vadd.f32 v28, v33;
	[tilespmem:s3+$0xFFFFFFF0] =	vst v8  }
0x1ac: {  	v17 =	vsub.f32 v17, v7;
	v13 =	vadd.f32 v16, v25;
	v16 =	vmul.f32 v27, v30;
	v8 =	vld.idx.msk [tilespmem:v43+s16+$0x0], $0xffff  }
0x1ad: {  	v3 =	vadd.f32 v3, v9;
	v21 =	vsub.f32 v21, v22;
	v25 =	vld.idx.msk [tilespmem:v46+s16+$0x0], $0xffff;
	[tilespmem:s3+$0x0] =	vst v12  }
0x1ae: {  	v2 =	vmul.f32 v17, v2;
	v12 =	vsub.f32 v20, v13;
	v9 =	vsub.f32 v26, v42;
	v27 =	vld.idx.msk [tilespmem:v37+s16+$0x0], $0xffff  }
0x1af: {  	v17 =	vmul.f32 v21, v11;
	v20 =	vsub.f32 v34, v23;
	v19 =	vld.idx.msk [tilespmem:v19+s16+$0x0], $0xffff;
	[tilespmem:s3+$0xFFFFFFE0] =	vst v3  }
0x1b0: {  	v7 =	vadd.f32 v2, v7;
	v21 =	vsub.f32 v24, v40;
	v9 =	vmul.f32 v9, v30;
	v26 =	vld.idx.msk [tilespmem:v44+s16+$0x0], $0xffff  }
0x1b1: {  	v24 =	vsub.f32 v15, v48;
	v20 =	vmul.f32 v20, v30;
	v2 =	vld [tilespmem:s5+$0x10]  }
0x1b2: {  	v15 =	vadd.f32 v16, v18;
	v16 =	vmul.f32 v21, v30;
	v21 =	vadd.f32 v9, v42;
	v3 =	vld [tilespmem:s5+$0xFFFFFFE0];
	[tilespmem:s3+$0x10] =	vst v7;
	s3 =	smov.u32 s8  }
0x1b3: {  	v9 =	vsub.f32 v8, v35;
	v28 =	vld [tilespmem:s6+$0x0]  }
0x1b4: {  	v8 =	vadd.f32 v17, v22;
	v25 =	vsub.f32 v25, v45;
	v17 =	vld.idx.msk [tilespmem:v32+s16+$0x0], $0xffff  }
0x1b5: {  	v22 =	vmul.f32 v24, v10;
	v18 =	vadd.f32 v16, v40;
	v19 =	vsub.f32 v19, v27;
	v7 =	vld [tilespmem:s6+$0x10]  }
.Ltmp2:
0x1b6: {  	v20 =	vadd.f32 v20, v23;
	v24 =	vmul.f32 v9, v10;
	v25 =	vmul.f32 v25, v10;
	v16 =	vld [tilespmem:s7+$0x10];
	(pc) =	sbr.rel @p0 .LBB2_6-.Ltmp2, $4  }
0x1b7: {  	v12 =	vmul.f32 v12, v11;
	v9 =	vadd.f32 v22, v48;
	v21 =	vsub.f32 v21, v18;
	v11 =	vld.idx.msk [tilespmem:v39+s16+$0x0], $0xffff  }
0x1b8: {  	v29 =	vmul.f32 v19, v10;
	v22 =	vadd.f32 v25, v45;
	v25 =	vsub.f32 v20, v15;
	v19 =	vld.idx.msk [tilespmem:v47+s16+$0x0], $0xffff  }
0x1b9: {  	v23 =	vadd.f32 v12, v13;
	s5 =	sadd.s32 $0x40, s5;
	v24 =	vadd.f32 v24, v35;
	v10 =	vmul.f32 v21, v28;
	v12 =	vld [tilespmem:s9+$0x0]  }
0x1ba: {  	s8 =	sadd.s32 $0x40, s8;
	s6 =	sadd.s32 $0x40, s6;
	s7 =	sadd.s32 $0x40, s7;
	v13 =	vadd.f32 v29, v27;
	v21 =	vmul.f32 v25, v28;
	v25 =	vsub.f32 v26, v17;
	v20 =	vld [tilespmem:s9+$0xFFFFFFF0]  }
0x1bb: {  	_ =	sdelay $0x3  }
0x1bc: {  	v14 =	vld.idx.msk [tilespmem:v14+s16+$0x0], $0xffff  }
0x1bd: {  	v6 =	vld.idx.msk [tilespmem:v6+s16+$0x0], $0xffff  }
0x1be: {  	v4 =	vld.idx.msk [tilespmem:v4+s16+$0x0], $0xffff  }
0x1bf: {  	v5 =	vld.idx.msk [tilespmem:v5+s16+$0x0], $0xffff;
	_ =	sdelay $0x3  }
0x1c0: {  	v11 =	vsub.f32 v11, v19  }
0x1c1: {  	v6 =	vsub.f32 v6, v14;
	v5 =	vsub.f32 v5, v4  }
0x1c2: {  	v24 =	vsub.f32 v24, v9;
	v25 =	vmul.f32 v25, v16;
	v11 =	vmul.f32 v11, v16  }
0x1c3: {  	v22 =	vsub.f32 v22, v13;
	v6 =	vmul.f32 v6, v16;
	v5 =	vmul.f32 v5, v16  }
0x1c4: {  	v11 =	vadd.f32 v11, v19;
	v16 =	vadd.f32 v25, v17  }
0x1c5: {  	v6 =	vadd.f32 v6, v14;
	v4 =	vadd.f32 v5, v4  }
0x1c6: {  	v5 =	vadd.f32 v10, v18;
	v10 =	vadd.f32 v21, v15  }
0x1c7: {  	v11 =	vsub.f32 v11, v16;
	v6 =	vsub.f32 v6, v4  }
0x1c8: {  	v14 =	vsub.f32 v23, v8;
	v15 =	vmul.f32 v22, v1;
	v1 =	vmul.f32 v24, v1  }
0x1c9: {  	v5 =	vsub.f32 v5, v10;
	v11 =	vmul.f32 v11, v7;
	v6 =	vmul.f32 v6, v7  }
0x1ca: {  	v1 =	vadd.f32 v1, v9;
	v7 =	vadd.f32 v15, v13  }
0x1cb: {  	v9 =	vadd.f32 v11, v16;
	v4 =	vadd.f32 v6, v4  }
0x1cc: {  	v5 =	vmul.f32 v5, v12;
	v7 =	vsub.f32 v7, v1  }
0x1cd: {  	v6 =	vmul.f32 v14, v20;
	v9 =	vsub.f32 v9, v4  }
0x1ce: {  	v5 =	vadd.f32 v5, v10;
	v3 =	vmul.f32 v7, v3  }
0x1cf: {  	v6 =	vadd.f32 v6, v8;
	v2 =	vmul.f32 v9, v2  }
0x1d0: {  	[tilespmem:s3+$0x0] =	vst v5;
	v1 =	vadd.f32 v3, v1  }
0x1d1: {  	[tilespmem:s3+$0xFFFFFFF0] =	vst v6;
	v2 =	vadd.f32 v2, v4  }
0x1d2: {  	[tilespmem:s3+$0xFFFFFFE0] =	vst v1  }
0x1d3: {  	[tilespmem:s3+$0x10] =	vst v2  }
0x1d4: {  	s5 =	simm.s32 $0x0;
	s3 =	rddreg [dreg:$0x10]  }
0x1d5: {  	[hbm4b:s3+s5] =	stream.linear.scatter [tilespmem:s26], [sflag:$0x5], $0x800, $0x38;
	[tilespmem:$0xD000] =	vst v63  }
0x1d6: {  	s11 =	rddreg [dreg:$0x12]  }
0x1d7: {  	[tilespmem:s5], [sflag:$0x7] =	stream.linear.gather [hbm4b:s11+s5], $0x800, $0x38;
	[tilespmem:$0xD000] =	vst v63  }
0x1d8: {  	_ =	swait.ge [sflag:s14], $0x800  }
0x1d9: {  	[sflag:s14] =	ssyncset.done $0x0  }
0x1da: {  	[sflag:s14] =	ssyncadd.s32 $0xFFFFF800  }
0x1db: {  	[tilespmem:s16], [sflag:$0x1] =	stream.indirect.gather [hbm4b:s12+s15], $0x8, s5, s15, $0xb8;
	[tilespmem:$0xD000] =	vst v63  }
0x1dc: {  	s4 =	rddreg [dreg:$0x13]  }
0x1dd: {  	[tilespmem:s17], [sflag:$0x3] =	stream.linear.gather [hbm4b:s4+s5], $0x800, $0x38;
	[tilespmem:$0xD000] =	vst v63  }
0x1de: {  	s6 =	rddreg [dreg:$0x14]  }
0x1df: {  	[tilespmem:s18], [sflag:$0x3] =	stream.linear.gather [hbm4b:s6+s5], $0x800, $0x38;
	[tilespmem:$0xD000] =	vst v63  }
0x1e0: {  	s7 =	rddreg [dreg:$0x15]  }
0x1e1: {  	[tilespmem:s19], [sflag:$0x3] =	stream.linear.gather [hbm4b:s7+s5], $0x800, $0x38;
	[tilespmem:$0xD000] =	vst v63  }
0x1e2: {  	_ =	swait.ge [sflag:s28], $0x4000  }
0x1e3: {  	[sflag:s28] =	ssyncset.done $0x0  }
0x1e4: {  	[sflag:s28] =	ssyncadd.s32 $0xFFFFC000  }
0x1e5: {  	_ =	swait.ge [sflag:s29], $0x800  }
0x1e6: {  	[sflag:s29] =	ssyncset.done $0x0  }
0x1e7: {  	[sflag:s29] =	ssyncadd.s32 $0xFFFFF800  }
0x1e8: {  	_ =	swait.ge [sflag:s29], $0x800  }
0x1e9: {  	[sflag:s29] =	ssyncset.done $0x0  }
0x1ea: {  	[sflag:s29] =	ssyncadd.s32 $0xFFFFF800  }
0x1eb: {  	_ =	swait.ge [sflag:s29], $0x800  }
0x1ec: {  	[sflag:s29] =	ssyncset.done $0x0  }
0x1ed: {  	s8 =	simm.s32 $0x10;
	s4 =	simm.s32 $0x20;
	[sflag:s29] =	ssyncadd.s32 $0xFFFFF800  }
0x1ee: {  	v1 =	vmov s8;
	v2 =	vmov s4;
	_ =	swait.ge [sflag:s1], $0x800  }
0x1ef: {  	v1 =	vshll.u32 v1, $0x3;
	v2 =	vshll.u32 v2, $0x3;
	[sflag:s1] =	ssyncset.done $0x0  }
0x1f0: {  	s9 =	simm.s32 $0xA820;
	v3 =	vor.u32 v0, v1;
	v2 =	vor.u32 v0, v2;
	[sflag:s1] =	ssyncadd.s32 $0xFFFFF800  }
0x1f1: {  	s10 =	simm.s32 $0xB820;
	v4 =	vor.u32 $0x2, v3;
	v1 =	vld [tilespmem:s9+$0xFFFFFFE0]  }
0x1f2: {  	v5 =	vor.u32 $0x4, v3;
	v10 =	vld [tilespmem:s10+$0xFFFFFFE0]  }
0x1f3: {  	v11 =	vld [tilespmem:s9+$0xFFFFFFF0]  }
0x1f4: {  	v6 =	vor.u32 $0x7, v3;
	v7 =	vld [tilespmem:s10+$0xFFFFFFF0]  }
0x1f5: {  	v8 =	vor.u32 $0x3, v3;
	v9 =	vld.idx.msk [tilespmem:v2+s20+$0x0], $0xffff  }
0x1f6: {  	v16 =	vmov s5;
	v12 =	vor.u32 $0x1, v3;
	v13 =	vld.idx.msk [tilespmem:v4+s20+$0x0], $0xffff  }
0x1f7: {  	v16 =	vshll.u32 v16, $0x3;
	v15 =	vor.u32 $0x4, v2;
	v14 =	vld.idx.msk [tilespmem:v5+s20+$0x0], $0xffff  }
0x1f8: {  	v17 =	vor.u32 $0x6, v2;
	v4 =	vor.u32 $0x6, v3;
	v5 =	vor.u32 $0x5, v3;
	v3 =	vld.idx.msk [tilespmem:v3+s20+$0x0], $0xffff  }
0x1f9: {  	v16 =	vor.u32 v0, v16;
	v6 =	vld.idx.msk [tilespmem:v6+s20+$0x0], $0xffff  }
0x1fa: {  	v8 =	vld.idx.msk [tilespmem:v8+s20+$0x0], $0xffff  }
0x1fb: {  	v21 =	vor.u32 $0x6, v16;
	v12 =	vld.idx.msk [tilespmem:v12+s20+$0x0], $0xffff  }
0x1fc: {  	v23 =	vor.u32 $0x7, v2;
	v20 =	vld.idx.msk [tilespmem:v15+s20+$0x0], $0xffff  }
0x1fd: {  	v17 =	vld.idx.msk [tilespmem:v17+s20+$0x0], $0xffff  }
0x1fe: {  	v22 =	vld.idx.msk [tilespmem:v16+s20+$0x0], $0xffff  }
0x1ff: {  	v28 =	vor.u32 $0x1, v16;
	v24 =	vld [tilespmem:s10+$0x0]  }
0x200: {  	v25 =	vor.u32 $0x2, v2;
	v21 =	vld.idx.msk [tilespmem:v21+s20+$0x0], $0xffff  }
0x201: {  	v15 =	vor.u32 $0x2, v16;
	v23 =	vld.idx.msk [tilespmem:v23+s20+$0x0], $0xffff  }
0x202: {  	v31 =	vor.u32 $0x4, v16;
	v18 =	vld.idx.msk [tilespmem:v4+s20+$0x0], $0xffff  }
0x203: {  	v4 =	vor.u32 $0x1, v2;
	v19 =	vld.idx.msk [tilespmem:v5+s20+$0x0], $0xffff;
	v12 =	vsub.f32 v12, v3;
	v8 =	vsub.f32 v8, v13  }
0x204: {  	v28 =	vld.idx.msk [tilespmem:v28+s20+$0x0], $0xffff;
	v5 =	vor.u32 $0x3, v2  }
0x205: {  	v25 =	vld.idx.msk [tilespmem:v25+s20+$0x0], $0xffff;
	v2 =	vor.u32 $0x5, v2;
	v12 =	vmul.f32 v12, v7;
	v8 =	vmul.f32 v8, v7  }
0x206: {  	v30 =	vor.u32 $0x7, v16;
	v29 =	vld.idx.msk [tilespmem:v15+s20+$0x0], $0xffff;
	v15 =	vor.u32 $0x3, v16;
	v16 =	vor.u32 $0x5, v16  }
0x207: {  	s11 =	simm.s32 $0x30;
	v31 =	vld.idx.msk [tilespmem:v31+s20+$0x0], $0xffff;
	v12 =	vadd.f32 v12, v3;
	v8 =	vadd.f32 v8, v13  }
0x208: {  	v26 =	vld.idx.msk [tilespmem:v4+s20+$0x0], $0xffff;
	v4 =	vmov s11;
	v32 =	vsub.f32 v6, v18;
	v19 =	vsub.f32 v19, v14  }
0x209: {  	v28 =	vsub.f32 v28, v22;
	v27 =	vld.idx.msk [tilespmem:v5+s20+$0x0], $0xffff;
	v4 =	vshll.u32 v4, $0x3;
	v8 =	vsub.f32 v8, v12  }
0x20a: {  	v2 =	vld.idx.msk [tilespmem:v2+s20+$0x0], $0xffff;
	v4 =	vor.u32 v0, v4;
	v32 =	vmul.f32 v32, v7;
	v3 =	vmul.f32 v19, v7  }
0x20b: {  	v16 =	vld.idx.msk [tilespmem:v16+s20+$0x0], $0xffff;
	v5 =	vor.u32 $0x1, v4;
	v6 =	vor.u32 $0x3, v4;
	v33 =	vor.u32 $0x5, v4  }
0x20c: {  	v7 =	vld.idx.msk [tilespmem:v15+s20+$0x0], $0xffff;
	v19 =	vor.u32 $0x6, v4;
	v60 =	vor.u32 $0x4, v4;
	v15 =	vadd.f32 v32, v18  }
0x20d: {  	v8 =	vmul.f32 v8, v11;
	v61 =	vadd.f32 v3, v14;
	v13 =	vsub.f32 v26, v9;
	v26 =	vld.idx.msk [tilespmem:v30+s20+$0x0], $0xffff  }
0x20e: {  	s6 =	simm.s32 $0x9820;
	v62 =	vld [tilespmem:s9+$0x0];
	v34 =	vor.u32 $0x7, v4;
	v3 =	vsub.f32 v23, v17;
	v18 =	vsub.f32 v27, v25  }
0x20f: {  	v27 =	vsub.f32 v2, v20;
	v2 =	vld [tilespmem:s6+$0x10];
	v8 =	vadd.f32 v8, v12;
	v13 =	vmul.f32 v13, v24  }
0x210: {  	v14 =	vor.u32 $0x2, v4;
	v63 =	vsub.f32 v16, v31;
	v16 =	vld [tilespmem:s10+$0x10];
	v23 =	vsub.f32 v15, v61  }
0x211: {  	v35 =	vmul.f32 v3, v24;
	v3 =	vld [tilespmem:s6+$0xFFFFFFE0];
	v15 =	vadd.f32 v13, v9;
	v9 =	vmul.f32 v27, v24  }
0x212: {  	v33 =	vld.idx.msk [tilespmem:v33+s20+$0x0], $0xffff;
	v27 =	vsub.f32 v7, v29;
	v24 =	vmul.f32 v18, v24;
	v26 =	vsub.f32 v26, v21  }
0x213: {  	v12 =	vmul.f32 v28, v10;
	v13 =	vadd.f32 v35, v17;
	v17 =	vld.idx.msk [tilespmem:v60+s20+$0x0], $0xffff;
	v18 =	vadd.f32 v9, v20  }
0x214: {  	v19 =	vld.idx.msk [tilespmem:v19+s20+$0x0], $0xffff;
	v20 =	vmul.f32 v27, v10;
	v24 =	vadd.f32 v24, v25;
	v26 =	vmul.f32 v26, v10  }
0x215: {  	v7 =	vld [tilespmem:s9+$0x10];
	v9 =	vadd.f32 v12, v22;
	v12 =	vmul.f32 v23, v11;
	v13 =	vsub.f32 v13, v18  }
0x216: {  	v11 =	vld.idx.msk [tilespmem:v34+s20+$0x0], $0xffff;
	v25 =	vmul.f32 v63, v10;
	v22 =	vadd.f32 v26, v21;
	v21 =	vsub.f32 v24, v15  }
0x217: {  	s8 =	simm.s32 $0xC860;
	s3 =	simm.s32 $0xC820;
	s4 =	simm.s32 $0x40;
	v23 =	vadd.f32 v12, v61;
	v12 =	vld [tilespmem:s6+$0x0];
	v24 =	vadd.f32 v20, v29;
	v10 =	vmul.f32 v13, v62  }
0x218: {  	s5 =	simm.s32 $0x9860;
	s7 =	simm.s32 $0xB860;
	v20 =	vld [tilespmem:s6+$0xFFFFFFF0];
	s6 =	simm.s32 $0xA860;
	v13 =	vadd.f32 v25, v31;
	v25 =	vsub.f32 v33, v17;
	v21 =	vmul.f32 v21, v62  }
.LBB2_8:
0x219: {  	s9 =	sadd.s32 $0x10, s4;
	s10 =	sadd.s32 $0x20, s4;
	s11 =	sadd.s32 $0x30, s4;
	v24 =	vsub.f32 v24, v9;
	v23 =	vsub.f32 v23, v8;
	v14 =	vld.idx.msk [tilespmem:v14+s20+$0x0], $0xffff  }
0x21a: {  	p0 =	slt.u32 s4, $0x7C0;
	v26 =	vmov s9;
	v27 =	vmov s10;
	v22 =	vsub.f32 v22, v13;
	v6 =	vld.idx.msk [tilespmem:v6+s20+$0x0], $0xffff;
	s10 =	smov.u32 s4;
	s4 =	sadd.s32 $0x40, s4  }
0x21b: {  	v25 =	vmul.f32 v25, v16;
	s9 =	smov.u32 s5;
	v28 =	vld [tilespmem:s6+$0xFFFFFFE0];
	v26 =	vshll.u32 v26, $0x3;
	v27 =	vshll.u32 v27, $0x3  }
0x21c: {  	v26 =	vor.u32 v0, v26;
	v27 =	vor.u32 v0, v27;
	v29 =	vld.idx.msk [tilespmem:v4+s20+$0x0], $0xffff;
	v4 =	vsub.f32 v11, v19  }
0x21d: {  	v32 =	vadd.f32 v10, v18;
	v30 =	vor.u32 $0x1, v26;
	v31 =	vor.u32 $0x2, v26;
	v5 =	vld.idx.msk [tilespmem:v5+s20+$0x0], $0xffff  }
0x21e: {  	v22 =	vmul.f32 v22, v1;
	v33 =	vor.u32 $0x4, v26;
	v34 =	vor.u32 $0x5, v26;
	v10 =	vld [tilespmem:s7+$0xFFFFFFE0]  }
0x21f: {  	v35 =	vor.u32 $0x7, v26;
	v36 =	vor.u32 $0x1, v27;
	v37 =	vmul.f32 v4, v16;
	v11 =	vld [tilespmem:s6+$0xFFFFFFF0]  }
0x220: {  	v39 =	vor.u32 $0x3, v27;
	v40 =	vor.u32 $0x4, v27;
	v4 =	vsub.f32 v6, v14;
	v38 =	vld [tilespmem:s7+$0xFFFFFFF0]  }
0x221: {  	v15 =	vadd.f32 v21, v15;
	v41 =	vor.u32 $0x7, v27;
	v6 =	vor.u32 $0x3, v26;
	v18 =	vld.idx.msk [tilespmem:v27+s20+$0x0], $0xffff  }
0x222: {  	v17 =	vadd.f32 v25, v17;
	v42 =	vor.u32 $0x6, v27;
	v21 =	vld.idx.msk [tilespmem:v31+s20+$0x0], $0xffff;
	v31 =	vor.u32 $0x5, v27  }
0x223: {  	v27 =	vor.u32 $0x2, v27;
	v5 =	vsub.f32 v5, v29;
	v25 =	vld.idx.msk [tilespmem:v33+s20+$0x0], $0xffff;
	v33 =	vor.u32 $0x6, v26  }
0x224: {  	v43 =	vmov s11;
	v24 =	vmul.f32 v24, v1;
	v1 =	vmovc v28;
	v44 =	vmul.f32 v4, v16;
	v26 =	vld.idx.msk [tilespmem:v26+s20+$0x0], $0xffff  }
0x225: {  	v20 =	vmul.f32 v23, v20;
	v4 =	vmov s10;
	v28 =	vld.idx.msk [tilespmem:v35+s20+$0x0], $0xffff;
	v35 =	vshll.u32 v43, $0x3  }
0x226: {  	v23 =	vshll.u32 v4, $0x3;
	v16 =	vmul.f32 v5, v16;
	v43 =	vld.idx.msk [tilespmem:v6+s20+$0x0], $0xffff;
	v4 =	vor.u32 v0, v35  }
0x227: {  	v8 =	vadd.f32 v20, v8;
	v23 =	vor.u32 v0, v23;
	v30 =	vld.idx.msk [tilespmem:v30+s20+$0x0], $0xffff;
	v5 =	vor.u32 $0x1, v4  }
0x228: {  	v19 =	vadd.f32 v37, v19;
	v20 =	vor.u32 $0x1, v23;
	v35 =	vor.u32 $0x2, v23;
	v33 =	vld.idx.msk [tilespmem:v33+s20+$0x0], $0xffff  }
0x229: {  	v32 =	vsub.f32 v32, v15;
	v37 =	vor.u32 $0x4, v23;
	v45 =	vor.u32 $0x6, v23;
	v34 =	vld.idx.msk [tilespmem:v34+s20+$0x0], $0xffff  }
0x22a: {  	v14 =	vadd.f32 v44, v14;
	v46 =	vor.u32 $0x7, v23;
	v6 =	vor.u32 $0x3, v4;
	v40 =	vld.idx.msk [tilespmem:v40+s20+$0x0], $0xffff  }
0x22b: {  	v19 =	vsub.f32 v19, v17;
	v44 =	vor.u32 $0x5, v4;
	v47 =	vor.u32 $0x6, v4;
	v42 =	vld.idx.msk [tilespmem:v42+s20+$0x0], $0xffff  }
0x22c: {  	v9 =	vadd.f32 v24, v9;
	v12 =	vmul.f32 v32, v12;
	v43 =	vsub.f32 v43, v21;
	v48 =	vld.idx.msk [tilespmem:v23+s20+$0x0], $0xffff  }
0x22d: {  	v16 =	vadd.f32 v16, v29;
	v32 =	vor.u32 $0x4, v4;
	v24 =	vsub.f32 v30, v26;
	v30 =	vld [tilespmem:s7+$0x0]  }
0x22e: {  	v13 =	vadd.f32 v22, v13;
	v29 =	vmul.f32 v43, v38;
	v28 =	vsub.f32 v28, v33;
	v36 =	vld.idx.msk [tilespmem:v36+s20+$0x0], $0xffff  }
0x22f: {  	v14 =	vsub.f32 v14, v16;
	v22 =	vmul.f32 v24, v38;
	v24 =	vsub.f32 v34, v25;
	v34 =	vld.idx.msk [tilespmem:v39+s20+$0x0], $0xffff  }
0x230: {  	v19 =	vmul.f32 v19, v7;
	v28 =	vmul.f32 v28, v38;
	v39 =	vor.u32 $0x7, v4;
	v35 =	vld.idx.msk [tilespmem:v35+s20+$0x0], $0xffff  }
0x231: {  	v7 =	vmul.f32 v14, v7;
	v43 =	vor.u32 $0x3, v23;
	v22 =	vadd.f32 v22, v26;
	v45 =	vld.idx.msk [tilespmem:v45+s20+$0x0], $0xffff  }
0x232: {  	v17 =	vadd.f32 v19, v17;
	v14 =	vor.u32 $0x2, v4;
	v21 =	vadd.f32 v29, v21;
	v26 =	vld.idx.msk [tilespmem:v41+s20+$0x0], $0xffff  }
0x233: {  	v13 =	vsub.f32 v13, v9;
	v19 =	vor.u32 $0x5, v23;
	v7 =	vadd.f32 v7, v16;
	v23 =	vld.idx.msk [tilespmem:v27+s20+$0x0], $0xffff  }
0x234: {  	v12 =	vadd.f32 v12, v15;
	v16 =	vmul.f32 v24, v38;
	v27 =	vsub.f32 v36, v18;
	v24 =	vld.idx.msk [tilespmem:v31+s20+$0x0], $0xffff  }
0x235: {  	v3 =	vmul.f32 v13, v3;
	v15 =	vld.idx.msk [tilespmem:v20+s20+$0x0], $0xffff;
	v20 =	vadd.f32 v28, v33;
	[tilespmem:s3+$0xFFFFFFF0] =	vst v8  }
0x236: {  	v17 =	vsub.f32 v17, v7;
	v13 =	vadd.f32 v16, v25;
	v16 =	vmul.f32 v27, v30;
	v8 =	vld.idx.msk [tilespmem:v43+s20+$0x0], $0xffff  }
0x237: {  	v3 =	vadd.f32 v3, v9;
	v21 =	vsub.f32 v21, v22;
	v25 =	vld.idx.msk [tilespmem:v46+s20+$0x0], $0xffff;
	[tilespmem:s3+$0x0] =	vst v12  }
0x238: {  	v2 =	vmul.f32 v17, v2;
	v12 =	vsub.f32 v20, v13;
	v9 =	vsub.f32 v26, v42;
	v27 =	vld.idx.msk [tilespmem:v37+s20+$0x0], $0xffff  }
0x239: {  	v17 =	vmul.f32 v21, v11;
	v20 =	vsub.f32 v34, v23;
	v19 =	vld.idx.msk [tilespmem:v19+s20+$0x0], $0xffff;
	[tilespmem:s3+$0xFFFFFFE0] =	vst v3  }
0x23a: {  	v7 =	vadd.f32 v2, v7;
	v21 =	vsub.f32 v24, v40;
	v9 =	vmul.f32 v9, v30;
	v26 =	vld.idx.msk [tilespmem:v44+s20+$0x0], $0xffff  }
0x23b: {  	v24 =	vsub.f32 v15, v48;
	v20 =	vmul.f32 v20, v30;
	v2 =	vld [tilespmem:s5+$0x10]  }
0x23c: {  	v15 =	vadd.f32 v16, v18;
	v16 =	vmul.f32 v21, v30;
	v21 =	vadd.f32 v9, v42;
	v3 =	vld [tilespmem:s5+$0xFFFFFFE0];
	[tilespmem:s3+$0x10] =	vst v7;
	s3 =	smov.u32 s8  }
0x23d: {  	v9 =	vsub.f32 v8, v35;
	v28 =	vld [tilespmem:s6+$0x0]  }
0x23e: {  	v8 =	vadd.f32 v17, v22;
	v25 =	vsub.f32 v25, v45;
	v17 =	vld.idx.msk [tilespmem:v32+s20+$0x0], $0xffff  }
0x23f: {  	v22 =	vmul.f32 v24, v10;
	v18 =	vadd.f32 v16, v40;
	v19 =	vsub.f32 v19, v27;
	v7 =	vld [tilespmem:s6+$0x10]  }
.Ltmp3:
0x240: {  	v20 =	vadd.f32 v20, v23;
	v24 =	vmul.f32 v9, v10;
	v25 =	vmul.f32 v25, v10;
	v16 =	vld [tilespmem:s7+$0x10];
	(pc) =	sbr.rel @p0 .LBB2_8-.Ltmp3, $4  }
0x241: {  	v12 =	vmul.f32 v12, v11;
	v9 =	vadd.f32 v22, v48;
	v21 =	vsub.f32 v21, v18;
	v11 =	vld.idx.msk [tilespmem:v39+s20+$0x0], $0xffff  }
0x242: {  	v29 =	vmul.f32 v19, v10;
	v22 =	vadd.f32 v25, v45;
	v25 =	vsub.f32 v20, v15;
	v19 =	vld.idx.msk [tilespmem:v47+s20+$0x0], $0xffff  }
0x243: {  	v23 =	vadd.f32 v12, v13;
	s5 =	sadd.s32 $0x40, s5;
	v24 =	vadd.f32 v24, v35;
	v10 =	vmul.f32 v21, v28;
	v12 =	vld [tilespmem:s9+$0x0]  }
0x244: {  	s8 =	sadd.s32 $0x40, s8;
	s6 =	sadd.s32 $0x40, s6;
	s7 =	sadd.s32 $0x40, s7;
	v13 =	vadd.f32 v29, v27;
	v21 =	vmul.f32 v25, v28;
	v25 =	vsub.f32 v26, v17;
	v20 =	vld [tilespmem:s9+$0xFFFFFFF0]  }
0x245: {  	_ =	sdelay $0x3  }
0x246: {  	v14 =	vld.idx.msk [tilespmem:v14+s20+$0x0], $0xffff  }
0x247: {  	v6 =	vld.idx.msk [tilespmem:v6+s20+$0x0], $0xffff  }
0x248: {  	v4 =	vld.idx.msk [tilespmem:v4+s20+$0x0], $0xffff  }
0x249: {  	v5 =	vld.idx.msk [tilespmem:v5+s20+$0x0], $0xffff;
	_ =	sdelay $0x3  }
0x24a: {  	v11 =	vsub.f32 v11, v19  }
0x24b: {  	v6 =	vsub.f32 v6, v14;
	v5 =	vsub.f32 v5, v4  }
0x24c: {  	v24 =	vsub.f32 v24, v9;
	v25 =	vmul.f32 v25, v16;
	v11 =	vmul.f32 v11, v16  }
0x24d: {  	v22 =	vsub.f32 v22, v13;
	v6 =	vmul.f32 v6, v16;
	v5 =	vmul.f32 v5, v16  }
0x24e: {  	v11 =	vadd.f32 v11, v19;
	v16 =	vadd.f32 v25, v17  }
0x24f: {  	v6 =	vadd.f32 v6, v14;
	v4 =	vadd.f32 v5, v4  }
0x250: {  	v5 =	vadd.f32 v10, v18;
	v10 =	vadd.f32 v21, v15  }
0x251: {  	v11 =	vsub.f32 v11, v16;
	v6 =	vsub.f32 v6, v4  }
0x252: {  	v14 =	vsub.f32 v23, v8;
	v15 =	vmul.f32 v22, v1;
	v1 =	vmul.f32 v24, v1  }
0x253: {  	v5 =	vsub.f32 v5, v10;
	v11 =	vmul.f32 v11, v7;
	v6 =	vmul.f32 v6, v7  }
0x254: {  	v1 =	vadd.f32 v1, v9;
	v7 =	vadd.f32 v15, v13  }
0x255: {  	v9 =	vadd.f32 v11, v16;
	v4 =	vadd.f32 v6, v4  }
0x256: {  	v5 =	vmul.f32 v5, v12;
	v7 =	vsub.f32 v7, v1  }
0x257: {  	v6 =	vmul.f32 v14, v20;
	v9 =	vsub.f32 v9, v4  }
0x258: {  	v5 =	vadd.f32 v5, v10;
	v3 =	vmul.f32 v7, v3  }
0x259: {  	v6 =	vadd.f32 v6, v8;
	v2 =	vmul.f32 v9, v2  }
0x25a: {  	[tilespmem:s3+$0x0] =	vst v5;
	v1 =	vadd.f32 v3, v1  }
0x25b: {  	[tilespmem:s3+$0xFFFFFFF0] =	vst v6;
	v2 =	vadd.f32 v2, v4  }
0x25c: {  	[tilespmem:s3+$0xFFFFFFE0] =	vst v1  }
0x25d: {  	[tilespmem:s3+$0x10] =	vst v2  }
0x25e: {  	s5 =	simm.s32 $0x0;
	s3 =	rddreg [dreg:$0x11]  }
0x25f: {  	[hbm4b:s3+s5] =	stream.linear.scatter [tilespmem:s30], [sflag:$0x6], $0x800, $0x38;
	[tilespmem:$0xD000] =	vst v63  }
0x260: {  	s11 =	rddreg [dreg:$0x17]  }
0x261: {  	[tilespmem:s15], [sflag:$0x7] =	stream.linear.gather [hbm4b:s11+s5], $0x800, $0x38;
	[tilespmem:$0xD000] =	vst v63  }
0x262: {  	_ =	swait.ge [sflag:s14], $0x800  }
0x263: {  	[sflag:s14] =	ssyncset.done $0x0  }
0x264: {  	[sflag:s14] =	ssyncadd.s32 $0xFFFFF800  }
0x265: {  	[tilespmem:s20], [sflag:$0x2] =	stream.indirect.gather [hbm4b:s12+s15], $0x8, s15, s15, $0xb8;
	[tilespmem:$0xD000] =	vst v63  }
0x266: {  	s4 =	rddreg [dreg:$0x18]  }
0x267: {  	[tilespmem:s21], [sflag:$0x4] =	stream.linear.gather [hbm4b:s4+s5], $0x800, $0x38;
	[tilespmem:$0xD000] =	vst v63  }
0x268: {  	s6 =	rddreg [dreg:$0x19]  }
0x269: {  	[tilespmem:s22], [sflag:$0x4] =	stream.linear.gather [hbm4b:s6+s5], $0x800, $0x38;
	[tilespmem:$0xD000] =	vst v63  }
0x26a: {  	s7 =	rddreg [dreg:$0x1a]  }
0x26b: {  	[tilespmem:s23], [sflag:$0x4] =	stream.linear.gather [hbm4b:s7+s5], $0x800, $0x38;
	[tilespmem:$0xD000] =	vst v63  }
0x26c: {  	_ =	swait.ge [sflag:s24], $0x4000  }
0x26d: {  	[sflag:s24] =	ssyncset.done $0x0  }
0x26e: {  	[sflag:s24] =	ssyncadd.s32 $0xFFFFC000  }
0x26f: {  	_ =	swait.ge [sflag:s25], $0x800  }
0x270: {  	[sflag:s25] =	ssyncset.done $0x0  }
0x271: {  	[sflag:s25] =	ssyncadd.s32 $0xFFFFF800  }
0x272: {  	_ =	swait.ge [sflag:s25], $0x800  }
0x273: {  	[sflag:s25] =	ssyncset.done $0x0  }
0x274: {  	[sflag:s25] =	ssyncadd.s32 $0xFFFFF800  }
0x275: {  	_ =	swait.ge [sflag:s25], $0x800  }
0x276: {  	[sflag:s25] =	ssyncset.done $0x0  }
0x277: {  	s8 =	simm.s32 $0x10;
	s4 =	simm.s32 $0x20;
	[sflag:s25] =	ssyncadd.s32 $0xFFFFF800  }
0x278: {  	v1 =	vmov s8;
	v2 =	vmov s4;
	_ =	swait.ge [sflag:s31], $0x800  }
0x279: {  	v1 =	vshll.u32 v1, $0x3;
	v2 =	vshll.u32 v2, $0x3;
	[sflag:s31] =	ssyncset.done $0x0  }
0x27a: {  	s9 =	simm.s32 $0xA020;
	v3 =	vor.u32 v0, v1;
	v2 =	vor.u32 v0, v2;
	[sflag:s31] =	ssyncadd.s32 $0xFFFFF800  }
0x27b: {  	s10 =	simm.s32 $0xB020;
	v4 =	vor.u32 $0x2, v3;
	v1 =	vld [tilespmem:s9+$0xFFFFFFE0]  }
0x27c: {  	v5 =	vor.u32 $0x4, v3;
	v10 =	vld [tilespmem:s10+$0xFFFFFFE0]  }
0x27d: {  	v11 =	vld [tilespmem:s9+$0xFFFFFFF0]  }
0x27e: {  	v6 =	vor.u32 $0x7, v3;
	v7 =	vld [tilespmem:s10+$0xFFFFFFF0]  }
0x27f: {  	v8 =	vor.u32 $0x3, v3;
	v9 =	vld.idx.msk [tilespmem:v2+s16+$0x0], $0xffff  }
0x280: {  	v16 =	vmov s5;
	v12 =	vor.u32 $0x1, v3;
	v13 =	vld.idx.msk [tilespmem:v4+s16+$0x0], $0xffff  }
0x281: {  	v16 =	vshll.u32 v16, $0x3;
	v15 =	vor.u32 $0x4, v2;
	v14 =	vld.idx.msk [tilespmem:v5+s16+$0x0], $0xffff  }
0x282: {  	v17 =	vor.u32 $0x6, v2;
	v4 =	vor.u32 $0x6, v3;
	v5 =	vor.u32 $0x5, v3;
	v3 =	vld.idx.msk [tilespmem:v3+s16+$0x0], $0xffff  }
0x283: {  	v16 =	vor.u32 v0, v16;
	v6 =	vld.idx.msk [tilespmem:v6+s16+$0x0], $0xffff  }
0x284: {  	v8 =	vld.idx.msk [tilespmem:v8+s16+$0x0], $0xffff  }
0x285: {  	v21 =	vor.u32 $0x6, v16;
	v12 =	vld.idx.msk [tilespmem:v12+s16+$0x0], $0xffff  }
0x286: {  	v23 =	vor.u32 $0x7, v2;
	v20 =	vld.idx.msk [tilespmem:v15+s16+$0x0], $0xffff  }
0x287: {  	v17 =	vld.idx.msk [tilespmem:v17+s16+$0x0], $0xffff  }
0x288: {  	v22 =	vld.idx.msk [tilespmem:v16+s16+$0x0], $0xffff  }
0x289: {  	v28 =	vor.u32 $0x1, v16;
	v24 =	vld [tilespmem:s10+$0x0]  }
0x28a: {  	v25 =	vor.u32 $0x2, v2;
	v21 =	vld.idx.msk [tilespmem:v21+s16+$0x0], $0xffff  }
0x28b: {  	v15 =	vor.u32 $0x2, v16;
	v23 =	vld.idx.msk [tilespmem:v23+s16+$0x0], $0xffff  }
0x28c: {  	v31 =	vor.u32 $0x4, v16;
	v18 =	vld.idx.msk [tilespmem:v4+s16+$0x0], $0xffff  }
0x28d: {  	v4 =	vor.u32 $0x1, v2;
	v19 =	vld.idx.msk [tilespmem:v5+s16+$0x0], $0xffff;
	v12 =	vsub.f32 v12, v3;
	v8 =	vsub.f32 v8, v13  }
0x28e: {  	v28 =	vld.idx.msk [tilespmem:v28+s16+$0x0], $0xffff;
	v5 =	vor.u32 $0x3, v2  }
0x28f: {  	v25 =	vld.idx.msk [tilespmem:v25+s16+$0x0], $0xffff;
	v2 =	vor.u32 $0x5, v2;
	v12 =	vmul.f32 v12, v7;
	v8 =	vmul.f32 v8, v7  }
0x290: {  	v30 =	vor.u32 $0x7, v16;
	v29 =	vld.idx.msk [tilespmem:v15+s16+$0x0], $0xffff;
	v15 =	vor.u32 $0x3, v16;
	v16 =	vor.u32 $0x5, v16  }
0x291: {  	s11 =	simm.s32 $0x30;
	v31 =	vld.idx.msk [tilespmem:v31+s16+$0x0], $0xffff;
	v12 =	vadd.f32 v12, v3;
	v8 =	vadd.f32 v8, v13  }
0x292: {  	v26 =	vld.idx.msk [tilespmem:v4+s16+$0x0], $0xffff;
	v4 =	vmov s11;
	v32 =	vsub.f32 v6, v18;
	v19 =	vsub.f32 v19, v14  }
0x293: {  	v28 =	vsub.f32 v28, v22;
	v27 =	vld.idx.msk [tilespmem:v5+s16+$0x0], $0xffff;
	v4 =	vshll.u32 v4, $0x3;
	v8 =	vsub.f32 v8, v12  }
0x294: {  	v2 =	vld.idx.msk [tilespmem:v2+s16+$0x0], $0xffff;
	v4 =	vor.u32 v0, v4;
	v32 =	vmul.f32 v32, v7;
	v3 =	vmul.f32 v19, v7  }
0x295: {  	v16 =	vld.idx.msk [tilespmem:v16+s16+$0x0], $0xffff;
	v5 =	vor.u32 $0x1, v4;
	v6 =	vor.u32 $0x3, v4;
	v33 =	vor.u32 $0x5, v4  }
0x296: {  	v7 =	vld.idx.msk [tilespmem:v15+s16+$0x0], $0xffff;
	v19 =	vor.u32 $0x6, v4;
	v60 =	vor.u32 $0x4, v4;
	v15 =	vadd.f32 v32, v18  }
0x297: {  	v8 =	vmul.f32 v8, v11;
	v61 =	vadd.f32 v3, v14;
	v13 =	vsub.f32 v26, v9;
	v26 =	vld.idx.msk [tilespmem:v30+s16+$0x0], $0xffff  }
0x298: {  	s6 =	simm.s32 $0x9020;
	v62 =	vld [tilespmem:s9+$0x0];
	v34 =	vor.u32 $0x7, v4;
	v3 =	vsub.f32 v23, v17;
	v18 =	vsub.f32 v27, v25  }
0x299: {  	v27 =	vsub.f32 v2, v20;
	v2 =	vld [tilespmem:s6+$0x10];
	v8 =	vadd.f32 v8, v12;
	v13 =	vmul.f32 v13, v24  }
0x29a: {  	v14 =	vor.u32 $0x2, v4;
	v63 =	vsub.f32 v16, v31;
	v16 =	vld [tilespmem:s10+$0x10];
	v23 =	vsub.f32 v15, v61  }
0x29b: {  	v35 =	vmul.f32 v3, v24;
	v3 =	vld [tilespmem:s6+$0xFFFFFFE0];
	v15 =	vadd.f32 v13, v9;
	v9 =	vmul.f32 v27, v24  }
0x29c: {  	v33 =	vld.idx.msk [tilespmem:v33+s16+$0x0], $0xffff;
	v27 =	vsub.f32 v7, v29;
	v24 =	vmul.f32 v18, v24;
	v26 =	vsub.f32 v26, v21  }
0x29d: {  	v12 =	vmul.f32 v28, v10;
	v13 =	vadd.f32 v35, v17;
	v17 =	vld.idx.msk [tilespmem:v60+s16+$0x0], $0xffff;
	v18 =	vadd.f32 v9, v20  }
0x29e: {  	v19 =	vld.idx.msk [tilespmem:v19+s16+$0x0], $0xffff;
	v20 =	vmul.f32 v27, v10;
	v24 =	vadd.f32 v24, v25;
	v26 =	vmul.f32 v26, v10  }
0x29f: {  	v7 =	vld [tilespmem:s9+$0x10];
	v9 =	vadd.f32 v12, v22;
	v12 =	vmul.f32 v23, v11;
	v13 =	vsub.f32 v13, v18  }
0x2a0: {  	v11 =	vld.idx.msk [tilespmem:v34+s16+$0x0], $0xffff;
	v25 =	vmul.f32 v63, v10;
	v22 =	vadd.f32 v26, v21;
	v21 =	vsub.f32 v24, v15  }
0x2a1: {  	s8 =	simm.s32 $0xC060;
	s3 =	simm.s32 $0xC020;
	s4 =	simm.s32 $0x40;
	v23 =	vadd.f32 v12, v61;
	v12 =	vld [tilespmem:s6+$0x0];
	v24 =	vadd.f32 v20, v29;
	v10 =	vmul.f32 v13, v62  }
0x2a2: {  	s5 =	simm.s32 $0x9060;
	s7 =	simm.s32 $0xB060;
	v20 =	vld [tilespmem:s6+$0xFFFFFFF0];
	s6 =	simm.s32 $0xA060;
	v13 =	vadd.f32 v25, v31;
	v25 =	vsub.f32 v33, v17;
	v21 =	vmul.f32 v21, v62  }
.LBB2_10:
0x2a3: {  	s9 =	sadd.s32 $0x10, s4;
	s10 =	sadd.s32 $0x20, s4;
	s11 =	sadd.s32 $0x30, s4;
	v24 =	vsub.f32 v24, v9;
	v23 =	vsub.f32 v23, v8;
	v14 =	vld.idx.msk [tilespmem:v14+s16+$0x0], $0xffff  }
0x2a4: {  	p0 =	slt.u32 s4, $0x7C0;
	v26 =	vmov s9;
	v27 =	vmov s10;
	v22 =	vsub.f32 v22, v13;
	v6 =	vld.idx.msk [tilespmem:v6+s16+$0x0], $0xffff;
	s10 =	smov.u32 s4;
	s4 =	sadd.s32 $0x40, s4  }
0x2a5: {  	v25 =	vmul.f32 v25, v16;
	s9 =	smov.u32 s5;
	v28 =	vld [tilespmem:s6+$0xFFFFFFE0];
	v26 =	vshll.u32 v26, $0x3;
	v27 =	vshll.u32 v27, $0x3  }
0x2a6: {  	v26 =	vor.u32 v0, v26;
	v27 =	vor.u32 v0, v27;
	v29 =	vld.idx.msk [tilespmem:v4+s16+$0x0], $0xffff;
	v4 =	vsub.f32 v11, v19  }
0x2a7: {  	v32 =	vadd.f32 v10, v18;
	v30 =	vor.u32 $0x1, v26;
	v31 =	vor.u32 $0x2, v26;
	v5 =	vld.idx.msk [tilespmem:v5+s16+$0x0], $0xffff  }
0x2a8: {  	v22 =	vmul.f32 v22, v1;
	v33 =	vor.u32 $0x4, v26;
	v34 =	vor.u32 $0x5, v26;
	v10 =	vld [tilespmem:s7+$0xFFFFFFE0]  }
0x2a9: {  	v35 =	vor.u32 $0x7, v26;
	v36 =	vor.u32 $0x1, v27;
	v37 =	vmul.f32 v4, v16;
	v11 =	vld [tilespmem:s6+$0xFFFFFFF0]  }
0x2aa: {  	v39 =	vor.u32 $0x3, v27;
	v40 =	vor.u32 $0x4, v27;
	v4 =	vsub.f32 v6, v14;
	v38 =	vld [tilespmem:s7+$0xFFFFFFF0]  }
0x2ab: {  	v15 =	vadd.f32 v21, v15;
	v41 =	vor.u32 $0x7, v27;
	v6 =	vor.u32 $0x3, v26;
	v18 =	vld.idx.msk [tilespmem:v27+s16+$0x0], $0xffff  }
0x2ac: {  	v17 =	vadd.f32 v25, v17;
	v42 =	vor.u32 $0x6, v27;
	v21 =	vld.idx.msk [tilespmem:v31+s16+$0x0], $0xffff;
	v31 =	vor.u32 $0x5, v27  }
0x2ad: {  	v27 =	vor.u32 $0x2, v27;
	v5 =	vsub.f32 v5, v29;
	v25 =	vld.idx.msk [tilespmem:v33+s16+$0x0], $0xffff;
	v33 =	vor.u32 $0x6, v26  }
0x2ae: {  	v43 =	vmov s11;
	v24 =	vmul.f32 v24, v1;
	v1 =	vmovc v28;
	v44 =	vmul.f32 v4, v16;
	v26 =	vld.idx.msk [tilespmem:v26+s16+$0x0], $0xffff  }
0x2af: {  	v20 =	vmul.f32 v23, v20;
	v4 =	vmov s10;
	v28 =	vld.idx.msk [tilespmem:v35+s16+$0x0], $0xffff;
	v35 =	vshll.u32 v43, $0x3  }
0x2b0: {  	v23 =	vshll.u32 v4, $0x3;
	v16 =	vmul.f32 v5, v16;
	v43 =	vld.idx.msk [tilespmem:v6+s16+$0x0], $0xffff;
	v4 =	vor.u32 v0, v35  }
0x2b1: {  	v8 =	vadd.f32 v20, v8;
	v23 =	vor.u32 v0, v23;
	v30 =	vld.idx.msk [tilespmem:v30+s16+$0x0], $0xffff;
	v5 =	vor.u32 $0x1, v4  }
0x2b2: {  	v19 =	vadd.f32 v37, v19;
	v20 =	vor.u32 $0x1, v23;
	v35 =	vor.u32 $0x2, v23;
	v33 =	vld.idx.msk [tilespmem:v33+s16+$0x0], $0xffff  }
0x2b3: {  	v32 =	vsub.f32 v32, v15;
	v37 =	vor.u32 $0x4, v23;
	v45 =	vor.u32 $0x6, v23;
	v34 =	vld.idx.msk [tilespmem:v34+s16+$0x0], $0xffff  }
0x2b4: {  	v14 =	vadd.f32 v44, v14;
	v46 =	vor.u32 $0x7, v23;
	v6 =	vor.u32 $0x3, v4;
	v40 =	vld.idx.msk [tilespmem:v40+s16+$0x0], $0xffff  }
0x2b5: {  	v19 =	vsub.f32 v19, v17;
	v44 =	vor.u32 $0x5, v4;
	v47 =	vor.u32 $0x6, v4;
	v42 =	vld.idx.msk [tilespmem:v42+s16+$0x0], $0xffff  }
0x2b6: {  	v9 =	vadd.f32 v24, v9;
	v12 =	vmul.f32 v32, v12;
	v43 =	vsub.f32 v43, v21;
	v48 =	vld.idx.msk [tilespmem:v23+s16+$0x0], $0xffff  }
0x2b7: {  	v16 =	vadd.f32 v16, v29;
	v32 =	vor.u32 $0x4, v4;
	v24 =	vsub.f32 v30, v26;
	v30 =	vld [tilespmem:s7+$0x0]  }
0x2b8: {  	v13 =	vadd.f32 v22, v13;
	v29 =	vmul.f32 v43, v38;
	v28 =	vsub.f32 v28, v33;
	v36 =	vld.idx.msk [tilespmem:v36+s16+$0x0], $0xffff  }
0x2b9: {  	v14 =	vsub.f32 v14, v16;
	v22 =	vmul.f32 v24, v38;
	v24 =	vsub.f32 v34, v25;
	v34 =	vld.idx.msk [tilespmem:v39+s16+$0x0], $0xffff  }
0x2ba: {  	v19 =	vmul.f32 v19, v7;
	v28 =	vmul.f32 v28, v38;
	v39 =	vor.u32 $0x7, v4;
	v35 =	vld.idx.msk [tilespmem:v35+s16+$0x0], $0xffff  }
0x2bb: {  	v7 =	vmul.f32 v14, v7;
	v43 =	vor.u32 $0x3, v23;
	v22 =	vadd.f32 v22, v26;
	v45 =	vld.idx.msk [tilespmem:v45+s16+$0x0], $0xffff  }
0x2bc: {  	v17 =	vadd.f32 v19, v17;
	v14 =	vor.u32 $0x2, v4;
	v21 =	vadd.f32 v29, v21;
	v26 =	vld.idx.msk [tilespmem:v41+s16+$0x0], $0xffff  }
0x2bd: {  	v13 =	vsub.f32 v13, v9;
	v19 =	vor.u32 $0x5, v23;
	v7 =	vadd.f32 v7, v16;
	v23 =	vld.idx.msk [tilespmem:v27+s16+$0x0], $0xffff  }
0x2be: {  	v12 =	vadd.f32 v12, v15;
	v16 =	vmul.f32 v24, v38;
	v27 =	vsub.f32 v36, v18;
	v24 =	vld.idx.msk [tilespmem:v31+s16+$0x0], $0xffff  }
0x2bf: {  	v3 =	vmul.f32 v13, v3;
	v15 =	vld.idx.msk [tilespmem:v20+s16+$0x0], $0xffff;
	v20 =	vadd.f32 v28, v33;
	[tilespmem:s3+$0xFFFFFFF0] =	vst v8  }
0x2c0: {  	v17 =	vsub.f32 v17, v7;
	v13 =	vadd.f32 v16, v25;
	v16 =	vmul.f32 v27, v30;
	v8 =	vld.idx.msk [tilespmem:v43+s16+$0x0], $0xffff  }
0x2c1: {  	v3 =	vadd.f32 v3, v9;
	v21 =	vsub.f32 v21, v22;
	v25 =	vld.idx.msk [tilespmem:v46+s16+$0x0], $0xffff;
	[tilespmem:s3+$0x0] =	vst v12  }
0x2c2: {  	v2 =	vmul.f32 v17, v2;
	v12 =	vsub.f32 v20, v13;
	v9 =	vsub.f32 v26, v42;
	v27 =	vld.idx.msk [tilespmem:v37+s16+$0x0], $0xffff  }
0x2c3: {  	v17 =	vmul.f32 v21, v11;
	v20 =	vsub.f32 v34, v23;
	v19 =	vld.idx.msk [tilespmem:v19+s16+$0x0], $0xffff;
	[tilespmem:s3+$0xFFFFFFE0] =	vst v3  }
0x2c4: {  	v7 =	vadd.f32 v2, v7;
	v21 =	vsub.f32 v24, v40;
	v9 =	vmul.f32 v9, v30;
	v26 =	vld.idx.msk [tilespmem:v44+s16+$0x0], $0xffff  }
0x2c5: {  	v24 =	vsub.f32 v15, v48;
	v20 =	vmul.f32 v20, v30;
	v2 =	vld [tilespmem:s5+$0x10]  }
0x2c6: {  	v15 =	vadd.f32 v16, v18;
	v16 =	vmul.f32 v21, v30;
	v21 =	vadd.f32 v9, v42;
	v3 =	vld [tilespmem:s5+$0xFFFFFFE0];
	[tilespmem:s3+$0x10] =	vst v7;
	s3 =	smov.u32 s8  }
0x2c7: {  	v9 =	vsub.f32 v8, v35;
	v28 =	vld [tilespmem:s6+$0x0]  }
0x2c8: {  	v8 =	vadd.f32 v17, v22;
	v25 =	vsub.f32 v25, v45;
	v17 =	vld.idx.msk [tilespmem:v32+s16+$0x0], $0xffff  }
0x2c9: {  	v22 =	vmul.f32 v24, v10;
	v18 =	vadd.f32 v16, v40;
	v19 =	vsub.f32 v19, v27;
	v7 =	vld [tilespmem:s6+$0x10]  }
.Ltmp4:
0x2ca: {  	v20 =	vadd.f32 v20, v23;
	v24 =	vmul.f32 v9, v10;
	v25 =	vmul.f32 v25, v10;
	v16 =	vld [tilespmem:s7+$0x10];
	(pc) =	sbr.rel @p0 .LBB2_10-.Ltmp4, $4  }
0x2cb: {  	v12 =	vmul.f32 v12, v11;
	v9 =	vadd.f32 v22, v48;
	v21 =	vsub.f32 v21, v18;
	v11 =	vld.idx.msk [tilespmem:v39+s16+$0x0], $0xffff  }
0x2cc: {  	v29 =	vmul.f32 v19, v10;
	v22 =	vadd.f32 v25, v45;
	v25 =	vsub.f32 v20, v15;
	v19 =	vld.idx.msk [tilespmem:v47+s16+$0x0], $0xffff  }
0x2cd: {  	v23 =	vadd.f32 v12, v13;
	s5 =	sadd.s32 $0x40, s5;
	v24 =	vadd.f32 v24, v35;
	v10 =	vmul.f32 v21, v28;
	v12 =	vld [tilespmem:s9+$0x0]  }
0x2ce: {  	s8 =	sadd.s32 $0x40, s8;
	s6 =	sadd.s32 $0x40, s6;
	s7 =	sadd.s32 $0x40, s7;
	v13 =	vadd.f32 v29, v27;
	v21 =	vmul.f32 v25, v28;
	v25 =	vsub.f32 v26, v17;
	v20 =	vld [tilespmem:s9+$0xFFFFFFF0]  }
0x2cf: {  	_ =	sdelay $0x3  }
0x2d0: {  	v14 =	vld.idx.msk [tilespmem:v14+s16+$0x0], $0xffff  }
0x2d1: {  	v6 =	vld.idx.msk [tilespmem:v6+s16+$0x0], $0xffff  }
0x2d2: {  	v4 =	vld.idx.msk [tilespmem:v4+s16+$0x0], $0xffff  }
0x2d3: {  	v5 =	vld.idx.msk [tilespmem:v5+s16+$0x0], $0xffff;
	_ =	sdelay $0x3  }
0x2d4: {  	v11 =	vsub.f32 v11, v19  }
0x2d5: {  	v6 =	vsub.f32 v6, v14;
	v5 =	vsub.f32 v5, v4  }
0x2d6: {  	v24 =	vsub.f32 v24, v9;
	v25 =	vmul.f32 v25, v16;
	v11 =	vmul.f32 v11, v16  }
0x2d7: {  	v22 =	vsub.f32 v22, v13;
	v6 =	vmul.f32 v6, v16;
	v5 =	vmul.f32 v5, v16  }
0x2d8: {  	v11 =	vadd.f32 v11, v19;
	v16 =	vadd.f32 v25, v17  }
0x2d9: {  	v6 =	vadd.f32 v6, v14;
	v4 =	vadd.f32 v5, v4  }
0x2da: {  	v5 =	vadd.f32 v10, v18;
	v10 =	vadd.f32 v21, v15  }
0x2db: {  	v11 =	vsub.f32 v11, v16;
	v6 =	vsub.f32 v6, v4  }
0x2dc: {  	v14 =	vsub.f32 v23, v8;
	v15 =	vmul.f32 v22, v1;
	v1 =	vmul.f32 v24, v1  }
0x2dd: {  	v5 =	vsub.f32 v5, v10;
	v11 =	vmul.f32 v11, v7;
	v6 =	vmul.f32 v6, v7  }
0x2de: {  	v1 =	vadd.f32 v1, v9;
	v7 =	vadd.f32 v15, v13  }
0x2df: {  	v9 =	vadd.f32 v11, v16;
	v4 =	vadd.f32 v6, v4  }
0x2e0: {  	v5 =	vmul.f32 v5, v12;
	v7 =	vsub.f32 v7, v1  }
0x2e1: {  	v6 =	vmul.f32 v14, v20;
	v9 =	vsub.f32 v9, v4  }
0x2e2: {  	v5 =	vadd.f32 v5, v10;
	v3 =	vmul.f32 v7, v3  }
0x2e3: {  	v6 =	vadd.f32 v6, v8;
	v2 =	vmul.f32 v9, v2  }
0x2e4: {  	[tilespmem:s3+$0x0] =	vst v5;
	v1 =	vadd.f32 v3, v1  }
0x2e5: {  	[tilespmem:s3+$0xFFFFFFF0] =	vst v6;
	v2 =	vadd.f32 v2, v4  }
0x2e6: {  	[tilespmem:s3+$0xFFFFFFE0] =	vst v1  }
0x2e7: {  	[tilespmem:s3+$0x10] =	vst v2  }
0x2e8: {  	s3 =	rddreg [dreg:$0x16]  }
0x2e9: {  	s5 =	simm.s32 $0x0;
	s11 =	sld [smem:$0x7F4]  }
0x2ea: {  	[hbm4b:s3+s5] =	stream.linear.scatter [tilespmem:s26], [sflag:$0x5], $0x800, $0x38;
	[tilespmem:$0xD000] =	vst v63  }
0x2eb: {  	_ = 	snop  }
0x2ec: {  	[tilespmem:s5], [sflag:$0x7] =	stream.linear.gather [hbm4b:s11+s5], $0x800, $0x38;
	[tilespmem:$0xD000] =	vst v63  }
0x2ed: {  	_ =	swait.ge [sflag:s14], $0x800  }
0x2ee: {  	[sflag:s14] =	ssyncset.done $0x0  }
0x2ef: {  	s4 =	sld [smem:$0x7F6];
	[sflag:s14] =	ssyncadd.s32 $0xFFFFF800  }
0x2f0: {  	[tilespmem:s16], [sflag:$0x1] =	stream.indirect.gather [hbm4b:s12+s15], $0x8, s5, s15, $0xb8;
	[tilespmem:$0xD000] =	vst v63  }
0x2f1: {  	s6 =	sld [smem:$0x7F8]  }
0x2f2: {  	[tilespmem:s17], [sflag:$0x3] =	stream.linear.gather [hbm4b:s4+s5], $0x800, $0x38;
	[tilespmem:$0xD000] =	vst v63  }
0x2f3: {  	s7 =	sld [smem:$0x7FA]  }
0x2f4: {  	[tilespmem:s18], [sflag:$0x3] =	stream.linear.gather [hbm4b:s6+s5], $0x800, $0x38;
	[tilespmem:$0xD000] =	vst v63  }
0x2f5: {  	_ = 	snop  }
0x2f6: {  	[tilespmem:s19], [sflag:$0x3] =	stream.linear.gather [hbm4b:s7+s5], $0x800, $0x38;
	[tilespmem:$0xD000] =	vst v63  }
0x2f7: {  	_ =	swait.ge [sflag:s28], $0x4000  }
0x2f8: {  	[sflag:s28] =	ssyncset.done $0x0  }
0x2f9: {  	[sflag:s28] =	ssyncadd.s32 $0xFFFFC000  }
0x2fa: {  	_ =	swait.ge [sflag:s29], $0x800  }
0x2fb: {  	[sflag:s29] =	ssyncset.done $0x0  }
0x2fc: {  	[sflag:s29] =	ssyncadd.s32 $0xFFFFF800  }
0x2fd: {  	_ =	swait.ge [sflag:s29], $0x800  }
0x2fe: {  	[sflag:s29] =	ssyncset.done $0x0  }
0x2ff: {  	[sflag:s29] =	ssyncadd.s32 $0xFFFFF800  }
0x300: {  	_ =	swait.ge [sflag:s29], $0x800  }
0x301: {  	[sflag:s29] =	ssyncset.done $0x0  }
0x302: {  	s8 =	simm.s32 $0x10;
	s4 =	simm.s32 $0x20;
	[sflag:s29] =	ssyncadd.s32 $0xFFFFF800  }
0x303: {  	v1 =	vmov s8;
	v2 =	vmov s4;
	_ =	swait.ge [sflag:s1], $0x800  }
0x304: {  	v1 =	vshll.u32 v1, $0x3;
	v2 =	vshll.u32 v2, $0x3;
	[sflag:s1] =	ssyncset.done $0x0  }
0x305: {  	s9 =	simm.s32 $0xA820;
	v3 =	vor.u32 v0, v1;
	v2 =	vor.u32 v0, v2;
	[sflag:s1] =	ssyncadd.s32 $0xFFFFF800  }
0x306: {  	s10 =	simm.s32 $0xB820;
	v4 =	vor.u32 $0x2, v3;
	v1 =	vld [tilespmem:s9+$0xFFFFFFE0]  }
0x307: {  	v5 =	vor.u32 $0x4, v3;
	v10 =	vld [tilespmem:s10+$0xFFFFFFE0]  }
0x308: {  	v11 =	vld [tilespmem:s9+$0xFFFFFFF0]  }
0x309: {  	v6 =	vor.u32 $0x7, v3;
	v7 =	vld [tilespmem:s10+$0xFFFFFFF0]  }
0x30a: {  	v8 =	vor.u32 $0x3, v3;
	v9 =	vld.idx.msk [tilespmem:v2+s20+$0x0], $0xffff  }
0x30b: {  	v16 =	vmov s5;
	v12 =	vor.u32 $0x1, v3;
	v13 =	vld.idx.msk [tilespmem:v4+s20+$0x0], $0xffff  }
0x30c: {  	v16 =	vshll.u32 v16, $0x3;
	v15 =	vor.u32 $0x4, v2;
	v14 =	vld.idx.msk [tilespmem:v5+s20+$0x0], $0xffff  }
0x30d: {  	v17 =	vor.u32 $0x6, v2;
	v4 =	vor.u32 $0x6, v3;
	v5 =	vor.u32 $0x5, v3;
	v3 =	vld.idx.msk [tilespmem:v3+s20+$0x0], $0xffff  }
0x30e: {  	v16 =	vor.u32 v0, v16;
	v6 =	vld.idx.msk [tilespmem:v6+s20+$0x0], $0xffff  }
0x30f: {  	v8 =	vld.idx.msk [tilespmem:v8+s20+$0x0], $0xffff  }
0x310: {  	v21 =	vor.u32 $0x6, v16;
	v12 =	vld.idx.msk [tilespmem:v12+s20+$0x0], $0xffff  }
0x311: {  	v23 =	vor.u32 $0x7, v2;
	v20 =	vld.idx.msk [tilespmem:v15+s20+$0x0], $0xffff  }
0x312: {  	v17 =	vld.idx.msk [tilespmem:v17+s20+$0x0], $0xffff  }
0x313: {  	v22 =	vld.idx.msk [tilespmem:v16+s20+$0x0], $0xffff  }
0x314: {  	v28 =	vor.u32 $0x1, v16;
	v24 =	vld [tilespmem:s10+$0x0]  }
0x315: {  	v25 =	vor.u32 $0x2, v2;
	v21 =	vld.idx.msk [tilespmem:v21+s20+$0x0], $0xffff  }
0x316: {  	v15 =	vor.u32 $0x2, v16;
	v23 =	vld.idx.msk [tilespmem:v23+s20+$0x0], $0xffff  }
0x317: {  	v31 =	vor.u32 $0x4, v16;
	v18 =	vld.idx.msk [tilespmem:v4+s20+$0x0], $0xffff  }
0x318: {  	v4 =	vor.u32 $0x1, v2;
	v19 =	vld.idx.msk [tilespmem:v5+s20+$0x0], $0xffff;
	v12 =	vsub.f32 v12, v3;
	v8 =	vsub.f32 v8, v13  }
0x319: {  	v28 =	vld.idx.msk [tilespmem:v28+s20+$0x0], $0xffff;
	v5 =	vor.u32 $0x3, v2  }
0x31a: {  	v25 =	vld.idx.msk [tilespmem:v25+s20+$0x0], $0xffff;
	v2 =	vor.u32 $0x5, v2;
	v12 =	vmul.f32 v12, v7;
	v8 =	vmul.f32 v8, v7  }
0x31b: {  	v30 =	vor.u32 $0x7, v16;
	v29 =	vld.idx.msk [tilespmem:v15+s20+$0x0], $0xffff;
	v15 =	vor.u32 $0x3, v16;
	v16 =	vor.u32 $0x5, v16  }
0x31c: {  	s11 =	simm.s32 $0x30;
	v31 =	vld.idx.msk [tilespmem:v31+s20+$0x0], $0xffff;
	v12 =	vadd.f32 v12, v3;
	v8 =	vadd.f32 v8, v13  }
0x31d: {  	v26 =	vld.idx.msk [tilespmem:v4+s20+$0x0], $0xffff;
	v4 =	vmov s11;
	v32 =	vsub.f32 v6, v18;
	v19 =	vsub.f32 v19, v14  }
0x31e: {  	v28 =	vsub.f32 v28, v22;
	v27 =	vld.idx.msk [tilespmem:v5+s20+$0x0], $0xffff;
	v4 =	vshll.u32 v4, $0x3;
	v8 =	vsub.f32 v8, v12  }
0x31f: {  	v2 =	vld.idx.msk [tilespmem:v2+s20+$0x0], $0xffff;
	v4 =	vor.u32 v0, v4;
	v32 =	vmul.f32 v32, v7;
	v3 =	vmul.f32 v19, v7  }
0x320: {  	v16 =	vld.idx.msk [tilespmem:v16+s20+$0x0], $0xffff;
	v5 =	vor.u32 $0x1, v4;
	v6 =	vor.u32 $0x3, v4;
	v33 =	vor.u32 $0x5, v4  }
0x321: {  	v7 =	vld.idx.msk [tilespmem:v15+s20+$0x0], $0xffff;
	v19 =	vor.u32 $0x6, v4;
	v60 =	vor.u32 $0x4, v4;
	v15 =	vadd.f32 v32, v18  }
0x322: {  	v8 =	vmul.f32 v8, v11;
	v61 =	vadd.f32 v3, v14;
	v13 =	vsub.f32 v26, v9;
	v26 =	vld.idx.msk [tilespmem:v30+s20+$0x0], $0xffff  }
0x323: {  	s6 =	simm.s32 $0x9820;
	v62 =	vld [tilespmem:s9+$0x0];
	v34 =	vor.u32 $0x7, v4;
	v3 =	vsub.f32 v23, v17;
	v18 =	vsub.f32 v27, v25  }
0x324: {  	v27 =	vsub.f32 v2, v20;
	v2 =	vld [tilespmem:s6+$0x10];
	v8 =	vadd.f32 v8, v12;
	v13 =	vmul.f32 v13, v24  }
0x325: {  	v14 =	vor.u32 $0x2, v4;
	v63 =	vsub.f32 v16, v31;
	v16 =	vld [tilespmem:s10+$0x10];
	v23 =	vsub.f32 v15, v61  }
0x326: {  	v35 =	vmul.f32 v3, v24;
	v3 =	vld [tilespmem:s6+$0xFFFFFFE0];
	v15 =	vadd.f32 v13, v9;
	v9 =	vmul.f32 v27, v24  }
0x327: {  	v33 =	vld.idx.msk [tilespmem:v33+s20+$0x0], $0xffff;
	v27 =	vsub.f32 v7, v29;
	v24 =	vmul.f32 v18, v24;
	v26 =	vsub.f32 v26, v21  }
0x328: {  	v12 =	vmul.f32 v28, v10;
	v13 =	vadd.f32 v35, v17;
	v17 =	vld.idx.msk [tilespmem:v60+s20+$0x0], $0xffff;
	v18 =	vadd.f32 v9, v20  }
0x329: {  	v19 =	vld.idx.msk [tilespmem:v19+s20+$0x0], $0xffff;
	v20 =	vmul.f32 v27, v10;
	v24 =	vadd.f32 v24, v25;
	v26 =	vmul.f32 v26, v10  }
0x32a: {  	v7 =	vld [tilespmem:s9+$0x10];
	v9 =	vadd.f32 v12, v22;
	v12 =	vmul.f32 v23, v11;
	v13 =	vsub.f32 v13, v18  }
0x32b: {  	v11 =	vld.idx.msk [tilespmem:v34+s20+$0x0], $0xffff;
	v25 =	vmul.f32 v63, v10;
	v22 =	vadd.f32 v26, v21;
	v21 =	vsub.f32 v24, v15  }
0x32c: {  	s8 =	simm.s32 $0xC860;
	s3 =	simm.s32 $0xC820;
	s4 =	simm.s32 $0x40;
	v23 =	vadd.f32 v12, v61;
	v12 =	vld [tilespmem:s6+$0x0];
	v24 =	vadd.f32 v20, v29;
	v10 =	vmul.f32 v13, v62  }
0x32d: {  	s5 =	simm.s32 $0x9860;
	s7 =	simm.s32 $0xB860;
	v20 =	vld [tilespmem:s6+$0xFFFFFFF0];
	s6 =	simm.s32 $0xA860;
	v13 =	vadd.f32 v25, v31;
	v25 =	vsub.f32 v33, v17;
	v21 =	vmul.f32 v21, v62  }
.LBB2_12:
0x32e: {  	s9 =	sadd.s32 $0x10, s4;
	s10 =	sadd.s32 $0x20, s4;
	s11 =	sadd.s32 $0x30, s4;
	v24 =	vsub.f32 v24, v9;
	v23 =	vsub.f32 v23, v8;
	v14 =	vld.idx.msk [tilespmem:v14+s20+$0x0], $0xffff  }
0x32f: {  	p0 =	slt.u32 s4, $0x7C0;
	v26 =	vmov s9;
	v27 =	vmov s10;
	v22 =	vsub.f32 v22, v13;
	v6 =	vld.idx.msk [tilespmem:v6+s20+$0x0], $0xffff;
	s10 =	smov.u32 s4;
	s4 =	sadd.s32 $0x40, s4  }
0x330: {  	v25 =	vmul.f32 v25, v16;
	s9 =	smov.u32 s5;
	v28 =	vld [tilespmem:s6+$0xFFFFFFE0];
	v26 =	vshll.u32 v26, $0x3;
	v27 =	vshll.u32 v27, $0x3  }
0x331: {  	v26 =	vor.u32 v0, v26;
	v27 =	vor.u32 v0, v27;
	v29 =	vld.idx.msk [tilespmem:v4+s20+$0x0], $0xffff;
	v4 =	vsub.f32 v11, v19  }
0x332: {  	v32 =	vadd.f32 v10, v18;
	v30 =	vor.u32 $0x1, v26;
	v31 =	vor.u32 $0x2, v26;
	v5 =	vld.idx.msk [tilespmem:v5+s20+$0x0], $0xffff  }
0x333: {  	v22 =	vmul.f32 v22, v1;
	v33 =	vor.u32 $0x4, v26;
	v34 =	vor.u32 $0x5, v26;
	v10 =	vld [tilespmem:s7+$0xFFFFFFE0]  }
0x334: {  	v35 =	vor.u32 $0x7, v26;
	v36 =	vor.u32 $0x1, v27;
	v37 =	vmul.f32 v4, v16;
	v11 =	vld [tilespmem:s6+$0xFFFFFFF0]  }
0x335: {  	v39 =	vor.u32 $0x3, v27;
	v40 =	vor.u32 $0x4, v27;
	v4 =	vsub.f32 v6, v14;
	v38 =	vld [tilespmem:s7+$0xFFFFFFF0]  }
0x336: {  	v15 =	vadd.f32 v21, v15;
	v41 =	vor.u32 $0x7, v27;
	v6 =	vor.u32 $0x3, v26;
	v18 =	vld.idx.msk [tilespmem:v27+s20+$0x0], $0xffff  }
0x337: {  	v17 =	vadd.f32 v25, v17;
	v42 =	vor.u32 $0x6, v27;
	v21 =	vld.idx.msk [tilespmem:v31+s20+$0x0], $0xffff;
	v31 =	vor.u32 $0x5, v27  }
0x338: {  	v27 =	vor.u32 $0x2, v27;
	v5 =	vsub.f32 v5, v29;
	v25 =	vld.idx.msk [tilespmem:v33+s20+$0x0], $0xffff;
	v33 =	vor.u32 $0x6, v26  }
0x339: {  	v43 =	vmov s11;
	v24 =	vmul.f32 v24, v1;
	v1 =	vmovc v28;
	v44 =	vmul.f32 v4, v16;
	v26 =	vld.idx.msk [tilespmem:v26+s20+$0x0], $0xffff  }
0x33a: {  	v20 =	vmul.f32 v23, v20;
	v4 =	vmov s10;
	v28 =	vld.idx.msk [tilespmem:v35+s20+$0x0], $0xffff;
	v35 =	vshll.u32 v43, $0x3  }
0x33b: {  	v23 =	vshll.u32 v4, $0x3;
	v16 =	vmul.f32 v5, v16;
	v43 =	vld.idx.msk [tilespmem:v6+s20+$0x0], $0xffff;
	v4 =	vor.u32 v0, v35  }
0x33c: {  	v8 =	vadd.f32 v20, v8;
	v23 =	vor.u32 v0, v23;
	v30 =	vld.idx.msk [tilespmem:v30+s20+$0x0], $0xffff;
	v5 =	vor.u32 $0x1, v4  }
0x33d: {  	v19 =	vadd.f32 v37, v19;
	v20 =	vor.u32 $0x1, v23;
	v35 =	vor.u32 $0x2, v23;
	v33 =	vld.idx.msk [tilespmem:v33+s20+$0x0], $0xffff  }
0x33e: {  	v32 =	vsub.f32 v32, v15;
	v37 =	vor.u32 $0x4, v23;
	v45 =	vor.u32 $0x6, v23;
	v34 =	vld.idx.msk [tilespmem:v34+s20+$0x0], $0xffff  }
0x33f: {  	v14 =	vadd.f32 v44, v14;
	v46 =	vor.u32 $0x7, v23;
	v6 =	vor.u32 $0x3, v4;
	v40 =	vld.idx.msk [tilespmem:v40+s20+$0x0], $0xffff  }
0x340: {  	v19 =	vsub.f32 v19, v17;
	v44 =	vor.u32 $0x5, v4;
	v47 =	vor.u32 $0x6, v4;
	v42 =	vld.idx.msk [tilespmem:v42+s20+$0x0], $0xffff  }
0x341: {  	v9 =	vadd.f32 v24, v9;
	v12 =	vmul.f32 v32, v12;
	v43 =	vsub.f32 v43, v21;
	v48 =	vld.idx.msk [tilespmem:v23+s20+$0x0], $0xffff  }
0x342: {  	v16 =	vadd.f32 v16, v29;
	v32 =	vor.u32 $0x4, v4;
	v24 =	vsub.f32 v30, v26;
	v30 =	vld [tilespmem:s7+$0x0]  }
0x343: {  	v13 =	vadd.f32 v22, v13;
	v29 =	vmul.f32 v43, v38;
	v28 =	vsub.f32 v28, v33;
	v36 =	vld.idx.msk [tilespmem:v36+s20+$0x0], $0xffff  }
0x344: {  	v14 =	vsub.f32 v14, v16;
	v22 =	vmul.f32 v24, v38;
	v24 =	vsub.f32 v34, v25;
	v34 =	vld.idx.msk [tilespmem:v39+s20+$0x0], $0xffff  }
0x345: {  	v19 =	vmul.f32 v19, v7;
	v28 =	vmul.f32 v28, v38;
	v39 =	vor.u32 $0x7, v4;
	v35 =	vld.idx.msk [tilespmem:v35+s20+$0x0], $0xffff  }
0x346: {  	v7 =	vmul.f32 v14, v7;
	v43 =	vor.u32 $0x3, v23;
	v22 =	vadd.f32 v22, v26;
	v45 =	vld.idx.msk [tilespmem:v45+s20+$0x0], $0xffff  }
0x347: {  	v17 =	vadd.f32 v19, v17;
	v14 =	vor.u32 $0x2, v4;
	v21 =	vadd.f32 v29, v21;
	v26 =	vld.idx.msk [tilespmem:v41+s20+$0x0], $0xffff  }
0x348: {  	v13 =	vsub.f32 v13, v9;
	v19 =	vor.u32 $0x5, v23;
	v7 =	vadd.f32 v7, v16;
	v23 =	vld.idx.msk [tilespmem:v27+s20+$0x0], $0xffff  }
0x349: {  	v12 =	vadd.f32 v12, v15;
	v16 =	vmul.f32 v24, v38;
	v27 =	vsub.f32 v36, v18;
	v24 =	vld.idx.msk [tilespmem:v31+s20+$0x0], $0xffff  }
0x34a: {  	v3 =	vmul.f32 v13, v3;
	v15 =	vld.idx.msk [tilespmem:v20+s20+$0x0], $0xffff;
	v20 =	vadd.f32 v28, v33;
	[tilespmem:s3+$0xFFFFFFF0] =	vst v8  }
0x34b: {  	v17 =	vsub.f32 v17, v7;
	v13 =	vadd.f32 v16, v25;
	v16 =	vmul.f32 v27, v30;
	v8 =	vld.idx.msk [tilespmem:v43+s20+$0x0], $0xffff  }
0x34c: {  	v3 =	vadd.f32 v3, v9;
	v21 =	vsub.f32 v21, v22;
	v25 =	vld.idx.msk [tilespmem:v46+s20+$0x0], $0xffff;
	[tilespmem:s3+$0x0] =	vst v12  }
0x34d: {  	v2 =	vmul.f32 v17, v2;
	v12 =	vsub.f32 v20, v13;
	v9 =	vsub.f32 v26, v42;
	v27 =	vld.idx.msk [tilespmem:v37+s20+$0x0], $0xffff  }
0x34e: {  	v17 =	vmul.f32 v21, v11;
	v20 =	vsub.f32 v34, v23;
	v19 =	vld.idx.msk [tilespmem:v19+s20+$0x0], $0xffff;
	[tilespmem:s3+$0xFFFFFFE0] =	vst v3  }
0x34f: {  	v7 =	vadd.f32 v2, v7;
	v21 =	vsub.f32 v24, v40;
	v9 =	vmul.f32 v9, v30;
	v26 =	vld.idx.msk [tilespmem:v44+s20+$0x0], $0xffff  }
0x350: {  	v24 =	vsub.f32 v15, v48;
	v20 =	vmul.f32 v20, v30;
	v2 =	vld [tilespmem:s5+$0x10]  }
0x351: {  	v15 =	vadd.f32 v16, v18;
	v16 =	vmul.f32 v21, v30;
	v21 =	vadd.f32 v9, v42;
	v3 =	vld [tilespmem:s5+$0xFFFFFFE0];
	[tilespmem:s3+$0x10] =	vst v7;
	s3 =	smov.u32 s8  }
0x352: {  	v9 =	vsub.f32 v8, v35;
	v28 =	vld [tilespmem:s6+$0x0]  }
0x353: {  	v8 =	vadd.f32 v17, v22;
	v25 =	vsub.f32 v25, v45;
	v17 =	vld.idx.msk [tilespmem:v32+s20+$0x0], $0xffff  }
0x354: {  	v22 =	vmul.f32 v24, v10;
	v18 =	vadd.f32 v16, v40;
	v19 =	vsub.f32 v19, v27;
	v7 =	vld [tilespmem:s6+$0x10]  }
.Ltmp5:
0x355: {  	v20 =	vadd.f32 v20, v23;
	v24 =	vmul.f32 v9, v10;
	v25 =	vmul.f32 v25, v10;
	v16 =	vld [tilespmem:s7+$0x10];
	(pc) =	sbr.rel @p0 .LBB2_12-.Ltmp5, $4  }
0x356: {  	v12 =	vmul.f32 v12, v11;
	v9 =	vadd.f32 v22, v48;
	v21 =	vsub.f32 v21, v18;
	v11 =	vld.idx.msk [tilespmem:v39+s20+$0x0], $0xffff  }
0x357: {  	v29 =	vmul.f32 v19, v10;
	v22 =	vadd.f32 v25, v45;
	v25 =	vsub.f32 v20, v15;
	v19 =	vld.idx.msk [tilespmem:v47+s20+$0x0], $0xffff  }
0x358: {  	v23 =	vadd.f32 v12, v13;
	s5 =	sadd.s32 $0x40, s5;
	v24 =	vadd.f32 v24, v35;
	v10 =	vmul.f32 v21, v28;
	v12 =	vld [tilespmem:s9+$0x0]  }
0x359: {  	s8 =	sadd.s32 $0x40, s8;
	s6 =	sadd.s32 $0x40, s6;
	s7 =	sadd.s32 $0x40, s7;
	v13 =	vadd.f32 v29, v27;
	v21 =	vmul.f32 v25, v28;
	v25 =	vsub.f32 v26, v17;
	v20 =	vld [tilespmem:s9+$0xFFFFFFF0]  }
0x35a: {  	_ =	sdelay $0x3  }
0x35b: {  	v14 =	vld.idx.msk [tilespmem:v14+s20+$0x0], $0xffff  }
0x35c: {  	v6 =	vld.idx.msk [tilespmem:v6+s20+$0x0], $0xffff  }
0x35d: {  	v4 =	vld.idx.msk [tilespmem:v4+s20+$0x0], $0xffff  }
0x35e: {  	v5 =	vld.idx.msk [tilespmem:v5+s20+$0x0], $0xffff;
	_ =	sdelay $0x3  }
0x35f: {  	v11 =	vsub.f32 v11, v19  }
0x360: {  	v6 =	vsub.f32 v6, v14;
	v5 =	vsub.f32 v5, v4  }
0x361: {  	v24 =	vsub.f32 v24, v9;
	v25 =	vmul.f32 v25, v16;
	v11 =	vmul.f32 v11, v16  }
0x362: {  	v22 =	vsub.f32 v22, v13;
	v6 =	vmul.f32 v6, v16;
	v5 =	vmul.f32 v5, v16  }
0x363: {  	v11 =	vadd.f32 v11, v19;
	v16 =	vadd.f32 v25, v17  }
0x364: {  	v6 =	vadd.f32 v6, v14;
	v4 =	vadd.f32 v5, v4  }
0x365: {  	v5 =	vadd.f32 v10, v18;
	v10 =	vadd.f32 v21, v15  }
0x366: {  	v11 =	vsub.f32 v11, v16;
	v6 =	vsub.f32 v6, v4  }
0x367: {  	v14 =	vsub.f32 v23, v8;
	v15 =	vmul.f32 v22, v1;
	v1 =	vmul.f32 v24, v1  }
0x368: {  	v5 =	vsub.f32 v5, v10;
	v11 =	vmul.f32 v11, v7;
	v6 =	vmul.f32 v6, v7  }
0x369: {  	v1 =	vadd.f32 v1, v9;
	v7 =	vadd.f32 v15, v13  }
0x36a: {  	v9 =	vadd.f32 v11, v16;
	v4 =	vadd.f32 v6, v4  }
0x36b: {  	v5 =	vmul.f32 v5, v12;
	v7 =	vsub.f32 v7, v1  }
0x36c: {  	v6 =	vmul.f32 v14, v20;
	v9 =	vsub.f32 v9, v4  }
0x36d: {  	v5 =	vadd.f32 v5, v10;
	v3 =	vmul.f32 v7, v3  }
0x36e: {  	v6 =	vadd.f32 v6, v8;
	v2 =	vmul.f32 v9, v2  }
0x36f: {  	[tilespmem:s3+$0x0] =	vst v5;
	v1 =	vadd.f32 v3, v1  }
0x370: {  	[tilespmem:s3+$0xFFFFFFF0] =	vst v6;
	v2 =	vadd.f32 v2, v4  }
0x371: {  	[tilespmem:s3+$0xFFFFFFE0] =	vst v1  }
0x372: {  	[tilespmem:s3+$0x10] =	vst v2  }
0x373: {  	s3 =	rddreg [dreg:$0x1b]  }
0x374: {  	s5 =	simm.s32 $0x0;
	s11 =	sld [smem:$0x7F5]  }
0x375: {  	[hbm4b:s3+s5] =	stream.linear.scatter [tilespmem:s30], [sflag:$0x6], $0x800, $0x38;
	[tilespmem:$0xD000] =	vst v63  }
0x376: {  	_ = 	snop  }
0x377: {  	[tilespmem:s15], [sflag:$0x7] =	stream.linear.gather [hbm4b:s11+s5], $0x800, $0x38;
	[tilespmem:$0xD000] =	vst v63  }
0x378: {  	_ =	swait.ge [sflag:s14], $0x800  }
0x379: {  	[sflag:s14] =	ssyncset.done $0x0  }
0x37a: {  	s4 =	sld [smem:$0x7F7];
	[sflag:s14] =	ssyncadd.s32 $0xFFFFF800  }
0x37b: {  	[tilespmem:s20], [sflag:$0x2] =	stream.indirect.gather [hbm4b:s12+s15], $0x8, s15, s15, $0xb8;
	[tilespmem:$0xD000] =	vst v63  }
0x37c: {  	s6 =	sld [smem:$0x7F9]  }
0x37d: {  	[tilespmem:s21], [sflag:$0x4] =	stream.linear.gather [hbm4b:s4+s5], $0x800, $0x38;
	[tilespmem:$0xD000] =	vst v63  }
0x37e: {  	s7 =	sld [smem:$0x7FB]  }
0x37f: {  	[tilespmem:s22], [sflag:$0x4] =	stream.linear.gather [hbm4b:s6+s5], $0x800, $0x38;
	[tilespmem:$0xD000] =	vst v63  }
0x380: {  	_ = 	snop  }
0x381: {  	[tilespmem:s23], [sflag:$0x4] =	stream.linear.gather [hbm4b:s7+s5], $0x800, $0x38;
	[tilespmem:$0xD000] =	vst v63  }
0x382: {  	_ =	swait.ge [sflag:s24], $0x4000  }
0x383: {  	[sflag:s24] =	ssyncset.done $0x0  }
0x384: {  	[sflag:s24] =	ssyncadd.s32 $0xFFFFC000  }
0x385: {  	_ =	swait.ge [sflag:s25], $0x800  }
0x386: {  	[sflag:s25] =	ssyncset.done $0x0  }
0x387: {  	[sflag:s25] =	ssyncadd.s32 $0xFFFFF800  }
0x388: {  	_ =	swait.ge [sflag:s25], $0x800  }
0x389: {  	[sflag:s25] =	ssyncset.done $0x0  }
0x38a: {  	[sflag:s25] =	ssyncadd.s32 $0xFFFFF800  }
0x38b: {  	_ =	swait.ge [sflag:s25], $0x800  }
0x38c: {  	[sflag:s25] =	ssyncset.done $0x0  }
0x38d: {  	s8 =	simm.s32 $0x10;
	s4 =	simm.s32 $0x20;
	[sflag:s25] =	ssyncadd.s32 $0xFFFFF800  }
0x38e: {  	v1 =	vmov s8;
	v2 =	vmov s4;
	_ =	swait.ge [sflag:s31], $0x800  }
0x38f: {  	v1 =	vshll.u32 v1, $0x3;
	v2 =	vshll.u32 v2, $0x3;
	[sflag:s31] =	ssyncset.done $0x0  }
0x390: {  	s9 =	simm.s32 $0xA020;
	v3 =	vor.u32 v0, v1;
	v2 =	vor.u32 v0, v2;
	[sflag:s31] =	ssyncadd.s32 $0xFFFFF800  }
0x391: {  	s10 =	simm.s32 $0xB020;
	v4 =	vor.u32 $0x2, v3;
	v1 =	vld [tilespmem:s9+$0xFFFFFFE0]  }
0x392: {  	v5 =	vor.u32 $0x4, v3;
	v10 =	vld [tilespmem:s10+$0xFFFFFFE0]  }
0x393: {  	v11 =	vld [tilespmem:s9+$0xFFFFFFF0]  }
0x394: {  	v6 =	vor.u32 $0x7, v3;
	v7 =	vld [tilespmem:s10+$0xFFFFFFF0]  }
0x395: {  	v8 =	vor.u32 $0x3, v3;
	v9 =	vld.idx.msk [tilespmem:v2+s16+$0x0], $0xffff  }
0x396: {  	v16 =	vmov s5;
	v12 =	vor.u32 $0x1, v3;
	v13 =	vld.idx.msk [tilespmem:v4+s16+$0x0], $0xffff  }
0x397: {  	v16 =	vshll.u32 v16, $0x3;
	v15 =	vor.u32 $0x4, v2;
	v14 =	vld.idx.msk [tilespmem:v5+s16+$0x0], $0xffff  }
0x398: {  	v17 =	vor.u32 $0x6, v2;
	v4 =	vor.u32 $0x6, v3;
	v5 =	vor.u32 $0x5, v3;
	v3 =	vld.idx.msk [tilespmem:v3+s16+$0x0], $0xffff  }
0x399: {  	v16 =	vor.u32 v0, v16;
	v6 =	vld.idx.msk [tilespmem:v6+s16+$0x0], $0xffff  }
0x39a: {  	v8 =	vld.idx.msk [tilespmem:v8+s16+$0x0], $0xffff  }
0x39b: {  	v21 =	vor.u32 $0x6, v16;
	v12 =	vld.idx.msk [tilespmem:v12+s16+$0x0], $0xffff  }
0x39c: {  	v23 =	vor.u32 $0x7, v2;
	v20 =	vld.idx.msk [tilespmem:v15+s16+$0x0], $0xffff  }
0x39d: {  	v17 =	vld.idx.msk [tilespmem:v17+s16+$0x0], $0xffff  }
0x39e: {  	v22 =	vld.idx.msk [tilespmem:v16+s16+$0x0], $0xffff  }
0x39f: {  	v28 =	vor.u32 $0x1, v16;
	v24 =	vld [tilespmem:s10+$0x0]  }
0x3a0: {  	v25 =	vor.u32 $0x2, v2;
	v21 =	vld.idx.msk [tilespmem:v21+s16+$0x0], $0xffff  }
0x3a1: {  	v15 =	vor.u32 $0x2, v16;
	v23 =	vld.idx.msk [tilespmem:v23+s16+$0x0], $0xffff  }
0x3a2: {  	v31 =	vor.u32 $0x4, v16;
	v18 =	vld.idx.msk [tilespmem:v4+s16+$0x0], $0xffff  }
0x3a3: {  	v4 =	vor.u32 $0x1, v2;
	v19 =	vld.idx.msk [tilespmem:v5+s16+$0x0], $0xffff;
	v12 =	vsub.f32 v12, v3;
	v8 =	vsub.f32 v8, v13  }
0x3a4: {  	v28 =	vld.idx.msk [tilespmem:v28+s16+$0x0], $0xffff;
	v5 =	vor.u32 $0x3, v2  }
0x3a5: {  	v25 =	vld.idx.msk [tilespmem:v25+s16+$0x0], $0xffff;
	v2 =	vor.u32 $0x5, v2;
	v12 =	vmul.f32 v12, v7;
	v8 =	vmul.f32 v8, v7  }
0x3a6: {  	v30 =	vor.u32 $0x7, v16;
	v29 =	vld.idx.msk [tilespmem:v15+s16+$0x0], $0xffff;
	v15 =	vor.u32 $0x3, v16;
	v16 =	vor.u32 $0x5, v16  }
0x3a7: {  	s11 =	simm.s32 $0x30;
	v31 =	vld.idx.msk [tilespmem:v31+s16+$0x0], $0xffff;
	v12 =	vadd.f32 v12, v3;
	v8 =	vadd.f32 v8, v13  }
0x3a8: {  	v26 =	vld.idx.msk [tilespmem:v4+s16+$0x0], $0xffff;
	v4 =	vmov s11;
	v32 =	vsub.f32 v6, v18;
	v19 =	vsub.f32 v19, v14  }
0x3a9: {  	v28 =	vsub.f32 v28, v22;
	v27 =	vld.idx.msk [tilespmem:v5+s16+$0x0], $0xffff;
	v4 =	vshll.u32 v4, $0x3;
	v8 =	vsub.f32 v8, v12  }
0x3aa: {  	v2 =	vld.idx.msk [tilespmem:v2+s16+$0x0], $0xffff;
	v4 =	vor.u32 v0, v4;
	v32 =	vmul.f32 v32, v7;
	v3 =	vmul.f32 v19, v7  }
0x3ab: {  	v16 =	vld.idx.msk [tilespmem:v16+s16+$0x0], $0xffff;
	v5 =	vor.u32 $0x1, v4;
	v6 =	vor.u32 $0x3, v4;
	v33 =	vor.u32 $0x5, v4  }
0x3ac: {  	v7 =	vld.idx.msk [tilespmem:v15+s16+$0x0], $0xffff;
	v19 =	vor.u32 $0x6, v4;
	v60 =	vor.u32 $0x4, v4;
	v15 =	vadd.f32 v32, v18  }
0x3ad: {  	v8 =	vmul.f32 v8, v11;
	v61 =	vadd.f32 v3, v14;
	v13 =	vsub.f32 v26, v9;
	v26 =	vld.idx.msk [tilespmem:v30+s16+$0x0], $0xffff  }
0x3ae: {  	s6 =	simm.s32 $0x9020;
	v62 =	vld [tilespmem:s9+$0x0];
	v34 =	vor.u32 $0x7, v4;
	v3 =	vsub.f32 v23, v17;
	v18 =	vsub.f32 v27, v25  }
0x3af: {  	v27 =	vsub.f32 v2, v20;
	v2 =	vld [tilespmem:s6+$0x10];
	v8 =	vadd.f32 v8, v12;
	v13 =	vmul.f32 v13, v24  }
0x3b0: {  	v14 =	vor.u32 $0x2, v4;
	v63 =	vsub.f32 v16, v31;
	v16 =	vld [tilespmem:s10+$0x10];
	v23 =	vsub.f32 v15, v61  }
0x3b1: {  	v35 =	vmul.f32 v3, v24;
	v3 =	vld [tilespmem:s6+$0xFFFFFFE0];
	v15 =	vadd.f32 v13, v9;
	v9 =	vmul.f32 v27, v24  }
0x3b2: {  	v33 =	vld.idx.msk [tilespmem:v33+s16+$0x0], $0xffff;
	v27 =	vsub.f32 v7, v29;
	v24 =	vmul.f32 v18, v24;
	v26 =	vsub.f32 v26, v21  }
0x3b3: {  	v12 =	vmul.f32 v28, v10;
	v13 =	vadd.f32 v35, v17;
	v17 =	vld.idx.msk [tilespmem:v60+s16+$0x0], $0xffff;
	v18 =	vadd.f32 v9, v20  }
0x3b4: {  	v19 =	vld.idx.msk [tilespmem:v19+s16+$0x0], $0xffff;
	v20 =	vmul.f32 v27, v10;
	v24 =	vadd.f32 v24, v25;
	v26 =	vmul.f32 v26, v10  }
0x3b5: {  	v7 =	vld [tilespmem:s9+$0x10];
	v9 =	vadd.f32 v12, v22;
	v12 =	vmul.f32 v23, v11;
	v13 =	vsub.f32 v13, v18  }
0x3b6: {  	v11 =	vld.idx.msk [tilespmem:v34+s16+$0x0], $0xffff;
	v25 =	vmul.f32 v63, v10;
	v22 =	vadd.f32 v26, v21;
	v21 =	vsub.f32 v24, v15  }
0x3b7: {  	s8 =	simm.s32 $0xC060;
	s3 =	simm.s32 $0xC020;
	s4 =	simm.s32 $0x40;
	v23 =	vadd.f32 v12, v61;
	v12 =	vld [tilespmem:s6+$0x0];
	v24 =	vadd.f32 v20, v29;
	v10 =	vmul.f32 v13, v62  }
0x3b8: {  	s5 =	simm.s32 $0x9060;
	s7 =	simm.s32 $0xB060;
	v20 =	vld [tilespmem:s6+$0xFFFFFFF0];
	s6 =	simm.s32 $0xA060;
	v13 =	vadd.f32 v25, v31;
	v25 =	vsub.f32 v33, v17;
	v21 =	vmul.f32 v21, v62  }
.LBB2_14:
0x3b9: {  	s9 =	sadd.s32 $0x10, s4;
	s10 =	sadd.s32 $0x20, s4;
	s11 =	sadd.s32 $0x30, s4;
	v24 =	vsub.f32 v24, v9;
	v23 =	vsub.f32 v23, v8;
	v14 =	vld.idx.msk [tilespmem:v14+s16+$0x0], $0xffff  }
0x3ba: {  	p0 =	slt.u32 s4, $0x7C0;
	v26 =	vmov s9;
	v27 =	vmov s10;
	v22 =	vsub.f32 v22, v13;
	v6 =	vld.idx.msk [tilespmem:v6+s16+$0x0], $0xffff;
	s10 =	smov.u32 s4;
	s4 =	sadd.s32 $0x40, s4  }
0x3bb: {  	v25 =	vmul.f32 v25, v16;
	s9 =	smov.u32 s5;
	v28 =	vld [tilespmem:s6+$0xFFFFFFE0];
	v26 =	vshll.u32 v26, $0x3;
	v27 =	vshll.u32 v27, $0x3  }
0x3bc: {  	v26 =	vor.u32 v0, v26;
	v27 =	vor.u32 v0, v27;
	v29 =	vld.idx.msk [tilespmem:v4+s16+$0x0], $0xffff;
	v4 =	vsub.f32 v11, v19  }
0x3bd: {  	v32 =	vadd.f32 v10, v18;
	v30 =	vor.u32 $0x1, v26;
	v31 =	vor.u32 $0x2, v26;
	v5 =	vld.idx.msk [tilespmem:v5+s16+$0x0], $0xffff  }
0x3be: {  	v22 =	vmul.f32 v22, v1;
	v33 =	vor.u32 $0x4, v26;
	v34 =	vor.u32 $0x5, v26;
	v10 =	vld [tilespmem:s7+$0xFFFFFFE0]  }
0x3bf: {  	v35 =	vor.u32 $0x7, v26;
	v36 =	vor.u32 $0x1, v27;
	v37 =	vmul.f32 v4, v16;
	v11 =	vld [tilespmem:s6+$0xFFFFFFF0]  }
0x3c0: {  	v39 =	vor.u32 $0x3, v27;
	v40 =	vor.u32 $0x4, v27;
	v4 =	vsub.f32 v6, v14;
	v38 =	vld [tilespmem:s7+$0xFFFFFFF0]  }
0x3c1: {  	v15 =	vadd.f32 v21, v15;
	v41 =	vor.u32 $0x7, v27;
	v6 =	vor.u32 $0x3, v26;
	v18 =	vld.idx.msk [tilespmem:v27+s16+$0x0], $0xffff  }
0x3c2: {  	v17 =	vadd.f32 v25, v17;
	v42 =	vor.u32 $0x6, v27;
	v21 =	vld.idx.msk [tilespmem:v31+s16+$0x0], $0xffff;
	v31 =	vor.u32 $0x5, v27  }
0x3c3: {  	v27 =	vor.u32 $0x2, v27;
	v5 =	vsub.f32 v5, v29;
	v25 =	vld.idx.msk [tilespmem:v33+s16+$0x0], $0xffff;
	v33 =	vor.u32 $0x6, v26  }
0x3c4: {  	v43 =	vmov s11;
	v24 =	vmul.f32 v24, v1;
	v1 =	vmovc v28;
	v44 =	vmul.f32 v4, v16;
	v26 =	vld.idx.msk [tilespmem:v26+s16+$0x0], $0xffff  }
0x3c5: {  	v20 =	vmul.f32 v23, v20;
	v4 =	vmov s10;
	v28 =	vld.idx.msk [tilespmem:v35+s16+$0x0], $0xffff;
	v35 =	vshll.u32 v43, $0x3  }
0x3c6: {  	v23 =	vshll.u32 v4, $0x3;
	v16 =	vmul.f32 v5, v16;
	v43 =	vld.idx.msk [tilespmem:v6+s16+$0x0], $0xffff;
	v4 =	vor.u32 v0, v35  }
0x3c7: {  	v8 =	vadd.f32 v20, v8;
	v23 =	vor.u32 v0, v23;
	v30 =	vld.idx.msk [tilespmem:v30+s16+$0x0], $0xffff;
	v5 =	vor.u32 $0x1, v4  }
0x3c8: {  	v19 =	vadd.f32 v37, v19;
	v20 =	vor.u32 $0x1, v23;
	v35 =	vor.u32 $0x2, v23;
	v33 =	vld.idx.msk [tilespmem:v33+s16+$0x0], $0xffff  }
0x3c9: {  	v32 =	vsub.f32 v32, v15;
	v37 =	vor.u32 $0x4, v23;
	v45 =	vor.u32 $0x6, v23;
	v34 =	vld.idx.msk [tilespmem:v34+s16+$0x0], $0xffff  }
0x3ca: {  	v14 =	vadd.f32 v44, v14;
	v46 =	vor.u32 $0x7, v23;
	v6 =	vor.u32 $0x3, v4;
	v40 =	vld.idx.msk [tilespmem:v40+s16+$0x0], $0xffff  }
0x3cb: {  	v19 =	vsub.f32 v19, v17;
	v44 =	vor.u32 $0x5, v4;
	v47 =	vor.u32 $0x6, v4;
	v42 =	vld.idx.msk [tilespmem:v42+s16+$0x0], $0xffff  }
0x3cc: {  	v9 =	vadd.f32 v24, v9;
	v12 =	vmul.f32 v32, v12;
	v43 =	vsub.f32 v43, v21;
	v48 =	vld.idx.msk [tilespmem:v23+s16+$0x0], $0xffff  }
0x3cd: {  	v16 =	vadd.f32 v16, v29;
	v32 =	vor.u32 $0x4, v4;
	v24 =	vsub.f32 v30, v26;
	v30 =	vld [tilespmem:s7+$0x0]  }
0x3ce: {  	v13 =	vadd.f32 v22, v13;
	v29 =	vmul.f32 v43, v38;
	v28 =	vsub.f32 v28, v33;
	v36 =	vld.idx.msk [tilespmem:v36+s16+$0x0], $0xffff  }
0x3cf: {  	v14 =	vsub.f32 v14, v16;
	v22 =	vmul.f32 v24, v38;
	v24 =	vsub.f32 v34, v25;
	v34 =	vld.idx.msk [tilespmem:v39+s16+$0x0], $0xffff  }
0x3d0: {  	v19 =	vmul.f32 v19, v7;
	v28 =	vmul.f32 v28, v38;
	v39 =	vor.u32 $0x7, v4;
	v35 =	vld.idx.msk [tilespmem:v35+s16+$0x0], $0xffff  }
0x3d1: {  	v7 =	vmul.f32 v14, v7;
	v43 =	vor.u32 $0x3, v23;
	v22 =	vadd.f32 v22, v26;
	v45 =	vld.idx.msk [tilespmem:v45+s16+$0x0], $0xffff  }
0x3d2: {  	v17 =	vadd.f32 v19, v17;
	v14 =	vor.u32 $0x2, v4;
	v21 =	vadd.f32 v29, v21;
	v26 =	vld.idx.msk [tilespmem:v41+s16+$0x0], $0xffff  }
0x3d3: {  	v13 =	vsub.f32 v13, v9;
	v19 =	vor.u32 $0x5, v23;
	v7 =	vadd.f32 v7, v16;
	v23 =	vld.idx.msk [tilespmem:v27+s16+$0x0], $0xffff  }
0x3d4: {  	v12 =	vadd.f32 v12, v15;
	v16 =	vmul.f32 v24, v38;
	v27 =	vsub.f32 v36, v18;
	v24 =	vld.idx.msk [tilespmem:v31+s16+$0x0], $0xffff  }
0x3d5: {  	v3 =	vmul.f32 v13, v3;
	v15 =	vld.idx.msk [tilespmem:v20+s16+$0x0], $0xffff;
	v20 =	vadd.f32 v28, v33;
	[tilespmem:s3+$0xFFFFFFF0] =	vst v8  }
0x3d6: {  	v17 =	vsub.f32 v17, v7;
	v13 =	vadd.f32 v16, v25;
	v16 =	vmul.f32 v27, v30;
	v8 =	vld.idx.msk [tilespmem:v43+s16+$0x0], $0xffff  }
0x3d7: {  	v3 =	vadd.f32 v3, v9;
	v21 =	vsub.f32 v21, v22;
	v25 =	vld.idx.msk [tilespmem:v46+s16+$0x0], $0xffff;
	[tilespmem:s3+$0x0] =	vst v12  }
0x3d8: {  	v2 =	vmul.f32 v17, v2;
	v12 =	vsub.f32 v20, v13;
	v9 =	vsub.f32 v26, v42;
	v27 =	vld.idx.msk [tilespmem:v37+s16+$0x0], $0xffff  }
0x3d9: {  	v17 =	vmul.f32 v21, v11;
	v20 =	vsub.f32 v34, v23;
	v19 =	vld.idx.msk [tilespmem:v19+s16+$0x0], $0xffff;
	[tilespmem:s3+$0xFFFFFFE0] =	vst v3  }
0x3da: {  	v7 =	vadd.f32 v2, v7;
	v21 =	vsub.f32 v24, v40;
	v9 =	vmul.f32 v9, v30;
	v26 =	vld.idx.msk [tilespmem:v44+s16+$0x0], $0xffff  }
0x3db: {  	v24 =	vsub.f32 v15, v48;
	v20 =	vmul.f32 v20, v30;
	v2 =	vld [tilespmem:s5+$0x10]  }
0x3dc: {  	v15 =	vadd.f32 v16, v18;
	v16 =	vmul.f32 v21, v30;
	v21 =	vadd.f32 v9, v42;
	v3 =	vld [tilespmem:s5+$0xFFFFFFE0];
	[tilespmem:s3+$0x10] =	vst v7;
	s3 =	smov.u32 s8  }
0x3dd: {  	v9 =	vsub.f32 v8, v35;
	v28 =	vld [tilespmem:s6+$0x0]  }
0x3de: {  	v8 =	vadd.f32 v17, v22;
	v25 =	vsub.f32 v25, v45;
	v17 =	vld.idx.msk [tilespmem:v32+s16+$0x0], $0xffff  }
0x3df: {  	v22 =	vmul.f32 v24, v10;
	v18 =	vadd.f32 v16, v40;
	v19 =	vsub.f32 v19, v27;
	v7 =	vld [tilespmem:s6+$0x10]  }
.Ltmp6:
0x3e0: {  	v20 =	vadd.f32 v20, v23;
	v24 =	vmul.f32 v9, v10;
	v25 =	vmul.f32 v25, v10;
	v16 =	vld [tilespmem:s7+$0x10];
	(pc) =	sbr.rel @p0 .LBB2_14-.Ltmp6, $4  }
0x3e1: {  	v12 =	vmul.f32 v12, v11;
	v9 =	vadd.f32 v22, v48;
	v21 =	vsub.f32 v21, v18;
	v11 =	vld.idx.msk [tilespmem:v39+s16+$0x0], $0xffff  }
0x3e2: {  	v29 =	vmul.f32 v19, v10;
	v22 =	vadd.f32 v25, v45;
	v25 =	vsub.f32 v20, v15;
	v19 =	vld.idx.msk [tilespmem:v47+s16+$0x0], $0xffff  }
0x3e3: {  	v23 =	vadd.f32 v12, v13;
	s5 =	sadd.s32 $0x40, s5;
	v24 =	vadd.f32 v24, v35;
	v10 =	vmul.f32 v21, v28;
	v12 =	vld [tilespmem:s9+$0x0]  }
0x3e4: {  	s8 =	sadd.s32 $0x40, s8;
	s6 =	sadd.s32 $0x40, s6;
	s7 =	sadd.s32 $0x40, s7;
	v13 =	vadd.f32 v29, v27;
	v21 =	vmul.f32 v25, v28;
	v25 =	vsub.f32 v26, v17;
	v20 =	vld [tilespmem:s9+$0xFFFFFFF0]  }
0x3e5: {  	_ =	sdelay $0x3  }
0x3e6: {  	v14 =	vld.idx.msk [tilespmem:v14+s16+$0x0], $0xffff  }
0x3e7: {  	v6 =	vld.idx.msk [tilespmem:v6+s16+$0x0], $0xffff  }
0x3e8: {  	v4 =	vld.idx.msk [tilespmem:v4+s16+$0x0], $0xffff  }
0x3e9: {  	v5 =	vld.idx.msk [tilespmem:v5+s16+$0x0], $0xffff;
	_ =	sdelay $0x3  }
0x3ea: {  	v11 =	vsub.f32 v11, v19  }
0x3eb: {  	v6 =	vsub.f32 v6, v14;
	v5 =	vsub.f32 v5, v4  }
0x3ec: {  	v24 =	vsub.f32 v24, v9;
	v25 =	vmul.f32 v25, v16;
	v11 =	vmul.f32 v11, v16  }
0x3ed: {  	v22 =	vsub.f32 v22, v13;
	v6 =	vmul.f32 v6, v16;
	v5 =	vmul.f32 v5, v16  }
0x3ee: {  	v11 =	vadd.f32 v11, v19;
	v16 =	vadd.f32 v25, v17  }
0x3ef: {  	v6 =	vadd.f32 v6, v14;
	v4 =	vadd.f32 v5, v4  }
0x3f0: {  	v5 =	vadd.f32 v10, v18;
	v10 =	vadd.f32 v21, v15  }
0x3f1: {  	v11 =	vsub.f32 v11, v16;
	v6 =	vsub.f32 v6, v4  }
0x3f2: {  	v14 =	vsub.f32 v23, v8;
	v15 =	vmul.f32 v22, v1;
	v1 =	vmul.f32 v24, v1  }
0x3f3: {  	v5 =	vsub.f32 v5, v10;
	v11 =	vmul.f32 v11, v7;
	v6 =	vmul.f32 v6, v7  }
0x3f4: {  	v1 =	vadd.f32 v1, v9;
	v7 =	vadd.f32 v15, v13  }
0x3f5: {  	v9 =	vadd.f32 v11, v16;
	v4 =	vadd.f32 v6, v4  }
0x3f6: {  	v5 =	vmul.f32 v5, v12;
	v7 =	vsub.f32 v7, v1  }
0x3f7: {  	v6 =	vmul.f32 v14, v20;
	v9 =	vsub.f32 v9, v4  }
0x3f8: {  	v5 =	vadd.f32 v5, v10;
	v3 =	vmul.f32 v7, v3  }
0x3f9: {  	v6 =	vadd.f32 v6, v8;
	v2 =	vmul.f32 v9, v2  }
0x3fa: {  	[tilespmem:s3+$0x0] =	vst v5;
	v1 =	vadd.f32 v3, v1  }
0x3fb: {  	[tilespmem:s3+$0xFFFFFFF0] =	vst v6;
	v2 =	vadd.f32 v2, v4  }
0x3fc: {  	[tilespmem:s3+$0xFFFFFFE0] =	vst v1  }
0x3fd: {  	[tilespmem:s3+$0x10] =	vst v2  }
0x3fe: {  	s3 =	sld [smem:$0x7FC];
	_ =	sdelay $0x1  }
0x3ff: {  	s5 =	simm.s32 $0x0  }
0x400: {  	[hbm4b:s3+s5] =	stream.linear.scatter [tilespmem:s26], [sflag:$0x5], $0x800, $0x38;
	[tilespmem:$0xD000] =	vst v63  }
0x401: {  	_ =	swait.ge [sflag:s28], $0x4000  }
0x402: {  	[sflag:s28] =	ssyncset.done $0x0  }
0x403: {  	[sflag:s28] =	ssyncadd.s32 $0xFFFFC000  }
0x404: {  	_ =	swait.ge [sflag:s29], $0x800  }
0x405: {  	[sflag:s29] =	ssyncset.done $0x0  }
0x406: {  	[sflag:s29] =	ssyncadd.s32 $0xFFFFF800  }
0x407: {  	_ =	swait.ge [sflag:s29], $0x800  }
0x408: {  	[sflag:s29] =	ssyncset.done $0x0  }
0x409: {  	[sflag:s29] =	ssyncadd.s32 $0xFFFFF800  }
0x40a: {  	_ =	swait.ge [sflag:s29], $0x800  }
0x40b: {  	[sflag:s29] =	ssyncset.done $0x0  }
0x40c: {  	s8 =	simm.s32 $0x10;
	s4 =	simm.s32 $0x20;
	[sflag:s29] =	ssyncadd.s32 $0xFFFFF800  }
0x40d: {  	v1 =	vmov s8;
	v2 =	vmov s4;
	_ =	swait.ge [sflag:s1], $0x800  }
0x40e: {  	v1 =	vshll.u32 v1, $0x3;
	v2 =	vshll.u32 v2, $0x3;
	[sflag:s1] =	ssyncset.done $0x0  }
0x40f: {  	s9 =	simm.s32 $0xA820;
	v3 =	vor.u32 v0, v1;
	v2 =	vor.u32 v0, v2;
	[sflag:s1] =	ssyncadd.s32 $0xFFFFF800  }
0x410: {  	s10 =	simm.s32 $0xB820;
	v4 =	vor.u32 $0x2, v3;
	v1 =	vld [tilespmem:s9+$0xFFFFFFE0]  }
0x411: {  	v5 =	vor.u32 $0x4, v3;
	v10 =	vld [tilespmem:s10+$0xFFFFFFE0]  }
0x412: {  	v11 =	vld [tilespmem:s9+$0xFFFFFFF0]  }
0x413: {  	v6 =	vor.u32 $0x7, v3;
	v7 =	vld [tilespmem:s10+$0xFFFFFFF0]  }
0x414: {  	v8 =	vor.u32 $0x3, v3;
	v9 =	vld.idx.msk [tilespmem:v2+s20+$0x0], $0xffff  }
0x415: {  	v16 =	vmov s5;
	v12 =	vor.u32 $0x1, v3;
	v13 =	vld.idx.msk [tilespmem:v4+s20+$0x0], $0xffff  }
0x416: {  	v16 =	vshll.u32 v16, $0x3;
	v15 =	vor.u32 $0x4, v2;
	v14 =	vld.idx.msk [tilespmem:v5+s20+$0x0], $0xffff  }
0x417: {  	v17 =	vor.u32 $0x6, v2;
	v4 =	vor.u32 $0x6, v3;
	v5 =	vor.u32 $0x5, v3;
	v3 =	vld.idx.msk [tilespmem:v3+s20+$0x0], $0xffff  }
0x418: {  	v16 =	vor.u32 v0, v16;
	v6 =	vld.idx.msk [tilespmem:v6+s20+$0x0], $0xffff  }
0x419: {  	v8 =	vld.idx.msk [tilespmem:v8+s20+$0x0], $0xffff  }
0x41a: {  	v21 =	vor.u32 $0x6, v16;
	v12 =	vld.idx.msk [tilespmem:v12+s20+$0x0], $0xffff  }
0x41b: {  	v23 =	vor.u32 $0x7, v2;
	v20 =	vld.idx.msk [tilespmem:v15+s20+$0x0], $0xffff  }
0x41c: {  	v17 =	vld.idx.msk [tilespmem:v17+s20+$0x0], $0xffff  }
0x41d: {  	v22 =	vld.idx.msk [tilespmem:v16+s20+$0x0], $0xffff  }
0x41e: {  	v28 =	vor.u32 $0x1, v16;
	v24 =	vld [tilespmem:s10+$0x0]  }
0x41f: {  	v25 =	vor.u32 $0x2, v2;
	v21 =	vld.idx.msk [tilespmem:v21+s20+$0x0], $0xffff  }
0x420: {  	v15 =	vor.u32 $0x2, v16;
	v23 =	vld.idx.msk [tilespmem:v23+s20+$0x0], $0xffff  }
0x421: {  	v31 =	vor.u32 $0x4, v16;
	v18 =	vld.idx.msk [tilespmem:v4+s20+$0x0], $0xffff  }
0x422: {  	v4 =	vor.u32 $0x1, v2;
	v19 =	vld.idx.msk [tilespmem:v5+s20+$0x0], $0xffff;
	v12 =	vsub.f32 v12, v3;
	v8 =	vsub.f32 v8, v13  }
0x423: {  	v28 =	vld.idx.msk [tilespmem:v28+s20+$0x0], $0xffff;
	v5 =	vor.u32 $0x3, v2  }
0x424: {  	v25 =	vld.idx.msk [tilespmem:v25+s20+$0x0], $0xffff;
	v2 =	vor.u32 $0x5, v2;
	v12 =	vmul.f32 v12, v7;
	v8 =	vmul.f32 v8, v7  }
0x425: {  	v30 =	vor.u32 $0x7, v16;
	v29 =	vld.idx.msk [tilespmem:v15+s20+$0x0], $0xffff;
	v15 =	vor.u32 $0x3, v16;
	v16 =	vor.u32 $0x5, v16  }
0x426: {  	s11 =	simm.s32 $0x30;
	v31 =	vld.idx.msk [tilespmem:v31+s20+$0x0], $0xffff;
	v12 =	vadd.f32 v12, v3;
	v8 =	vadd.f32 v8, v13  }
0x427: {  	v26 =	vld.idx.msk [tilespmem:v4+s20+$0x0], $0xffff;
	v4 =	vmov s11;
	v32 =	vsub.f32 v6, v18;
	v19 =	vsub.f32 v19, v14  }
0x428: {  	v28 =	vsub.f32 v28, v22;
	v27 =	vld.idx.msk [tilespmem:v5+s20+$0x0], $0xffff;
	v4 =	vshll.u32 v4, $0x3;
	v8 =	vsub.f32 v8, v12  }
0x429: {  	v2 =	vld.idx.msk [tilespmem:v2+s20+$0x0], $0xffff;
	v4 =	vor.u32 v0, v4;
	v32 =	vmul.f32 v32, v7;
	v3 =	vmul.f32 v19, v7  }
0x42a: {  	v16 =	vld.idx.msk [tilespmem:v16+s20+$0x0], $0xffff;
	v5 =	vor.u32 $0x1, v4;
	v6 =	vor.u32 $0x3, v4;
	v33 =	vor.u32 $0x5, v4  }
0x42b: {  	v7 =	vld.idx.msk [tilespmem:v15+s20+$0x0], $0xffff;
	v19 =	vor.u32 $0x6, v4;
	v60 =	vor.u32 $0x4, v4;
	v15 =	vadd.f32 v32, v18  }
0x42c: {  	v8 =	vmul.f32 v8, v11;
	v61 =	vadd.f32 v3, v14;
	v13 =	vsub.f32 v26, v9;
	v26 =	vld.idx.msk [tilespmem:v30+s20+$0x0], $0xffff  }
0x42d: {  	s6 =	simm.s32 $0x9820;
	v62 =	vld [tilespmem:s9+$0x0];
	v34 =	vor.u32 $0x7, v4;
	v3 =	vsub.f32 v23, v17;
	v18 =	vsub.f32 v27, v25  }
0x42e: {  	v27 =	vsub.f32 v2, v20;
	v2 =	vld [tilespmem:s6+$0x10];
	v8 =	vadd.f32 v8, v12;
	v13 =	vmul.f32 v13, v24  }
0x42f: {  	v14 =	vor.u32 $0x2, v4;
	v63 =	vsub.f32 v16, v31;
	v16 =	vld [tilespmem:s10+$0x10];
	v23 =	vsub.f32 v15, v61  }
0x430: {  	v35 =	vmul.f32 v3, v24;
	v3 =	vld [tilespmem:s6+$0xFFFFFFE0];
	v15 =	vadd.f32 v13, v9;
	v9 =	vmul.f32 v27, v24  }
0x431: {  	v33 =	vld.idx.msk [tilespmem:v33+s20+$0x0], $0xffff;
	v27 =	vsub.f32 v7, v29;
	v24 =	vmul.f32 v18, v24;
	v26 =	vsub.f32 v26, v21  }
0x432: {  	v12 =	vmul.f32 v28, v10;
	v13 =	vadd.f32 v35, v17;
	v17 =	vld.idx.msk [tilespmem:v60+s20+$0x0], $0xffff;
	v18 =	vadd.f32 v9, v20  }
0x433: {  	v19 =	vld.idx.msk [tilespmem:v19+s20+$0x0], $0xffff;
	v20 =	vmul.f32 v27, v10;
	v24 =	vadd.f32 v24, v25;
	v26 =	vmul.f32 v26, v10  }
0x434: {  	v7 =	vld [tilespmem:s9+$0x10];
	v9 =	vadd.f32 v12, v22;
	v12 =	vmul.f32 v23, v11;
	v13 =	vsub.f32 v13, v18  }
0x435: {  	v11 =	vld.idx.msk [tilespmem:v34+s20+$0x0], $0xffff;
	v25 =	vmul.f32 v63, v10;
	v22 =	vadd.f32 v26, v21;
	v21 =	vsub.f32 v24, v15  }
0x436: {  	s7 =	simm.s32 $0xB860;
	s8 =	simm.s32 $0xC860;
	s4 =	simm.s32 $0x40;
	v23 =	vadd.f32 v12, v61;
	v12 =	vld [tilespmem:s6+$0x0];
	v24 =	vadd.f32 v20, v29;
	v10 =	vmul.f32 v13, v62  }
0x437: {  	s3 =	simm.s32 $0xC820;
	s5 =	simm.s32 $0x9860;
	v20 =	vld [tilespmem:s6+$0xFFFFFFF0];
	s6 =	simm.s32 $0xA860;
	v13 =	vadd.f32 v25, v31;
	v25 =	vsub.f32 v33, v17;
	v21 =	vmul.f32 v21, v62  }
.LBB2_16:
0x438: {  	s9 =	sadd.s32 $0x10, s4;
	s10 =	sadd.s32 $0x20, s4;
	s11 =	sadd.s32 $0x30, s4;
	v24 =	vsub.f32 v24, v9;
	v23 =	vsub.f32 v23, v8;
	v14 =	vld.idx.msk [tilespmem:v14+s20+$0x0], $0xffff  }
0x439: {  	p0 =	slt.u32 s4, $0x7C0;
	v26 =	vmov s9;
	v27 =	vmov s10;
	v22 =	vsub.f32 v22, v13;
	v6 =	vld.idx.msk [tilespmem:v6+s20+$0x0], $0xffff;
	s10 =	smov.u32 s4;
	s4 =	sadd.s32 $0x40, s4  }
0x43a: {  	v25 =	vmul.f32 v25, v16;
	s9 =	smov.u32 s5;
	v28 =	vld [tilespmem:s6+$0xFFFFFFE0];
	v26 =	vshll.u32 v26, $0x3;
	v27 =	vshll.u32 v27, $0x3  }
0x43b: {  	v26 =	vor.u32 v0, v26;
	v27 =	vor.u32 v0, v27;
	v29 =	vld.idx.msk [tilespmem:v4+s20+$0x0], $0xffff;
	v4 =	vsub.f32 v11, v19  }
0x43c: {  	v32 =	vadd.f32 v10, v18;
	v30 =	vor.u32 $0x1, v26;
	v31 =	vor.u32 $0x2, v26;
	v5 =	vld.idx.msk [tilespmem:v5+s20+$0x0], $0xffff  }
0x43d: {  	v22 =	vmul.f32 v22, v1;
	v33 =	vor.u32 $0x4, v26;
	v34 =	vor.u32 $0x5, v26;
	v10 =	vld [tilespmem:s7+$0xFFFFFFE0]  }
0x43e: {  	v35 =	vor.u32 $0x7, v26;
	v36 =	vor.u32 $0x1, v27;
	v37 =	vmul.f32 v4, v16;
	v11 =	vld [tilespmem:s6+$0xFFFFFFF0]  }
0x43f: {  	v39 =	vor.u32 $0x3, v27;
	v40 =	vor.u32 $0x4, v27;
	v4 =	vsub.f32 v6, v14;
	v38 =	vld [tilespmem:s7+$0xFFFFFFF0]  }
0x440: {  	v15 =	vadd.f32 v21, v15;
	v41 =	vor.u32 $0x7, v27;
	v6 =	vor.u32 $0x3, v26;
	v18 =	vld.idx.msk [tilespmem:v27+s20+$0x0], $0xffff  }
0x441: {  	v17 =	vadd.f32 v25, v17;
	v42 =	vor.u32 $0x6, v27;
	v21 =	vld.idx.msk [tilespmem:v31+s20+$0x0], $0xffff;
	v31 =	vor.u32 $0x5, v27  }
0x442: {  	v27 =	vor.u32 $0x2, v27;
	v5 =	vsub.f32 v5, v29;
	v25 =	vld.idx.msk [tilespmem:v33+s20+$0x0], $0xffff;
	v33 =	vor.u32 $0x6, v26  }
0x443: {  	v43 =	vmov s11;
	v24 =	vmul.f32 v24, v1;
	v1 =	vmovc v28;
	v44 =	vmul.f32 v4, v16;
	v26 =	vld.idx.msk [tilespmem:v26+s20+$0x0], $0xffff  }
0x444: {  	v20 =	vmul.f32 v23, v20;
	v4 =	vmov s10;
	v28 =	vld.idx.msk [tilespmem:v35+s20+$0x0], $0xffff;
	v35 =	vshll.u32 v43, $0x3  }
0x445: {  	v23 =	vshll.u32 v4, $0x3;
	v16 =	vmul.f32 v5, v16;
	v43 =	vld.idx.msk [tilespmem:v6+s20+$0x0], $0xffff;
	v4 =	vor.u32 v0, v35  }
0x446: {  	v8 =	vadd.f32 v20, v8;
	v23 =	vor.u32 v0, v23;
	v30 =	vld.idx.msk [tilespmem:v30+s20+$0x0], $0xffff;
	v5 =	vor.u32 $0x1, v4  }
0x447: {  	v19 =	vadd.f32 v37, v19;
	v20 =	vor.u32 $0x1, v23;
	v35 =	vor.u32 $0x2, v23;
	v33 =	vld.idx.msk [tilespmem:v33+s20+$0x0], $0xffff  }
0x448: {  	v32 =	vsub.f32 v32, v15;
	v37 =	vor.u32 $0x4, v23;
	v45 =	vor.u32 $0x6, v23;
	v34 =	vld.idx.msk [tilespmem:v34+s20+$0x0], $0xffff  }
0x449: {  	v14 =	vadd.f32 v44, v14;
	v46 =	vor.u32 $0x7, v23;
	v6 =	vor.u32 $0x3, v4;
	v40 =	vld.idx.msk [tilespmem:v40+s20+$0x0], $0xffff  }
0x44a: {  	v19 =	vsub.f32 v19, v17;
	v44 =	vor.u32 $0x5, v4;
	v47 =	vor.u32 $0x6, v4;
	v42 =	vld.idx.msk [tilespmem:v42+s20+$0x0], $0xffff  }
0x44b: {  	v9 =	vadd.f32 v24, v9;
	v12 =	vmul.f32 v32, v12;
	v43 =	vsub.f32 v43, v21;
	v48 =	vld.idx.msk [tilespmem:v23+s20+$0x0], $0xffff  }
0x44c: {  	v16 =	vadd.f32 v16, v29;
	v32 =	vor.u32 $0x4, v4;
	v24 =	vsub.f32 v30, v26;
	v30 =	vld [tilespmem:s7+$0x0]  }
0x44d: {  	v13 =	vadd.f32 v22, v13;
	v29 =	vmul.f32 v43, v38;
	v28 =	vsub.f32 v28, v33;
	v36 =	vld.idx.msk [tilespmem:v36+s20+$0x0], $0xffff  }
0x44e: {  	v14 =	vsub.f32 v14, v16;
	v22 =	vmul.f32 v24, v38;
	v24 =	vsub.f32 v34, v25;
	v34 =	vld.idx.msk [tilespmem:v39+s20+$0x0], $0xffff  }
0x44f: {  	v19 =	vmul.f32 v19, v7;
	v28 =	vmul.f32 v28, v38;
	v39 =	vor.u32 $0x7, v4;
	v35 =	vld.idx.msk [tilespmem:v35+s20+$0x0], $0xffff  }
0x450: {  	v7 =	vmul.f32 v14, v7;
	v43 =	vor.u32 $0x3, v23;
	v22 =	vadd.f32 v22, v26;
	v45 =	vld.idx.msk [tilespmem:v45+s20+$0x0], $0xffff  }
0x451: {  	v17 =	vadd.f32 v19, v17;
	v14 =	vor.u32 $0x2, v4;
	v21 =	vadd.f32 v29, v21;
	v26 =	vld.idx.msk [tilespmem:v41+s20+$0x0], $0xffff  }
0x452: {  	v13 =	vsub.f32 v13, v9;
	v19 =	vor.u32 $0x5, v23;
	v7 =	vadd.f32 v7, v16;
	v23 =	vld.idx.msk [tilespmem:v27+s20+$0x0], $0xffff  }
0x453: {  	v12 =	vadd.f32 v12, v15;
	v16 =	vmul.f32 v24, v38;
	v27 =	vsub.f32 v36, v18;
	v24 =	vld.idx.msk [tilespmem:v31+s20+$0x0], $0xffff  }
0x454: {  	v3 =	vmul.f32 v13, v3;
	v15 =	vld.idx.msk [tilespmem:v20+s20+$0x0], $0xffff;
	v20 =	vadd.f32 v28, v33;
	[tilespmem:s3+$0xFFFFFFF0] =	vst v8  }
0x455: {  	v17 =	vsub.f32 v17, v7;
	v13 =	vadd.f32 v16, v25;
	v16 =	vmul.f32 v27, v30;
	v8 =	vld.idx.msk [tilespmem:v43+s20+$0x0], $0xffff  }
0x456: {  	v3 =	vadd.f32 v3, v9;
	v21 =	vsub.f32 v21, v22;
	v25 =	vld.idx.msk [tilespmem:v46+s20+$0x0], $0xffff;
	[tilespmem:s3+$0x0] =	vst v12  }
0x457: {  	v2 =	vmul.f32 v17, v2;
	v12 =	vsub.f32 v20, v13;
	v9 =	vsub.f32 v26, v42;
	v27 =	vld.idx.msk [tilespmem:v37+s20+$0x0], $0xffff  }
0x458: {  	v17 =	vmul.f32 v21, v11;
	v20 =	vsub.f32 v34, v23;
	v19 =	vld.idx.msk [tilespmem:v19+s20+$0x0], $0xffff;
	[tilespmem:s3+$0xFFFFFFE0] =	vst v3  }
0x459: {  	v7 =	vadd.f32 v2, v7;
	v21 =	vsub.f32 v24, v40;
	v9 =	vmul.f32 v9, v30;
	v26 =	vld.idx.msk [tilespmem:v44+s20+$0x0], $0xffff  }
0x45a: {  	v24 =	vsub.f32 v15, v48;
	v20 =	vmul.f32 v20, v30;
	v2 =	vld [tilespmem:s5+$0x10]  }
0x45b: {  	v15 =	vadd.f32 v16, v18;
	v16 =	vmul.f32 v21, v30;
	v21 =	vadd.f32 v9, v42;
	v3 =	vld [tilespmem:s5+$0xFFFFFFE0];
	[tilespmem:s3+$0x10] =	vst v7;
	s3 =	smov.u32 s8  }
0x45c: {  	v9 =	vsub.f32 v8, v35;
	v28 =	vld [tilespmem:s6+$0x0]  }
0x45d: {  	v8 =	vadd.f32 v17, v22;
	v25 =	vsub.f32 v25, v45;
	v17 =	vld.idx.msk [tilespmem:v32+s20+$0x0], $0xffff  }
0x45e: {  	v22 =	vmul.f32 v24, v10;
	v18 =	vadd.f32 v16, v40;
	v19 =	vsub.f32 v19, v27;
	v7 =	vld [tilespmem:s6+$0x10]  }
.Ltmp7:
0x45f: {  	v20 =	vadd.f32 v20, v23;
	v24 =	vmul.f32 v9, v10;
	v25 =	vmul.f32 v25, v10;
	v16 =	vld [tilespmem:s7+$0x10];
	(pc) =	sbr.rel @p0 .LBB2_16-.Ltmp7, $4  }
0x460: {  	v12 =	vmul.f32 v12, v11;
	v9 =	vadd.f32 v22, v48;
	v21 =	vsub.f32 v21, v18;
	v11 =	vld.idx.msk [tilespmem:v39+s20+$0x0], $0xffff  }
0x461: {  	v29 =	vmul.f32 v19, v10;
	v22 =	vadd.f32 v25, v45;
	v25 =	vsub.f32 v20, v15;
	v19 =	vld.idx.msk [tilespmem:v47+s20+$0x0], $0xffff  }
0x462: {  	v23 =	vadd.f32 v12, v13;
	s5 =	sadd.s32 $0x40, s5;
	v24 =	vadd.f32 v24, v35;
	v10 =	vmul.f32 v21, v28;
	v12 =	vld [tilespmem:s9+$0x0]  }
0x463: {  	s8 =	sadd.s32 $0x40, s8;
	s6 =	sadd.s32 $0x40, s6;
	s7 =	sadd.s32 $0x40, s7;
	v13 =	vadd.f32 v29, v27;
	v21 =	vmul.f32 v25, v28;
	v25 =	vsub.f32 v26, v17;
	v20 =	vld [tilespmem:s9+$0xFFFFFFF0]  }
0x464: {  	_ =	sdelay $0x3  }
0x465: {  	v14 =	vld.idx.msk [tilespmem:v14+s20+$0x0], $0xffff  }
0x466: {  	v6 =	vld.idx.msk [tilespmem:v6+s20+$0x0], $0xffff  }
0x467: {  	v4 =	vld.idx.msk [tilespmem:v4+s20+$0x0], $0xffff  }
0x468: {  	v5 =	vld.idx.msk [tilespmem:v5+s20+$0x0], $0xffff;
	_ =	sdelay $0x3  }
0x469: {  	v11 =	vsub.f32 v11, v19  }
0x46a: {  	v6 =	vsub.f32 v6, v14;
	v5 =	vsub.f32 v5, v4  }
0x46b: {  	v24 =	vsub.f32 v24, v9;
	v25 =	vmul.f32 v25, v16;
	v11 =	vmul.f32 v11, v16  }
0x46c: {  	v22 =	vsub.f32 v22, v13;
	v6 =	vmul.f32 v6, v16;
	v5 =	vmul.f32 v5, v16  }
0x46d: {  	v56 =	vadd.f32 v25, v17;
	v11 =	vadd.f32 v11, v19  }
0x46e: {  	v6 =	vadd.f32 v6, v14;
	v4 =	vadd.f32 v5, v4  }
0x46f: {  	v57 =	vadd.f32 v10, v18;
	v60 =	vmul.f32 v22, v1  }
0x470: {  	v1 =	vmul.f32 v24, v1;
	v11 =	vsub.f32 v11, v56;
	v6 =	vsub.f32 v6, v4  }
0x471: {  	v59 =	vsub.f32 v23, v8;
	v58 =	vadd.f32 v21, v15  }
0x472: {  	v1 =	vadd.f32 v1, v9;
	v11 =	vmul.f32 v11, v7;
	v6 =	vmul.f32 v6, v7  }
0x473: {  	v61 =	vadd.f32 v60, v13;
	v5 =	vsub.f32 v57, v58  }
0x474: {  	v62 =	vadd.f32 v11, v56;
	v4 =	vadd.f32 v6, v4  }
0x475: {  	v5 =	vmul.f32 v5, v12;
	v7 =	vsub.f32 v61, v1  }
0x476: {  	v63 =	vmul.f32 v59, v20;
	v9 =	vsub.f32 v62, v4  }
0x477: {  	v5 =	vadd.f32 v5, v58;
	v3 =	vmul.f32 v7, v3  }
0x478: {  	v6 =	vadd.f32 v63, v8;
	v2 =	vmul.f32 v9, v2  }
0x479: {  	[tilespmem:s3+$0x0] =	vst v5;
	v1 =	vadd.f32 v3, v1  }
0x47a: {  	[tilespmem:s3+$0xFFFFFFF0] =	vst v6;
	v2 =	vadd.f32 v2, v4  }
0x47b: {  	[tilespmem:s3+$0xFFFFFFE0] =	vst v1  }
0x47c: {  	[tilespmem:s3+$0x10] =	vst v2  }
0x47d: {  	s3 =	sld [smem:$0x7FD];
	_ =	sdelay $0x1  }
0x47e: {  	s2 =	sadd.s32 $0x1, s2  }
0x47f: {  	[hbm4b:s3+s0] =	stream.linear.scatter [tilespmem:s30], [sflag:$0x6], $0x800, $0x38;
	[tilespmem:$0xD000] =	vst v63  }
0x480: {  	p0 =	sne.s32 s2, s13;
	_ =	swait.ge [sflag:s31], $0x800  }
.Ltmp8:
0x481: {  	[sflag:s31] =	ssyncset.done $0x0;
	(pc) =	sbr.rel @p0 .LBB2_1-.Ltmp8, $4  }
0x482: {  	[sflag:s31] =	ssyncadd.s32 $0xFFFFF800  }
0x483: {  	_ =	swait.ge [sflag:s1], $0x800  }
0x484: {  	[sflag:s1] =	ssyncset.done $0x0  }
0x485: {  	[sflag:s1] =	ssyncadd.s32 $0xFFFFF800  }
0x486: {  	_ =	sfence.sel $0x180000  }
0x487: {  	[bflag:$0x0] =	sbarrier.arrive $0xFFFF  }
0x488: {  	_ =	strace $0x90000047  }
0x489: {  	s0 =	stileid.u32;
	[bflag:$0x2] =	sbarrier.arrive $0xFFFF  }
0x48a: {  	p0 =	sne.s32 s0, $0x0;
	s0 =	rddreg [dreg:$0x2]  }
0x48b: {  	s0 =	sadd.s32 @!p0 $0x100000, s0  }
0x48c: {  	[sflag:s0] =	ssyncadd.tile.s32 @!p0 $0x1;
	_ =	shalt  }
.Lfunc_end2:
_tile_overlayer_lowered:
.L_overlay_start_2:
0x48d: {  	(tag) =	ssettag $0x2  }
0x48e: {  	s0 =	rddreg [dreg:$0x0];
	s2 =	stileid.u32  }
0x48f: {  	s1 =	rddreg [dreg:$0x1];
	p0 =	sne.s32 s2, $0x0  }
0x490: {  	s3 =	rddreg [dreg:$0x2];
	[bflag:$0x3] =	sbarrier.arrive $0xFFFF;
	s2 =	simm.s32 @!p0 $0x1C07  }
0x491: {  	[timem:s3], [sflag:s2] =	dma.local @!p0 [hbm:s0], s1  }
0x492: {  	s0 =	simm.s32 @!p0 $0x7  }
0x493: {  	_ =	swait.ge @!p0 [sflag:s0], s1  }
0x494: {  	s1 =	ssub.s32 @!p0 $0x0, s1;
	[sflag:s0] =	ssyncset.done @!p0 $0x0  }
0x495: {  	[sflag:s0] =	ssyncadd.s32 @!p0 s1  }
0x496: {  	[bflag:$0x3] =	sbarrier.arrive $0xFFFF  }
0x497: {  	_ =	shalt  }

</sc_bundles>
